<compile_context>
chip_gen: v7x
topology: tpu7x:2x2x1
jax: 0.10.2.dev20260603
libtpu: 0.0.44.dev20260713+nightly
codegen_flags: <defaults>
</compile_context>

<pallas_src>
import jax
import jax.numpy as jnp
from jax import lax
from jax.experimental import pallas as pl
from jax.experimental.pallas import tpu as pltpu
from jax.experimental.pallas import tpu_sc as plsc

DIM = 64
B = 16384
NC = 2
NS = 16
L = 16
NW = NC * NS
BPW = B // NW
NCHUNK = 2
CPW = BPW // NCHUNK
CTILES = CPW // L


def _rsqrt(x):
    i = lax.bitcast_convert_type(x, jnp.int32)
    i = jnp.int32(0x5F3759DF) - lax.shift_right_logical(i, 1)
    y = lax.bitcast_convert_type(i, jnp.float32)
    for _ in range(3):
        y = y * (1.5 - 0.5 * x * y * y)
    return y


def _skipgram_body(wt_hbm, wc_hbm, tidx_hbm, cidx_hbm, wsplat_hbm, b_hbm,
                   drain_hbm, out_hbm, tidx_v, cidx_v, wsplat_v, bias_v,
                   trows_v, crows_v, out_v, sem):
    wid = lax.axis_index("s") * NC + lax.axis_index("c")

    pltpu.sync_copy(tidx_hbm.at[pl.ds(wid * BPW, BPW)], tidx_v)
    pltpu.sync_copy(cidx_hbm.at[pl.ds(wid * BPW, BPW)], cidx_v)
    pltpu.sync_copy(wsplat_hbm, wsplat_v)
    pltpu.sync_copy(b_hbm, bias_v)

    lanes = lax.iota(jnp.int32, L)
    bias = bias_v[...]

    for ch in range(NCHUNK):
        base = ch * CPW

        def fire(g, carry):
            vt = tidx_v[pl.ds(base + g * L, L)]
            vc = cidx_v[pl.ds(base + g * L, L)]
            for j in range(L):
                pltpu.async_copy(wt_hbm.at[vt[j]], trows_v.at[g * L + j],
                                 sem)
                pltpu.async_copy(wc_hbm.at[vc[j]], crows_v.at[g * L + j],
                                 sem)
            return carry

        lax.fori_loop(0, CPW // L, fire, 0)
        pltpu.make_async_copy(drain_hbm, trows_v, sem).wait()
        pltpu.make_async_copy(drain_hbm, crows_v, sem).wait()

        def tile_body(i, carry):
            rows = i * L + lanes
            acc_tt = jnp.zeros((L,), jnp.float32)
            acc_cc = jnp.zeros((L,), jnp.float32)
            acc_tcw = jnp.zeros((L,), jnp.float32)
            for d in range(DIM):
                col = jnp.full((L,), d, jnp.int32)
                t = plsc.load_gather(trows_v, [rows, col])
                c = plsc.load_gather(crows_v, [rows, col])
                w = wsplat_v[d]
                acc_tt = acc_tt + t * t
                acc_cc = acc_cc + c * c
                acc_tcw = acc_tcw + t * c * w
            nt = acc_tt * _rsqrt(acc_tt)
            nc_ = acc_cc * _rsqrt(acc_cc)
            st = jnp.where(nt > 1.0, 1.0 / (nt + 1e-7), 1.0)
            sc = jnp.where(nc_ > 1.0, 1.0 / (nc_ + 1e-7), 1.0)
            logit = acc_tcw * st * sc + bias
            out_v[pl.ds(base + i * L, L)] = 1.0 / (1.0 + jnp.exp(-logit))
            return carry

        lax.fori_loop(0, CTILES, tile_body, 0)

    pltpu.sync_copy(out_v, out_hbm.at[pl.ds(wid * BPW, BPW)])


@jax.jit
def _skipgram(W_target, W_context, wsplat, bias, drain, tidx, cidx):
    mesh = plsc.VectorSubcoreMesh(core_axis_name="c", subcore_axis_name="s",
                                  num_cores=NC, num_subcores=NS)
    return pl.kernel(
        _skipgram_body,
        out_type=jax.ShapeDtypeStruct((B,), jnp.float32),
        mesh=mesh,
        scratch_types=[
            pltpu.VMEM((BPW,), jnp.int32),
            pltpu.VMEM((BPW,), jnp.int32),
            pltpu.VMEM((DIM, L), jnp.float32),
            pltpu.VMEM((L,), jnp.float32),
            pltpu.VMEM((CPW, DIM), jnp.float32),
            pltpu.VMEM((CPW, DIM), jnp.float32),
            pltpu.VMEM((BPW,), jnp.float32),
            pltpu.SemaphoreType.DMA,
        ],
        compiler_params=pltpu.CompilerParams(needs_layout_passes=False,
                                             skip_device_barrier=True),
        name="skipgram_sc",
    )(W_target, W_context, tidx, cidx, wsplat, bias, drain)


def kernel(W_target, W_context, lin_w, lin_b, target_tensor, context_tensor):
    wsplat = jnp.broadcast_to(lin_w[0][:, None], (DIM, L))
    bias = jnp.broadcast_to(lin_b, (L,))
    drain = jnp.zeros((CPW, DIM), jnp.float32)
    return _skipgram(W_target, W_context, wsplat, bias, drain,
                     target_tensor, context_tensor)

# --- scband reference (transcript-rebuilt; emitter-appended) ---
"""Pipeline reference for scband-skipgram-19928648254055 (READ-ONLY COPY).

The authoritative reference and input builder live on the scoring server;
editing this copy changes nothing except your own understanding.
"""

import jax, jax.numpy as jnp
import numpy as np

VOCAB = 1000000
DIM = 64
B = 16384


def _renorm_rows(e, max_norm=1.0, eps=1e-7):
    # torch nn.Embedding(max_norm=1) renormalizes looked-up rows whose L2 norm exceeds max_norm
    n = jnp.linalg.norm(e, axis=-1, keepdims=True)
    scale = jnp.where(n > max_norm, max_norm / (n + eps), 1.0)
    return e * scale


def setup_inputs(seed: int = 0) -> dict:
    key = jax.random.key(seed)
    k1, k2, k3, k4, k5, k6 = jax.random.split(key, 6)
    W_target = jax.random.normal(k1, (VOCAB + 1, DIM), dtype=jnp.float32)
    W_context = jax.random.normal(k2, (VOCAB + 1, DIM), dtype=jnp.float32)
    bound = 1.0 / np.sqrt(DIM)
    lin_w = jax.random.uniform(k3, (1, DIM), minval=-bound, maxval=bound, dtype=jnp.float32)
    lin_b = jax.random.uniform(k4, (1,), minval=-bound, maxval=bound, dtype=jnp.float32)
    target_tensor = jax.random.randint(k5, (B,), 0, VOCAB, dtype=jnp.int32)
    context_tensor = jax.random.randint(k6, (B,), 0, VOCAB, dtype=jnp.int32)
    return {
        "W_target": W_target,
        "W_context": W_context,
        "lin_w": lin_w,
        "lin_b": lin_b,
        "target_tensor": target_tensor,
        "context_tensor": context_tensor,
    }


def reference(W_target, W_context, lin_w, lin_b, target_tensor, context_tensor):
    # embedding lookups (gather) followed by max_norm renormalization of gathered rows
    embedding_t = _renorm_rows(jnp.take(W_target, target_tensor, axis=0))
    embedding_c = _renorm_rows(jnp.take(W_context, context_tensor, axis=0))
    prod = embedding_t * embedding_c
    logits = prod @ lin_w[0] + lin_b[0]  # Linear(DIM -> 1), then squeeze(1)
    return jax.nn.sigmoid(logits)

if __name__ == "__main__":
    import jax
    _d = setup_inputs()
    print(jax.jit(kernel)(*tuple(_d.values())))

</pallas_src>

<mosaic_0001>
#map = affine_map<(d0, d1) -> (0, 0)>
#map1 = affine_map<(d0, d1) -> (0)>
module attributes {stable_mosaic.version = 14 : i64} {
  func.func @skipgram_sc(%arg0: i32, %arg1: i32, %arg2: memref<1000001x64xf32, #tpu.memory_space<hbm>>, %arg3: memref<1000001x64xf32, #tpu.memory_space<hbm>>, %arg4: memref<16384xi32, #tpu.memory_space<hbm>>, %arg5: memref<16384xi32, #tpu.memory_space<hbm>>, %arg6: memref<64x16xf32, #tpu.memory_space<hbm>>, %arg7: memref<16xf32, #tpu.memory_space<hbm>>, %arg8: memref<256x64xf32, #tpu.memory_space<hbm>>, %arg9: memref<16384xf32, #tpu.memory_space<hbm>>, %arg10: memref<512xi32, #tpu.memory_space<vmem>>, %arg11: memref<512xi32, #tpu.memory_space<vmem>>, %arg12: memref<64x16xf32, #tpu.memory_space<vmem>>, %arg13: memref<16xf32, #tpu.memory_space<vmem>>, %arg14: memref<256x64xf32, #tpu.memory_space<vmem>>, %arg15: memref<256x64xf32, #tpu.memory_space<vmem>>, %arg16: memref<512xf32, #tpu.memory_space<vmem>>, %arg17: memref<!tpu.dma_semaphore, #tpu.memory_space<semaphore_mem>>) attributes {dimension_semantics = [#tpu.dimension_semantics<core_parallel>, #tpu.dimension_semantics<subcore_parallel>], iteration_bounds = array<i64: 2, 16>, scalar_prefetch = 0 : i64, scratch_operands = 8 : i64, tpu.core_type = #tpu.core_type<sc_vector_subcore>, window_params = [{transform_indices = #map}, {transform_indices = #map}, {transform_indices = #map1}, {transform_indices = #map1}, {transform_indices = #map}, {transform_indices = #map1}, {transform_indices = #map}, {transform_indices = #map1}]} {
    %mul3A = arith.constant 2 : i32
    %mul3A_0 = arith.muli %arg1, %mul3A : i32
    %add3A = arith.addi %mul3A_0, %arg0 : i32
    %mul3A_1 = arith.constant 512 : i32
    %mul3A_2 = arith.muli %add3A, %mul3A_1 : i32
    "tpu.region"() ({
      %run_scoped3A = tpu.sem_alloc : memref<!tpu.dma_semaphore, #tpu.memory_space<semaphore_mem>>
      %dma_start3A = tpu.memref_slice %arg4[%mul3A_2] : memref<16384xi32, #tpu.memory_space<hbm>> -> memref<512xi32, #tpu.memory_space<hbm>>
      %dma_start3A_31 = tpu.memref_slice %arg4[%mul3A_2] : memref<16384xi32, #tpu.memory_space<hbm>> -> memref<512xi32, #tpu.memory_space<hbm>>
      tpu.enqueue_dma source(%dma_start3A_31 : memref<512xi32, #tpu.memory_space<hbm>>) target(%arg10 : memref<512xi32, #tpu.memory_space<vmem>>) target_semaphore(%run_scoped3A : memref<!tpu.dma_semaphore, #tpu.memory_space<semaphore_mem>>)
      %dma_wait3A = tpu.memref_slice %arg4[%mul3A_2] : memref<16384xi32, #tpu.memory_space<hbm>> -> memref<512xi32, #tpu.memory_space<hbm>>
      %dma_wait3A_32 = tpu.memref_slice %arg4[%mul3A_2] : memref<16384xi32, #tpu.memory_space<hbm>> -> memref<512xi32, #tpu.memory_space<hbm>>
      tpu.wait_dma2 semaphore(%run_scoped3A : memref<!tpu.dma_semaphore, #tpu.memory_space<semaphore_mem>>) src(%dma_wait3A_32 : memref<512xi32, #tpu.memory_space<hbm>>) dst(%arg10 : memref<512xi32, #tpu.memory_space<vmem>>)
      tpu.yield
    }) : () -> ()
    %mul3A_3 = arith.constant 512 : i32
    %mul3A_4 = arith.muli %add3A, %mul3A_3 : i32
    "tpu.region"() ({
      %run_scoped3A = tpu.sem_alloc : memref<!tpu.dma_semaphore, #tpu.memory_space<semaphore_mem>>
      %dma_start3A = tpu.memref_slice %arg5[%mul3A_4] : memref<16384xi32, #tpu.memory_space<hbm>> -> memref<512xi32, #tpu.memory_space<hbm>>
      %dma_start3A_31 = tpu.memref_slice %arg5[%mul3A_4] : memref<16384xi32, #tpu.memory_space<hbm>> -> memref<512xi32, #tpu.memory_space<hbm>>
      tpu.enqueue_dma source(%dma_start3A_31 : memref<512xi32, #tpu.memory_space<hbm>>) target(%arg11 : memref<512xi32, #tpu.memory_space<vmem>>) target_semaphore(%run_scoped3A : memref<!tpu.dma_semaphore, #tpu.memory_space<semaphore_mem>>)
      %dma_wait3A = tpu.memref_slice %arg5[%mul3A_4] : memref<16384xi32, #tpu.memory_space<hbm>> -> memref<512xi32, #tpu.memory_space<hbm>>
      %dma_wait3A_32 = tpu.memref_slice %arg5[%mul3A_4] : memref<16384xi32, #tpu.memory_space<hbm>> -> memref<512xi32, #tpu.memory_space<hbm>>
      tpu.wait_dma2 semaphore(%run_scoped3A : memref<!tpu.dma_semaphore, #tpu.memory_space<semaphore_mem>>) src(%dma_wait3A_32 : memref<512xi32, #tpu.memory_space<hbm>>) dst(%arg11 : memref<512xi32, #tpu.memory_space<vmem>>)
      tpu.yield
    }) : () -> ()
    "tpu.region"() ({
      %run_scoped3A = tpu.sem_alloc : memref<!tpu.dma_semaphore, #tpu.memory_space<semaphore_mem>>
      tpu.enqueue_dma source(%arg6 : memref<64x16xf32, #tpu.memory_space<hbm>>) target(%arg12 : memref<64x16xf32, #tpu.memory_space<vmem>>) target_semaphore(%run_scoped3A : memref<!tpu.dma_semaphore, #tpu.memory_space<semaphore_mem>>)
      tpu.wait_dma2 semaphore(%run_scoped3A : memref<!tpu.dma_semaphore, #tpu.memory_space<semaphore_mem>>) src(%arg6 : memref<64x16xf32, #tpu.memory_space<hbm>>) dst(%arg12 : memref<64x16xf32, #tpu.memory_space<vmem>>)
      tpu.yield
    }) : () -> ()
    "tpu.region"() ({
      %run_scoped3A = tpu.sem_alloc : memref<!tpu.dma_semaphore, #tpu.memory_space<semaphore_mem>>
      tpu.enqueue_dma source(%arg7 : memref<16xf32, #tpu.memory_space<hbm>>) target(%arg13 : memref<16xf32, #tpu.memory_space<vmem>>) target_semaphore(%run_scoped3A : memref<!tpu.dma_semaphore, #tpu.memory_space<semaphore_mem>>)
      tpu.wait_dma2 semaphore(%run_scoped3A : memref<!tpu.dma_semaphore, #tpu.memory_space<semaphore_mem>>) src(%arg7 : memref<16xf32, #tpu.memory_space<hbm>>) dst(%arg13 : memref<16xf32, #tpu.memory_space<vmem>>)
      tpu.yield
    }) : () -> ()
    %iota3A = tpu.iota {dimensions = array<i32: 0>} : vector<16xi32>
    %get3A = arith.constant 0 : index
    %get3A_5 = tpu.vector_load %arg13[%get3A] {strides = array<i32>} : memref<16xf32, #tpu.memory_space<vmem>>, vector<16xf32>,
    %scan3A = arith.constant 0 : i32
    %scan3A_6 = arith.constant 0 : i32
    %scan3A_7 = arith.constant 16 : i32
    %scan3A_8 = arith.addi %scan3A_6, %scan3A_7 : i32
    %scan3A_9 = arith.constant 1 : i32
    scf.for %scan3A_31 = %scan3A_6 to %scan3A_8 step %scan3A_9  : i32 {
      %mul3A_32 = arith.constant 16 : i32
      %mul3A_33 = arith.muli %scan3A_31, %mul3A_32 : i32
      %add3A_34 = arith.constant 0 : i32
      %add3A_35 = arith.addi %add3A_34, %mul3A_33 : i32
      %get3A_36 = arith.index_cast %add3A_35 : i32 to index
      %get3A_37 = tpu.vector_load %arg10[%get3A_36] {strides = array<i32>} : memref<512xi32, #tpu.memory_space<vmem>>, vector<16xi32>,
      %mul3A_38 = arith.constant 16 : i32
      %mul3A_39 = arith.muli %scan3A_31, %mul3A_38 : i32
      %add3A_40 = arith.constant 0 : i32
      %add3A_41 = arith.addi %add3A_40, %mul3A_39 : i32
      %get3A_42 = arith.index_cast %add3A_41 : i32 to index
      %get3A_43 = tpu.vector_load %arg11[%get3A_42] {strides = array<i32>} : memref<512xi32, #tpu.memory_space<vmem>>, vector<16xi32>,
      %slice3A = vector.extract_strided_slice %get3A_37 {offsets = [0], sizes = [1], strides = [1]} : vector<16xi32> to vector<1xi32>
      %squeeze3A = vector.extract %slice3A[0] : i32 from vector<1xi32>
      %mul3A_44 = arith.constant 16 : i32
      %mul3A_45 = arith.muli %scan3A_31, %mul3A_44 : i32
      %add3A_46 = arith.constant 0 : i32
      %add3A_47 = arith.addi %mul3A_45, %add3A_46 : i32
      %dma_start3A = arith.constant 0 : i32
      %dma_start3A_48 = tpu.memref_slice %arg14[%add3A_47, %dma_start3A] : memref<256x64xf32, #tpu.memory_space<vmem>> -> memref<1x64xf32, #tpu.memory_space<vmem>>
      %dma_start3A_49 = tpu.memref_squeeze %dma_start3A_48 : memref<1x64xf32, #tpu.memory_space<vmem>> -> memref<64xf32, #tpu.memory_space<vmem>>
      %dma_start3A_50 = arith.constant 0 : i32
      %dma_start3A_51 = tpu.memref_slice %arg2[%squeeze3A, %dma_start3A_50] : memref<1000001x64xf32, #tpu.memory_space<hbm>> -> memref<1x64xf32, #tpu.memory_space<hbm>>
      %dma_start3A_52 = tpu.memref_squeeze %dma_start3A_51 : memref<1x64xf32, #tpu.memory_space<hbm>> -> memref<64xf32, #tpu.memory_space<hbm>>
      %dma_start3A_53 = arith.constant 0 : i32
      %dma_start3A_54 = tpu.memref_slice %arg14[%add3A_47, %dma_start3A_53] : memref<256x64xf32, #tpu.memory_space<vmem>> -> memref<1x64xf32, #tpu.memory_space<vmem>>
      %dma_start3A_55 = tpu.memref_squeeze %dma_start3A_54 : memref<1x64xf32, #tpu.memory_space<vmem>> -> memref<64xf32, #tpu.memory_space<vmem>>
      %dma_start3A_56 = arith.constant 0 : i32
      %dma_start3A_57 = tpu.memref_slice %arg2[%squeeze3A, %dma_start3A_56] : memref<1000001x64xf32, #tpu.memory_space<hbm>> -> memref<1x64xf32, #tpu.memory_space<hbm>>
      %dma_start3A_58 = tpu.memref_squeeze %dma_start3A_57 : memref<1x64xf32, #tpu.memory_space<hbm>> -> memref<64xf32, #tpu.memory_space<hbm>>
      tpu.enqueue_dma source(%dma_start3A_58 : memref<64xf32, #tpu.memory_space<hbm>>) target(%dma_start3A_55 : memref<64xf32, #tpu.memory_space<vmem>>) target_semaphore(%arg17 : memref<!tpu.dma_semaphore, #tpu.memory_space<semaphore_mem>>)
      %slice3A_59 = vector.extract_strided_slice %get3A_43 {offsets = [0], sizes = [1], strides = [1]} : vector<16xi32> to vector<1xi32>
      %squeeze3A_60 = vector.extract %slice3A_59[0] : i32 from vector<1xi32>
      %mul3A_61 = arith.constant 16 : i32
      %mul3A_62 = arith.muli %scan3A_31, %mul3A_61 : i32
      %add3A_63 = arith.constant 0 : i32
      %add3A_64 = arith.addi %mul3A_62, %add3A_63 : i32
      %dma_start3A_65 = arith.constant 0 : i32
      %dma_start3A_66 = tpu.memref_slice %arg15[%add3A_64, %dma_start3A_65] : memref<256x64xf32, #tpu.memory_space<vmem>> -> memref<1x64xf32, #tpu.memory_space<vmem>>
      %dma_start3A_67 = tpu.memref_squeeze %dma_start3A_66 : memref<1x64xf32, #tpu.memory_space<vmem>> -> memref<64xf32, #tpu.memory_space<vmem>>
      %dma_start3A_68 = arith.constant 0 : i32
      %dma_start3A_69 = tpu.memref_slice %arg3[%squeeze3A_60, %dma_start3A_68] : memref<1000001x64xf32, #tpu.memory_space<hbm>> -> memref<1x64xf32, #tpu.memory_space<hbm>>
      %dma_start3A_70 = tpu.memref_squeeze %dma_start3A_69 : memref<1x64xf32, #tpu.memory_space<hbm>> -> memref<64xf32, #tpu.memory_space<hbm>>
      %dma_start3A_71 = arith.constant 0 : i32
      %dma_start3A_72 = tpu.memref_slice %arg15[%add3A_64, %dma_start3A_71] : memref<256x64xf32, #tpu.memory_space<vmem>> -> memref<1x64xf32, #tpu.memory_space<vmem>>
      %dma_start3A_73 = tpu.memref_squeeze %dma_start3A_72 : memref<1x64xf32, #tpu.memory_space<vmem>> -> memref<64xf32, #tpu.memory_space<vmem>>
      %dma_start3A_74 = arith.constant 0 : i32
      %dma_start3A_75 = tpu.memref_slice %arg3[%squeeze3A_60, %dma_start3A_74] : memref<1000001x64xf32, #tpu.memory_space<hbm>> -> memref<1x64xf32, #tpu.memory_space<hbm>>
      %dma_start3A_76 = tpu.memref_squeeze %dma_start3A_75 : memref<1x64xf32, #tpu.memory_space<hbm>> -> memref<64xf32, #tpu.memory_space<hbm>>
      tpu.enqueue_dma source(%dma_start3A_76 : memref<64xf32, #tpu.memory_space<hbm>>) target(%dma_start3A_73 : memref<64xf32, #tpu.memory_space<vmem>>) target_semaphore(%arg17 : memref<!tpu.dma_semaphore, #tpu.memory_space<semaphore_mem>>)
      %slice3A_77 = vector.extract_strided_slice %get3A_37 {offsets = [1], sizes = [1], strides = [1]} : vector<16xi32> to vector<1xi32>
      %squeeze3A_78 = vector.extract %slice3A_77[0] : i32 from vector<1xi32>
      %mul3A_79 = arith.constant 16 : i32
      %mul3A_80 = arith.muli %scan3A_31, %mul3A_79 : i32
      %add3A_81 = arith.constant 1 : i32
      %add3A_82 = arith.addi %mul3A_80, %add3A_81 : i32
      %dma_start3A_83 = arith.constant 0 : i32
      %dma_start3A_84 = tpu.memref_slice %arg14[%add3A_82, %dma_start3A_83] : memref<256x64xf32, #tpu.memory_space<vmem>> -> memref<1x64xf32, #tpu.memory_space<vmem>>
      %dma_start3A_85 = tpu.memref_squeeze %dma_start3A_84 : memref<1x64xf32, #tpu.memory_space<vmem>> -> memref<64xf32, #tpu.memory_space<vmem>>
      %dma_start3A_86 = arith.constant 0 : i32
      %dma_start3A_87 = tpu.memref_slice %arg2[%squeeze3A_78, %dma_start3A_86] : memref<1000001x64xf32, #tpu.memory_space<hbm>> -> memref<1x64xf32, #tpu.memory_space<hbm>>
      %dma_start3A_88 = tpu.memref_squeeze %dma_start3A_87 : memref<1x64xf32, #tpu.memory_space<hbm>> -> memref<64xf32, #tpu.memory_space<hbm>>
      %dma_start3A_89 = arith.constant 0 : i32
      %dma_start3A_90 = tpu.memref_slice %arg14[%add3A_82, %dma_start3A_89] : memref<256x64xf32, #tpu.memory_space<vmem>> -> memref<1x64xf32, #tpu.memory_space<vmem>>
      %dma_start3A_91 = tpu.memref_squeeze %dma_start3A_90 : memref<1x64xf32, #tpu.memory_space<vmem>> -> memref<64xf32, #tpu.memory_space<vmem>>
      %dma_start3A_92 = arith.constant 0 : i32
      %dma_start3A_93 = tpu.memref_slice %arg2[%squeeze3A_78, %dma_start3A_92] : memref<1000001x64xf32, #tpu.memory_space<hbm>> -> memref<1x64xf32, #tpu.memory_space<hbm>>
      %dma_start3A_94 = tpu.memref_squeeze %dma_start3A_93 : memref<1x64xf32, #tpu.memory_space<hbm>> -> memref<64xf32, #tpu.memory_space<hbm>>
      tpu.enqueue_dma source(%dma_start3A_94 : memref<64xf32, #tpu.memory_space<hbm>>) target(%dma_start3A_91 : memref<64xf32, #tpu.memory_space<vmem>>) target_semaphore(%arg17 : memref<!tpu.dma_semaphore, #tpu.memory_space<semaphore_mem>>)
      %slice3A_95 = vector.extract_strided_slice %get3A_43 {offsets = [1], sizes = [1], strides = [1]} : vector<16xi32> to vector<1xi32>
      %squeeze3A_96 = vector.extract %slice3A_95[0] : i32 from vector<1xi32>
      %mul3A_97 = arith.constant 16 : i32
      %mul3A_98 = arith.muli %scan3A_31, %mul3A_97 : i32
      %add3A_99 = arith.constant 1 : i32
      %add3A_100 = arith.addi %mul3A_98, %add3A_99 : i32
      %dma_start3A_101 = arith.constant 0 : i32
      %dma_start3A_102 = tpu.memref_slice %arg15[%add3A_100, %dma_start3A_101] : memref<256x64xf32, #tpu.memory_space<vmem>> -> memref<1x64xf32, #tpu.memory_space<vmem>>
      %dma_start3A_103 = tpu.memref_squeeze %dma_start3A_102 : memref<1x64xf32, #tpu.memory_space<vmem>> -> memref<64xf32, #tpu.memory_space<vmem>>
      %dma_start3A_104 = arith.constant 0 : i32
      %dma_start3A_105 = tpu.memref_slice %arg3[%squeeze3A_96, %dma_start3A_104] : memref<1000001x64xf32, #tpu.memory_space<hbm>> -> memref<1x64xf32, #tpu.memory_space<hbm>>
      %dma_start3A_106 = tpu.memref_squeeze %dma_start3A_105 : memref<1x64xf32, #tpu.memory_space<hbm>> -> memref<64xf32, #tpu.memory_space<hbm>>
      %dma_start3A_107 = arith.constant 0 : i32
      %dma_start3A_108 = tpu.memref_slice %arg15[%add3A_100, %dma_start3A_107] : memref<256x64xf32, #tpu.memory_space<vmem>> -> memref<1x64xf32, #tpu.memory_space<vmem>>
      %dma_start3A_109 = tpu.memref_squeeze %dma_start3A_108 : memref<1x64xf32, #tpu.memory_space<vmem>> -> memref<64xf32, #tpu.memory_space<vmem>>
      %dma_start3A_110 = arith.constant 0 : i32
      %dma_start3A_111 = tpu.memref_slice %arg3[%squeeze3A_96, %dma_start3A_110] : memref<1000001x64xf32, #tpu.memory_space<hbm>> -> memref<1x64xf32, #tpu.memory_space<hbm>>
      %dma_start3A_112 = tpu.memref_squeeze %dma_start3A_111 : memref<1x64xf32, #tpu.memory_space<hbm>> -> memref<64xf32, #tpu.memory_space<hbm>>
      tpu.enqueue_dma source(%dma_start3A_112 : memref<64xf32, #tpu.memory_space<hbm>>) target(%dma_start3A_109 : memref<64xf32, #tpu.memory_space<vmem>>) target_semaphore(%arg17 : memref<!tpu.dma_semaphore, #tpu.memory_space<semaphore_mem>>)
      %slice3A_113 = vector.extract_strided_slice %get3A_37 {offsets = [2], sizes = [1], strides = [1]} : vector<16xi32> to vector<1xi32>
      %squeeze3A_114 = vector.extract %slice3A_113[0] : i32 from vector<1xi32>
      %mul3A_115 = arith.constant 16 : i32
      %mul3A_116 = arith.muli %scan3A_31, %mul3A_115 : i32
      %add3A_117 = arith.constant 2 : i32
      %add3A_118 = arith.addi %mul3A_116, %add3A_117 : i32
      %dma_start3A_119 = arith.constant 0 : i32
      %dma_start3A_120 = tpu.memref_slice %arg14[%add3A_118, %dma_start3A_119] : memref<256x64xf32, #tpu.memory_space<vmem>> -> memref<1x64xf32, #tpu.memory_space<vmem>>
      %dma_start3A_121 = tpu.memref_squeeze %dma_start3A_120 : memref<1x64xf32, #tpu.memory_space<vmem>> -> memref<64xf32, #tpu.memory_space<vmem>>
      %dma_start3A_122 = arith.constant 0 : i32
      %dma_start3A_123 = tpu.memref_slice %arg2[%squeeze3A_114, %dma_start3A_122] : memref<1000001x64xf32, #tpu.memory_space<hbm>> -> memref<1x64xf32, #tpu.memory_space<hbm>>
      %dma_start3A_124 = tpu.memref_squeeze %dma_start3A_123 : memref<1x64xf32, #tpu.memory_space<hbm>> -> memref<64xf32, #tpu.memory_space<hbm>>
      %dma_start3A_125 = arith.constant 0 : i32
      %dma_start3A_126 = tpu.memref_slice %arg14[%add3A_118, %dma_start3A_125] : memref<256x64xf32, #tpu.memory_space<vmem>> -> memref<1x64xf32, #tpu.memory_space<vmem>>
      %dma_start3A_127 = tpu.memref_squeeze %dma_start3A_126 : memref<1x64xf32, #tpu.memory_space<vmem>> -> memref<64xf32, #tpu.memory_space<vmem>>
      %dma_start3A_128 = arith.constant 0 : i32
      %dma_start3A_129 = tpu.memref_slice %arg2[%squeeze3A_114, %dma_start3A_128] : memref<1000001x64xf32, #tpu.memory_space<hbm>> -> memref<1x64xf32, #tpu.memory_space<hbm>>
      %dma_start3A_130 = tpu.memref_squeeze %dma_start3A_129 : memref<1x64xf32, #tpu.memory_space<hbm>> -> memref<64xf32, #tpu.memory_space<hbm>>
      tpu.enqueue_dma source(%dma_start3A_130 : memref<64xf32, #tpu.memory_space<hbm>>) target(%dma_start3A_127 : memref<64xf32, #tpu.memory_space<vmem>>) target_semaphore(%arg17 : memref<!tpu.dma_semaphore, #tpu.memory_space<semaphore_mem>>)
      %slice3A_131 = vector.extract_strided_slice %get3A_43 {offsets = [2], sizes = [1], strides = [1]} : vector<16xi32> to vector<1xi32>
      %squeeze3A_132 = vector.extract %slice3A_131[0] : i32 from vector<1xi32>
      %mul3A_133 = arith.constant 16 : i32
      %mul3A_134 = arith.muli %scan3A_31, %mul3A_133 : i32
      %add3A_135 = arith.constant 2 : i32
      %add3A_136 = arith.addi %mul3A_134, %add3A_135 : i32
      %dma_start3A_137 = arith.constant 0 : i32
      %dma_start3A_138 = tpu.memref_slice %arg15[%add3A_136, %dma_start3A_137] : memref<256x64xf32, #tpu.memory_space<vmem>> -> memref<1x64xf32, #tpu.memory_space<vmem>>
      %dma_start3A_139 = tpu.memref_squeeze %dma_start3A_138 : memref<1x64xf32, #tpu.memory_space<vmem>> -> memref<64xf32, #tpu.memory_space<vmem>>
      %dma_start3A_140 = arith.constant 0 : i32
      %dma_start3A_141 = tpu.memref_slice %arg3[%squeeze3A_132, %dma_start3A_140] : memref<1000001x64xf32, #tpu.memory_space<hbm>> -> memref<1x64xf32, #tpu.memory_space<hbm>>
      %dma_start3A_142 = tpu.memref_squeeze %dma_start3A_141 : memref<1x64xf32, #tpu.memory_space<hbm>> -> memref<64xf32, #tpu.memory_space<hbm>>
      %dma_start3A_143 = arith.constant 0 : i32
      %dma_start3A_144 = tpu.memref_slice %arg15[%add3A_136, %dma_start3A_143] : memref<256x64xf32, #tpu.memory_space<vmem>> -> memref<1x64xf32, #tpu.memory_space<vmem>>
      %dma_start3A_145 = tpu.memref_squeeze %dma_start3A_144 : memref<1x64xf32, #tpu.memory_space<vmem>> -> memref<64xf32, #tpu.memory_space<vmem>>
      %dma_start3A_146 = arith.constant 0 : i32
      %dma_start3A_147 = tpu.memref_slice %arg3[%squeeze3A_132, %dma_start3A_146] : memref<1000001x64xf32, #tpu.memory_space<hbm>> -> memref<1x64xf32, #tpu.memory_space<hbm>>
      %dma_start3A_148 = tpu.memref_squeeze %dma_start3A_147 : memref<1x64xf32, #tpu.memory_space<hbm>> -> memref<64xf32, #tpu.memory_space<hbm>>
      tpu.enqueue_dma source(%dma_start3A_148 : memref<64xf32, #tpu.memory_space<hbm>>) target(%dma_start3A_145 : memref<64xf32, #tpu.memory_space<vmem>>) target_semaphore(%arg17 : memref<!tpu.dma_semaphore, #tpu.memory_space<semaphore_mem>>)
      %slice3A_149 = vector.extract_strided_slice %get3A_37 {offsets = [3], sizes = [1], strides = [1]} : vector<16xi32> to vector<1xi32>
      %squeeze3A_150 = vector.extract %slice3A_149[0] : i32 from vector<1xi32>
      %mul3A_151 = arith.constant 16 : i32
      %mul3A_152 = arith.muli %scan3A_31, %mul3A_151 : i32
      %add3A_153 = arith.constant 3 : i32
      %add3A_154 = arith.addi %mul3A_152, %add3A_153 : i32
      %dma_start3A_155 = arith.constant 0 : i32
      %dma_start3A_156 = tpu.memref_slice %arg14[%add3A_154, %dma_start3A_155] : memref<256x64xf32, #tpu.memory_space<vmem>> -> memref<1x64xf32, #tpu.memory_space<vmem>>
      %dma_start3A_157 = tpu.memref_squeeze %dma_start3A_156 : memref<1x64xf32, #tpu.memory_space<vmem>> -> memref<64xf32, #tpu.memory_space<vmem>>
      %dma_start3A_158 = arith.constant 0 : i32
      %dma_start3A_159 = tpu.memref_slice %arg2[%squeeze3A_150, %dma_start3A_158] : memref<1000001x64xf32, #tpu.memory_space<hbm>> -> memref<1x64xf32, #tpu.memory_space<hbm>>
      %dma_start3A_160 = tpu.memref_squeeze %dma_start3A_159 : memref<1x64xf32, #tpu.memory_space<hbm>> -> memref<64xf32, #tpu.memory_space<hbm>>
      %dma_start3A_161 = arith.constant 0 : i32
      %dma_start3A_162 = tpu.memref_slice %arg14[%add3A_154, %dma_start3A_161] : memref<256x64xf32, #tpu.memory_space<vmem>> -> memref<1x64xf32, #tpu.memory_space<vmem>>
      %dma_start3A_163 = tpu.memref_squeeze %dma_start3A_162 : memref<1x64xf32, #tpu.memory_space<vmem>> -> memref<64xf32, #tpu.memory_space<vmem>>
      %dma_start3A_164 = arith.constant 0 : i32
      %dma_start3A_165 = tpu.memref_slice %arg2[%squeeze3A_150, %dma_start3A_164] : memref<1000001x64xf32, #tpu.memory_space<hbm>> -> memref<1x64xf32, #tpu.memory_space<hbm>>
      %dma_start3A_166 = tpu.memref_squeeze %dma_start3A_165 : memref<1x64xf32, #tpu.memory_space<hbm>> -> memref<64xf32, #tpu.memory_space<hbm>>
      tpu.enqueue_dma source(%dma_start3A_166 : memref<64xf32, #tpu.memory_space<hbm>>) target(%dma_start3A_163 : memref<64xf32, #tpu.memory_space<vmem>>) target_semaphore(%arg17 : memref<!tpu.dma_semaphore, #tpu.memory_space<semaphore_mem>>)
      %slice3A_167 = vector.extract_strided_slice %get3A_43 {offsets = [3], sizes = [1], strides = [1]} : vector<16xi32> to vector<1xi32>
      %squeeze3A_168 = vector.extract %slice3A_167[0] : i32 from vector<1xi32>
      %mul3A_169 = arith.constant 16 : i32
      %mul3A_170 = arith.muli %scan3A_31, %mul3A_169 : i32
      %add3A_171 = arith.constant 3 : i32
      %add3A_172 = arith.addi %mul3A_170, %add3A_171 : i32
      %dma_start3A_173 = arith.constant 0 : i32
      %dma_start3A_174 = tpu.memref_slice %arg15[%add3A_172, %dma_start3A_173] : memref<256x64xf32, #tpu.memory_space<vmem>> -> memref<1x64xf32, #tpu.memory_space<vmem>>
      %dma_start3A_175 = tpu.memref_squeeze %dma_start3A_174 : memref<1x64xf32, #tpu.memory_space<vmem>> -> memref<64xf32, #tpu.memory_space<vmem>>
      %dma_start3A_176 = arith.constant 0 : i32
      %dma_start3A_177 = tpu.memref_slice %arg3[%squeeze3A_168, %dma_start3A_176] : memref<1000001x64xf32, #tpu.memory_space<hbm>> -> memref<1x64xf32, #tpu.memory_space<hbm>>
      %dma_start3A_178 = tpu.memref_squeeze %dma_start3A_177 : memref<1x64xf32, #tpu.memory_space<hbm>> -> memref<64xf32, #tpu.memory_space<hbm>>
      %dma_start3A_179 = arith.constant 0 : i32
      %dma_start3A_180 = tpu.memref_slice %arg15[%add3A_172, %dma_start3A_179] : memref<256x64xf32, #tpu.memory_space<vmem>> -> memref<1x64xf32, #tpu.memory_space<vmem>>
      %dma_start3A_181 = tpu.memref_squeeze %dma_start3A_180 : memref<1x64xf32, #tpu.memory_space<vmem>> -> memref<64xf32, #tpu.memory_space<vmem>>
      %dma_start3A_182 = arith.constant 0 : i32
      %dma_start3A_183 = tpu.memref_slice %arg3[%squeeze3A_168, %dma_start3A_182] : memref<1000001x64xf32, #tpu.memory_space<hbm>> -> memref<1x64xf32, #tpu.memory_space<hbm>>
      %dma_start3A_184 = tpu.memref_squeeze %dma_start3A_183 : memref<1x64xf32, #tpu.memory_space<hbm>> -> memref<64xf32, #tpu.memory_space<hbm>>
      tpu.enqueue_dma source(%dma_start3A_184 : memref<64xf32, #tpu.memory_space<hbm>>) target(%dma_start3A_181 : memref<64xf32, #tpu.memory_space<vmem>>) target_semaphore(%arg17 : memref<!tpu.dma_semaphore, #tpu.memory_space<semaphore_mem>>)
      %slice3A_185 = vector.extract_strided_slice %get3A_37 {offsets = [4], sizes = [1], strides = [1]} : vector<16xi32> to vector<1xi32>
      %squeeze3A_186 = vector.extract %slice3A_185[0] : i32 from vector<1xi32>
      %mul3A_187 = arith.constant 16 : i32
      %mul3A_188 = arith.muli %scan3A_31, %mul3A_187 : i32
      %add3A_189 = arith.constant 4 : i32
      %add3A_190 = arith.addi %mul3A_188, %add3A_189 : i32
      %dma_start3A_191 = arith.constant 0 : i32
      %dma_start3A_192 = tpu.memref_slice %arg14[%add3A_190, %dma_start3A_191] : memref<256x64xf32, #tpu.memory_space<vmem>> -> memref<1x64xf32, #tpu.memory_space<vmem>>
      %dma_start3A_193 = tpu.memref_squeeze %dma_start3A_192 : memref<1x64xf32, #tpu.memory_space<vmem>> -> memref<64xf32, #tpu.memory_space<vmem>>
      %dma_start3A_194 = arith.constant 0 : i32
      %dma_start3A_195 = tpu.memref_slice %arg2[%squeeze3A_186, %dma_start3A_194] : memref<1000001x64xf32, #tpu.memory_space<hbm>> -> memref<1x64xf32, #tpu.memory_space<hbm>>
      %dma_start3A_196 = tpu.memref_squeeze %dma_start3A_195 : memref<1x64xf32, #tpu.memory_space<hbm>> -> memref<64xf32, #tpu.memory_space<hbm>>
      %dma_start3A_197 = arith.constant 0 : i32
      %dma_start3A_198 = tpu.memref_slice %arg14[%add3A_190, %dma_start3A_197] : memref<256x64xf32, #tpu.memory_space<vmem>> -> memref<1x64xf32, #tpu.memory_space<vmem>>
      %dma_start3A_199 = tpu.memref_squeeze %dma_start3A_198 : memref<1x64xf32, #tpu.memory_space<vmem>> -> memref<64xf32, #tpu.memory_space<vmem>>
      %dma_start3A_200 = arith.constant 0 : i32
      %dma_start3A_201 = tpu.memref_slice %arg2[%squeeze3A_186, %dma_start3A_200] : memref<1000001x64xf32, #tpu.memory_space<hbm>> -> memref<1x64xf32, #tpu.memory_space<hbm>>
      %dma_start3A_202 = tpu.memref_squeeze %dma_start3A_201 : memref<1x64xf32, #tpu.memory_space<hbm>> -> memref<64xf32, #tpu.memory_space<hbm>>
      tpu.enqueue_dma source(%dma_start3A_202 : memref<64xf32, #tpu.memory_space<hbm>>) target(%dma_start3A_199 : memref<64xf32, #tpu.memory_space<vmem>>) target_semaphore(%arg17 : memref<!tpu.dma_semaphore, #tpu.memory_space<semaphore_mem>>)
      %slice3A_203 = vector.extract_strided_slice %get3A_43 {offsets = [4], sizes = [1], strides = [1]} : vector<16xi32> to vector<1xi32>
      %squeeze3A_204 = vector.extract %slice3A_203[0] : i32 from vector<1xi32>
      %mul3A_205 = arith.constant 16 : i32
      %mul3A_206 = arith.muli %scan3A_31, %mul3A_205 : i32
      %add3A_207 = arith.constant 4 : i32
      %add3A_208 = arith.addi %mul3A_206, %add3A_207 : i32
      %dma_start3A_209 = arith.constant 0 : i32
      %dma_start3A_210 = tpu.memref_slice %arg15[%add3A_208, %dma_start3A_209] : memref<256x64xf32, #tpu.memory_space<vmem>> -> memref<1x64xf32, #tpu.memory_space<vmem>>
      %dma_start3A_211 = tpu.memref_squeeze %dma_start3A_210 : memref<1x64xf32, #tpu.memory_space<vmem>> -> memref<64xf32, #tpu.memory_space<vmem>>
      %dma_start3A_212 = arith.constant 0 : i32
      %dma_start3A_213 = tpu.memref_slice %arg3[%squeeze3A_204, %dma_start3A_212] : memref<1000001x64xf32, #tpu.memory_space<hbm>> -> memref<1x64xf32, #tpu.memory_space<hbm>>
      %dma_start3A_214 = tpu.memref_squeeze %dma_start3A_213 : memref<1x64xf32, #tpu.memory_space<hbm>> -> memref<64xf32, #tpu.memory_space<hbm>>
      %dma_start3A_215 = arith.constant 0 : i32
      %dma_start3A_216 = tpu.memref_slice %arg15[%add3A_208, %dma_start3A_215] : memref<256x64xf32, #tpu.memory_space<vmem>> -> memref<1x64xf32, #tpu.memory_space<vmem>>
      %dma_start3A_217 = tpu.memref_squeeze %dma_start3A_216 : memref<1x64xf32, #tpu.memory_space<vmem>> -> memref<64xf32, #tpu.memory_space<vmem>>
      %dma_start3A_218 = arith.constant 0 : i32
      %dma_start3A_219 = tpu.memref_slice %arg3[%squeeze3A_204, %dma_start3A_218] : memref<1000001x64xf32, #tpu.memory_space<hbm>> -> memref<1x64xf32, #tpu.memory_space<hbm>>
      %dma_start3A_220 = tpu.memref_squeeze %dma_start3A_219 : memref<1x64xf32, #tpu.memory_space<hbm>> -> memref<64xf32, #tpu.memory_space<hbm>>
      tpu.enqueue_dma source(%dma_start3A_220 : memref<64xf32, #tpu.memory_space<hbm>>) target(%dma_start3A_217 : memref<64xf32, #tpu.memory_space<vmem>>) target_semaphore(%arg17 : memref<!tpu.dma_semaphore, #tpu.memory_space<semaphore_mem>>)
      %slice3A_221 = vector.extract_strided_slice %get3A_37 {offsets = [5], sizes = [1], strides = [1]} : vector<16xi32> to vector<1xi32>
      %squeeze3A_222 = vector.extract %slice3A_221[0] : i32 from vector<1xi32>
      %mul3A_223 = arith.constant 16 : i32
      %mul3A_224 = arith.muli %scan3A_31, %mul3A_223 : i32
      %add3A_225 = arith.constant 5 : i32
      %add3A_226 = arith.addi %mul3A_224, %add3A_225 : i32
      %dma_start3A_227 = arith.constant 0 : i32
      %dma_start3A_228 = tpu.memref_slice %arg14[%add3A_226, %dma_start3A_227] : memref<256x64xf32, #tpu.memory_space<vmem>> -> memref<1x64xf32, #tpu.memory_space<vmem>>
      %dma_start3A_229 = tpu.memref_squeeze %dma_start3A_228 : memref<1x64xf32, #tpu.memory_space<vmem>> -> memref<64xf32, #tpu.memory_space<vmem>>
      %dma_start3A_230 = arith.constant 0 : i32
      %dma_start3A_231 = tpu.memref_slice %arg2[%squeeze3A_222, %dma_start3A_230] : memref<1000001x64xf32, #tpu.memory_space<hbm>> -> memref<1x64xf32, #tpu.memory_space<hbm>>
      %dma_start3A_232 = tpu.memref_squeeze %dma_start3A_231 : memref<1x64xf32, #tpu.memory_space<hbm>> -> memref<64xf32, #tpu.memory_space<hbm>>
      %dma_start3A_233 = arith.constant 0 : i32
      %dma_start3A_234 = tpu.memref_slice %arg14[%add3A_226, %dma_start3A_233] : memref<256x64xf32, #tpu.memory_space<vmem>> -> memref<1x64xf32, #tpu.memory_space<vmem>>
      %dma_start3A_235 = tpu.memref_squeeze %dma_start3A_234 : memref<1x64xf32, #tpu.memory_space<vmem>> -> memref<64xf32, #tpu.memory_space<vmem>>
      %dma_start3A_236 = arith.constant 0 : i32
      %dma_start3A_237 = tpu.memref_slice %arg2[%squeeze3A_222, %dma_start3A_236] : memref<1000001x64xf32, #tpu.memory_space<hbm>> -> memref<1x64xf32, #tpu.memory_space<hbm>>
      %dma_start3A_238 = tpu.memref_squeeze %dma_start3A_237 : memref<1x64xf32, #tpu.memory_space<hbm>> -> memref<64xf32, #tpu.memory_space<hbm>>
      tpu.enqueue_dma source(%dma_start3A_238 : memref<64xf32, #tpu.memory_space<hbm>>) target(%dma_start3A_235 : memref<64xf32, #tpu.memory_space<vmem>>) target_semaphore(%arg17 : memref<!tpu.dma_semaphore, #tpu.memory_space<semaphore_mem>>)
      %slice3A_239 = vector.extract_strided_slice %get3A_43 {offsets = [5], sizes = [1], strides = [1]} : vector<16xi32> to vector<1xi32>
      %squeeze3A_240 = vector.extract %slice3A_239[0] : i32 from vector<1xi32>
      %mul3A_241 = arith.constant 16 : i32
      %mul3A_242 = arith.muli %scan3A_31, %mul3A_241 : i32
      %add3A_243 = arith.constant 5 : i32
      %add3A_244 = arith.addi %mul3A_242, %add3A_243 : i32
      %dma_start3A_245 = arith.constant 0 : i32
      %dma_start3A_246 = tpu.memref_slice %arg15[%add3A_244, %dma_start3A_245] : memref<256x64xf32, #tpu.memory_space<vmem>> -> memref<1x64xf32, #tpu.memory_space<vmem>>
      %dma_start3A_247 = tpu.memref_squeeze %dma_start3A_246 : memref<1x64xf32, #tpu.memory_space<vmem>> -> memref<64xf32, #tpu.memory_space<vmem>>
      %dma_start3A_248 = arith.constant 0 : i32
      %dma_start3A_249 = tpu.memref_slice %arg3[%squeeze3A_240, %dma_start3A_248] : memref<1000001x64xf32, #tpu.memory_space<hbm>> -> memref<1x64xf32, #tpu.memory_space<hbm>>
      %dma_start3A_250 = tpu.memref_squeeze %dma_start3A_249 : memref<1x64xf32, #tpu.memory_space<hbm>> -> memref<64xf32, #tpu.memory_space<hbm>>
      %dma_start3A_251 = arith.constant 0 : i32
      %dma_start3A_252 = tpu.memref_slice %arg15[%add3A_244, %dma_start3A_251] : memref<256x64xf32, #tpu.memory_space<vmem>> -> memref<1x64xf32, #tpu.memory_space<vmem>>
      %dma_start3A_253 = tpu.memref_squeeze %dma_start3A_252 : memref<1x64xf32, #tpu.memory_space<vmem>> -> memref<64xf32, #tpu.memory_space<vmem>>
      %dma_start3A_254 = arith.constant 0 : i32
      %dma_start3A_255 = tpu.memref_slice %arg3[%squeeze3A_240, %dma_start3A_254] : memref<1000001x64xf32, #tpu.memory_space<hbm>> -> memref<1x64xf32, #tpu.memory_space<hbm>>
      %dma_start3A_256 = tpu.memref_squeeze %dma_start3A_255 : memref<1x64xf32, #tpu.memory_space<hbm>> -> memref<64xf32, #tpu.memory_space<hbm>>
      tpu.enqueue_dma source(%dma_start3A_256 : memref<64xf32, #tpu.memory_space<hbm>>) target(%dma_start3A_253 : memref<64xf32, #tpu.memory_space<vmem>>) target_semaphore(%arg17 : memref<!tpu.dma_semaphore, #tpu.memory_space<semaphore_mem>>)
      %slice3A_257 = vector.extract_strided_slice %get3A_37 {offsets = [6], sizes = [1], strides = [1]} : vector<16xi32> to vector<1xi32>
      %squeeze3A_258 = vector.extract %slice3A_257[0] : i32 from vector<1xi32>
      %mul3A_259 = arith.constant 16 : i32
      %mul3A_260 = arith.muli %scan3A_31, %mul3A_259 : i32
      %add3A_261 = arith.constant 6 : i32
      %add3A_262 = arith.addi %mul3A_260, %add3A_261 : i32
      %dma_start3A_263 = arith.constant 0 : i32
      %dma_start3A_264 = tpu.memref_slice %arg14[%add3A_262, %dma_start3A_263] : memref<256x64xf32, #tpu.memory_space<vmem>> -> memref<1x64xf32, #tpu.memory_space<vmem>>
      %dma_start3A_265 = tpu.memref_squeeze %dma_start3A_264 : memref<1x64xf32, #tpu.memory_space<vmem>> -> memref<64xf32, #tpu.memory_space<vmem>>
      %dma_start3A_266 = arith.constant 0 : i32
      %dma_start3A_267 = tpu.memref_slice %arg2[%squeeze3A_258, %dma_start3A_266] : memref<1000001x64xf32, #tpu.memory_space<hbm>> -> memref<1x64xf32, #tpu.memory_space<hbm>>
      %dma_start3A_268 = tpu.memref_squeeze %dma_start3A_267 : memref<1x64xf32, #tpu.memory_space<hbm>> -> memref<64xf32, #tpu.memory_space<hbm>>
      %dma_start3A_269 = arith.constant 0 : i32
      %dma_start3A_270 = tpu.memref_slice %arg14[%add3A_262, %dma_start3A_269] : memref<256x64xf32, #tpu.memory_space<vmem>> -> memref<1x64xf32, #tpu.memory_space<vmem>>
      %dma_start3A_271 = tpu.memref_squeeze %dma_start3A_270 : memref<1x64xf32, #tpu.memory_space<vmem>> -> memref<64xf32, #tpu.memory_space<vmem>>
      %dma_start3A_272 = arith.constant 0 : i32
      %dma_start3A_273 = tpu.memref_slice %arg2[%squeeze3A_258, %dma_start3A_272] : memref<1000001x64xf32, #tpu.memory_space<hbm>> -> memref<1x64xf32, #tpu.memory_space<hbm>>
      %dma_start3A_274 = tpu.memref_squeeze %dma_start3A_273 : memref<1x64xf32, #tpu.memory_space<hbm>> -> memref<64xf32, #tpu.memory_space<hbm>>
      tpu.enqueue_dma source(%dma_start3A_274 : memref<64xf32, #tpu.memory_space<hbm>>) target(%dma_start3A_271 : memref<64xf32, #tpu.memory_space<vmem>>) target_semaphore(%arg17 : memref<!tpu.dma_semaphore, #tpu.memory_space<semaphore_mem>>)
      %slice3A_275 = vector.extract_strided_slice %get3A_43 {offsets = [6], sizes = [1], strides = [1]} : vector<16xi32> to vector<1xi32>
      %squeeze3A_276 = vector.extract %slice3A_275[0] : i32 from vector<1xi32>
      %mul3A_277 = arith.constant 16 : i32
      %mul3A_278 = arith.muli %scan3A_31, %mul3A_277 : i32
      %add3A_279 = arith.constant 6 : i32
      %add3A_280 = arith.addi %mul3A_278, %add3A_279 : i32
      %dma_start3A_281 = arith.constant 0 : i32
      %dma_start3A_282 = tpu.memref_slice %arg15[%add3A_280, %dma_start3A_281] : memref<256x64xf32, #tpu.memory_space<vmem>> -> memref<1x64xf32, #tpu.memory_space<vmem>>
      %dma_start3A_283 = tpu.memref_squeeze %dma_start3A_282 : memref<1x64xf32, #tpu.memory_space<vmem>> -> memref<64xf32, #tpu.memory_space<vmem>>
      %dma_start3A_284 = arith.constant 0 : i32
      %dma_start3A_285 = tpu.memref_slice %arg3[%squeeze3A_276, %dma_start3A_284] : memref<1000001x64xf32, #tpu.memory_space<hbm>> -> memref<1x64xf32, #tpu.memory_space<hbm>>
      %dma_start3A_286 = tpu.memref_squeeze %dma_start3A_285 : memref<1x64xf32, #tpu.memory_space<hbm>> -> memref<64xf32, #tpu.memory_space<hbm>>
      %dma_start3A_287 = arith.constant 0 : i32
      %dma_start3A_288 = tpu.memref_slice %arg15[%add3A_280, %dma_start3A_287] : memref<256x64xf32, #tpu.memory_space<vmem>> -> memref<1x64xf32, #tpu.memory_space<vmem>>
      %dma_start3A_289 = tpu.memref_squeeze %dma_start3A_288 : memref<1x64xf32, #tpu.memory_space<vmem>> -> memref<64xf32, #tpu.memory_space<vmem>>
      %dma_start3A_290 = arith.constant 0 : i32
      %dma_start3A_291 = tpu.memref_slice %arg3[%squeeze3A_276, %dma_start3A_290] : memref<1000001x64xf32, #tpu.memory_space<hbm>> -> memref<1x64xf32, #tpu.memory_space<hbm>>
      %dma_start3A_292 = tpu.memref_squeeze %dma_start3A_291 : memref<1x64xf32, #tpu.memory_space<hbm>> -> memref<64xf32, #tpu.memory_space<hbm>>
      tpu.enqueue_dma source(%dma_start3A_292 : memref<64xf32, #tpu.memory_space<hbm>>) target(%dma_start3A_289 : memref<64xf32, #tpu.memory_space<vmem>>) target_semaphore(%arg17 : memref<!tpu.dma_semaphore, #tpu.memory_space<semaphore_mem>>)
      %slice3A_293 = vector.extract_strided_slice %get3A_37 {offsets = [7], sizes = [1], strides = [1]} : vector<16xi32> to vector<1xi32>
      %squeeze3A_294 = vector.extract %slice3A_293[0] : i32 from vector<1xi32>
      %mul3A_295 = arith.constant 16 : i32
      %mul3A_296 = arith.muli %scan3A_31, %mul3A_295 : i32
      %add3A_297 = arith.constant 7 : i32
      %add3A_298 = arith.addi %mul3A_296, %add3A_297 : i32
      %dma_start3A_299 = arith.constant 0 : i32
      %dma_start3A_300 = tpu.memref_slice %arg14[%add3A_298, %dma_start3A_299] : memref<256x64xf32, #tpu.memory_space<vmem>> -> memref<1x64xf32, #tpu.memory_space<vmem>>
      %dma_start3A_301 = tpu.memref_squeeze %dma_start3A_300 : memref<1x64xf32, #tpu.memory_space<vmem>> -> memref<64xf32, #tpu.memory_space<vmem>>
      %dma_start3A_302 = arith.constant 0 : i32
      %dma_start3A_303 = tpu.memref_slice %arg2[%squeeze3A_294, %dma_start3A_302] : memref<1000001x64xf32, #tpu.memory_space<hbm>> -> memref<1x64xf32, #tpu.memory_space<hbm>>
      %dma_start3A_304 = tpu.memref_squeeze %dma_start3A_303 : memref<1x64xf32, #tpu.memory_space<hbm>> -> memref<64xf32, #tpu.memory_space<hbm>>
      %dma_start3A_305 = arith.constant 0 : i32
      %dma_start3A_306 = tpu.memref_slice %arg14[%add3A_298, %dma_start3A_305] : memref<256x64xf32, #tpu.memory_space<vmem>> -> memref<1x64xf32, #tpu.memory_space<vmem>>
      %dma_start3A_307 = tpu.memref_squeeze %dma_start3A_306 : memref<1x64xf32, #tpu.memory_space<vmem>> -> memref<64xf32, #tpu.memory_space<vmem>>
      %dma_start3A_308 = arith.constant 0 : i32
      %dma_start3A_309 = tpu.memref_slice %arg2[%squeeze3A_294, %dma_start3A_308] : memref<1000001x64xf32, #tpu.memory_space<hbm>> -> memref<1x64xf32, #tpu.memory_space<hbm>>
      %dma_start3A_310 = tpu.memref_squeeze %dma_start3A_309 : memref<1x64xf32, #tpu.memory_space<hbm>> -> memref<64xf32, #tpu.memory_space<hbm>>
      tpu.enqueue_dma source(%dma_start3A_310 : memref<64xf32, #tpu.memory_space<hbm>>) target(%dma_start3A_307 : memref<64xf32, #tpu.memory_space<vmem>>) target_semaphore(%arg17 : memref<!tpu.dma_semaphore, #tpu.memory_space<semaphore_mem>>)
      %slice3A_311 = vector.extract_strided_slice %get3A_43 {offsets = [7], sizes = [1], strides = [1]} : vector<16xi32> to vector<1xi32>
      %squeeze3A_312 = vector.extract %slice3A_311[0] : i32 from vector<1xi32>
      %mul3A_313 = arith.constant 16 : i32
      %mul3A_314 = arith.muli %scan3A_31, %mul3A_313 : i32
      %add3A_315 = arith.constant 7 : i32
      %add3A_316 = arith.addi %mul3A_314, %add3A_315 : i32
      %dma_start3A_317 = arith.constant 0 : i32
      %dma_start3A_318 = tpu.memref_slice %arg15[%add3A_316, %dma_start3A_317] : memref<256x64xf32, #tpu.memory_space<vmem>> -> memref<1x64xf32, #tpu.memory_space<vmem>>
      %dma_start3A_319 = tpu.memref_squeeze %dma_start3A_318 : memref<1x64xf32, #tpu.memory_space<vmem>> -> memref<64xf32, #tpu.memory_space<vmem>>
      %dma_start3A_320 = arith.constant 0 : i32
      %dma_start3A_321 = tpu.memref_slice %arg3[%squeeze3A_312, %dma_start3A_320] : memref<1000001x64xf32, #tpu.memory_space<hbm>> -> memref<1x64xf32, #tpu.memory_space<hbm>>
      %dma_start3A_322 = tpu.memref_squeeze %dma_start3A_321 : memref<1x64xf32, #tpu.memory_space<hbm>> -> memref<64xf32, #tpu.memory_space<hbm>>
      %dma_start3A_323 = arith.constant 0 : i32
      %dma_start3A_324 = tpu.memref_slice %arg15[%add3A_316, %dma_start3A_323] : memref<256x64xf32, #tpu.memory_space<vmem>> -> memref<1x64xf32, #tpu.memory_space<vmem>>
      %dma_start3A_325 = tpu.memref_squeeze %dma_start3A_324 : memref<1x64xf32, #tpu.memory_space<vmem>> -> memref<64xf32, #tpu.memory_space<vmem>>
      %dma_start3A_326 = arith.constant 0 : i32
      %dma_start3A_327 = tpu.memref_slice %arg3[%squeeze3A_312, %dma_start3A_326] : memref<1000001x64xf32, #tpu.memory_space<hbm>> -> memref<1x64xf32, #tpu.memory_space<hbm>>
      %dma_start3A_328 = tpu.memref_squeeze %dma_start3A_327 : memref<1x64xf32, #tpu.memory_space<hbm>> -> memref<64xf32, #tpu.memory_space<hbm>>
      tpu.enqueue_dma source(%dma_start3A_328 : memref<64xf32, #tpu.memory_space<hbm>>) target(%dma_start3A_325 : memref<64xf32, #tpu.memory_space<vmem>>) target_semaphore(%arg17 : memref<!tpu.dma_semaphore, #tpu.memory_space<semaphore_mem>>)
      %slice3A_329 = vector.extract_strided_slice %get3A_37 {offsets = [8], sizes = [1], strides = [1]} : vector<16xi32> to vector<1xi32>
      %squeeze3A_330 = vector.extract %slice3A_329[0] : i32 from vector<1xi32>
      %mul3A_331 = arith.constant 16 : i32
      %mul3A_332 = arith.muli %scan3A_31, %mul3A_331 : i32
      %add3A_333 = arith.constant 8 : i32
      %add3A_334 = arith.addi %mul3A_332, %add3A_333 : i32
      %dma_start3A_335 = arith.constant 0 : i32
      %dma_start3A_336 = tpu.memref_slice %arg14[%add3A_334, %dma_start3A_335] : memref<256x64xf32, #tpu.memory_space<vmem>> -> memref<1x64xf32, #tpu.memory_space<vmem>>
      %dma_start3A_337 = tpu.memref_squeeze %dma_start3A_336 : memref<1x64xf32, #tpu.memory_space<vmem>> -> memref<64xf32, #tpu.memory_space<vmem>>
      %dma_start3A_338 = arith.constant 0 : i32
      %dma_start3A_339 = tpu.memref_slice %arg2[%squeeze3A_330, %dma_start3A_338] : memref<1000001x64xf32, #tpu.memory_space<hbm>> -> memref<1x64xf32, #tpu.memory_space<hbm>>
      %dma_start3A_340 = tpu.memref_squeeze %dma_start3A_339 : memref<1x64xf32, #tpu.memory_space<hbm>> -> memref<64xf32, #tpu.memory_space<hbm>>
      %dma_start3A_341 = arith.constant 0 : i32
      %dma_start3A_342 = tpu.memref_slice %arg14[%add3A_334, %dma_start3A_341] : memref<256x64xf32, #tpu.memory_space<vmem>> -> memref<1x64xf32, #tpu.memory_space<vmem>>
      %dma_start3A_343 = tpu.memref_squeeze %dma_start3A_342 : memref<1x64xf32, #tpu.memory_space<vmem>> -> memref<64xf32, #tpu.memory_space<vmem>>
      %dma_start3A_344 = arith.constant 0 : i32
      %dma_start3A_345 = tpu.memref_slice %arg2[%squeeze3A_330, %dma_start3A_344] : memref<1000001x64xf32, #tpu.memory_space<hbm>> -> memref<1x64xf32, #tpu.memory_space<hbm>>
      %dma_start3A_346 = tpu.memref_squeeze %dma_start3A_345 : memref<1x64xf32, #tpu.memory_space<hbm>> -> memref<64xf32, #tpu.memory_space<hbm>>
      tpu.enqueue_dma source(%dma_start3A_346 : memref<64xf32, #tpu.memory_space<hbm>>) target(%dma_start3A_343 : memref<64xf32, #tpu.memory_space<vmem>>) target_semaphore(%arg17 : memref<!tpu.dma_semaphore, #tpu.memory_space<semaphore_mem>>)
      %slice3A_347 = vector.extract_strided_slice %get3A_43 {offsets = [8], sizes = [1], strides = [1]} : vector<16xi32> to vector<1xi32>
      %squeeze3A_348 = vector.extract %slice3A_347[0] : i32 from vector<1xi32>
      %mul3A_349 = arith.constant 16 : i32
      %mul3A_350 = arith.muli %scan3A_31, %mul3A_349 : i32
      %add3A_351 = arith.constant 8 : i32
      %add3A_352 = arith.addi %mul3A_350, %add3A_351 : i32
      %dma_start3A_353 = arith.constant 0 : i32
      %dma_start3A_354 = tpu.memref_slice %arg15[%add3A_352, %dma_start3A_353] : memref<256x64xf32, #tpu.memory_space<vmem>> -> memref<1x64xf32, #tpu.memory_space<vmem>>
      %dma_start3A_355 = tpu.memref_squeeze %dma_start3A_354 : memref<1x64xf32, #tpu.memory_space<vmem>> -> memref<64xf32, #tpu.memory_space<vmem>>
      %dma_start3A_356 = arith.constant 0 : i32
      %dma_start3A_357 = tpu.memref_slice %arg3[%squeeze3A_348, %dma_start3A_356] : memref<1000001x64xf32, #tpu.memory_space<hbm>> -> memref<1x64xf32, #tpu.memory_space<hbm>>
      %dma_start3A_358 = tpu.memref_squeeze %dma_start3A_357 : memref<1x64xf32, #tpu.memory_space<hbm>> -> memref<64xf32, #tpu.memory_space<hbm>>
      %dma_start3A_359 = arith.constant 0 : i32
      %dma_start3A_360 = tpu.memref_slice %arg15[%add3A_352, %dma_start3A_359] : memref<256x64xf32, #tpu.memory_space<vmem>> -> memref<1x64xf32, #tpu.memory_space<vmem>>
      %dma_start3A_361 = tpu.memref_squeeze %dma_start3A_360 : memref<1x64xf32, #tpu.memory_space<vmem>> -> memref<64xf32, #tpu.memory_space<vmem>>
      %dma_start3A_362 = arith.constant 0 : i32
      %dma_start3A_363 = tpu.memref_slice %arg3[%squeeze3A_348, %dma_start3A_362] : memref<1000001x64xf32, #tpu.memory_space<hbm>> -> memref<1x64xf32, #tpu.memory_space<hbm>>
      %dma_start3A_364 = tpu.memref_squeeze %dma_start3A_363 : memref<1x64xf32, #tpu.memory_space<hbm>> -> memref<64xf32, #tpu.memory_space<hbm>>
      tpu.enqueue_dma source(%dma_start3A_364 : memref<64xf32, #tpu.memory_space<hbm>>) target(%dma_start3A_361 : memref<64xf32, #tpu.memory_space<vmem>>) target_semaphore(%arg17 : memref<!tpu.dma_semaphore, #tpu.memory_space<semaphore_mem>>)
      %slice3A_365 = vector.extract_strided_slice %get3A_37 {offsets = [9], sizes = [1], strides = [1]} : vector<16xi32> to vector<1xi32>
      %squeeze3A_366 = vector.extract %slice3A_365[0] : i32 from vector<1xi32>
      %mul3A_367 = arith.constant 16 : i32
      %mul3A_368 = arith.muli %scan3A_31, %mul3A_367 : i32
      %add3A_369 = arith.constant 9 : i32
      %add3A_370 = arith.addi %mul3A_368, %add3A_369 : i32
      %dma_start3A_371 = arith.constant 0 : i32
      %dma_start3A_372 = tpu.memref_slice %arg14[%add3A_370, %dma_start3A_371] : memref<256x64xf32, #tpu.memory_space<vmem>> -> memref<1x64xf32, #tpu.memory_space<vmem>>
      %dma_start3A_373 = tpu.memref_squeeze %dma_start3A_372 : memref<1x64xf32, #tpu.memory_space<vmem>> -> memref<64xf32, #tpu.memory_space<vmem>>
      %dma_start3A_374 = arith.constant 0 : i32
      %dma_start3A_375 = tpu.memref_slice %arg2[%squeeze3A_366, %dma_start3A_374] : memref<1000001x64xf32, #tpu.memory_space<hbm>> -> memref<1x64xf32, #tpu.memory_space<hbm>>
      %dma_start3A_376 = tpu.memref_squeeze %dma_start3A_375 : memref<1x64xf32, #tpu.memory_space<hbm>> -> memref<64xf32, #tpu.memory_space<hbm>>
      %dma_start3A_377 = arith.constant 0 : i32
      %dma_start3A_378 = tpu.memref_slice %arg14[%add3A_370, %dma_start3A_377] : memref<256x64xf32, #tpu.memory_space<vmem>> -> memref<1x64xf32, #tpu.memory_space<vmem>>
      %dma_start3A_379 = tpu.memref_squeeze %dma_start3A_378 : memref<1x64xf32, #tpu.memory_space<vmem>> -> memref<64xf32, #tpu.memory_space<vmem>>
      %dma_start3A_380 = arith.constant 0 : i32
      %dma_start3A_381 = tpu.memref_slice %arg2[%squeeze3A_366, %dma_start3A_380] : memref<1000001x64xf32, #tpu.memory_space<hbm>> -> memref<1x64xf32, #tpu.memory_space<hbm>>
      %dma_start3A_382 = tpu.memref_squeeze %dma_start3A_381 : memref<1x64xf32, #tpu.memory_space<hbm>> -> memref<64xf32, #tpu.memory_space<hbm>>
      tpu.enqueue_dma source(%dma_start3A_382 : memref<64xf32, #tpu.memory_space<hbm>>) target(%dma_start3A_379 : memref<64xf32, #tpu.memory_space<vmem>>) target_semaphore(%arg17 : memref<!tpu.dma_semaphore, #tpu.memory_space<semaphore_mem>>)
      %slice3A_383 = vector.extract_strided_slice %get3A_43 {offsets = [9], sizes = [1], strides = [1]} : vector<16xi32> to vector<1xi32>
      %squeeze3A_384 = vector.extract %slice3A_383[0] : i32 from vector<1xi32>
      %mul3A_385 = arith.constant 16 : i32
      %mul3A_386 = arith.muli %scan3A_31, %mul3A_385 : i32
      %add3A_387 = arith.constant 9 : i32
      %add3A_388 = arith.addi %mul3A_386, %add3A_387 : i32
      %dma_start3A_389 = arith.constant 0 : i32
      %dma_start3A_390 = tpu.memref_slice %arg15[%add3A_388, %dma_start3A_389] : memref<256x64xf32, #tpu.memory_space<vmem>> -> memref<1x64xf32, #tpu.memory_space<vmem>>
      %dma_start3A_391 = tpu.memref_squeeze %dma_start3A_390 : memref<1x64xf32, #tpu.memory_space<vmem>> -> memref<64xf32, #tpu.memory_space<vmem>>
      %dma_start3A_392 = arith.constant 0 : i32
      %dma_start3A_393 = tpu.memref_slice %arg3[%squeeze3A_384, %dma_start3A_392] : memref<1000001x64xf32, #tpu.memory_space<hbm>> -> memref<1x64xf32, #tpu.memory_space<hbm>>
      %dma_start3A_394 = tpu.memref_squeeze %dma_start3A_393 : memref<1x64xf32, #tpu.memory_space<hbm>> -> memref<64xf32, #tpu.memory_space<hbm>>
      %dma_start3A_395 = arith.constant 0 : i32
      %dma_start3A_396 = tpu.memref_slice %arg15[%add3A_388, %dma_start3A_395] : memref<256x64xf32, #tpu.memory_space<vmem>> -> memref<1x64xf32, #tpu.memory_space<vmem>>
      %dma_start3A_397 = tpu.memref_squeeze %dma_start3A_396 : memref<1x64xf32, #tpu.memory_space<vmem>> -> memref<64xf32, #tpu.memory_space<vmem>>
      %dma_start3A_398 = arith.constant 0 : i32
      %dma_start3A_399 = tpu.memref_slice %arg3[%squeeze3A_384, %dma_start3A_398] : memref<1000001x64xf32, #tpu.memory_space<hbm>> -> memref<1x64xf32, #tpu.memory_space<hbm>>
      %dma_start3A_400 = tpu.memref_squeeze %dma_start3A_399 : memref<1x64xf32, #tpu.memory_space<hbm>> -> memref<64xf32, #tpu.memory_space<hbm>>
      tpu.enqueue_dma source(%dma_start3A_400 : memref<64xf32, #tpu.memory_space<hbm>>) target(%dma_start3A_397 : memref<64xf32, #tpu.memory_space<vmem>>) target_semaphore(%arg17 : memref<!tpu.dma_semaphore, #tpu.memory_space<semaphore_mem>>)
      %slice3A_401 = vector.extract_strided_slice %get3A_37 {offsets = [10], sizes = [1], strides = [1]} : vector<16xi32> to vector<1xi32>
      %squeeze3A_402 = vector.extract %slice3A_401[0] : i32 from vector<1xi32>
      %mul3A_403 = arith.constant 16 : i32
      %mul3A_404 = arith.muli %scan3A_31, %mul3A_403 : i32
      %add3A_405 = arith.constant 10 : i32
      %add3A_406 = arith.addi %mul3A_404, %add3A_405 : i32
      %dma_start3A_407 = arith.constant 0 : i32
      %dma_start3A_408 = tpu.memref_slice %arg14[%add3A_406, %dma_start3A_407] : memref<256x64xf32, #tpu.memory_space<vmem>> -> memref<1x64xf32, #tpu.memory_space<vmem>>
      %dma_start3A_409 = tpu.memref_squeeze %dma_start3A_408 : memref<1x64xf32, #tpu.memory_space<vmem>> -> memref<64xf32, #tpu.memory_space<vmem>>
      %dma_start3A_410 = arith.constant 0 : i32
      %dma_start3A_411 = tpu.memref_slice %arg2[%squeeze3A_402, %dma_start3A_410] : memref<1000001x64xf32, #tpu.memory_space<hbm>> -> memref<1x64xf32, #tpu.memory_space<hbm>>
      %dma_start3A_412 = tpu.memref_squeeze %dma_start3A_411 : memref<1x64xf32, #tpu.memory_space<hbm>> -> memref<64xf32, #tpu.memory_space<hbm>>
      %dma_start3A_413 = arith.constant 0 : i32
      %dma_start3A_414 = tpu.memref_slice %arg14[%add3A_406, %dma_start3A_413] : memref<256x64xf32, #tpu.memory_space<vmem>> -> memref<1x64xf32, #tpu.memory_space<vmem>>
      %dma_start3A_415 = tpu.memref_squeeze %dma_start3A_414 : memref<1x64xf32, #tpu.memory_space<vmem>> -> memref<64xf32, #tpu.memory_space<vmem>>
      %dma_start3A_416 = arith.constant 0 : i32
      %dma_start3A_417 = tpu.memref_slice %arg2[%squeeze3A_402, %dma_start3A_416] : memref<1000001x64xf32, #tpu.memory_space<hbm>> -> memref<1x64xf32, #tpu.memory_space<hbm>>
      %dma_start3A_418 = tpu.memref_squeeze %dma_start3A_417 : memref<1x64xf32, #tpu.memory_space<hbm>> -> memref<64xf32, #tpu.memory_space<hbm>>
      tpu.enqueue_dma source(%dma_start3A_418 : memref<64xf32, #tpu.memory_space<hbm>>) target(%dma_start3A_415 : memref<64xf32, #tpu.memory_space<vmem>>) target_semaphore(%arg17 : memref<!tpu.dma_semaphore, #tpu.memory_space<semaphore_mem>>)
      %slice3A_419 = vector.extract_strided_slice %get3A_43 {offsets = [10], sizes = [1], strides = [1]} : vector<16xi32> to vector<1xi32>
      %squeeze3A_420 = vector.extract %slice3A_419[0] : i32 from vector<1xi32>
      %mul3A_421 = arith.constant 16 : i32
      %mul3A_422 = arith.muli %scan3A_31, %mul3A_421 : i32
      %add3A_423 = arith.constant 10 : i32
      %add3A_424 = arith.addi %mul3A_422, %add3A_423 : i32
      %dma_start3A_425 = arith.constant 0 : i32
      %dma_start3A_426 = tpu.memref_slice %arg15[%add3A_424, %dma_start3A_425] : memref<256x64xf32, #tpu.memory_space<vmem>> -> memref<1x64xf32, #tpu.memory_space<vmem>>
      %dma_start3A_427 = tpu.memref_squeeze %dma_start3A_426 : memref<1x64xf32, #tpu.memory_space<vmem>> -> memref<64xf32, #tpu.memory_space<vmem>>
      %dma_start3A_428 = arith.constant 0 : i32
      %dma_start3A_429 = tpu.memref_slice %arg3[%squeeze3A_420, %dma_start3A_428] : memref<1000001x64xf32, #tpu.memory_space<hbm>> -> memref<1x64xf32, #tpu.memory_space<hbm>>
      %dma_start3A_430 = tpu.memref_squeeze %dma_start3A_429 : memref<1x64xf32, #tpu.memory_space<hbm>> -> memref<64xf32, #tpu.memory_space<hbm>>
      %dma_start3A_431 = arith.constant 0 : i32
      %dma_start3A_432 = tpu.memref_slice %arg15[%add3A_424, %dma_start3A_431] : memref<256x64xf32, #tpu.memory_space<vmem>> -> memref<1x64xf32, #tpu.memory_space<vmem>>
      %dma_start3A_433 = tpu.memref_squeeze %dma_start3A_432 : memref<1x64xf32, #tpu.memory_space<vmem>> -> memref<64xf32, #tpu.memory_space<vmem>>
      %dma_start3A_434 = arith.constant 0 : i32
      %dma_start3A_435 = tpu.memref_slice %arg3[%squeeze3A_420, %dma_start3A_434] : memref<1000001x64xf32, #tpu.memory_space<hbm>> -> memref<1x64xf32, #tpu.memory_space<hbm>>
      %dma_start3A_436 = tpu.memref_squeeze %dma_start3A_435 : memref<1x64xf32, #tpu.memory_space<hbm>> -> memref<64xf32, #tpu.memory_space<hbm>>
      tpu.enqueue_dma source(%dma_start3A_436 : memref<64xf32, #tpu.memory_space<hbm>>) target(%dma_start3A_433 : memref<64xf32, #tpu.memory_space<vmem>>) target_semaphore(%arg17 : memref<!tpu.dma_semaphore, #tpu.memory_space<semaphore_mem>>)
      %slice3A_437 = vector.extract_strided_slice %get3A_37 {offsets = [11], sizes = [1], strides = [1]} : vector<16xi32> to vector<1xi32>
      %squeeze3A_438 = vector.extract %slice3A_437[0] : i32 from vector<1xi32>
      %mul3A_439 = arith.constant 16 : i32
      %mul3A_440 = arith.muli %scan3A_31, %mul3A_439 : i32
      %add3A_441 = arith.constant 11 : i32
      %add3A_442 = arith.addi %mul3A_440, %add3A_441 : i32
      %dma_start3A_443 = arith.constant 0 : i32
      %dma_start3A_444 = tpu.memref_slice %arg14[%add3A_442, %dma_start3A_443] : memref<256x64xf32, #tpu.memory_space<vmem>> -> memref<1x64xf32, #tpu.memory_space<vmem>>
      %dma_start3A_445 = tpu.memref_squeeze %dma_start3A_444 : memref<1x64xf32, #tpu.memory_space<vmem>> -> memref<64xf32, #tpu.memory_space<vmem>>
      %dma_start3A_446 = arith.constant 0 : i32
      %dma_start3A_447 = tpu.memref_slice %arg2[%squeeze3A_438, %dma_start3A_446] : memref<1000001x64xf32, #tpu.memory_space<hbm>> -> memref<1x64xf32, #tpu.memory_space<hbm>>
      %dma_start3A_448 = tpu.memref_squeeze %dma_start3A_447 : memref<1x64xf32, #tpu.memory_space<hbm>> -> memref<64xf32, #tpu.memory_space<hbm>>
      %dma_start3A_449 = arith.constant 0 : i32
      %dma_start3A_450 = tpu.memref_slice %arg14[%add3A_442, %dma_start3A_449] : memref<256x64xf32, #tpu.memory_space<vmem>> -> memref<1x64xf32, #tpu.memory_space<vmem>>
      %dma_start3A_451 = tpu.memref_squeeze %dma_start3A_450 : memref<1x64xf32, #tpu.memory_space<vmem>> -> memref<64xf32, #tpu.memory_space<vmem>>
      %dma_start3A_452 = arith.constant 0 : i32
      %dma_start3A_453 = tpu.memref_slice %arg2[%squeeze3A_438, %dma_start3A_452] : memref<1000001x64xf32, #tpu.memory_space<hbm>> -> memref<1x64xf32, #tpu.memory_space<hbm>>
      %dma_start3A_454 = tpu.memref_squeeze %dma_start3A_453 : memref<1x64xf32, #tpu.memory_space<hbm>> -> memref<64xf32, #tpu.memory_space<hbm>>
      tpu.enqueue_dma source(%dma_start3A_454 : memref<64xf32, #tpu.memory_space<hbm>>) target(%dma_start3A_451 : memref<64xf32, #tpu.memory_space<vmem>>) target_semaphore(%arg17 : memref<!tpu.dma_semaphore, #tpu.memory_space<semaphore_mem>>)
      %slice3A_455 = vector.extract_strided_slice %get3A_43 {offsets = [11], sizes = [1], strides = [1]} : vector<16xi32> to vector<1xi32>
      %squeeze3A_456 = vector.extract %slice3A_455[0] : i32 from vector<1xi32>
      %mul3A_457 = arith.constant 16 : i32
      %mul3A_458 = arith.muli %scan3A_31, %mul3A_457 : i32
      %add3A_459 = arith.constant 11 : i32
      %add3A_460 = arith.addi %mul3A_458, %add3A_459 : i32
      %dma_start3A_461 = arith.constant 0 : i32
      %dma_start3A_462 = tpu.memref_slice %arg15[%add3A_460, %dma_start3A_461] : memref<256x64xf32, #tpu.memory_space<vmem>> -> memref<1x64xf32, #tpu.memory_space<vmem>>
      %dma_start3A_463 = tpu.memref_squeeze %dma_start3A_462 : memref<1x64xf32, #tpu.memory_space<vmem>> -> memref<64xf32, #tpu.memory_space<vmem>>
      %dma_start3A_464 = arith.constant 0 : i32
      %dma_start3A_465 = tpu.memref_slice %arg3[%squeeze3A_456, %dma_start3A_464] : memref<1000001x64xf32, #tpu.memory_space<hbm>> -> memref<1x64xf32, #tpu.memory_space<hbm>>
      %dma_start3A_466 = tpu.memref_squeeze %dma_start3A_465 : memref<1x64xf32, #tpu.memory_space<hbm>> -> memref<64xf32, #tpu.memory_space<hbm>>
      %dma_start3A_467 = arith.constant 0 : i32
      %dma_start3A_468 = tpu.memref_slice %arg15[%add3A_460, %dma_start3A_467] : memref<256x64xf32, #tpu.memory_space<vmem>> -> memref<1x64xf32, #tpu.memory_space<vmem>>
      %dma_start3A_469 = tpu.memref_squeeze %dma_start3A_468 : memref<1x64xf32, #tpu.memory_space<vmem>> -> memref<64xf32, #tpu.memory_space<vmem>>
      %dma_start3A_470 = arith.constant 0 : i32
      %dma_start3A_471 = tpu.memref_slice %arg3[%squeeze3A_456, %dma_start3A_470] : memref<1000001x64xf32, #tpu.memory_space<hbm>> -> memref<1x64xf32, #tpu.memory_space<hbm>>
      %dma_start3A_472 = tpu.memref_squeeze %dma_start3A_471 : memref<1x64xf32, #tpu.memory_space<hbm>> -> memref<64xf32, #tpu.memory_space<hbm>>
      tpu.enqueue_dma source(%dma_start3A_472 : memref<64xf32, #tpu.memory_space<hbm>>) target(%dma_start3A_469 : memref<64xf32, #tpu.memory_space<vmem>>) target_semaphore(%arg17 : memref<!tpu.dma_semaphore, #tpu.memory_space<semaphore_mem>>)
      %slice3A_473 = vector.extract_strided_slice %get3A_37 {offsets = [12], sizes = [1], strides = [1]} : vector<16xi32> to vector<1xi32>
      %squeeze3A_474 = vector.extract %slice3A_473[0] : i32 from vector<1xi32>
      %mul3A_475 = arith.constant 16 : i32
      %mul3A_476 = arith.muli %scan3A_31, %mul3A_475 : i32
      %add3A_477 = arith.constant 12 : i32
      %add3A_478 = arith.addi %mul3A_476, %add3A_477 : i32
      %dma_start3A_479 = arith.constant 0 : i32
      %dma_start3A_480 = tpu.memref_slice %arg14[%add3A_478, %dma_start3A_479] : memref<256x64xf32, #tpu.memory_space<vmem>> -> memref<1x64xf32, #tpu.memory_space<vmem>>
      %dma_start3A_481 = tpu.memref_squeeze %dma_start3A_480 : memref<1x64xf32, #tpu.memory_space<vmem>> -> memref<64xf32, #tpu.memory_space<vmem>>
      %dma_start3A_482 = arith.constant 0 : i32
      %dma_start3A_483 = tpu.memref_slice %arg2[%squeeze3A_474, %dma_start3A_482] : memref<1000001x64xf32, #tpu.memory_space<hbm>> -> memref<1x64xf32, #tpu.memory_space<hbm>>
      %dma_start3A_484 = tpu.memref_squeeze %dma_start3A_483 : memref<1x64xf32, #tpu.memory_space<hbm>> -> memref<64xf32, #tpu.memory_space<hbm>>
      %dma_start3A_485 = arith.constant 0 : i32
      %dma_start3A_486 = tpu.memref_slice %arg14[%add3A_478, %dma_start3A_485] : memref<256x64xf32, #tpu.memory_space<vmem>> -> memref<1x64xf32, #tpu.memory_space<vmem>>
      %dma_start3A_487 = tpu.memref_squeeze %dma_start3A_486 : memref<1x64xf32, #tpu.memory_space<vmem>> -> memref<64xf32, #tpu.memory_space<vmem>>
      %dma_start3A_488 = arith.constant 0 : i32
      %dma_start3A_489 = tpu.memref_slice %arg2[%squeeze3A_474, %dma_start3A_488] : memref<1000001x64xf32, #tpu.memory_space<hbm>> -> memref<1x64xf32, #tpu.memory_space<hbm>>
      %dma_start3A_490 = tpu.memref_squeeze %dma_start3A_489 : memref<1x64xf32, #tpu.memory_space<hbm>> -> memref<64xf32, #tpu.memory_space<hbm>>
      tpu.enqueue_dma source(%dma_start3A_490 : memref<64xf32, #tpu.memory_space<hbm>>) target(%dma_start3A_487 : memref<64xf32, #tpu.memory_space<vmem>>) target_semaphore(%arg17 : memref<!tpu.dma_semaphore, #tpu.memory_space<semaphore_mem>>)
      %slice3A_491 = vector.extract_strided_slice %get3A_43 {offsets = [12], sizes = [1], strides = [1]} : vector<16xi32> to vector<1xi32>
      %squeeze3A_492 = vector.extract %slice3A_491[0] : i32 from vector<1xi32>
      %mul3A_493 = arith.constant 16 : i32
      %mul3A_494 = arith.muli %scan3A_31, %mul3A_493 : i32
      %add3A_495 = arith.constant 12 : i32
      %add3A_496 = arith.addi %mul3A_494, %add3A_495 : i32
      %dma_start3A_497 = arith.constant 0 : i32
      %dma_start3A_498 = tpu.memref_slice %arg15[%add3A_496, %dma_start3A_497] : memref<256x64xf32, #tpu.memory_space<vmem>> -> memref<1x64xf32, #tpu.memory_space<vmem>>
      %dma_start3A_499 = tpu.memref_squeeze %dma_start3A_498 : memref<1x64xf32, #tpu.memory_space<vmem>> -> memref<64xf32, #tpu.memory_space<vmem>>
      %dma_start3A_500 = arith.constant 0 : i32
      %dma_start3A_501 = tpu.memref_slice %arg3[%squeeze3A_492, %dma_start3A_500] : memref<1000001x64xf32, #tpu.memory_space<hbm>> -> memref<1x64xf32, #tpu.memory_space<hbm>>
      %dma_start3A_502 = tpu.memref_squeeze %dma_start3A_501 : memref<1x64xf32, #tpu.memory_space<hbm>> -> memref<64xf32, #tpu.memory_space<hbm>>
      %dma_start3A_503 = arith.constant 0 : i32
      %dma_start3A_504 = tpu.memref_slice %arg15[%add3A_496, %dma_start3A_503] : memref<256x64xf32, #tpu.memory_space<vmem>> -> memref<1x64xf32, #tpu.memory_space<vmem>>
      %dma_start3A_505 = tpu.memref_squeeze %dma_start3A_504 : memref<1x64xf32, #tpu.memory_space<vmem>> -> memref<64xf32, #tpu.memory_space<vmem>>
      %dma_start3A_506 = arith.constant 0 : i32
      %dma_start3A_507 = tpu.memref_slice %arg3[%squeeze3A_492, %dma_start3A_506] : memref<1000001x64xf32, #tpu.memory_space<hbm>> -> memref<1x64xf32, #tpu.memory_space<hbm>>
      %dma_start3A_508 = tpu.memref_squeeze %dma_start3A_507 : memref<1x64xf32, #tpu.memory_space<hbm>> -> memref<64xf32, #tpu.memory_space<hbm>>
      tpu.enqueue_dma source(%dma_start3A_508 : memref<64xf32, #tpu.memory_space<hbm>>) target(%dma_start3A_505 : memref<64xf32, #tpu.memory_space<vmem>>) target_semaphore(%arg17 : memref<!tpu.dma_semaphore, #tpu.memory_space<semaphore_mem>>)
      %slice3A_509 = vector.extract_strided_slice %get3A_37 {offsets = [13], sizes = [1], strides = [1]} : vector<16xi32> to vector<1xi32>
      %squeeze3A_510 = vector.extract %slice3A_509[0] : i32 from vector<1xi32>
      %mul3A_511 = arith.constant 16 : i32
      %mul3A_512 = arith.muli %scan3A_31, %mul3A_511 : i32
      %add3A_513 = arith.constant 13 : i32
      %add3A_514 = arith.addi %mul3A_512, %add3A_513 : i32
      %dma_start3A_515 = arith.constant 0 : i32
      %dma_start3A_516 = tpu.memref_slice %arg14[%add3A_514, %dma_start3A_515] : memref<256x64xf32, #tpu.memory_space<vmem>> -> memref<1x64xf32, #tpu.memory_space<vmem>>
      %dma_start3A_517 = tpu.memref_squeeze %dma_start3A_516 : memref<1x64xf32, #tpu.memory_space<vmem>> -> memref<64xf32, #tpu.memory_space<vmem>>
      %dma_start3A_518 = arith.constant 0 : i32
      %dma_start3A_519 = tpu.memref_slice %arg2[%squeeze3A_510, %dma_start3A_518] : memref<1000001x64xf32, #tpu.memory_space<hbm>> -> memref<1x64xf32, #tpu.memory_space<hbm>>
      %dma_start3A_520 = tpu.memref_squeeze %dma_start3A_519 : memref<1x64xf32, #tpu.memory_space<hbm>> -> memref<64xf32, #tpu.memory_space<hbm>>
      %dma_start3A_521 = arith.constant 0 : i32
      %dma_start3A_522 = tpu.memref_slice %arg14[%add3A_514, %dma_start3A_521] : memref<256x64xf32, #tpu.memory_space<vmem>> -> memref<1x64xf32, #tpu.memory_space<vmem>>
      %dma_start3A_523 = tpu.memref_squeeze %dma_start3A_522 : memref<1x64xf32, #tpu.memory_space<vmem>> -> memref<64xf32, #tpu.memory_space<vmem>>
      %dma_start3A_524 = arith.constant 0 : i32
      %dma_start3A_525 = tpu.memref_slice %arg2[%squeeze3A_510, %dma_start3A_524] : memref<1000001x64xf32, #tpu.memory_space<hbm>> -> memref<1x64xf32, #tpu.memory_space<hbm>>
      %dma_start3A_526 = tpu.memref_squeeze %dma_start3A_525 : memref<1x64xf32, #tpu.memory_space<hbm>> -> memref<64xf32, #tpu.memory_space<hbm>>
      tpu.enqueue_dma source(%dma_start3A_526 : memref<64xf32, #tpu.memory_space<hbm>>) target(%dma_start3A_523 : memref<64xf32, #tpu.memory_space<vmem>>) target_semaphore(%arg17 : memref<!tpu.dma_semaphore, #tpu.memory_space<semaphore_mem>>)
      %slice3A_527 = vector.extract_strided_slice %get3A_43 {offsets = [13], sizes = [1], strides = [1]} : vector<16xi32> to vector<1xi32>
      %squeeze3A_528 = vector.extract %slice3A_527[0] : i32 from vector<1xi32>
      %mul3A_529 = arith.constant 16 : i32
      %mul3A_530 = arith.muli %scan3A_31, %mul3A_529 : i32
      %add3A_531 = arith.constant 13 : i32
      %add3A_532 = arith.addi %mul3A_530, %add3A_531 : i32
      %dma_start3A_533 = arith.constant 0 : i32
      %dma_start3A_534 = tpu.memref_slice %arg15[%add3A_532, %dma_start3A_533] : memref<256x64xf32, #tpu.memory_space<vmem>> -> memref<1x64xf32, #tpu.memory_space<vmem>>
      %dma_start3A_535 = tpu.memref_squeeze %dma_start3A_534 : memref<1x64xf32, #tpu.memory_space<vmem>> -> memref<64xf32, #tpu.memory_space<vmem>>
      %dma_start3A_536 = arith.constant 0 : i32
      %dma_start3A_537 = tpu.memref_slice %arg3[%squeeze3A_528, %dma_start3A_536] : memref<1000001x64xf32, #tpu.memory_space<hbm>> -> memref<1x64xf32, #tpu.memory_space<hbm>>
      %dma_start3A_538 = tpu.memref_squeeze %dma_start3A_537 : memref<1x64xf32, #tpu.memory_space<hbm>> -> memref<64xf32, #tpu.memory_space<hbm>>
      %dma_start3A_539 = arith.constant 0 : i32
      %dma_start3A_540 = tpu.memref_slice %arg15[%add3A_532, %dma_start3A_539] : memref<256x64xf32, #tpu.memory_space<vmem>> -> memref<1x64xf32, #tpu.memory_space<vmem>>
      %dma_start3A_541 = tpu.memref_squeeze %dma_start3A_540 : memref<1x64xf32, #tpu.memory_space<vmem>> -> memref<64xf32, #tpu.memory_space<vmem>>
      %dma_start3A_542 = arith.constant 0 : i32
      %dma_start3A_543 = tpu.memref_slice %arg3[%squeeze3A_528, %dma_start3A_542] : memref<1000001x64xf32, #tpu.memory_space<hbm>> -> memref<1x64xf32, #tpu.memory_space<hbm>>
      %dma_start3A_544 = tpu.memref_squeeze %dma_start3A_543 : memref<1x64xf32, #tpu.memory_space<hbm>> -> memref<64xf32, #tpu.memory_space<hbm>>
      tpu.enqueue_dma source(%dma_start3A_544 : memref<64xf32, #tpu.memory_space<hbm>>) target(%dma_start3A_541 : memref<64xf32, #tpu.memory_space<vmem>>) target_semaphore(%arg17 : memref<!tpu.dma_semaphore, #tpu.memory_space<semaphore_mem>>)
      %slice3A_545 = vector.extract_strided_slice %get3A_37 {offsets = [14], sizes = [1], strides = [1]} : vector<16xi32> to vector<1xi32>
      %squeeze3A_546 = vector.extract %slice3A_545[0] : i32 from vector<1xi32>
      %mul3A_547 = arith.constant 16 : i32
      %mul3A_548 = arith.muli %scan3A_31, %mul3A_547 : i32
      %add3A_549 = arith.constant 14 : i32
      %add3A_550 = arith.addi %mul3A_548, %add3A_549 : i32
      %dma_start3A_551 = arith.constant 0 : i32
      %dma_start3A_552 = tpu.memref_slice %arg14[%add3A_550, %dma_start3A_551] : memref<256x64xf32, #tpu.memory_space<vmem>> -> memref<1x64xf32, #tpu.memory_space<vmem>>
      %dma_start3A_553 = tpu.memref_squeeze %dma_start3A_552 : memref<1x64xf32, #tpu.memory_space<vmem>> -> memref<64xf32, #tpu.memory_space<vmem>>
      %dma_start3A_554 = arith.constant 0 : i32
      %dma_start3A_555 = tpu.memref_slice %arg2[%squeeze3A_546, %dma_start3A_554] : memref<1000001x64xf32, #tpu.memory_space<hbm>> -> memref<1x64xf32, #tpu.memory_space<hbm>>
      %dma_start3A_556 = tpu.memref_squeeze %dma_start3A_555 : memref<1x64xf32, #tpu.memory_space<hbm>> -> memref<64xf32, #tpu.memory_space<hbm>>
      %dma_start3A_557 = arith.constant 0 : i32
      %dma_start3A_558 = tpu.memref_slice %arg14[%add3A_550, %dma_start3A_557] : memref<256x64xf32, #tpu.memory_space<vmem>> -> memref<1x64xf32, #tpu.memory_space<vmem>>
      %dma_start3A_559 = tpu.memref_squeeze %dma_start3A_558 : memref<1x64xf32, #tpu.memory_space<vmem>> -> memref<64xf32, #tpu.memory_space<vmem>>
      %dma_start3A_560 = arith.constant 0 : i32
      %dma_start3A_561 = tpu.memref_slice %arg2[%squeeze3A_546, %dma_start3A_560] : memref<1000001x64xf32, #tpu.memory_space<hbm>> -> memref<1x64xf32, #tpu.memory_space<hbm>>
      %dma_start3A_562 = tpu.memref_squeeze %dma_start3A_561 : memref<1x64xf32, #tpu.memory_space<hbm>> -> memref<64xf32, #tpu.memory_space<hbm>>
      tpu.enqueue_dma source(%dma_start3A_562 : memref<64xf32, #tpu.memory_space<hbm>>) target(%dma_start3A_559 : memref<64xf32, #tpu.memory_space<vmem>>) target_semaphore(%arg17 : memref<!tpu.dma_semaphore, #tpu.memory_space<semaphore_mem>>)
      %slice3A_563 = vector.extract_strided_slice %get3A_43 {offsets = [14], sizes = [1], strides = [1]} : vector<16xi32> to vector<1xi32>
      %squeeze3A_564 = vector.extract %slice3A_563[0] : i32 from vector<1xi32>
      %mul3A_565 = arith.constant 16 : i32
      %mul3A_566 = arith.muli %scan3A_31, %mul3A_565 : i32
      %add3A_567 = arith.constant 14 : i32
      %add3A_568 = arith.addi %mul3A_566, %add3A_567 : i32
      %dma_start3A_569 = arith.constant 0 : i32
      %dma_start3A_570 = tpu.memref_slice %arg15[%add3A_568, %dma_start3A_569] : memref<256x64xf32, #tpu.memory_space<vmem>> -> memref<1x64xf32, #tpu.memory_space<vmem>>
      %dma_start3A_571 = tpu.memref_squeeze %dma_start3A_570 : memref<1x64xf32, #tpu.memory_space<vmem>> -> memref<64xf32, #tpu.memory_space<vmem>>
      %dma_start3A_572 = arith.constant 0 : i32
      %dma_start3A_573 = tpu.memref_slice %arg3[%squeeze3A_564, %dma_start3A_572] : memref<1000001x64xf32, #tpu.memory_space<hbm>> -> memref<1x64xf32, #tpu.memory_space<hbm>>
      %dma_start3A_574 = tpu.memref_squeeze %dma_start3A_573 : memref<1x64xf32, #tpu.memory_space<hbm>> -> memref<64xf32, #tpu.memory_space<hbm>>
      %dma_start3A_575 = arith.constant 0 : i32
      %dma_start3A_576 = tpu.memref_slice %arg15[%add3A_568, %dma_start3A_575] : memref<256x64xf32, #tpu.memory_space<vmem>> -> memref<1x64xf32, #tpu.memory_space<vmem>>
      %dma_start3A_577 = tpu.memref_squeeze %dma_start3A_576 : memref<1x64xf32, #tpu.memory_space<vmem>> -> memref<64xf32, #tpu.memory_space<vmem>>
      %dma_start3A_578 = arith.constant 0 : i32
      %dma_start3A_579 = tpu.memref_slice %arg3[%squeeze3A_564, %dma_start3A_578] : memref<1000001x64xf32, #tpu.memory_space<hbm>> -> memref<1x64xf32, #tpu.memory_space<hbm>>
      %dma_start3A_580 = tpu.memref_squeeze %dma_start3A_579 : memref<1x64xf32, #tpu.memory_space<hbm>> -> memref<64xf32, #tpu.memory_space<hbm>>
      tpu.enqueue_dma source(%dma_start3A_580 : memref<64xf32, #tpu.memory_space<hbm>>) target(%dma_start3A_577 : memref<64xf32, #tpu.memory_space<vmem>>) target_semaphore(%arg17 : memref<!tpu.dma_semaphore, #tpu.memory_space<semaphore_mem>>)
      %slice3A_581 = vector.extract_strided_slice %get3A_37 {offsets = [15], sizes = [1], strides = [1]} : vector<16xi32> to vector<1xi32>
      %squeeze3A_582 = vector.extract %slice3A_581[0] : i32 from vector<1xi32>
      %mul3A_583 = arith.constant 16 : i32
      %mul3A_584 = arith.muli %scan3A_31, %mul3A_583 : i32
      %add3A_585 = arith.constant 15 : i32
      %add3A_586 = arith.addi %mul3A_584, %add3A_585 : i32
      %dma_start3A_587 = arith.constant 0 : i32
      %dma_start3A_588 = tpu.memref_slice %arg14[%add3A_586, %dma_start3A_587] : memref<256x64xf32, #tpu.memory_space<vmem>> -> memref<1x64xf32, #tpu.memory_space<vmem>>
      %dma_start3A_589 = tpu.memref_squeeze %dma_start3A_588 : memref<1x64xf32, #tpu.memory_space<vmem>> -> memref<64xf32, #tpu.memory_space<vmem>>
      %dma_start3A_590 = arith.constant 0 : i32
      %dma_start3A_591 = tpu.memref_slice %arg2[%squeeze3A_582, %dma_start3A_590] : memref<1000001x64xf32, #tpu.memory_space<hbm>> -> memref<1x64xf32, #tpu.memory_space<hbm>>
      %dma_start3A_592 = tpu.memref_squeeze %dma_start3A_591 : memref<1x64xf32, #tpu.memory_space<hbm>> -> memref<64xf32, #tpu.memory_space<hbm>>
      %dma_start3A_593 = arith.constant 0 : i32
      %dma_start3A_594 = tpu.memref_slice %arg14[%add3A_586, %dma_start3A_593] : memref<256x64xf32, #tpu.memory_space<vmem>> -> memref<1x64xf32, #tpu.memory_space<vmem>>
      %dma_start3A_595 = tpu.memref_squeeze %dma_start3A_594 : memref<1x64xf32, #tpu.memory_space<vmem>> -> memref<64xf32, #tpu.memory_space<vmem>>
      %dma_start3A_596 = arith.constant 0 : i32
      %dma_start3A_597 = tpu.memref_slice %arg2[%squeeze3A_582, %dma_start3A_596] : memref<1000001x64xf32, #tpu.memory_space<hbm>> -> memref<1x64xf32, #tpu.memory_space<hbm>>
      %dma_start3A_598 = tpu.memref_squeeze %dma_start3A_597 : memref<1x64xf32, #tpu.memory_space<hbm>> -> memref<64xf32, #tpu.memory_space<hbm>>
      tpu.enqueue_dma source(%dma_start3A_598 : memref<64xf32, #tpu.memory_space<hbm>>) target(%dma_start3A_595 : memref<64xf32, #tpu.memory_space<vmem>>) target_semaphore(%arg17 : memref<!tpu.dma_semaphore, #tpu.memory_space<semaphore_mem>>)
      %slice3A_599 = vector.extract_strided_slice %get3A_43 {offsets = [15], sizes = [1], strides = [1]} : vector<16xi32> to vector<1xi32>
      %squeeze3A_600 = vector.extract %slice3A_599[0] : i32 from vector<1xi32>
      %mul3A_601 = arith.constant 16 : i32
      %mul3A_602 = arith.muli %scan3A_31, %mul3A_601 : i32
      %add3A_603 = arith.constant 15 : i32
      %add3A_604 = arith.addi %mul3A_602, %add3A_603 : i32
      %dma_start3A_605 = arith.constant 0 : i32
      %dma_start3A_606 = tpu.memref_slice %arg15[%add3A_604, %dma_start3A_605] : memref<256x64xf32, #tpu.memory_space<vmem>> -> memref<1x64xf32, #tpu.memory_space<vmem>>
      %dma_start3A_607 = tpu.memref_squeeze %dma_start3A_606 : memref<1x64xf32, #tpu.memory_space<vmem>> -> memref<64xf32, #tpu.memory_space<vmem>>
      %dma_start3A_608 = arith.constant 0 : i32
      %dma_start3A_609 = tpu.memref_slice %arg3[%squeeze3A_600, %dma_start3A_608] : memref<1000001x64xf32, #tpu.memory_space<hbm>> -> memref<1x64xf32, #tpu.memory_space<hbm>>
      %dma_start3A_610 = tpu.memref_squeeze %dma_start3A_609 : memref<1x64xf32, #tpu.memory_space<hbm>> -> memref<64xf32, #tpu.memory_space<hbm>>
      %dma_start3A_611 = arith.constant 0 : i32
      %dma_start3A_612 = tpu.memref_slice %arg15[%add3A_604, %dma_start3A_611] : memref<256x64xf32, #tpu.memory_space<vmem>> -> memref<1x64xf32, #tpu.memory_space<vmem>>
      %dma_start3A_613 = tpu.memref_squeeze %dma_start3A_612 : memref<1x64xf32, #tpu.memory_space<vmem>> -> memref<64xf32, #tpu.memory_space<vmem>>
      %dma_start3A_614 = arith.constant 0 : i32
      %dma_start3A_615 = tpu.memref_slice %arg3[%squeeze3A_600, %dma_start3A_614] : memref<1000001x64xf32, #tpu.memory_space<hbm>> -> memref<1x64xf32, #tpu.memory_space<hbm>>
      %dma_start3A_616 = tpu.memref_squeeze %dma_start3A_615 : memref<1x64xf32, #tpu.memory_space<hbm>> -> memref<64xf32, #tpu.memory_space<hbm>>
      tpu.enqueue_dma source(%dma_start3A_616 : memref<64xf32, #tpu.memory_space<hbm>>) target(%dma_start3A_613 : memref<64xf32, #tpu.memory_space<vmem>>) target_semaphore(%arg17 : memref<!tpu.dma_semaphore, #tpu.memory_space<semaphore_mem>>)
    }
    %scan3A_10 = arith.constant 16 : i32
    tpu.wait_dma2 semaphore(%arg17 : memref<!tpu.dma_semaphore, #tpu.memory_space<semaphore_mem>>) src(%arg8 : memref<256x64xf32, #tpu.memory_space<hbm>>) dst(%arg14 : memref<256x64xf32, #tpu.memory_space<vmem>>)
    tpu.wait_dma2 semaphore(%arg17 : memref<!tpu.dma_semaphore, #tpu.memory_space<semaphore_mem>>) src(%arg8 : memref<256x64xf32, #tpu.memory_space<hbm>>) dst(%arg15 : memref<256x64xf32, #tpu.memory_space<vmem>>)
    %scan3A_11 = arith.constant 0 : i32
    %scan3A_12 = arith.constant 0 : i32
    %scan3A_13 = arith.constant 16 : i32
    %scan3A_14 = arith.addi %scan3A_12, %scan3A_13 : i32
    %scan3A_15 = arith.constant 1 : i32
    scf.for %scan3A_31 = %scan3A_12 to %scan3A_14 step %scan3A_15  : i32 {
      %mul3A_32 = arith.constant 16 : i32
      %mul3A_33 = arith.muli %scan3A_31, %mul3A_32 : i32
      %add3A_34 = vector.broadcast %mul3A_33 : i32 to vector<16xi32>
      %add3A_35 = arith.addi %add3A_34, %iota3A : vector<16xi32>
      %broadcast_in_dim3A = arith.constant 0.000000e+00 : f32
      %broadcast_in_dim3A_36 = vector.broadcast %broadcast_in_dim3A : f32 to vector<16xf32>
      %broadcast_in_dim3A_37 = arith.constant 0.000000e+00 : f32
      %broadcast_in_dim3A_38 = vector.broadcast %broadcast_in_dim3A_37 : f32 to vector<16xf32>
      %broadcast_in_dim3A_39 = arith.constant 0.000000e+00 : f32
      %broadcast_in_dim3A_40 = vector.broadcast %broadcast_in_dim3A_39 : f32 to vector<16xf32>
      %broadcast_in_dim3A_41 = arith.constant 0 : i32
      %broadcast_in_dim3A_42 = vector.broadcast %broadcast_in_dim3A_41 : i32 to vector<16xi32>
      %gather3A = tpu.vector_load_idx %arg14[%add3A_35, %broadcast_in_dim3A_42] : memref<256x64xf32, #tpu.memory_space<vmem>>[vector<16xi32>, vector<16xi32>], vector<16xf32>,
      %gather3A_43 = tpu.vector_load_idx %arg15[%add3A_35, %broadcast_in_dim3A_42] : memref<256x64xf32, #tpu.memory_space<vmem>>[vector<16xi32>, vector<16xi32>], vector<16xf32>,
      %get3A_44 = arith.constant 0 : i32
      %get3A_45 = arith.index_cast %get3A_44 : i32 to index
      %get3A_46 = arith.constant 0 : index
      %get3A_47 = tpu.vector_load %arg12[%get3A_45, %get3A_46] {strides = array<i32>} : memref<64x16xf32, #tpu.memory_space<vmem>>, vector<16xf32>,
      %mul3A_48 = arith.mulf %gather3A, %gather3A : vector<16xf32>
      %add3A_49 = arith.addf %broadcast_in_dim3A_36, %mul3A_48 : vector<16xf32>
      %mul3A_50 = arith.mulf %gather3A_43, %gather3A_43 : vector<16xf32>
      %add3A_51 = arith.addf %broadcast_in_dim3A_38, %mul3A_50 : vector<16xf32>
      %mul3A_52 = arith.mulf %gather3A, %gather3A_43 : vector<16xf32>
      %mul3A_53 = arith.mulf %mul3A_52, %get3A_47 : vector<16xf32>
      %add3A_54 = arith.addf %broadcast_in_dim3A_40, %mul3A_53 : vector<16xf32>
      %broadcast_in_dim3A_55 = arith.constant 1 : i32
      %broadcast_in_dim3A_56 = vector.broadcast %broadcast_in_dim3A_55 : i32 to vector<16xi32>
      %gather3A_57 = tpu.vector_load_idx %arg14[%add3A_35, %broadcast_in_dim3A_56] : memref<256x64xf32, #tpu.memory_space<vmem>>[vector<16xi32>, vector<16xi32>], vector<16xf32>,
      %gather3A_58 = tpu.vector_load_idx %arg15[%add3A_35, %broadcast_in_dim3A_56] : memref<256x64xf32, #tpu.memory_space<vmem>>[vector<16xi32>, vector<16xi32>], vector<16xf32>,
      %get3A_59 = arith.constant 1 : i32
      %get3A_60 = arith.index_cast %get3A_59 : i32 to index
      %get3A_61 = arith.constant 0 : index
      %get3A_62 = tpu.vector_load %arg12[%get3A_60, %get3A_61] {strides = array<i32>} : memref<64x16xf32, #tpu.memory_space<vmem>>, vector<16xf32>,
      %mul3A_63 = arith.mulf %gather3A_57, %gather3A_57 : vector<16xf32>
      %add3A_64 = arith.addf %add3A_49, %mul3A_63 : vector<16xf32>
      %mul3A_65 = arith.mulf %gather3A_58, %gather3A_58 : vector<16xf32>
      %add3A_66 = arith.addf %add3A_51, %mul3A_65 : vector<16xf32>
      %mul3A_67 = arith.mulf %gather3A_57, %gather3A_58 : vector<16xf32>
      %mul3A_68 = arith.mulf %mul3A_67, %get3A_62 : vector<16xf32>
      %add3A_69 = arith.addf %add3A_54, %mul3A_68 : vector<16xf32>
      %broadcast_in_dim3A_70 = arith.constant 2 : i32
      %broadcast_in_dim3A_71 = vector.broadcast %broadcast_in_dim3A_70 : i32 to vector<16xi32>
      %gather3A_72 = tpu.vector_load_idx %arg14[%add3A_35, %broadcast_in_dim3A_71] : memref<256x64xf32, #tpu.memory_space<vmem>>[vector<16xi32>, vector<16xi32>], vector<16xf32>,
      %gather3A_73 = tpu.vector_load_idx %arg15[%add3A_35, %broadcast_in_dim3A_71] : memref<256x64xf32, #tpu.memory_space<vmem>>[vector<16xi32>, vector<16xi32>], vector<16xf32>,
      %get3A_74 = arith.constant 2 : i32
      %get3A_75 = arith.index_cast %get3A_74 : i32 to index
      %get3A_76 = arith.constant 0 : index
      %get3A_77 = tpu.vector_load %arg12[%get3A_75, %get3A_76] {strides = array<i32>} : memref<64x16xf32, #tpu.memory_space<vmem>>, vector<16xf32>,
      %mul3A_78 = arith.mulf %gather3A_72, %gather3A_72 : vector<16xf32>
      %add3A_79 = arith.addf %add3A_64, %mul3A_78 : vector<16xf32>
      %mul3A_80 = arith.mulf %gather3A_73, %gather3A_73 : vector<16xf32>
      %add3A_81 = arith.addf %add3A_66, %mul3A_80 : vector<16xf32>
      %mul3A_82 = arith.mulf %gather3A_72, %gather3A_73 : vector<16xf32>
      %mul3A_83 = arith.mulf %mul3A_82, %get3A_77 : vector<16xf32>
      %add3A_84 = arith.addf %add3A_69, %mul3A_83 : vector<16xf32>
      %broadcast_in_dim3A_85 = arith.constant 3 : i32
      %broadcast_in_dim3A_86 = vector.broadcast %broadcast_in_dim3A_85 : i32 to vector<16xi32>
      %gather3A_87 = tpu.vector_load_idx %arg14[%add3A_35, %broadcast_in_dim3A_86] : memref<256x64xf32, #tpu.memory_space<vmem>>[vector<16xi32>, vector<16xi32>], vector<16xf32>,
      %gather3A_88 = tpu.vector_load_idx %arg15[%add3A_35, %broadcast_in_dim3A_86] : memref<256x64xf32, #tpu.memory_space<vmem>>[vector<16xi32>, vector<16xi32>], vector<16xf32>,
      %get3A_89 = arith.constant 3 : i32
      %get3A_90 = arith.index_cast %get3A_89 : i32 to index
      %get3A_91 = arith.constant 0 : index
      %get3A_92 = tpu.vector_load %arg12[%get3A_90, %get3A_91] {strides = array<i32>} : memref<64x16xf32, #tpu.memory_space<vmem>>, vector<16xf32>,
      %mul3A_93 = arith.mulf %gather3A_87, %gather3A_87 : vector<16xf32>
      %add3A_94 = arith.addf %add3A_79, %mul3A_93 : vector<16xf32>
      %mul3A_95 = arith.mulf %gather3A_88, %gather3A_88 : vector<16xf32>
      %add3A_96 = arith.addf %add3A_81, %mul3A_95 : vector<16xf32>
      %mul3A_97 = arith.mulf %gather3A_87, %gather3A_88 : vector<16xf32>
      %mul3A_98 = arith.mulf %mul3A_97, %get3A_92 : vector<16xf32>
      %add3A_99 = arith.addf %add3A_84, %mul3A_98 : vector<16xf32>
      %broadcast_in_dim3A_100 = arith.constant 4 : i32
      %broadcast_in_dim3A_101 = vector.broadcast %broadcast_in_dim3A_100 : i32 to vector<16xi32>
      %gather3A_102 = tpu.vector_load_idx %arg14[%add3A_35, %broadcast_in_dim3A_101] : memref<256x64xf32, #tpu.memory_space<vmem>>[vector<16xi32>, vector<16xi32>], vector<16xf32>,
      %gather3A_103 = tpu.vector_load_idx %arg15[%add3A_35, %broadcast_in_dim3A_101] : memref<256x64xf32, #tpu.memory_space<vmem>>[vector<16xi32>, vector<16xi32>], vector<16xf32>,
      %get3A_104 = arith.constant 4 : i32
      %get3A_105 = arith.index_cast %get3A_104 : i32 to index
      %get3A_106 = arith.constant 0 : index
      %get3A_107 = tpu.vector_load %arg12[%get3A_105, %get3A_106] {strides = array<i32>} : memref<64x16xf32, #tpu.memory_space<vmem>>, vector<16xf32>,
      %mul3A_108 = arith.mulf %gather3A_102, %gather3A_102 : vector<16xf32>
      %add3A_109 = arith.addf %add3A_94, %mul3A_108 : vector<16xf32>
      %mul3A_110 = arith.mulf %gather3A_103, %gather3A_103 : vector<16xf32>
      %add3A_111 = arith.addf %add3A_96, %mul3A_110 : vector<16xf32>
      %mul3A_112 = arith.mulf %gather3A_102, %gather3A_103 : vector<16xf32>
      %mul3A_113 = arith.mulf %mul3A_112, %get3A_107 : vector<16xf32>
      %add3A_114 = arith.addf %add3A_99, %mul3A_113 : vector<16xf32>
      %broadcast_in_dim3A_115 = arith.constant 5 : i32
      %broadcast_in_dim3A_116 = vector.broadcast %broadcast_in_dim3A_115 : i32 to vector<16xi32>
      %gather3A_117 = tpu.vector_load_idx %arg14[%add3A_35, %broadcast_in_dim3A_116] : memref<256x64xf32, #tpu.memory_space<vmem>>[vector<16xi32>, vector<16xi32>], vector<16xf32>,
      %gather3A_118 = tpu.vector_load_idx %arg15[%add3A_35, %broadcast_in_dim3A_116] : memref<256x64xf32, #tpu.memory_space<vmem>>[vector<16xi32>, vector<16xi32>], vector<16xf32>,
      %get3A_119 = arith.constant 5 : i32
      %get3A_120 = arith.index_cast %get3A_119 : i32 to index
      %get3A_121 = arith.constant 0 : index
      %get3A_122 = tpu.vector_load %arg12[%get3A_120, %get3A_121] {strides = array<i32>} : memref<64x16xf32, #tpu.memory_space<vmem>>, vector<16xf32>,
      %mul3A_123 = arith.mulf %gather3A_117, %gather3A_117 : vector<16xf32>
      %add3A_124 = arith.addf %add3A_109, %mul3A_123 : vector<16xf32>
      %mul3A_125 = arith.mulf %gather3A_118, %gather3A_118 : vector<16xf32>
      %add3A_126 = arith.addf %add3A_111, %mul3A_125 : vector<16xf32>
      %mul3A_127 = arith.mulf %gather3A_117, %gather3A_118 : vector<16xf32>
      %mul3A_128 = arith.mulf %mul3A_127, %get3A_122 : vector<16xf32>
      %add3A_129 = arith.addf %add3A_114, %mul3A_128 : vector<16xf32>
      %broadcast_in_dim3A_130 = arith.constant 6 : i32
      %broadcast_in_dim3A_131 = vector.broadcast %broadcast_in_dim3A_130 : i32 to vector<16xi32>
      %gather3A_132 = tpu.vector_load_idx %arg14[%add3A_35, %broadcast_in_dim3A_131] : memref<256x64xf32, #tpu.memory_space<vmem>>[vector<16xi32>, vector<16xi32>], vector<16xf32>,
      %gather3A_133 = tpu.vector_load_idx %arg15[%add3A_35, %broadcast_in_dim3A_131] : memref<256x64xf32, #tpu.memory_space<vmem>>[vector<16xi32>, vector<16xi32>], vector<16xf32>,
      %get3A_134 = arith.constant 6 : i32
      %get3A_135 = arith.index_cast %get3A_134 : i32 to index
      %get3A_136 = arith.constant 0 : index
      %get3A_137 = tpu.vector_load %arg12[%get3A_135, %get3A_136] {strides = array<i32>} : memref<64x16xf32, #tpu.memory_space<vmem>>, vector<16xf32>,
      %mul3A_138 = arith.mulf %gather3A_132, %gather3A_132 : vector<16xf32>
      %add3A_139 = arith.addf %add3A_124, %mul3A_138 : vector<16xf32>
      %mul3A_140 = arith.mulf %gather3A_133, %gather3A_133 : vector<16xf32>
      %add3A_141 = arith.addf %add3A_126, %mul3A_140 : vector<16xf32>
      %mul3A_142 = arith.mulf %gather3A_132, %gather3A_133 : vector<16xf32>
      %mul3A_143 = arith.mulf %mul3A_142, %get3A_137 : vector<16xf32>
      %add3A_144 = arith.addf %add3A_129, %mul3A_143 : vector<16xf32>
      %broadcast_in_dim3A_145 = arith.constant 7 : i32
      %broadcast_in_dim3A_146 = vector.broadcast %broadcast_in_dim3A_145 : i32 to vector<16xi32>
      %gather3A_147 = tpu.vector_load_idx %arg14[%add3A_35, %broadcast_in_dim3A_146] : memref<256x64xf32, #tpu.memory_space<vmem>>[vector<16xi32>, vector<16xi32>], vector<16xf32>,
      %gather3A_148 = tpu.vector_load_idx %arg15[%add3A_35, %broadcast_in_dim3A_146] : memref<256x64xf32, #tpu.memory_space<vmem>>[vector<16xi32>, vector<16xi32>], vector<16xf32>,
      %get3A_149 = arith.constant 7 : i32
      %get3A_150 = arith.index_cast %get3A_149 : i32 to index
      %get3A_151 = arith.constant 0 : index
      %get3A_152 = tpu.vector_load %arg12[%get3A_150, %get3A_151] {strides = array<i32>} : memref<64x16xf32, #tpu.memory_space<vmem>>, vector<16xf32>,
      %mul3A_153 = arith.mulf %gather3A_147, %gather3A_147 : vector<16xf32>
      %add3A_154 = arith.addf %add3A_139, %mul3A_153 : vector<16xf32>
      %mul3A_155 = arith.mulf %gather3A_148, %gather3A_148 : vector<16xf32>
      %add3A_156 = arith.addf %add3A_141, %mul3A_155 : vector<16xf32>
      %mul3A_157 = arith.mulf %gather3A_147, %gather3A_148 : vector<16xf32>
      %mul3A_158 = arith.mulf %mul3A_157, %get3A_152 : vector<16xf32>
      %add3A_159 = arith.addf %add3A_144, %mul3A_158 : vector<16xf32>
      %broadcast_in_dim3A_160 = arith.constant 8 : i32
      %broadcast_in_dim3A_161 = vector.broadcast %broadcast_in_dim3A_160 : i32 to vector<16xi32>
      %gather3A_162 = tpu.vector_load_idx %arg14[%add3A_35, %broadcast_in_dim3A_161] : memref<256x64xf32, #tpu.memory_space<vmem>>[vector<16xi32>, vector<16xi32>], vector<16xf32>,
      %gather3A_163 = tpu.vector_load_idx %arg15[%add3A_35, %broadcast_in_dim3A_161] : memref<256x64xf32, #tpu.memory_space<vmem>>[vector<16xi32>, vector<16xi32>], vector<16xf32>,
      %get3A_164 = arith.constant 8 : i32
      %get3A_165 = arith.index_cast %get3A_164 : i32 to index
      %get3A_166 = arith.constant 0 : index
      %get3A_167 = tpu.vector_load %arg12[%get3A_165, %get3A_166] {strides = array<i32>} : memref<64x16xf32, #tpu.memory_space<vmem>>, vector<16xf32>,
      %mul3A_168 = arith.mulf %gather3A_162, %gather3A_162 : vector<16xf32>
      %add3A_169 = arith.addf %add3A_154, %mul3A_168 : vector<16xf32>
      %mul3A_170 = arith.mulf %gather3A_163, %gather3A_163 : vector<16xf32>
      %add3A_171 = arith.addf %add3A_156, %mul3A_170 : vector<16xf32>
      %mul3A_172 = arith.mulf %gather3A_162, %gather3A_163 : vector<16xf32>
      %mul3A_173 = arith.mulf %mul3A_172, %get3A_167 : vector<16xf32>
      %add3A_174 = arith.addf %add3A_159, %mul3A_173 : vector<16xf32>
      %broadcast_in_dim3A_175 = arith.constant 9 : i32
      %broadcast_in_dim3A_176 = vector.broadcast %broadcast_in_dim3A_175 : i32 to vector<16xi32>
      %gather3A_177 = tpu.vector_load_idx %arg14[%add3A_35, %broadcast_in_dim3A_176] : memref<256x64xf32, #tpu.memory_space<vmem>>[vector<16xi32>, vector<16xi32>], vector<16xf32>,
      %gather3A_178 = tpu.vector_load_idx %arg15[%add3A_35, %broadcast_in_dim3A_176] : memref<256x64xf32, #tpu.memory_space<vmem>>[vector<16xi32>, vector<16xi32>], vector<16xf32>,
      %get3A_179 = arith.constant 9 : i32
      %get3A_180 = arith.index_cast %get3A_179 : i32 to index
      %get3A_181 = arith.constant 0 : index
      %get3A_182 = tpu.vector_load %arg12[%get3A_180, %get3A_181] {strides = array<i32>} : memref<64x16xf32, #tpu.memory_space<vmem>>, vector<16xf32>,
      %mul3A_183 = arith.mulf %gather3A_177, %gather3A_177 : vector<16xf32>
      %add3A_184 = arith.addf %add3A_169, %mul3A_183 : vector<16xf32>
      %mul3A_185 = arith.mulf %gather3A_178, %gather3A_178 : vector<16xf32>
      %add3A_186 = arith.addf %add3A_171, %mul3A_185 : vector<16xf32>
      %mul3A_187 = arith.mulf %gather3A_177, %gather3A_178 : vector<16xf32>
      %mul3A_188 = arith.mulf %mul3A_187, %get3A_182 : vector<16xf32>
      %add3A_189 = arith.addf %add3A_174, %mul3A_188 : vector<16xf32>
      %broadcast_in_dim3A_190 = arith.constant 10 : i32
      %broadcast_in_dim3A_191 = vector.broadcast %broadcast_in_dim3A_190 : i32 to vector<16xi32>
      %gather3A_192 = tpu.vector_load_idx %arg14[%add3A_35, %broadcast_in_dim3A_191] : memref<256x64xf32, #tpu.memory_space<vmem>>[vector<16xi32>, vector<16xi32>], vector<16xf32>,
      %gather3A_193 = tpu.vector_load_idx %arg15[%add3A_35, %broadcast_in_dim3A_191] : memref<256x64xf32, #tpu.memory_space<vmem>>[vector<16xi32>, vector<16xi32>], vector<16xf32>,
      %get3A_194 = arith.constant 10 : i32
      %get3A_195 = arith.index_cast %get3A_194 : i32 to index
      %get3A_196 = arith.constant 0 : index
      %get3A_197 = tpu.vector_load %arg12[%get3A_195, %get3A_196] {strides = array<i32>} : memref<64x16xf32, #tpu.memory_space<vmem>>, vector<16xf32>,
      %mul3A_198 = arith.mulf %gather3A_192, %gather3A_192 : vector<16xf32>
      %add3A_199 = arith.addf %add3A_184, %mul3A_198 : vector<16xf32>
      %mul3A_200 = arith.mulf %gather3A_193, %gather3A_193 : vector<16xf32>
      %add3A_201 = arith.addf %add3A_186, %mul3A_200 : vector<16xf32>
      %mul3A_202 = arith.mulf %gather3A_192, %gather3A_193 : vector<16xf32>
      %mul3A_203 = arith.mulf %mul3A_202, %get3A_197 : vector<16xf32>
      %add3A_204 = arith.addf %add3A_189, %mul3A_203 : vector<16xf32>
      %broadcast_in_dim3A_205 = arith.constant 11 : i32
      %broadcast_in_dim3A_206 = vector.broadcast %broadcast_in_dim3A_205 : i32 to vector<16xi32>
      %gather3A_207 = tpu.vector_load_idx %arg14[%add3A_35, %broadcast_in_dim3A_206] : memref<256x64xf32, #tpu.memory_space<vmem>>[vector<16xi32>, vector<16xi32>], vector<16xf32>,
      %gather3A_208 = tpu.vector_load_idx %arg15[%add3A_35, %broadcast_in_dim3A_206] : memref<256x64xf32, #tpu.memory_space<vmem>>[vector<16xi32>, vector<16xi32>], vector<16xf32>,
      %get3A_209 = arith.constant 11 : i32
      %get3A_210 = arith.index_cast %get3A_209 : i32 to index
      %get3A_211 = arith.constant 0 : index
      %get3A_212 = tpu.vector_load %arg12[%get3A_210, %get3A_211] {strides = array<i32>} : memref<64x16xf32, #tpu.memory_space<vmem>>, vector<16xf32>,
      %mul3A_213 = arith.mulf %gather3A_207, %gather3A_207 : vector<16xf32>
      %add3A_214 = arith.addf %add3A_199, %mul3A_213 : vector<16xf32>
      %mul3A_215 = arith.mulf %gather3A_208, %gather3A_208 : vector<16xf32>
      %add3A_216 = arith.addf %add3A_201, %mul3A_215 : vector<16xf32>
      %mul3A_217 = arith.mulf %gather3A_207, %gather3A_208 : vector<16xf32>
      %mul3A_218 = arith.mulf %mul3A_217, %get3A_212 : vector<16xf32>
      %add3A_219 = arith.addf %add3A_204, %mul3A_218 : vector<16xf32>
      %broadcast_in_dim3A_220 = arith.constant 12 : i32
      %broadcast_in_dim3A_221 = vector.broadcast %broadcast_in_dim3A_220 : i32 to vector<16xi32>
      %gather3A_222 = tpu.vector_load_idx %arg14[%add3A_35, %broadcast_in_dim3A_221] : memref<256x64xf32, #tpu.memory_space<vmem>>[vector<16xi32>, vector<16xi32>], vector<16xf32>,
      %gather3A_223 = tpu.vector_load_idx %arg15[%add3A_35, %broadcast_in_dim3A_221] : memref<256x64xf32, #tpu.memory_space<vmem>>[vector<16xi32>, vector<16xi32>], vector<16xf32>,
      %get3A_224 = arith.constant 12 : i32
      %get3A_225 = arith.index_cast %get3A_224 : i32 to index
      %get3A_226 = arith.constant 0 : index
      %get3A_227 = tpu.vector_load %arg12[%get3A_225, %get3A_226] {strides = array<i32>} : memref<64x16xf32, #tpu.memory_space<vmem>>, vector<16xf32>,
      %mul3A_228 = arith.mulf %gather3A_222, %gather3A_222 : vector<16xf32>
      %add3A_229 = arith.addf %add3A_214, %mul3A_228 : vector<16xf32>
      %mul3A_230 = arith.mulf %gather3A_223, %gather3A_223 : vector<16xf32>
      %add3A_231 = arith.addf %add3A_216, %mul3A_230 : vector<16xf32>
      %mul3A_232 = arith.mulf %gather3A_222, %gather3A_223 : vector<16xf32>
      %mul3A_233 = arith.mulf %mul3A_232, %get3A_227 : vector<16xf32>
      %add3A_234 = arith.addf %add3A_219, %mul3A_233 : vector<16xf32>
      %broadcast_in_dim3A_235 = arith.constant 13 : i32
      %broadcast_in_dim3A_236 = vector.broadcast %broadcast_in_dim3A_235 : i32 to vector<16xi32>
      %gather3A_237 = tpu.vector_load_idx %arg14[%add3A_35, %broadcast_in_dim3A_236] : memref<256x64xf32, #tpu.memory_space<vmem>>[vector<16xi32>, vector<16xi32>], vector<16xf32>,
      %gather3A_238 = tpu.vector_load_idx %arg15[%add3A_35, %broadcast_in_dim3A_236] : memref<256x64xf32, #tpu.memory_space<vmem>>[vector<16xi32>, vector<16xi32>], vector<16xf32>,
      %get3A_239 = arith.constant 13 : i32
      %get3A_240 = arith.index_cast %get3A_239 : i32 to index
      %get3A_241 = arith.constant 0 : index
      %get3A_242 = tpu.vector_load %arg12[%get3A_240, %get3A_241] {strides = array<i32>} : memref<64x16xf32, #tpu.memory_space<vmem>>, vector<16xf32>,
      %mul3A_243 = arith.mulf %gather3A_237, %gather3A_237 : vector<16xf32>
      %add3A_244 = arith.addf %add3A_229, %mul3A_243 : vector<16xf32>
      %mul3A_245 = arith.mulf %gather3A_238, %gather3A_238 : vector<16xf32>
      %add3A_246 = arith.addf %add3A_231, %mul3A_245 : vector<16xf32>
      %mul3A_247 = arith.mulf %gather3A_237, %gather3A_238 : vector<16xf32>
      %mul3A_248 = arith.mulf %mul3A_247, %get3A_242 : vector<16xf32>
      %add3A_249 = arith.addf %add3A_234, %mul3A_248 : vector<16xf32>
      %broadcast_in_dim3A_250 = arith.constant 14 : i32
      %broadcast_in_dim3A_251 = vector.broadcast %broadcast_in_dim3A_250 : i32 to vector<16xi32>
      %gather3A_252 = tpu.vector_load_idx %arg14[%add3A_35, %broadcast_in_dim3A_251] : memref<256x64xf32, #tpu.memory_space<vmem>>[vector<16xi32>, vector<16xi32>], vector<16xf32>,
      %gather3A_253 = tpu.vector_load_idx %arg15[%add3A_35, %broadcast_in_dim3A_251] : memref<256x64xf32, #tpu.memory_space<vmem>>[vector<16xi32>, vector<16xi32>], vector<16xf32>,
      %get3A_254 = arith.constant 14 : i32
      %get3A_255 = arith.index_cast %get3A_254 : i32 to index
      %get3A_256 = arith.constant 0 : index
      %get3A_257 = tpu.vector_load %arg12[%get3A_255, %get3A_256] {strides = array<i32>} : memref<64x16xf32, #tpu.memory_space<vmem>>, vector<16xf32>,
      %mul3A_258 = arith.mulf %gather3A_252, %gather3A_252 : vector<16xf32>
      %add3A_259 = arith.addf %add3A_244, %mul3A_258 : vector<16xf32>
      %mul3A_260 = arith.mulf %gather3A_253, %gather3A_253 : vector<16xf32>
      %add3A_261 = arith.addf %add3A_246, %mul3A_260 : vector<16xf32>
      %mul3A_262 = arith.mulf %gather3A_252, %gather3A_253 : vector<16xf32>
      %mul3A_263 = arith.mulf %mul3A_262, %get3A_257 : vector<16xf32>
      %add3A_264 = arith.addf %add3A_249, %mul3A_263 : vector<16xf32>
      %broadcast_in_dim3A_265 = arith.constant 15 : i32
      %broadcast_in_dim3A_266 = vector.broadcast %broadcast_in_dim3A_265 : i32 to vector<16xi32>
      %gather3A_267 = tpu.vector_load_idx %arg14[%add3A_35, %broadcast_in_dim3A_266] : memref<256x64xf32, #tpu.memory_space<vmem>>[vector<16xi32>, vector<16xi32>], vector<16xf32>,
      %gather3A_268 = tpu.vector_load_idx %arg15[%add3A_35, %broadcast_in_dim3A_266] : memref<256x64xf32, #tpu.memory_space<vmem>>[vector<16xi32>, vector<16xi32>], vector<16xf32>,
      %get3A_269 = arith.constant 15 : i32
      %get3A_270 = arith.index_cast %get3A_269 : i32 to index
      %get3A_271 = arith.constant 0 : index
      %get3A_272 = tpu.vector_load %arg12[%get3A_270, %get3A_271] {strides = array<i32>} : memref<64x16xf32, #tpu.memory_space<vmem>>, vector<16xf32>,
      %mul3A_273 = arith.mulf %gather3A_267, %gather3A_267 : vector<16xf32>
      %add3A_274 = arith.addf %add3A_259, %mul3A_273 : vector<16xf32>
      %mul3A_275 = arith.mulf %gather3A_268, %gather3A_268 : vector<16xf32>
      %add3A_276 = arith.addf %add3A_261, %mul3A_275 : vector<16xf32>
      %mul3A_277 = arith.mulf %gather3A_267, %gather3A_268 : vector<16xf32>
      %mul3A_278 = arith.mulf %mul3A_277, %get3A_272 : vector<16xf32>
      %add3A_279 = arith.addf %add3A_264, %mul3A_278 : vector<16xf32>
      %broadcast_in_dim3A_280 = arith.constant 16 : i32
      %broadcast_in_dim3A_281 = vector.broadcast %broadcast_in_dim3A_280 : i32 to vector<16xi32>
      %gather3A_282 = tpu.vector_load_idx %arg14[%add3A_35, %broadcast_in_dim3A_281] : memref<256x64xf32, #tpu.memory_space<vmem>>[vector<16xi32>, vector<16xi32>], vector<16xf32>,
      %gather3A_283 = tpu.vector_load_idx %arg15[%add3A_35, %broadcast_in_dim3A_281] : memref<256x64xf32, #tpu.memory_space<vmem>>[vector<16xi32>, vector<16xi32>], vector<16xf32>,
      %get3A_284 = arith.constant 16 : i32
      %get3A_285 = arith.index_cast %get3A_284 : i32 to index
      %get3A_286 = arith.constant 0 : index
      %get3A_287 = tpu.vector_load %arg12[%get3A_285, %get3A_286] {strides = array<i32>} : memref<64x16xf32, #tpu.memory_space<vmem>>, vector<16xf32>,
      %mul3A_288 = arith.mulf %gather3A_282, %gather3A_282 : vector<16xf32>
      %add3A_289 = arith.addf %add3A_274, %mul3A_288 : vector<16xf32>
      %mul3A_290 = arith.mulf %gather3A_283, %gather3A_283 : vector<16xf32>
      %add3A_291 = arith.addf %add3A_276, %mul3A_290 : vector<16xf32>
      %mul3A_292 = arith.mulf %gather3A_282, %gather3A_283 : vector<16xf32>
      %mul3A_293 = arith.mulf %mul3A_292, %get3A_287 : vector<16xf32>
      %add3A_294 = arith.addf %add3A_279, %mul3A_293 : vector<16xf32>
      %broadcast_in_dim3A_295 = arith.constant 17 : i32
      %broadcast_in_dim3A_296 = vector.broadcast %broadcast_in_dim3A_295 : i32 to vector<16xi32>
      %gather3A_297 = tpu.vector_load_idx %arg14[%add3A_35, %broadcast_in_dim3A_296] : memref<256x64xf32, #tpu.memory_space<vmem>>[vector<16xi32>, vector<16xi32>], vector<16xf32>,
      %gather3A_298 = tpu.vector_load_idx %arg15[%add3A_35, %broadcast_in_dim3A_296] : memref<256x64xf32, #tpu.memory_space<vmem>>[vector<16xi32>, vector<16xi32>], vector<16xf32>,
      %get3A_299 = arith.constant 17 : i32
      %get3A_300 = arith.index_cast %get3A_299 : i32 to index
      %get3A_301 = arith.constant 0 : index
      %get3A_302 = tpu.vector_load %arg12[%get3A_300, %get3A_301] {strides = array<i32>} : memref<64x16xf32, #tpu.memory_space<vmem>>, vector<16xf32>,
      %mul3A_303 = arith.mulf %gather3A_297, %gather3A_297 : vector<16xf32>
      %add3A_304 = arith.addf %add3A_289, %mul3A_303 : vector<16xf32>
      %mul3A_305 = arith.mulf %gather3A_298, %gather3A_298 : vector<16xf32>
      %add3A_306 = arith.addf %add3A_291, %mul3A_305 : vector<16xf32>
      %mul3A_307 = arith.mulf %gather3A_297, %gather3A_298 : vector<16xf32>
      %mul3A_308 = arith.mulf %mul3A_307, %get3A_302 : vector<16xf32>
      %add3A_309 = arith.addf %add3A_294, %mul3A_308 : vector<16xf32>
      %broadcast_in_dim3A_310 = arith.constant 18 : i32
      %broadcast_in_dim3A_311 = vector.broadcast %broadcast_in_dim3A_310 : i32 to vector<16xi32>
      %gather3A_312 = tpu.vector_load_idx %arg14[%add3A_35, %broadcast_in_dim3A_311] : memref<256x64xf32, #tpu.memory_space<vmem>>[vector<16xi32>, vector<16xi32>], vector<16xf32>,
      %gather3A_313 = tpu.vector_load_idx %arg15[%add3A_35, %broadcast_in_dim3A_311] : memref<256x64xf32, #tpu.memory_space<vmem>>[vector<16xi32>, vector<16xi32>], vector<16xf32>,
      %get3A_314 = arith.constant 18 : i32
      %get3A_315 = arith.index_cast %get3A_314 : i32 to index
      %get3A_316 = arith.constant 0 : index
      %get3A_317 = tpu.vector_load %arg12[%get3A_315, %get3A_316] {strides = array<i32>} : memref<64x16xf32, #tpu.memory_space<vmem>>, vector<16xf32>,
      %mul3A_318 = arith.mulf %gather3A_312, %gather3A_312 : vector<16xf32>
      %add3A_319 = arith.addf %add3A_304, %mul3A_318 : vector<16xf32>
      %mul3A_320 = arith.mulf %gather3A_313, %gather3A_313 : vector<16xf32>
      %add3A_321 = arith.addf %add3A_306, %mul3A_320 : vector<16xf32>
      %mul3A_322 = arith.mulf %gather3A_312, %gather3A_313 : vector<16xf32>
      %mul3A_323 = arith.mulf %mul3A_322, %get3A_317 : vector<16xf32>
      %add3A_324 = arith.addf %add3A_309, %mul3A_323 : vector<16xf32>
      %broadcast_in_dim3A_325 = arith.constant 19 : i32
      %broadcast_in_dim3A_326 = vector.broadcast %broadcast_in_dim3A_325 : i32 to vector<16xi32>
      %gather3A_327 = tpu.vector_load_idx %arg14[%add3A_35, %broadcast_in_dim3A_326] : memref<256x64xf32, #tpu.memory_space<vmem>>[vector<16xi32>, vector<16xi32>], vector<16xf32>,
      %gather3A_328 = tpu.vector_load_idx %arg15[%add3A_35, %broadcast_in_dim3A_326] : memref<256x64xf32, #tpu.memory_space<vmem>>[vector<16xi32>, vector<16xi32>], vector<16xf32>,
      %get3A_329 = arith.constant 19 : i32
      %get3A_330 = arith.index_cast %get3A_329 : i32 to index
      %get3A_331 = arith.constant 0 : index
      %get3A_332 = tpu.vector_load %arg12[%get3A_330, %get3A_331] {strides = array<i32>} : memref<64x16xf32, #tpu.memory_space<vmem>>, vector<16xf32>,
      %mul3A_333 = arith.mulf %gather3A_327, %gather3A_327 : vector<16xf32>
      %add3A_334 = arith.addf %add3A_319, %mul3A_333 : vector<16xf32>
      %mul3A_335 = arith.mulf %gather3A_328, %gather3A_328 : vector<16xf32>
      %add3A_336 = arith.addf %add3A_321, %mul3A_335 : vector<16xf32>
      %mul3A_337 = arith.mulf %gather3A_327, %gather3A_328 : vector<16xf32>
      %mul3A_338 = arith.mulf %mul3A_337, %get3A_332 : vector<16xf32>
      %add3A_339 = arith.addf %add3A_324, %mul3A_338 : vector<16xf32>
      %broadcast_in_dim3A_340 = arith.constant 20 : i32
      %broadcast_in_dim3A_341 = vector.broadcast %broadcast_in_dim3A_340 : i32 to vector<16xi32>
      %gather3A_342 = tpu.vector_load_idx %arg14[%add3A_35, %broadcast_in_dim3A_341] : memref<256x64xf32, #tpu.memory_space<vmem>>[vector<16xi32>, vector<16xi32>], vector<16xf32>,
      %gather3A_343 = tpu.vector_load_idx %arg15[%add3A_35, %broadcast_in_dim3A_341] : memref<256x64xf32, #tpu.memory_space<vmem>>[vector<16xi32>, vector<16xi32>], vector<16xf32>,
      %get3A_344 = arith.constant 20 : i32
      %get3A_345 = arith.index_cast %get3A_344 : i32 to index
      %get3A_346 = arith.constant 0 : index
      %get3A_347 = tpu.vector_load %arg12[%get3A_345, %get3A_346] {strides = array<i32>} : memref<64x16xf32, #tpu.memory_space<vmem>>, vector<16xf32>,
      %mul3A_348 = arith.mulf %gather3A_342, %gather3A_342 : vector<16xf32>
      %add3A_349 = arith.addf %add3A_334, %mul3A_348 : vector<16xf32>
      %mul3A_350 = arith.mulf %gather3A_343, %gather3A_343 : vector<16xf32>
      %add3A_351 = arith.addf %add3A_336, %mul3A_350 : vector<16xf32>
      %mul3A_352 = arith.mulf %gather3A_342, %gather3A_343 : vector<16xf32>
      %mul3A_353 = arith.mulf %mul3A_352, %get3A_347 : vector<16xf32>
      %add3A_354 = arith.addf %add3A_339, %mul3A_353 : vector<16xf32>
      %broadcast_in_dim3A_355 = arith.constant 21 : i32
      %broadcast_in_dim3A_356 = vector.broadcast %broadcast_in_dim3A_355 : i32 to vector<16xi32>
      %gather3A_357 = tpu.vector_load_idx %arg14[%add3A_35, %broadcast_in_dim3A_356] : memref<256x64xf32, #tpu.memory_space<vmem>>[vector<16xi32>, vector<16xi32>], vector<16xf32>,
      %gather3A_358 = tpu.vector_load_idx %arg15[%add3A_35, %broadcast_in_dim3A_356] : memref<256x64xf32, #tpu.memory_space<vmem>>[vector<16xi32>, vector<16xi32>], vector<16xf32>,
      %get3A_359 = arith.constant 21 : i32
      %get3A_360 = arith.index_cast %get3A_359 : i32 to index
      %get3A_361 = arith.constant 0 : index
      %get3A_362 = tpu.vector_load %arg12[%get3A_360, %get3A_361] {strides = array<i32>} : memref<64x16xf32, #tpu.memory_space<vmem>>, vector<16xf32>,
      %mul3A_363 = arith.mulf %gather3A_357, %gather3A_357 : vector<16xf32>
      %add3A_364 = arith.addf %add3A_349, %mul3A_363 : vector<16xf32>
      %mul3A_365 = arith.mulf %gather3A_358, %gather3A_358 : vector<16xf32>
      %add3A_366 = arith.addf %add3A_351, %mul3A_365 : vector<16xf32>
      %mul3A_367 = arith.mulf %gather3A_357, %gather3A_358 : vector<16xf32>
      %mul3A_368 = arith.mulf %mul3A_367, %get3A_362 : vector<16xf32>
      %add3A_369 = arith.addf %add3A_354, %mul3A_368 : vector<16xf32>
      %broadcast_in_dim3A_370 = arith.constant 22 : i32
      %broadcast_in_dim3A_371 = vector.broadcast %broadcast_in_dim3A_370 : i32 to vector<16xi32>
      %gather3A_372 = tpu.vector_load_idx %arg14[%add3A_35, %broadcast_in_dim3A_371] : memref<256x64xf32, #tpu.memory_space<vmem>>[vector<16xi32>, vector<16xi32>], vector<16xf32>,
      %gather3A_373 = tpu.vector_load_idx %arg15[%add3A_35, %broadcast_in_dim3A_371] : memref<256x64xf32, #tpu.memory_space<vmem>>[vector<16xi32>, vector<16xi32>], vector<16xf32>,
      %get3A_374 = arith.constant 22 : i32
      %get3A_375 = arith.index_cast %get3A_374 : i32 to index
      %get3A_376 = arith.constant 0 : index
      %get3A_377 = tpu.vector_load %arg12[%get3A_375, %get3A_376] {strides = array<i32>} : memref<64x16xf32, #tpu.memory_space<vmem>>, vector<16xf32>,
      %mul3A_378 = arith.mulf %gather3A_372, %gather3A_372 : vector<16xf32>
      %add3A_379 = arith.addf %add3A_364, %mul3A_378 : vector<16xf32>
      %mul3A_380 = arith.mulf %gather3A_373, %gather3A_373 : vector<16xf32>
      %add3A_381 = arith.addf %add3A_366, %mul3A_380 : vector<16xf32>
      %mul3A_382 = arith.mulf %gather3A_372, %gather3A_373 : vector<16xf32>
      %mul3A_383 = arith.mulf %mul3A_382, %get3A_377 : vector<16xf32>
      %add3A_384 = arith.addf %add3A_369, %mul3A_383 : vector<16xf32>
      %broadcast_in_dim3A_385 = arith.constant 23 : i32
      %broadcast_in_dim3A_386 = vector.broadcast %broadcast_in_dim3A_385 : i32 to vector<16xi32>
      %gather3A_387 = tpu.vector_load_idx %arg14[%add3A_35, %broadcast_in_dim3A_386] : memref<256x64xf32, #tpu.memory_space<vmem>>[vector<16xi32>, vector<16xi32>], vector<16xf32>,
      %gather3A_388 = tpu.vector_load_idx %arg15[%add3A_35, %broadcast_in_dim3A_386] : memref<256x64xf32, #tpu.memory_space<vmem>>[vector<16xi32>, vector<16xi32>], vector<16xf32>,
      %get3A_389 = arith.constant 23 : i32
      %get3A_390 = arith.index_cast %get3A_389 : i32 to index
      %get3A_391 = arith.constant 0 : index
      %get3A_392 = tpu.vector_load %arg12[%get3A_390, %get3A_391] {strides = array<i32>} : memref<64x16xf32, #tpu.memory_space<vmem>>, vector<16xf32>,
      %mul3A_393 = arith.mulf %gather3A_387, %gather3A_387 : vector<16xf32>
      %add3A_394 = arith.addf %add3A_379, %mul3A_393 : vector<16xf32>
      %mul3A_395 = arith.mulf %gather3A_388, %gather3A_388 : vector<16xf32>
      %add3A_396 = arith.addf %add3A_381, %mul3A_395 : vector<16xf32>
      %mul3A_397 = arith.mulf %gather3A_387, %gather3A_388 : vector<16xf32>
      %mul3A_398 = arith.mulf %mul3A_397, %get3A_392 : vector<16xf32>
      %add3A_399 = arith.addf %add3A_384, %mul3A_398 : vector<16xf32>
      %broadcast_in_dim3A_400 = arith.constant 24 : i32
      %broadcast_in_dim3A_401 = vector.broadcast %broadcast_in_dim3A_400 : i32 to vector<16xi32>
      %gather3A_402 = tpu.vector_load_idx %arg14[%add3A_35, %broadcast_in_dim3A_401] : memref<256x64xf32, #tpu.memory_space<vmem>>[vector<16xi32>, vector<16xi32>], vector<16xf32>,
      %gather3A_403 = tpu.vector_load_idx %arg15[%add3A_35, %broadcast_in_dim3A_401] : memref<256x64xf32, #tpu.memory_space<vmem>>[vector<16xi32>, vector<16xi32>], vector<16xf32>,
      %get3A_404 = arith.constant 24 : i32
      %get3A_405 = arith.index_cast %get3A_404 : i32 to index
      %get3A_406 = arith.constant 0 : index
      %get3A_407 = tpu.vector_load %arg12[%get3A_405, %get3A_406] {strides = array<i32>} : memref<64x16xf32, #tpu.memory_space<vmem>>, vector<16xf32>,
      %mul3A_408 = arith.mulf %gather3A_402, %gather3A_402 : vector<16xf32>
      %add3A_409 = arith.addf %add3A_394, %mul3A_408 : vector<16xf32>
      %mul3A_410 = arith.mulf %gather3A_403, %gather3A_403 : vector<16xf32>
      %add3A_411 = arith.addf %add3A_396, %mul3A_410 : vector<16xf32>
      %mul3A_412 = arith.mulf %gather3A_402, %gather3A_403 : vector<16xf32>
      %mul3A_413 = arith.mulf %mul3A_412, %get3A_407 : vector<16xf32>
      %add3A_414 = arith.addf %add3A_399, %mul3A_413 : vector<16xf32>
      %broadcast_in_dim3A_415 = arith.constant 25 : i32
      %broadcast_in_dim3A_416 = vector.broadcast %broadcast_in_dim3A_415 : i32 to vector<16xi32>
      %gather3A_417 = tpu.vector_load_idx %arg14[%add3A_35, %broadcast_in_dim3A_416] : memref<256x64xf32, #tpu.memory_space<vmem>>[vector<16xi32>, vector<16xi32>], vector<16xf32>,
      %gather3A_418 = tpu.vector_load_idx %arg15[%add3A_35, %broadcast_in_dim3A_416] : memref<256x64xf32, #tpu.memory_space<vmem>>[vector<16xi32>, vector<16xi32>], vector<16xf32>,
      %get3A_419 = arith.constant 25 : i32
      %get3A_420 = arith.index_cast %get3A_419 : i32 to index
      %get3A_421 = arith.constant 0 : index
      %get3A_422 = tpu.vector_load %arg12[%get3A_420, %get3A_421] {strides = array<i32>} : memref<64x16xf32, #tpu.memory_space<vmem>>, vector<16xf32>,
      %mul3A_423 = arith.mulf %gather3A_417, %gather3A_417 : vector<16xf32>
      %add3A_424 = arith.addf %add3A_409, %mul3A_423 : vector<16xf32>
      %mul3A_425 = arith.mulf %gather3A_418, %gather3A_418 : vector<16xf32>
      %add3A_426 = arith.addf %add3A_411, %mul3A_425 : vector<16xf32>
      %mul3A_427 = arith.mulf %gather3A_417, %gather3A_418 : vector<16xf32>
      %mul3A_428 = arith.mulf %mul3A_427, %get3A_422 : vector<16xf32>
      %add3A_429 = arith.addf %add3A_414, %mul3A_428 : vector<16xf32>
      %broadcast_in_dim3A_430 = arith.constant 26 : i32
      %broadcast_in_dim3A_431 = vector.broadcast %broadcast_in_dim3A_430 : i32 to vector<16xi32>
      %gather3A_432 = tpu.vector_load_idx %arg14[%add3A_35, %broadcast_in_dim3A_431] : memref<256x64xf32, #tpu.memory_space<vmem>>[vector<16xi32>, vector<16xi32>], vector<16xf32>,
      %gather3A_433 = tpu.vector_load_idx %arg15[%add3A_35, %broadcast_in_dim3A_431] : memref<256x64xf32, #tpu.memory_space<vmem>>[vector<16xi32>, vector<16xi32>], vector<16xf32>,
      %get3A_434 = arith.constant 26 : i32
      %get3A_435 = arith.index_cast %get3A_434 : i32 to index
      %get3A_436 = arith.constant 0 : index
      %get3A_437 = tpu.vector_load %arg12[%get3A_435, %get3A_436] {strides = array<i32>} : memref<64x16xf32, #tpu.memory_space<vmem>>, vector<16xf32>,
      %mul3A_438 = arith.mulf %gather3A_432, %gather3A_432 : vector<16xf32>
      %add3A_439 = arith.addf %add3A_424, %mul3A_438 : vector<16xf32>
      %mul3A_440 = arith.mulf %gather3A_433, %gather3A_433 : vector<16xf32>
      %add3A_441 = arith.addf %add3A_426, %mul3A_440 : vector<16xf32>
      %mul3A_442 = arith.mulf %gather3A_432, %gather3A_433 : vector<16xf32>
      %mul3A_443 = arith.mulf %mul3A_442, %get3A_437 : vector<16xf32>
      %add3A_444 = arith.addf %add3A_429, %mul3A_443 : vector<16xf32>
      %broadcast_in_dim3A_445 = arith.constant 27 : i32
      %broadcast_in_dim3A_446 = vector.broadcast %broadcast_in_dim3A_445 : i32 to vector<16xi32>
      %gather3A_447 = tpu.vector_load_idx %arg14[%add3A_35, %broadcast_in_dim3A_446] : memref<256x64xf32, #tpu.memory_space<vmem>>[vector<16xi32>, vector<16xi32>], vector<16xf32>,
      %gather3A_448 = tpu.vector_load_idx %arg15[%add3A_35, %broadcast_in_dim3A_446] : memref<256x64xf32, #tpu.memory_space<vmem>>[vector<16xi32>, vector<16xi32>], vector<16xf32>,
      %get3A_449 = arith.constant 27 : i32
      %get3A_450 = arith.index_cast %get3A_449 : i32 to index
      %get3A_451 = arith.constant 0 : index
      %get3A_452 = tpu.vector_load %arg12[%get3A_450, %get3A_451] {strides = array<i32>} : memref<64x16xf32, #tpu.memory_space<vmem>>, vector<16xf32>,
      %mul3A_453 = arith.mulf %gather3A_447, %gather3A_447 : vector<16xf32>
      %add3A_454 = arith.addf %add3A_439, %mul3A_453 : vector<16xf32>
      %mul3A_455 = arith.mulf %gather3A_448, %gather3A_448 : vector<16xf32>
      %add3A_456 = arith.addf %add3A_441, %mul3A_455 : vector<16xf32>
      %mul3A_457 = arith.mulf %gather3A_447, %gather3A_448 : vector<16xf32>
      %mul3A_458 = arith.mulf %mul3A_457, %get3A_452 : vector<16xf32>
      %add3A_459 = arith.addf %add3A_444, %mul3A_458 : vector<16xf32>
      %broadcast_in_dim3A_460 = arith.constant 28 : i32
      %broadcast_in_dim3A_461 = vector.broadcast %broadcast_in_dim3A_460 : i32 to vector<16xi32>
      %gather3A_462 = tpu.vector_load_idx %arg14[%add3A_35, %broadcast_in_dim3A_461] : memref<256x64xf32, #tpu.memory_space<vmem>>[vector<16xi32>, vector<16xi32>], vector<16xf32>,
      %gather3A_463 = tpu.vector_load_idx %arg15[%add3A_35, %broadcast_in_dim3A_461] : memref<256x64xf32, #tpu.memory_space<vmem>>[vector<16xi32>, vector<16xi32>], vector<16xf32>,
      %get3A_464 = arith.constant 28 : i32
      %get3A_465 = arith.index_cast %get3A_464 : i32 to index
      %get3A_466 = arith.constant 0 : index
      %get3A_467 = tpu.vector_load %arg12[%get3A_465, %get3A_466] {strides = array<i32>} : memref<64x16xf32, #tpu.memory_space<vmem>>, vector<16xf32>,
      %mul3A_468 = arith.mulf %gather3A_462, %gather3A_462 : vector<16xf32>
      %add3A_469 = arith.addf %add3A_454, %mul3A_468 : vector<16xf32>
      %mul3A_470 = arith.mulf %gather3A_463, %gather3A_463 : vector<16xf32>
      %add3A_471 = arith.addf %add3A_456, %mul3A_470 : vector<16xf32>
      %mul3A_472 = arith.mulf %gather3A_462, %gather3A_463 : vector<16xf32>
      %mul3A_473 = arith.mulf %mul3A_472, %get3A_467 : vector<16xf32>
      %add3A_474 = arith.addf %add3A_459, %mul3A_473 : vector<16xf32>
      %broadcast_in_dim3A_475 = arith.constant 29 : i32
      %broadcast_in_dim3A_476 = vector.broadcast %broadcast_in_dim3A_475 : i32 to vector<16xi32>
      %gather3A_477 = tpu.vector_load_idx %arg14[%add3A_35, %broadcast_in_dim3A_476] : memref<256x64xf32, #tpu.memory_space<vmem>>[vector<16xi32>, vector<16xi32>], vector<16xf32>,
      %gather3A_478 = tpu.vector_load_idx %arg15[%add3A_35, %broadcast_in_dim3A_476] : memref<256x64xf32, #tpu.memory_space<vmem>>[vector<16xi32>, vector<16xi32>], vector<16xf32>,
      %get3A_479 = arith.constant 29 : i32
      %get3A_480 = arith.index_cast %get3A_479 : i32 to index
      %get3A_481 = arith.constant 0 : index
      %get3A_482 = tpu.vector_load %arg12[%get3A_480, %get3A_481] {strides = array<i32>} : memref<64x16xf32, #tpu.memory_space<vmem>>, vector<16xf32>,
      %mul3A_483 = arith.mulf %gather3A_477, %gather3A_477 : vector<16xf32>
      %add3A_484 = arith.addf %add3A_469, %mul3A_483 : vector<16xf32>
      %mul3A_485 = arith.mulf %gather3A_478, %gather3A_478 : vector<16xf32>
      %add3A_486 = arith.addf %add3A_471, %mul3A_485 : vector<16xf32>
      %mul3A_487 = arith.mulf %gather3A_477, %gather3A_478 : vector<16xf32>
      %mul3A_488 = arith.mulf %mul3A_487, %get3A_482 : vector<16xf32>
      %add3A_489 = arith.addf %add3A_474, %mul3A_488 : vector<16xf32>
      %broadcast_in_dim3A_490 = arith.constant 30 : i32
      %broadcast_in_dim3A_491 = vector.broadcast %broadcast_in_dim3A_490 : i32 to vector<16xi32>
      %gather3A_492 = tpu.vector_load_idx %arg14[%add3A_35, %broadcast_in_dim3A_491] : memref<256x64xf32, #tpu.memory_space<vmem>>[vector<16xi32>, vector<16xi32>], vector<16xf32>,
      %gather3A_493 = tpu.vector_load_idx %arg15[%add3A_35, %broadcast_in_dim3A_491] : memref<256x64xf32, #tpu.memory_space<vmem>>[vector<16xi32>, vector<16xi32>], vector<16xf32>,
      %get3A_494 = arith.constant 30 : i32
      %get3A_495 = arith.index_cast %get3A_494 : i32 to index
      %get3A_496 = arith.constant 0 : index
      %get3A_497 = tpu.vector_load %arg12[%get3A_495, %get3A_496] {strides = array<i32>} : memref<64x16xf32, #tpu.memory_space<vmem>>, vector<16xf32>,
      %mul3A_498 = arith.mulf %gather3A_492, %gather3A_492 : vector<16xf32>
      %add3A_499 = arith.addf %add3A_484, %mul3A_498 : vector<16xf32>
      %mul3A_500 = arith.mulf %gather3A_493, %gather3A_493 : vector<16xf32>
      %add3A_501 = arith.addf %add3A_486, %mul3A_500 : vector<16xf32>
      %mul3A_502 = arith.mulf %gather3A_492, %gather3A_493 : vector<16xf32>
      %mul3A_503 = arith.mulf %mul3A_502, %get3A_497 : vector<16xf32>
      %add3A_504 = arith.addf %add3A_489, %mul3A_503 : vector<16xf32>
      %broadcast_in_dim3A_505 = arith.constant 31 : i32
      %broadcast_in_dim3A_506 = vector.broadcast %broadcast_in_dim3A_505 : i32 to vector<16xi32>
      %gather3A_507 = tpu.vector_load_idx %arg14[%add3A_35, %broadcast_in_dim3A_506] : memref<256x64xf32, #tpu.memory_space<vmem>>[vector<16xi32>, vector<16xi32>], vector<16xf32>,
      %gather3A_508 = tpu.vector_load_idx %arg15[%add3A_35, %broadcast_in_dim3A_506] : memref<256x64xf32, #tpu.memory_space<vmem>>[vector<16xi32>, vector<16xi32>], vector<16xf32>,
      %get3A_509 = arith.constant 31 : i32
      %get3A_510 = arith.index_cast %get3A_509 : i32 to index
      %get3A_511 = arith.constant 0 : index
      %get3A_512 = tpu.vector_load %arg12[%get3A_510, %get3A_511] {strides = array<i32>} : memref<64x16xf32, #tpu.memory_space<vmem>>, vector<16xf32>,
      %mul3A_513 = arith.mulf %gather3A_507, %gather3A_507 : vector<16xf32>
      %add3A_514 = arith.addf %add3A_499, %mul3A_513 : vector<16xf32>
      %mul3A_515 = arith.mulf %gather3A_508, %gather3A_508 : vector<16xf32>
      %add3A_516 = arith.addf %add3A_501, %mul3A_515 : vector<16xf32>
      %mul3A_517 = arith.mulf %gather3A_507, %gather3A_508 : vector<16xf32>
      %mul3A_518 = arith.mulf %mul3A_517, %get3A_512 : vector<16xf32>
      %add3A_519 = arith.addf %add3A_504, %mul3A_518 : vector<16xf32>
      %broadcast_in_dim3A_520 = arith.constant 32 : i32
      %broadcast_in_dim3A_521 = vector.broadcast %broadcast_in_dim3A_520 : i32 to vector<16xi32>
      %gather3A_522 = tpu.vector_load_idx %arg14[%add3A_35, %broadcast_in_dim3A_521] : memref<256x64xf32, #tpu.memory_space<vmem>>[vector<16xi32>, vector<16xi32>], vector<16xf32>,
      %gather3A_523 = tpu.vector_load_idx %arg15[%add3A_35, %broadcast_in_dim3A_521] : memref<256x64xf32, #tpu.memory_space<vmem>>[vector<16xi32>, vector<16xi32>], vector<16xf32>,
      %get3A_524 = arith.constant 32 : i32
      %get3A_525 = arith.index_cast %get3A_524 : i32 to index
      %get3A_526 = arith.constant 0 : index
      %get3A_527 = tpu.vector_load %arg12[%get3A_525, %get3A_526] {strides = array<i32>} : memref<64x16xf32, #tpu.memory_space<vmem>>, vector<16xf32>,
      %mul3A_528 = arith.mulf %gather3A_522, %gather3A_522 : vector<16xf32>
      %add3A_529 = arith.addf %add3A_514, %mul3A_528 : vector<16xf32>
      %mul3A_530 = arith.mulf %gather3A_523, %gather3A_523 : vector<16xf32>
      %add3A_531 = arith.addf %add3A_516, %mul3A_530 : vector<16xf32>
      %mul3A_532 = arith.mulf %gather3A_522, %gather3A_523 : vector<16xf32>
      %mul3A_533 = arith.mulf %mul3A_532, %get3A_527 : vector<16xf32>
      %add3A_534 = arith.addf %add3A_519, %mul3A_533 : vector<16xf32>
      %broadcast_in_dim3A_535 = arith.constant 33 : i32
      %broadcast_in_dim3A_536 = vector.broadcast %broadcast_in_dim3A_535 : i32 to vector<16xi32>
      %gather3A_537 = tpu.vector_load_idx %arg14[%add3A_35, %broadcast_in_dim3A_536] : memref<256x64xf32, #tpu.memory_space<vmem>>[vector<16xi32>, vector<16xi32>], vector<16xf32>,
      %gather3A_538 = tpu.vector_load_idx %arg15[%add3A_35, %broadcast_in_dim3A_536] : memref<256x64xf32, #tpu.memory_space<vmem>>[vector<16xi32>, vector<16xi32>], vector<16xf32>,
      %get3A_539 = arith.constant 33 : i32
      %get3A_540 = arith.index_cast %get3A_539 : i32 to index
      %get3A_541 = arith.constant 0 : index
      %get3A_542 = tpu.vector_load %arg12[%get3A_540, %get3A_541] {strides = array<i32>} : memref<64x16xf32, #tpu.memory_space<vmem>>, vector<16xf32>,
      %mul3A_543 = arith.mulf %gather3A_537, %gather3A_537 : vector<16xf32>
      %add3A_544 = arith.addf %add3A_529, %mul3A_543 : vector<16xf32>
      %mul3A_545 = arith.mulf %gather3A_538, %gather3A_538 : vector<16xf32>
      %add3A_546 = arith.addf %add3A_531, %mul3A_545 : vector<16xf32>
      %mul3A_547 = arith.mulf %gather3A_537, %gather3A_538 : vector<16xf32>
      %mul3A_548 = arith.mulf %mul3A_547, %get3A_542 : vector<16xf32>
      %add3A_549 = arith.addf %add3A_534, %mul3A_548 : vector<16xf32>
      %broadcast_in_dim3A_550 = arith.constant 34 : i32
      %broadcast_in_dim3A_551 = vector.broadcast %broadcast_in_dim3A_550 : i32 to vector<16xi32>
      %gather3A_552 = tpu.vector_load_idx %arg14[%add3A_35, %broadcast_in_dim3A_551] : memref<256x64xf32, #tpu.memory_space<vmem>>[vector<16xi32>, vector<16xi32>], vector<16xf32>,
      %gather3A_553 = tpu.vector_load_idx %arg15[%add3A_35, %broadcast_in_dim3A_551] : memref<256x64xf32, #tpu.memory_space<vmem>>[vector<16xi32>, vector<16xi32>], vector<16xf32>,
      %get3A_554 = arith.constant 34 : i32
      %get3A_555 = arith.index_cast %get3A_554 : i32 to index
      %get3A_556 = arith.constant 0 : index
      %get3A_557 = tpu.vector_load %arg12[%get3A_555, %get3A_556] {strides = array<i32>} : memref<64x16xf32, #tpu.memory_space<vmem>>, vector<16xf32>,
      %mul3A_558 = arith.mulf %gather3A_552, %gather3A_552 : vector<16xf32>
      %add3A_559 = arith.addf %add3A_544, %mul3A_558 : vector<16xf32>
      %mul3A_560 = arith.mulf %gather3A_553, %gather3A_553 : vector<16xf32>
      %add3A_561 = arith.addf %add3A_546, %mul3A_560 : vector<16xf32>
      %mul3A_562 = arith.mulf %gather3A_552, %gather3A_553 : vector<16xf32>
      %mul3A_563 = arith.mulf %mul3A_562, %get3A_557 : vector<16xf32>
      %add3A_564 = arith.addf %add3A_549, %mul3A_563 : vector<16xf32>
      %broadcast_in_dim3A_565 = arith.constant 35 : i32
      %broadcast_in_dim3A_566 = vector.broadcast %broadcast_in_dim3A_565 : i32 to vector<16xi32>
      %gather3A_567 = tpu.vector_load_idx %arg14[%add3A_35, %broadcast_in_dim3A_566] : memref<256x64xf32, #tpu.memory_space<vmem>>[vector<16xi32>, vector<16xi32>], vector<16xf32>,
      %gather3A_568 = tpu.vector_load_idx %arg15[%add3A_35, %broadcast_in_dim3A_566] : memref<256x64xf32, #tpu.memory_space<vmem>>[vector<16xi32>, vector<16xi32>], vector<16xf32>,
      %get3A_569 = arith.constant 35 : i32
      %get3A_570 = arith.index_cast %get3A_569 : i32 to index
      %get3A_571 = arith.constant 0 : index
      %get3A_572 = tpu.vector_load %arg12[%get3A_570, %get3A_571] {strides = array<i32>} : memref<64x16xf32, #tpu.memory_space<vmem>>, vector<16xf32>,
      %mul3A_573 = arith.mulf %gather3A_567, %gather3A_567 : vector<16xf32>
      %add3A_574 = arith.addf %add3A_559, %mul3A_573 : vector<16xf32>
      %mul3A_575 = arith.mulf %gather3A_568, %gather3A_568 : vector<16xf32>
      %add3A_576 = arith.addf %add3A_561, %mul3A_575 : vector<16xf32>
      %mul3A_577 = arith.mulf %gather3A_567, %gather3A_568 : vector<16xf32>
      %mul3A_578 = arith.mulf %mul3A_577, %get3A_572 : vector<16xf32>
      %add3A_579 = arith.addf %add3A_564, %mul3A_578 : vector<16xf32>
      %broadcast_in_dim3A_580 = arith.constant 36 : i32
      %broadcast_in_dim3A_581 = vector.broadcast %broadcast_in_dim3A_580 : i32 to vector<16xi32>
      %gather3A_582 = tpu.vector_load_idx %arg14[%add3A_35, %broadcast_in_dim3A_581] : memref<256x64xf32, #tpu.memory_space<vmem>>[vector<16xi32>, vector<16xi32>], vector<16xf32>,
      %gather3A_583 = tpu.vector_load_idx %arg15[%add3A_35, %broadcast_in_dim3A_581] : memref<256x64xf32, #tpu.memory_space<vmem>>[vector<16xi32>, vector<16xi32>], vector<16xf32>,
      %get3A_584 = arith.constant 36 : i32
      %get3A_585 = arith.index_cast %get3A_584 : i32 to index
      %get3A_586 = arith.constant 0 : index
      %get3A_587 = tpu.vector_load %arg12[%get3A_585, %get3A_586] {strides = array<i32>} : memref<64x16xf32, #tpu.memory_space<vmem>>, vector<16xf32>,
      %mul3A_588 = arith.mulf %gather3A_582, %gather3A_582 : vector<16xf32>
      %add3A_589 = arith.addf %add3A_574, %mul3A_588 : vector<16xf32>
      %mul3A_590 = arith.mulf %gather3A_583, %gather3A_583 : vector<16xf32>
      %add3A_591 = arith.addf %add3A_576, %mul3A_590 : vector<16xf32>
      %mul3A_592 = arith.mulf %gather3A_582, %gather3A_583 : vector<16xf32>
      %mul3A_593 = arith.mulf %mul3A_592, %get3A_587 : vector<16xf32>
      %add3A_594 = arith.addf %add3A_579, %mul3A_593 : vector<16xf32>
      %broadcast_in_dim3A_595 = arith.constant 37 : i32
      %broadcast_in_dim3A_596 = vector.broadcast %broadcast_in_dim3A_595 : i32 to vector<16xi32>
      %gather3A_597 = tpu.vector_load_idx %arg14[%add3A_35, %broadcast_in_dim3A_596] : memref<256x64xf32, #tpu.memory_space<vmem>>[vector<16xi32>, vector<16xi32>], vector<16xf32>,
      %gather3A_598 = tpu.vector_load_idx %arg15[%add3A_35, %broadcast_in_dim3A_596] : memref<256x64xf32, #tpu.memory_space<vmem>>[vector<16xi32>, vector<16xi32>], vector<16xf32>,
      %get3A_599 = arith.constant 37 : i32
      %get3A_600 = arith.index_cast %get3A_599 : i32 to index
      %get3A_601 = arith.constant 0 : index
      %get3A_602 = tpu.vector_load %arg12[%get3A_600, %get3A_601] {strides = array<i32>} : memref<64x16xf32, #tpu.memory_space<vmem>>, vector<16xf32>,
      %mul3A_603 = arith.mulf %gather3A_597, %gather3A_597 : vector<16xf32>
      %add3A_604 = arith.addf %add3A_589, %mul3A_603 : vector<16xf32>
      %mul3A_605 = arith.mulf %gather3A_598, %gather3A_598 : vector<16xf32>
      %add3A_606 = arith.addf %add3A_591, %mul3A_605 : vector<16xf32>
      %mul3A_607 = arith.mulf %gather3A_597, %gather3A_598 : vector<16xf32>
      %mul3A_608 = arith.mulf %mul3A_607, %get3A_602 : vector<16xf32>
      %add3A_609 = arith.addf %add3A_594, %mul3A_608 : vector<16xf32>
      %broadcast_in_dim3A_610 = arith.constant 38 : i32
      %broadcast_in_dim3A_611 = vector.broadcast %broadcast_in_dim3A_610 : i32 to vector<16xi32>
      %gather3A_612 = tpu.vector_load_idx %arg14[%add3A_35, %broadcast_in_dim3A_611] : memref<256x64xf32, #tpu.memory_space<vmem>>[vector<16xi32>, vector<16xi32>], vector<16xf32>,
      %gather3A_613 = tpu.vector_load_idx %arg15[%add3A_35, %broadcast_in_dim3A_611] : memref<256x64xf32, #tpu.memory_space<vmem>>[vector<16xi32>, vector<16xi32>], vector<16xf32>,
      %get3A_614 = arith.constant 38 : i32
      %get3A_615 = arith.index_cast %get3A_614 : i32 to index
      %get3A_616 = arith.constant 0 : index
      %get3A_617 = tpu.vector_load %arg12[%get3A_615, %get3A_616] {strides = array<i32>} : memref<64x16xf32, #tpu.memory_space<vmem>>, vector<16xf32>,
      %mul3A_618 = arith.mulf %gather3A_612, %gather3A_612 : vector<16xf32>
      %add3A_619 = arith.addf %add3A_604, %mul3A_618 : vector<16xf32>
      %mul3A_620 = arith.mulf %gather3A_613, %gather3A_613 : vector<16xf32>
      %add3A_621 = arith.addf %add3A_606, %mul3A_620 : vector<16xf32>
      %mul3A_622 = arith.mulf %gather3A_612, %gather3A_613 : vector<16xf32>
      %mul3A_623 = arith.mulf %mul3A_622, %get3A_617 : vector<16xf32>
      %add3A_624 = arith.addf %add3A_609, %mul3A_623 : vector<16xf32>
      %broadcast_in_dim3A_625 = arith.constant 39 : i32
      %broadcast_in_dim3A_626 = vector.broadcast %broadcast_in_dim3A_625 : i32 to vector<16xi32>
      %gather3A_627 = tpu.vector_load_idx %arg14[%add3A_35, %broadcast_in_dim3A_626] : memref<256x64xf32, #tpu.memory_space<vmem>>[vector<16xi32>, vector<16xi32>], vector<16xf32>,
      %gather3A_628 = tpu.vector_load_idx %arg15[%add3A_35, %broadcast_in_dim3A_626] : memref<256x64xf32, #tpu.memory_space<vmem>>[vector<16xi32>, vector<16xi32>], vector<16xf32>,
      %get3A_629 = arith.constant 39 : i32
      %get3A_630 = arith.index_cast %get3A_629 : i32 to index
      %get3A_631 = arith.constant 0 : index
      %get3A_632 = tpu.vector_load %arg12[%get3A_630, %get3A_631] {strides = array<i32>} : memref<64x16xf32, #tpu.memory_space<vmem>>, vector<16xf32>,
      %mul3A_633 = arith.mulf %gather3A_627, %gather3A_627 : vector<16xf32>
      %add3A_634 = arith.addf %add3A_619, %mul3A_633 : vector<16xf32>
      %mul3A_635 = arith.mulf %gather3A_628, %gather3A_628 : vector<16xf32>
      %add3A_636 = arith.addf %add3A_621, %mul3A_635 : vector<16xf32>
      %mul3A_637 = arith.mulf %gather3A_627, %gather3A_628 : vector<16xf32>
      %mul3A_638 = arith.mulf %mul3A_637, %get3A_632 : vector<16xf32>
      %add3A_639 = arith.addf %add3A_624, %mul3A_638 : vector<16xf32>
      %broadcast_in_dim3A_640 = arith.constant 40 : i32
      %broadcast_in_dim3A_641 = vector.broadcast %broadcast_in_dim3A_640 : i32 to vector<16xi32>
      %gather3A_642 = tpu.vector_load_idx %arg14[%add3A_35, %broadcast_in_dim3A_641] : memref<256x64xf32, #tpu.memory_space<vmem>>[vector<16xi32>, vector<16xi32>], vector<16xf32>,
      %gather3A_643 = tpu.vector_load_idx %arg15[%add3A_35, %broadcast_in_dim3A_641] : memref<256x64xf32, #tpu.memory_space<vmem>>[vector<16xi32>, vector<16xi32>], vector<16xf32>,
      %get3A_644 = arith.constant 40 : i32
      %get3A_645 = arith.index_cast %get3A_644 : i32 to index
      %get3A_646 = arith.constant 0 : index
      %get3A_647 = tpu.vector_load %arg12[%get3A_645, %get3A_646] {strides = array<i32>} : memref<64x16xf32, #tpu.memory_space<vmem>>, vector<16xf32>,
      %mul3A_648 = arith.mulf %gather3A_642, %gather3A_642 : vector<16xf32>
      %add3A_649 = arith.addf %add3A_634, %mul3A_648 : vector<16xf32>
      %mul3A_650 = arith.mulf %gather3A_643, %gather3A_643 : vector<16xf32>
      %add3A_651 = arith.addf %add3A_636, %mul3A_650 : vector<16xf32>
      %mul3A_652 = arith.mulf %gather3A_642, %gather3A_643 : vector<16xf32>
      %mul3A_653 = arith.mulf %mul3A_652, %get3A_647 : vector<16xf32>
      %add3A_654 = arith.addf %add3A_639, %mul3A_653 : vector<16xf32>
      %broadcast_in_dim3A_655 = arith.constant 41 : i32
      %broadcast_in_dim3A_656 = vector.broadcast %broadcast_in_dim3A_655 : i32 to vector<16xi32>
      %gather3A_657 = tpu.vector_load_idx %arg14[%add3A_35, %broadcast_in_dim3A_656] : memref<256x64xf32, #tpu.memory_space<vmem>>[vector<16xi32>, vector<16xi32>], vector<16xf32>,
      %gather3A_658 = tpu.vector_load_idx %arg15[%add3A_35, %broadcast_in_dim3A_656] : memref<256x64xf32, #tpu.memory_space<vmem>>[vector<16xi32>, vector<16xi32>], vector<16xf32>,
      %get3A_659 = arith.constant 41 : i32
      %get3A_660 = arith.index_cast %get3A_659 : i32 to index
      %get3A_661 = arith.constant 0 : index
      %get3A_662 = tpu.vector_load %arg12[%get3A_660, %get3A_661] {strides = array<i32>} : memref<64x16xf32, #tpu.memory_space<vmem>>, vector<16xf32>,
      %mul3A_663 = arith.mulf %gather3A_657, %gather3A_657 : vector<16xf32>
      %add3A_664 = arith.addf %add3A_649, %mul3A_663 : vector<16xf32>
      %mul3A_665 = arith.mulf %gather3A_658, %gather3A_658 : vector<16xf32>
      %add3A_666 = arith.addf %add3A_651, %mul3A_665 : vector<16xf32>
      %mul3A_667 = arith.mulf %gather3A_657, %gather3A_658 : vector<16xf32>
      %mul3A_668 = arith.mulf %mul3A_667, %get3A_662 : vector<16xf32>
      %add3A_669 = arith.addf %add3A_654, %mul3A_668 : vector<16xf32>
      %broadcast_in_dim3A_670 = arith.constant 42 : i32
      %broadcast_in_dim3A_671 = vector.broadcast %broadcast_in_dim3A_670 : i32 to vector<16xi32>
      %gather3A_672 = tpu.vector_load_idx %arg14[%add3A_35, %broadcast_in_dim3A_671] : memref<256x64xf32, #tpu.memory_space<vmem>>[vector<16xi32>, vector<16xi32>], vector<16xf32>,
      %gather3A_673 = tpu.vector_load_idx %arg15[%add3A_35, %broadcast_in_dim3A_671] : memref<256x64xf32, #tpu.memory_space<vmem>>[vector<16xi32>, vector<16xi32>], vector<16xf32>,
      %get3A_674 = arith.constant 42 : i32
      %get3A_675 = arith.index_cast %get3A_674 : i32 to index
      %get3A_676 = arith.constant 0 : index
      %get3A_677 = tpu.vector_load %arg12[%get3A_675, %get3A_676] {strides = array<i32>} : memref<64x16xf32, #tpu.memory_space<vmem>>, vector<16xf32>,
      %mul3A_678 = arith.mulf %gather3A_672, %gather3A_672 : vector<16xf32>
      %add3A_679 = arith.addf %add3A_664, %mul3A_678 : vector<16xf32>
      %mul3A_680 = arith.mulf %gather3A_673, %gather3A_673 : vector<16xf32>
      %add3A_681 = arith.addf %add3A_666, %mul3A_680 : vector<16xf32>
      %mul3A_682 = arith.mulf %gather3A_672, %gather3A_673 : vector<16xf32>
      %mul3A_683 = arith.mulf %mul3A_682, %get3A_677 : vector<16xf32>
      %add3A_684 = arith.addf %add3A_669, %mul3A_683 : vector<16xf32>
      %broadcast_in_dim3A_685 = arith.constant 43 : i32
      %broadcast_in_dim3A_686 = vector.broadcast %broadcast_in_dim3A_685 : i32 to vector<16xi32>
      %gather3A_687 = tpu.vector_load_idx %arg14[%add3A_35, %broadcast_in_dim3A_686] : memref<256x64xf32, #tpu.memory_space<vmem>>[vector<16xi32>, vector<16xi32>], vector<16xf32>,
      %gather3A_688 = tpu.vector_load_idx %arg15[%add3A_35, %broadcast_in_dim3A_686] : memref<256x64xf32, #tpu.memory_space<vmem>>[vector<16xi32>, vector<16xi32>], vector<16xf32>,
      %get3A_689 = arith.constant 43 : i32
      %get3A_690 = arith.index_cast %get3A_689 : i32 to index
      %get3A_691 = arith.constant 0 : index
      %get3A_692 = tpu.vector_load %arg12[%get3A_690, %get3A_691] {strides = array<i32>} : memref<64x16xf32, #tpu.memory_space<vmem>>, vector<16xf32>,
      %mul3A_693 = arith.mulf %gather3A_687, %gather3A_687 : vector<16xf32>
      %add3A_694 = arith.addf %add3A_679, %mul3A_693 : vector<16xf32>
      %mul3A_695 = arith.mulf %gather3A_688, %gather3A_688 : vector<16xf32>
      %add3A_696 = arith.addf %add3A_681, %mul3A_695 : vector<16xf32>
      %mul3A_697 = arith.mulf %gather3A_687, %gather3A_688 : vector<16xf32>
      %mul3A_698 = arith.mulf %mul3A_697, %get3A_692 : vector<16xf32>
      %add3A_699 = arith.addf %add3A_684, %mul3A_698 : vector<16xf32>
      %broadcast_in_dim3A_700 = arith.constant 44 : i32
      %broadcast_in_dim3A_701 = vector.broadcast %broadcast_in_dim3A_700 : i32 to vector<16xi32>
      %gather3A_702 = tpu.vector_load_idx %arg14[%add3A_35, %broadcast_in_dim3A_701] : memref<256x64xf32, #tpu.memory_space<vmem>>[vector<16xi32>, vector<16xi32>], vector<16xf32>,
      %gather3A_703 = tpu.vector_load_idx %arg15[%add3A_35, %broadcast_in_dim3A_701] : memref<256x64xf32, #tpu.memory_space<vmem>>[vector<16xi32>, vector<16xi32>], vector<16xf32>,
      %get3A_704 = arith.constant 44 : i32
      %get3A_705 = arith.index_cast %get3A_704 : i32 to index
      %get3A_706 = arith.constant 0 : index
      %get3A_707 = tpu.vector_load %arg12[%get3A_705, %get3A_706] {strides = array<i32>} : memref<64x16xf32, #tpu.memory_space<vmem>>, vector<16xf32>,
      %mul3A_708 = arith.mulf %gather3A_702, %gather3A_702 : vector<16xf32>
      %add3A_709 = arith.addf %add3A_694, %mul3A_708 : vector<16xf32>
      %mul3A_710 = arith.mulf %gather3A_703, %gather3A_703 : vector<16xf32>
      %add3A_711 = arith.addf %add3A_696, %mul3A_710 : vector<16xf32>
      %mul3A_712 = arith.mulf %gather3A_702, %gather3A_703 : vector<16xf32>
      %mul3A_713 = arith.mulf %mul3A_712, %get3A_707 : vector<16xf32>
      %add3A_714 = arith.addf %add3A_699, %mul3A_713 : vector<16xf32>
      %broadcast_in_dim3A_715 = arith.constant 45 : i32
      %broadcast_in_dim3A_716 = vector.broadcast %broadcast_in_dim3A_715 : i32 to vector<16xi32>
      %gather3A_717 = tpu.vector_load_idx %arg14[%add3A_35, %broadcast_in_dim3A_716] : memref<256x64xf32, #tpu.memory_space<vmem>>[vector<16xi32>, vector<16xi32>], vector<16xf32>,
      %gather3A_718 = tpu.vector_load_idx %arg15[%add3A_35, %broadcast_in_dim3A_716] : memref<256x64xf32, #tpu.memory_space<vmem>>[vector<16xi32>, vector<16xi32>], vector<16xf32>,
      %get3A_719 = arith.constant 45 : i32
      %get3A_720 = arith.index_cast %get3A_719 : i32 to index
      %get3A_721 = arith.constant 0 : index
      %get3A_722 = tpu.vector_load %arg12[%get3A_720, %get3A_721] {strides = array<i32>} : memref<64x16xf32, #tpu.memory_space<vmem>>, vector<16xf32>,
      %mul3A_723 = arith.mulf %gather3A_717, %gather3A_717 : vector<16xf32>
      %add3A_724 = arith.addf %add3A_709, %mul3A_723 : vector<16xf32>
      %mul3A_725 = arith.mulf %gather3A_718, %gather3A_718 : vector<16xf32>
      %add3A_726 = arith.addf %add3A_711, %mul3A_725 : vector<16xf32>
      %mul3A_727 = arith.mulf %gather3A_717, %gather3A_718 : vector<16xf32>
      %mul3A_728 = arith.mulf %mul3A_727, %get3A_722 : vector<16xf32>
      %add3A_729 = arith.addf %add3A_714, %mul3A_728 : vector<16xf32>
      %broadcast_in_dim3A_730 = arith.constant 46 : i32
      %broadcast_in_dim3A_731 = vector.broadcast %broadcast_in_dim3A_730 : i32 to vector<16xi32>
      %gather3A_732 = tpu.vector_load_idx %arg14[%add3A_35, %broadcast_in_dim3A_731] : memref<256x64xf32, #tpu.memory_space<vmem>>[vector<16xi32>, vector<16xi32>], vector<16xf32>,
      %gather3A_733 = tpu.vector_load_idx %arg15[%add3A_35, %broadcast_in_dim3A_731] : memref<256x64xf32, #tpu.memory_space<vmem>>[vector<16xi32>, vector<16xi32>], vector<16xf32>,
      %get3A_734 = arith.constant 46 : i32
      %get3A_735 = arith.index_cast %get3A_734 : i32 to index
      %get3A_736 = arith.constant 0 : index
      %get3A_737 = tpu.vector_load %arg12[%get3A_735, %get3A_736] {strides = array<i32>} : memref<64x16xf32, #tpu.memory_space<vmem>>, vector<16xf32>,
      %mul3A_738 = arith.mulf %gather3A_732, %gather3A_732 : vector<16xf32>
      %add3A_739 = arith.addf %add3A_724, %mul3A_738 : vector<16xf32>
      %mul3A_740 = arith.mulf %gather3A_733, %gather3A_733 : vector<16xf32>
      %add3A_741 = arith.addf %add3A_726, %mul3A_740 : vector<16xf32>
      %mul3A_742 = arith.mulf %gather3A_732, %gather3A_733 : vector<16xf32>
      %mul3A_743 = arith.mulf %mul3A_742, %get3A_737 : vector<16xf32>
      %add3A_744 = arith.addf %add3A_729, %mul3A_743 : vector<16xf32>
      %broadcast_in_dim3A_745 = arith.constant 47 : i32
      %broadcast_in_dim3A_746 = vector.broadcast %broadcast_in_dim3A_745 : i32 to vector<16xi32>
      %gather3A_747 = tpu.vector_load_idx %arg14[%add3A_35, %broadcast_in_dim3A_746] : memref<256x64xf32, #tpu.memory_space<vmem>>[vector<16xi32>, vector<16xi32>], vector<16xf32>,
      %gather3A_748 = tpu.vector_load_idx %arg15[%add3A_35, %broadcast_in_dim3A_746] : memref<256x64xf32, #tpu.memory_space<vmem>>[vector<16xi32>, vector<16xi32>], vector<16xf32>,
      %get3A_749 = arith.constant 47 : i32
      %get3A_750 = arith.index_cast %get3A_749 : i32 to index
      %get3A_751 = arith.constant 0 : index
      %get3A_752 = tpu.vector_load %arg12[%get3A_750, %get3A_751] {strides = array<i32>} : memref<64x16xf32, #tpu.memory_space<vmem>>, vector<16xf32>,
      %mul3A_753 = arith.mulf %gather3A_747, %gather3A_747 : vector<16xf32>
      %add3A_754 = arith.addf %add3A_739, %mul3A_753 : vector<16xf32>
      %mul3A_755 = arith.mulf %gather3A_748, %gather3A_748 : vector<16xf32>
      %add3A_756 = arith.addf %add3A_741, %mul3A_755 : vector<16xf32>
      %mul3A_757 = arith.mulf %gather3A_747, %gather3A_748 : vector<16xf32>
      %mul3A_758 = arith.mulf %mul3A_757, %get3A_752 : vector<16xf32>
      %add3A_759 = arith.addf %add3A_744, %mul3A_758 : vector<16xf32>
      %broadcast_in_dim3A_760 = arith.constant 48 : i32
      %broadcast_in_dim3A_761 = vector.broadcast %broadcast_in_dim3A_760 : i32 to vector<16xi32>
      %gather3A_762 = tpu.vector_load_idx %arg14[%add3A_35, %broadcast_in_dim3A_761] : memref<256x64xf32, #tpu.memory_space<vmem>>[vector<16xi32>, vector<16xi32>], vector<16xf32>,
      %gather3A_763 = tpu.vector_load_idx %arg15[%add3A_35, %broadcast_in_dim3A_761] : memref<256x64xf32, #tpu.memory_space<vmem>>[vector<16xi32>, vector<16xi32>], vector<16xf32>,
      %get3A_764 = arith.constant 48 : i32
      %get3A_765 = arith.index_cast %get3A_764 : i32 to index
      %get3A_766 = arith.constant 0 : index
      %get3A_767 = tpu.vector_load %arg12[%get3A_765, %get3A_766] {strides = array<i32>} : memref<64x16xf32, #tpu.memory_space<vmem>>, vector<16xf32>,
      %mul3A_768 = arith.mulf %gather3A_762, %gather3A_762 : vector<16xf32>
      %add3A_769 = arith.addf %add3A_754, %mul3A_768 : vector<16xf32>
      %mul3A_770 = arith.mulf %gather3A_763, %gather3A_763 : vector<16xf32>
      %add3A_771 = arith.addf %add3A_756, %mul3A_770 : vector<16xf32>
      %mul3A_772 = arith.mulf %gather3A_762, %gather3A_763 : vector<16xf32>
      %mul3A_773 = arith.mulf %mul3A_772, %get3A_767 : vector<16xf32>
      %add3A_774 = arith.addf %add3A_759, %mul3A_773 : vector<16xf32>
      %broadcast_in_dim3A_775 = arith.constant 49 : i32
      %broadcast_in_dim3A_776 = vector.broadcast %broadcast_in_dim3A_775 : i32 to vector<16xi32>
      %gather3A_777 = tpu.vector_load_idx %arg14[%add3A_35, %broadcast_in_dim3A_776] : memref<256x64xf32, #tpu.memory_space<vmem>>[vector<16xi32>, vector<16xi32>], vector<16xf32>,
      %gather3A_778 = tpu.vector_load_idx %arg15[%add3A_35, %broadcast_in_dim3A_776] : memref<256x64xf32, #tpu.memory_space<vmem>>[vector<16xi32>, vector<16xi32>], vector<16xf32>,
      %get3A_779 = arith.constant 49 : i32
      %get3A_780 = arith.index_cast %get3A_779 : i32 to index
      %get3A_781 = arith.constant 0 : index
      %get3A_782 = tpu.vector_load %arg12[%get3A_780, %get3A_781] {strides = array<i32>} : memref<64x16xf32, #tpu.memory_space<vmem>>, vector<16xf32>,
      %mul3A_783 = arith.mulf %gather3A_777, %gather3A_777 : vector<16xf32>
      %add3A_784 = arith.addf %add3A_769, %mul3A_783 : vector<16xf32>
      %mul3A_785 = arith.mulf %gather3A_778, %gather3A_778 : vector<16xf32>
      %add3A_786 = arith.addf %add3A_771, %mul3A_785 : vector<16xf32>
      %mul3A_787 = arith.mulf %gather3A_777, %gather3A_778 : vector<16xf32>
      %mul3A_788 = arith.mulf %mul3A_787, %get3A_782 : vector<16xf32>
      %add3A_789 = arith.addf %add3A_774, %mul3A_788 : vector<16xf32>
      %broadcast_in_dim3A_790 = arith.constant 50 : i32
      %broadcast_in_dim3A_791 = vector.broadcast %broadcast_in_dim3A_790 : i32 to vector<16xi32>
      %gather3A_792 = tpu.vector_load_idx %arg14[%add3A_35, %broadcast_in_dim3A_791] : memref<256x64xf32, #tpu.memory_space<vmem>>[vector<16xi32>, vector<16xi32>], vector<16xf32>,
      %gather3A_793 = tpu.vector_load_idx %arg15[%add3A_35, %broadcast_in_dim3A_791] : memref<256x64xf32, #tpu.memory_space<vmem>>[vector<16xi32>, vector<16xi32>], vector<16xf32>,
      %get3A_794 = arith.constant 50 : i32
      %get3A_795 = arith.index_cast %get3A_794 : i32 to index
      %get3A_796 = arith.constant 0 : index
      %get3A_797 = tpu.vector_load %arg12[%get3A_795, %get3A_796] {strides = array<i32>} : memref<64x16xf32, #tpu.memory_space<vmem>>, vector<16xf32>,
      %mul3A_798 = arith.mulf %gather3A_792, %gather3A_792 : vector<16xf32>
      %add3A_799 = arith.addf %add3A_784, %mul3A_798 : vector<16xf32>
      %mul3A_800 = arith.mulf %gather3A_793, %gather3A_793 : vector<16xf32>
      %add3A_801 = arith.addf %add3A_786, %mul3A_800 : vector<16xf32>
      %mul3A_802 = arith.mulf %gather3A_792, %gather3A_793 : vector<16xf32>
      %mul3A_803 = arith.mulf %mul3A_802, %get3A_797 : vector<16xf32>
      %add3A_804 = arith.addf %add3A_789, %mul3A_803 : vector<16xf32>
      %broadcast_in_dim3A_805 = arith.constant 51 : i32
      %broadcast_in_dim3A_806 = vector.broadcast %broadcast_in_dim3A_805 : i32 to vector<16xi32>
      %gather3A_807 = tpu.vector_load_idx %arg14[%add3A_35, %broadcast_in_dim3A_806] : memref<256x64xf32, #tpu.memory_space<vmem>>[vector<16xi32>, vector<16xi32>], vector<16xf32>,
      %gather3A_808 = tpu.vector_load_idx %arg15[%add3A_35, %broadcast_in_dim3A_806] : memref<256x64xf32, #tpu.memory_space<vmem>>[vector<16xi32>, vector<16xi32>], vector<16xf32>,
      %get3A_809 = arith.constant 51 : i32
      %get3A_810 = arith.index_cast %get3A_809 : i32 to index
      %get3A_811 = arith.constant 0 : index
      %get3A_812 = tpu.vector_load %arg12[%get3A_810, %get3A_811] {strides = array<i32>} : memref<64x16xf32, #tpu.memory_space<vmem>>, vector<16xf32>,
      %mul3A_813 = arith.mulf %gather3A_807, %gather3A_807 : vector<16xf32>
      %add3A_814 = arith.addf %add3A_799, %mul3A_813 : vector<16xf32>
      %mul3A_815 = arith.mulf %gather3A_808, %gather3A_808 : vector<16xf32>
      %add3A_816 = arith.addf %add3A_801, %mul3A_815 : vector<16xf32>
      %mul3A_817 = arith.mulf %gather3A_807, %gather3A_808 : vector<16xf32>
      %mul3A_818 = arith.mulf %mul3A_817, %get3A_812 : vector<16xf32>
      %add3A_819 = arith.addf %add3A_804, %mul3A_818 : vector<16xf32>
      %broadcast_in_dim3A_820 = arith.constant 52 : i32
      %broadcast_in_dim3A_821 = vector.broadcast %broadcast_in_dim3A_820 : i32 to vector<16xi32>
      %gather3A_822 = tpu.vector_load_idx %arg14[%add3A_35, %broadcast_in_dim3A_821] : memref<256x64xf32, #tpu.memory_space<vmem>>[vector<16xi32>, vector<16xi32>], vector<16xf32>,
      %gather3A_823 = tpu.vector_load_idx %arg15[%add3A_35, %broadcast_in_dim3A_821] : memref<256x64xf32, #tpu.memory_space<vmem>>[vector<16xi32>, vector<16xi32>], vector<16xf32>,
      %get3A_824 = arith.constant 52 : i32
      %get3A_825 = arith.index_cast %get3A_824 : i32 to index
      %get3A_826 = arith.constant 0 : index
      %get3A_827 = tpu.vector_load %arg12[%get3A_825, %get3A_826] {strides = array<i32>} : memref<64x16xf32, #tpu.memory_space<vmem>>, vector<16xf32>,
      %mul3A_828 = arith.mulf %gather3A_822, %gather3A_822 : vector<16xf32>
      %add3A_829 = arith.addf %add3A_814, %mul3A_828 : vector<16xf32>
      %mul3A_830 = arith.mulf %gather3A_823, %gather3A_823 : vector<16xf32>
      %add3A_831 = arith.addf %add3A_816, %mul3A_830 : vector<16xf32>
      %mul3A_832 = arith.mulf %gather3A_822, %gather3A_823 : vector<16xf32>
      %mul3A_833 = arith.mulf %mul3A_832, %get3A_827 : vector<16xf32>
      %add3A_834 = arith.addf %add3A_819, %mul3A_833 : vector<16xf32>
      %broadcast_in_dim3A_835 = arith.constant 53 : i32
      %broadcast_in_dim3A_836 = vector.broadcast %broadcast_in_dim3A_835 : i32 to vector<16xi32>
      %gather3A_837 = tpu.vector_load_idx %arg14[%add3A_35, %broadcast_in_dim3A_836] : memref<256x64xf32, #tpu.memory_space<vmem>>[vector<16xi32>, vector<16xi32>], vector<16xf32>,
      %gather3A_838 = tpu.vector_load_idx %arg15[%add3A_35, %broadcast_in_dim3A_836] : memref<256x64xf32, #tpu.memory_space<vmem>>[vector<16xi32>, vector<16xi32>], vector<16xf32>,
      %get3A_839 = arith.constant 53 : i32
      %get3A_840 = arith.index_cast %get3A_839 : i32 to index
      %get3A_841 = arith.constant 0 : index
      %get3A_842 = tpu.vector_load %arg12[%get3A_840, %get3A_841] {strides = array<i32>} : memref<64x16xf32, #tpu.memory_space<vmem>>, vector<16xf32>,
      %mul3A_843 = arith.mulf %gather3A_837, %gather3A_837 : vector<16xf32>
      %add3A_844 = arith.addf %add3A_829, %mul3A_843 : vector<16xf32>
      %mul3A_845 = arith.mulf %gather3A_838, %gather3A_838 : vector<16xf32>
      %add3A_846 = arith.addf %add3A_831, %mul3A_845 : vector<16xf32>
      %mul3A_847 = arith.mulf %gather3A_837, %gather3A_838 : vector<16xf32>
      %mul3A_848 = arith.mulf %mul3A_847, %get3A_842 : vector<16xf32>
      %add3A_849 = arith.addf %add3A_834, %mul3A_848 : vector<16xf32>
      %broadcast_in_dim3A_850 = arith.constant 54 : i32
      %broadcast_in_dim3A_851 = vector.broadcast %broadcast_in_dim3A_850 : i32 to vector<16xi32>
      %gather3A_852 = tpu.vector_load_idx %arg14[%add3A_35, %broadcast_in_dim3A_851] : memref<256x64xf32, #tpu.memory_space<vmem>>[vector<16xi32>, vector<16xi32>], vector<16xf32>,
      %gather3A_853 = tpu.vector_load_idx %arg15[%add3A_35, %broadcast_in_dim3A_851] : memref<256x64xf32, #tpu.memory_space<vmem>>[vector<16xi32>, vector<16xi32>], vector<16xf32>,
      %get3A_854 = arith.constant 54 : i32
      %get3A_855 = arith.index_cast %get3A_854 : i32 to index
      %get3A_856 = arith.constant 0 : index
      %get3A_857 = tpu.vector_load %arg12[%get3A_855, %get3A_856] {strides = array<i32>} : memref<64x16xf32, #tpu.memory_space<vmem>>, vector<16xf32>,
      %mul3A_858 = arith.mulf %gather3A_852, %gather3A_852 : vector<16xf32>
      %add3A_859 = arith.addf %add3A_844, %mul3A_858 : vector<16xf32>
      %mul3A_860 = arith.mulf %gather3A_853, %gather3A_853 : vector<16xf32>
      %add3A_861 = arith.addf %add3A_846, %mul3A_860 : vector<16xf32>
      %mul3A_862 = arith.mulf %gather3A_852, %gather3A_853 : vector<16xf32>
      %mul3A_863 = arith.mulf %mul3A_862, %get3A_857 : vector<16xf32>
      %add3A_864 = arith.addf %add3A_849, %mul3A_863 : vector<16xf32>
      %broadcast_in_dim3A_865 = arith.constant 55 : i32
      %broadcast_in_dim3A_866 = vector.broadcast %broadcast_in_dim3A_865 : i32 to vector<16xi32>
      %gather3A_867 = tpu.vector_load_idx %arg14[%add3A_35, %broadcast_in_dim3A_866] : memref<256x64xf32, #tpu.memory_space<vmem>>[vector<16xi32>, vector<16xi32>], vector<16xf32>,
      %gather3A_868 = tpu.vector_load_idx %arg15[%add3A_35, %broadcast_in_dim3A_866] : memref<256x64xf32, #tpu.memory_space<vmem>>[vector<16xi32>, vector<16xi32>], vector<16xf32>,
      %get3A_869 = arith.constant 55 : i32
      %get3A_870 = arith.index_cast %get3A_869 : i32 to index
      %get3A_871 = arith.constant 0 : index
      %get3A_872 = tpu.vector_load %arg12[%get3A_870, %get3A_871] {strides = array<i32>} : memref<64x16xf32, #tpu.memory_space<vmem>>, vector<16xf32>,
      %mul3A_873 = arith.mulf %gather3A_867, %gather3A_867 : vector<16xf32>
      %add3A_874 = arith.addf %add3A_859, %mul3A_873 : vector<16xf32>
      %mul3A_875 = arith.mulf %gather3A_868, %gather3A_868 : vector<16xf32>
      %add3A_876 = arith.addf %add3A_861, %mul3A_875 : vector<16xf32>
      %mul3A_877 = arith.mulf %gather3A_867, %gather3A_868 : vector<16xf32>
      %mul3A_878 = arith.mulf %mul3A_877, %get3A_872 : vector<16xf32>
      %add3A_879 = arith.addf %add3A_864, %mul3A_878 : vector<16xf32>
      %broadcast_in_dim3A_880 = arith.constant 56 : i32
      %broadcast_in_dim3A_881 = vector.broadcast %broadcast_in_dim3A_880 : i32 to vector<16xi32>
      %gather3A_882 = tpu.vector_load_idx %arg14[%add3A_35, %broadcast_in_dim3A_881] : memref<256x64xf32, #tpu.memory_space<vmem>>[vector<16xi32>, vector<16xi32>], vector<16xf32>,
      %gather3A_883 = tpu.vector_load_idx %arg15[%add3A_35, %broadcast_in_dim3A_881] : memref<256x64xf32, #tpu.memory_space<vmem>>[vector<16xi32>, vector<16xi32>], vector<16xf32>,
      %get3A_884 = arith.constant 56 : i32
      %get3A_885 = arith.index_cast %get3A_884 : i32 to index
      %get3A_886 = arith.constant 0 : index
      %get3A_887 = tpu.vector_load %arg12[%get3A_885, %get3A_886] {strides = array<i32>} : memref<64x16xf32, #tpu.memory_space<vmem>>, vector<16xf32>,
      %mul3A_888 = arith.mulf %gather3A_882, %gather3A_882 : vector<16xf32>
      %add3A_889 = arith.addf %add3A_874, %mul3A_888 : vector<16xf32>
      %mul3A_890 = arith.mulf %gather3A_883, %gather3A_883 : vector<16xf32>
      %add3A_891 = arith.addf %add3A_876, %mul3A_890 : vector<16xf32>
      %mul3A_892 = arith.mulf %gather3A_882, %gather3A_883 : vector<16xf32>
      %mul3A_893 = arith.mulf %mul3A_892, %get3A_887 : vector<16xf32>
      %add3A_894 = arith.addf %add3A_879, %mul3A_893 : vector<16xf32>
      %broadcast_in_dim3A_895 = arith.constant 57 : i32
      %broadcast_in_dim3A_896 = vector.broadcast %broadcast_in_dim3A_895 : i32 to vector<16xi32>
      %gather3A_897 = tpu.vector_load_idx %arg14[%add3A_35, %broadcast_in_dim3A_896] : memref<256x64xf32, #tpu.memory_space<vmem>>[vector<16xi32>, vector<16xi32>], vector<16xf32>,
      %gather3A_898 = tpu.vector_load_idx %arg15[%add3A_35, %broadcast_in_dim3A_896] : memref<256x64xf32, #tpu.memory_space<vmem>>[vector<16xi32>, vector<16xi32>], vector<16xf32>,
      %get3A_899 = arith.constant 57 : i32
      %get3A_900 = arith.index_cast %get3A_899 : i32 to index
      %get3A_901 = arith.constant 0 : index
      %get3A_902 = tpu.vector_load %arg12[%get3A_900, %get3A_901] {strides = array<i32>} : memref<64x16xf32, #tpu.memory_space<vmem>>, vector<16xf32>,
      %mul3A_903 = arith.mulf %gather3A_897, %gather3A_897 : vector<16xf32>
      %add3A_904 = arith.addf %add3A_889, %mul3A_903 : vector<16xf32>
      %mul3A_905 = arith.mulf %gather3A_898, %gather3A_898 : vector<16xf32>
      %add3A_906 = arith.addf %add3A_891, %mul3A_905 : vector<16xf32>
      %mul3A_907 = arith.mulf %gather3A_897, %gather3A_898 : vector<16xf32>
      %mul3A_908 = arith.mulf %mul3A_907, %get3A_902 : vector<16xf32>
      %add3A_909 = arith.addf %add3A_894, %mul3A_908 : vector<16xf32>
      %broadcast_in_dim3A_910 = arith.constant 58 : i32
      %broadcast_in_dim3A_911 = vector.broadcast %broadcast_in_dim3A_910 : i32 to vector<16xi32>
      %gather3A_912 = tpu.vector_load_idx %arg14[%add3A_35, %broadcast_in_dim3A_911] : memref<256x64xf32, #tpu.memory_space<vmem>>[vector<16xi32>, vector<16xi32>], vector<16xf32>,
      %gather3A_913 = tpu.vector_load_idx %arg15[%add3A_35, %broadcast_in_dim3A_911] : memref<256x64xf32, #tpu.memory_space<vmem>>[vector<16xi32>, vector<16xi32>], vector<16xf32>,
      %get3A_914 = arith.constant 58 : i32
      %get3A_915 = arith.index_cast %get3A_914 : i32 to index
      %get3A_916 = arith.constant 0 : index
      %get3A_917 = tpu.vector_load %arg12[%get3A_915, %get3A_916] {strides = array<i32>} : memref<64x16xf32, #tpu.memory_space<vmem>>, vector<16xf32>,
      %mul3A_918 = arith.mulf %gather3A_912, %gather3A_912 : vector<16xf32>
      %add3A_919 = arith.addf %add3A_904, %mul3A_918 : vector<16xf32>
      %mul3A_920 = arith.mulf %gather3A_913, %gather3A_913 : vector<16xf32>
      %add3A_921 = arith.addf %add3A_906, %mul3A_920 : vector<16xf32>
      %mul3A_922 = arith.mulf %gather3A_912, %gather3A_913 : vector<16xf32>
      %mul3A_923 = arith.mulf %mul3A_922, %get3A_917 : vector<16xf32>
      %add3A_924 = arith.addf %add3A_909, %mul3A_923 : vector<16xf32>
      %broadcast_in_dim3A_925 = arith.constant 59 : i32
      %broadcast_in_dim3A_926 = vector.broadcast %broadcast_in_dim3A_925 : i32 to vector<16xi32>
      %gather3A_927 = tpu.vector_load_idx %arg14[%add3A_35, %broadcast_in_dim3A_926] : memref<256x64xf32, #tpu.memory_space<vmem>>[vector<16xi32>, vector<16xi32>], vector<16xf32>,
      %gather3A_928 = tpu.vector_load_idx %arg15[%add3A_35, %broadcast_in_dim3A_926] : memref<256x64xf32, #tpu.memory_space<vmem>>[vector<16xi32>, vector<16xi32>], vector<16xf32>,
      %get3A_929 = arith.constant 59 : i32
      %get3A_930 = arith.index_cast %get3A_929 : i32 to index
      %get3A_931 = arith.constant 0 : index
      %get3A_932 = tpu.vector_load %arg12[%get3A_930, %get3A_931] {strides = array<i32>} : memref<64x16xf32, #tpu.memory_space<vmem>>, vector<16xf32>,
      %mul3A_933 = arith.mulf %gather3A_927, %gather3A_927 : vector<16xf32>
      %add3A_934 = arith.addf %add3A_919, %mul3A_933 : vector<16xf32>
      %mul3A_935 = arith.mulf %gather3A_928, %gather3A_928 : vector<16xf32>
      %add3A_936 = arith.addf %add3A_921, %mul3A_935 : vector<16xf32>
      %mul3A_937 = arith.mulf %gather3A_927, %gather3A_928 : vector<16xf32>
      %mul3A_938 = arith.mulf %mul3A_937, %get3A_932 : vector<16xf32>
      %add3A_939 = arith.addf %add3A_924, %mul3A_938 : vector<16xf32>
      %broadcast_in_dim3A_940 = arith.constant 60 : i32
      %broadcast_in_dim3A_941 = vector.broadcast %broadcast_in_dim3A_940 : i32 to vector<16xi32>
      %gather3A_942 = tpu.vector_load_idx %arg14[%add3A_35, %broadcast_in_dim3A_941] : memref<256x64xf32, #tpu.memory_space<vmem>>[vector<16xi32>, vector<16xi32>], vector<16xf32>,
      %gather3A_943 = tpu.vector_load_idx %arg15[%add3A_35, %broadcast_in_dim3A_941] : memref<256x64xf32, #tpu.memory_space<vmem>>[vector<16xi32>, vector<16xi32>], vector<16xf32>,
      %get3A_944 = arith.constant 60 : i32
      %get3A_945 = arith.index_cast %get3A_944 : i32 to index
      %get3A_946 = arith.constant 0 : index
      %get3A_947 = tpu.vector_load %arg12[%get3A_945, %get3A_946] {strides = array<i32>} : memref<64x16xf32, #tpu.memory_space<vmem>>, vector<16xf32>,
      %mul3A_948 = arith.mulf %gather3A_942, %gather3A_942 : vector<16xf32>
      %add3A_949 = arith.addf %add3A_934, %mul3A_948 : vector<16xf32>
      %mul3A_950 = arith.mulf %gather3A_943, %gather3A_943 : vector<16xf32>
      %add3A_951 = arith.addf %add3A_936, %mul3A_950 : vector<16xf32>
      %mul3A_952 = arith.mulf %gather3A_942, %gather3A_943 : vector<16xf32>
      %mul3A_953 = arith.mulf %mul3A_952, %get3A_947 : vector<16xf32>
      %add3A_954 = arith.addf %add3A_939, %mul3A_953 : vector<16xf32>
      %broadcast_in_dim3A_955 = arith.constant 61 : i32
      %broadcast_in_dim3A_956 = vector.broadcast %broadcast_in_dim3A_955 : i32 to vector<16xi32>
      %gather3A_957 = tpu.vector_load_idx %arg14[%add3A_35, %broadcast_in_dim3A_956] : memref<256x64xf32, #tpu.memory_space<vmem>>[vector<16xi32>, vector<16xi32>], vector<16xf32>,
      %gather3A_958 = tpu.vector_load_idx %arg15[%add3A_35, %broadcast_in_dim3A_956] : memref<256x64xf32, #tpu.memory_space<vmem>>[vector<16xi32>, vector<16xi32>], vector<16xf32>,
      %get3A_959 = arith.constant 61 : i32
      %get3A_960 = arith.index_cast %get3A_959 : i32 to index
      %get3A_961 = arith.constant 0 : index
      %get3A_962 = tpu.vector_load %arg12[%get3A_960, %get3A_961] {strides = array<i32>} : memref<64x16xf32, #tpu.memory_space<vmem>>, vector<16xf32>,
      %mul3A_963 = arith.mulf %gather3A_957, %gather3A_957 : vector<16xf32>
      %add3A_964 = arith.addf %add3A_949, %mul3A_963 : vector<16xf32>
      %mul3A_965 = arith.mulf %gather3A_958, %gather3A_958 : vector<16xf32>
      %add3A_966 = arith.addf %add3A_951, %mul3A_965 : vector<16xf32>
      %mul3A_967 = arith.mulf %gather3A_957, %gather3A_958 : vector<16xf32>
      %mul3A_968 = arith.mulf %mul3A_967, %get3A_962 : vector<16xf32>
      %add3A_969 = arith.addf %add3A_954, %mul3A_968 : vector<16xf32>
      %broadcast_in_dim3A_970 = arith.constant 62 : i32
      %broadcast_in_dim3A_971 = vector.broadcast %broadcast_in_dim3A_970 : i32 to vector<16xi32>
      %gather3A_972 = tpu.vector_load_idx %arg14[%add3A_35, %broadcast_in_dim3A_971] : memref<256x64xf32, #tpu.memory_space<vmem>>[vector<16xi32>, vector<16xi32>], vector<16xf32>,
      %gather3A_973 = tpu.vector_load_idx %arg15[%add3A_35, %broadcast_in_dim3A_971] : memref<256x64xf32, #tpu.memory_space<vmem>>[vector<16xi32>, vector<16xi32>], vector<16xf32>,
      %get3A_974 = arith.constant 62 : i32
      %get3A_975 = arith.index_cast %get3A_974 : i32 to index
      %get3A_976 = arith.constant 0 : index
      %get3A_977 = tpu.vector_load %arg12[%get3A_975, %get3A_976] {strides = array<i32>} : memref<64x16xf32, #tpu.memory_space<vmem>>, vector<16xf32>,
      %mul3A_978 = arith.mulf %gather3A_972, %gather3A_972 : vector<16xf32>
      %add3A_979 = arith.addf %add3A_964, %mul3A_978 : vector<16xf32>
      %mul3A_980 = arith.mulf %gather3A_973, %gather3A_973 : vector<16xf32>
      %add3A_981 = arith.addf %add3A_966, %mul3A_980 : vector<16xf32>
      %mul3A_982 = arith.mulf %gather3A_972, %gather3A_973 : vector<16xf32>
      %mul3A_983 = arith.mulf %mul3A_982, %get3A_977 : vector<16xf32>
      %add3A_984 = arith.addf %add3A_969, %mul3A_983 : vector<16xf32>
      %broadcast_in_dim3A_985 = arith.constant 63 : i32
      %broadcast_in_dim3A_986 = vector.broadcast %broadcast_in_dim3A_985 : i32 to vector<16xi32>
      %gather3A_987 = tpu.vector_load_idx %arg14[%add3A_35, %broadcast_in_dim3A_986] : memref<256x64xf32, #tpu.memory_space<vmem>>[vector<16xi32>, vector<16xi32>], vector<16xf32>,
      %gather3A_988 = tpu.vector_load_idx %arg15[%add3A_35, %broadcast_in_dim3A_986] : memref<256x64xf32, #tpu.memory_space<vmem>>[vector<16xi32>, vector<16xi32>], vector<16xf32>,
      %get3A_989 = arith.constant 63 : i32
      %get3A_990 = arith.index_cast %get3A_989 : i32 to index
      %get3A_991 = arith.constant 0 : index
      %get3A_992 = tpu.vector_load %arg12[%get3A_990, %get3A_991] {strides = array<i32>} : memref<64x16xf32, #tpu.memory_space<vmem>>, vector<16xf32>,
      %mul3A_993 = arith.mulf %gather3A_987, %gather3A_987 : vector<16xf32>
      %add3A_994 = arith.addf %add3A_979, %mul3A_993 : vector<16xf32>
      %mul3A_995 = arith.mulf %gather3A_988, %gather3A_988 : vector<16xf32>
      %add3A_996 = arith.addf %add3A_981, %mul3A_995 : vector<16xf32>
      %mul3A_997 = arith.mulf %gather3A_987, %gather3A_988 : vector<16xf32>
      %mul3A_998 = arith.mulf %mul3A_997, %get3A_992 : vector<16xf32>
      %add3A_999 = arith.addf %add3A_984, %mul3A_998 : vector<16xf32>
      %bitcast_convert_type3A = tpu.bitcast %add3A_994 : vector<16xf32> -> vector<16xi32>
      %shift_right_logical3A = arith.constant 1 : i32
      %shift_right_logical3A_1000 = vector.broadcast %shift_right_logical3A : i32 to vector<16xi32>
      %shift_right_logical3A_1001 = arith.shrui %bitcast_convert_type3A, %shift_right_logical3A_1000 : vector<16xi32>
      %sub3A = arith.constant 1597463007 : i32
      %sub3A_1002 = vector.broadcast %sub3A : i32 to vector<16xi32>
      %sub3A_1003 = arith.subi %sub3A_1002, %shift_right_logical3A_1001 : vector<16xi32>
      %bitcast_convert_type3A_1004 = tpu.bitcast %sub3A_1003 : vector<16xi32> -> vector<16xf32>
      %mul3A_1005 = arith.constant 5.000000e-01 : f32
      %mul3A_1006 = vector.broadcast %mul3A_1005 : f32 to vector<16xf32>
      %mul3A_1007 = arith.mulf %mul3A_1006, %add3A_994 : vector<16xf32>
      %mul3A_1008 = arith.mulf %mul3A_1007, %bitcast_convert_type3A_1004 : vector<16xf32>
      %mul3A_1009 = arith.mulf %mul3A_1008, %bitcast_convert_type3A_1004 : vector<16xf32>
      %sub3A_1010 = arith.constant 1.500000e+00 : f32
      %sub3A_1011 = vector.broadcast %sub3A_1010 : f32 to vector<16xf32>
      %sub3A_1012 = arith.subf %sub3A_1011, %mul3A_1009 : vector<16xf32>
      %mul3A_1013 = arith.mulf %bitcast_convert_type3A_1004, %sub3A_1012 : vector<16xf32>
      %mul3A_1014 = arith.constant 5.000000e-01 : f32
      %mul3A_1015 = vector.broadcast %mul3A_1014 : f32 to vector<16xf32>
      %mul3A_1016 = arith.mulf %mul3A_1015, %add3A_994 : vector<16xf32>
      %mul3A_1017 = arith.mulf %mul3A_1016, %mul3A_1013 : vector<16xf32>
      %mul3A_1018 = arith.mulf %mul3A_1017, %mul3A_1013 : vector<16xf32>
      %sub3A_1019 = arith.constant 1.500000e+00 : f32
      %sub3A_1020 = vector.broadcast %sub3A_1019 : f32 to vector<16xf32>
      %sub3A_1021 = arith.subf %sub3A_1020, %mul3A_1018 : vector<16xf32>
      %mul3A_1022 = arith.mulf %mul3A_1013, %sub3A_1021 : vector<16xf32>
      %mul3A_1023 = arith.constant 5.000000e-01 : f32
      %mul3A_1024 = vector.broadcast %mul3A_1023 : f32 to vector<16xf32>
      %mul3A_1025 = arith.mulf %mul3A_1024, %add3A_994 : vector<16xf32>
      %mul3A_1026 = arith.mulf %mul3A_1025, %mul3A_1022 : vector<16xf32>
      %mul3A_1027 = arith.mulf %mul3A_1026, %mul3A_1022 : vector<16xf32>
      %sub3A_1028 = arith.constant 1.500000e+00 : f32
      %sub3A_1029 = vector.broadcast %sub3A_1028 : f32 to vector<16xf32>
      %sub3A_1030 = arith.subf %sub3A_1029, %mul3A_1027 : vector<16xf32>
      %mul3A_1031 = arith.mulf %mul3A_1022, %sub3A_1030 : vector<16xf32>
      %mul3A_1032 = arith.mulf %add3A_994, %mul3A_1031 : vector<16xf32>
      %bitcast_convert_type3A_1033 = tpu.bitcast %add3A_996 : vector<16xf32> -> vector<16xi32>
      %shift_right_logical3A_1034 = arith.constant 1 : i32
      %shift_right_logical3A_1035 = vector.broadcast %shift_right_logical3A_1034 : i32 to vector<16xi32>
      %shift_right_logical3A_1036 = arith.shrui %bitcast_convert_type3A_1033, %shift_right_logical3A_1035 : vector<16xi32>
      %sub3A_1037 = arith.constant 1597463007 : i32
      %sub3A_1038 = vector.broadcast %sub3A_1037 : i32 to vector<16xi32>
      %sub3A_1039 = arith.subi %sub3A_1038, %shift_right_logical3A_1036 : vector<16xi32>
      %bitcast_convert_type3A_1040 = tpu.bitcast %sub3A_1039 : vector<16xi32> -> vector<16xf32>
      %mul3A_1041 = arith.constant 5.000000e-01 : f32
      %mul3A_1042 = vector.broadcast %mul3A_1041 : f32 to vector<16xf32>
      %mul3A_1043 = arith.mulf %mul3A_1042, %add3A_996 : vector<16xf32>
      %mul3A_1044 = arith.mulf %mul3A_1043, %bitcast_convert_type3A_1040 : vector<16xf32>
      %mul3A_1045 = arith.mulf %mul3A_1044, %bitcast_convert_type3A_1040 : vector<16xf32>
      %sub3A_1046 = arith.constant 1.500000e+00 : f32
      %sub3A_1047 = vector.broadcast %sub3A_1046 : f32 to vector<16xf32>
      %sub3A_1048 = arith.subf %sub3A_1047, %mul3A_1045 : vector<16xf32>
      %mul3A_1049 = arith.mulf %bitcast_convert_type3A_1040, %sub3A_1048 : vector<16xf32>
      %mul3A_1050 = arith.constant 5.000000e-01 : f32
      %mul3A_1051 = vector.broadcast %mul3A_1050 : f32 to vector<16xf32>
      %mul3A_1052 = arith.mulf %mul3A_1051, %add3A_996 : vector<16xf32>
      %mul3A_1053 = arith.mulf %mul3A_1052, %mul3A_1049 : vector<16xf32>
      %mul3A_1054 = arith.mulf %mul3A_1053, %mul3A_1049 : vector<16xf32>
      %sub3A_1055 = arith.constant 1.500000e+00 : f32
      %sub3A_1056 = vector.broadcast %sub3A_1055 : f32 to vector<16xf32>
      %sub3A_1057 = arith.subf %sub3A_1056, %mul3A_1054 : vector<16xf32>
      %mul3A_1058 = arith.mulf %mul3A_1049, %sub3A_1057 : vector<16xf32>
      %mul3A_1059 = arith.constant 5.000000e-01 : f32
      %mul3A_1060 = vector.broadcast %mul3A_1059 : f32 to vector<16xf32>
      %mul3A_1061 = arith.mulf %mul3A_1060, %add3A_996 : vector<16xf32>
      %mul3A_1062 = arith.mulf %mul3A_1061, %mul3A_1058 : vector<16xf32>
      %mul3A_1063 = arith.mulf %mul3A_1062, %mul3A_1058 : vector<16xf32>
      %sub3A_1064 = arith.constant 1.500000e+00 : f32
      %sub3A_1065 = vector.broadcast %sub3A_1064 : f32 to vector<16xf32>
      %sub3A_1066 = arith.subf %sub3A_1065, %mul3A_1063 : vector<16xf32>
      %mul3A_1067 = arith.mulf %mul3A_1058, %sub3A_1066 : vector<16xf32>
      %mul3A_1068 = arith.mulf %add3A_996, %mul3A_1067 : vector<16xf32>
      %gt3A = arith.constant 1.000000e+00 : f32
      %gt3A_1069 = vector.broadcast %gt3A : f32 to vector<16xf32>
      %gt3A_1070 = arith.cmpf ogt, %mul3A_1032, %gt3A_1069 : vector<16xf32>
      %add3A_1071 = arith.constant 1.000000e-07 : f32
      %add3A_1072 = vector.broadcast %add3A_1071 : f32 to vector<16xf32>
      %add3A_1073 = arith.addf %mul3A_1032, %add3A_1072 : vector<16xf32>
      %div3A = arith.constant 1.000000e+00 : f32
      %div3A_1074 = vector.broadcast %div3A : f32 to vector<16xf32>
      %div3A_1075 = arith.divf %div3A_1074, %add3A_1073 : vector<16xf32>
      %jit3A = arith.constant 1.000000e+00 : f32
      %broadcast_in_dim3A_1076 = vector.broadcast %jit3A : f32 to vector<16xf32>
      %select_n3A = arith.select %gt3A_1070, %div3A_1075, %broadcast_in_dim3A_1076 : vector<16xi1>, vector<16xf32>
      %gt3A_1077 = arith.constant 1.000000e+00 : f32
      %gt3A_1078 = vector.broadcast %gt3A_1077 : f32 to vector<16xf32>
      %gt3A_1079 = arith.cmpf ogt, %mul3A_1068, %gt3A_1078 : vector<16xf32>
      %add3A_1080 = arith.constant 1.000000e-07 : f32
      %add3A_1081 = vector.broadcast %add3A_1080 : f32 to vector<16xf32>
      %add3A_1082 = arith.addf %mul3A_1068, %add3A_1081 : vector<16xf32>
      %div3A_1083 = arith.constant 1.000000e+00 : f32
      %div3A_1084 = vector.broadcast %div3A_1083 : f32 to vector<16xf32>
      %div3A_1085 = arith.divf %div3A_1084, %add3A_1082 : vector<16xf32>
      %jit3A_1086 = arith.constant 1.000000e+00 : f32
      %broadcast_in_dim3A_1087 = vector.broadcast %jit3A_1086 : f32 to vector<16xf32>
      %select_n3A_1088 = arith.select %gt3A_1079, %div3A_1085, %broadcast_in_dim3A_1087 : vector<16xi1>, vector<16xf32>
      %mul3A_1089 = arith.mulf %add3A_999, %select_n3A : vector<16xf32>
      %mul3A_1090 = arith.mulf %mul3A_1089, %select_n3A_1088 : vector<16xf32>
      %add3A_1091 = arith.addf %mul3A_1090, %get3A_5 : vector<16xf32>
      %neg3A = arith.constant 0.000000e+00 : f32
      %neg3A_1092 = vector.broadcast %neg3A : f32 to vector<16xf32>
      %neg3A_1093 = arith.subf %neg3A_1092, %add3A_1091 : vector<16xf32>
      %exp3A = math.exp %neg3A_1093 : vector<16xf32>
      %add3A_1094 = arith.constant 1.000000e+00 : f32
      %add3A_1095 = vector.broadcast %add3A_1094 : f32 to vector<16xf32>
      %add3A_1096 = arith.addf %add3A_1095, %exp3A : vector<16xf32>
      %div3A_1097 = arith.constant 1.000000e+00 : f32
      %div3A_1098 = vector.broadcast %div3A_1097 : f32 to vector<16xf32>
      %div3A_1099 = arith.divf %div3A_1098, %add3A_1096 : vector<16xf32>
      %mul3A_1100 = arith.constant 16 : i32
      %mul3A_1101 = arith.muli %scan3A_31, %mul3A_1100 : i32
      %add3A_1102 = arith.constant 0 : i32
      %add3A_1103 = arith.addi %add3A_1102, %mul3A_1101 : i32
      %swap3A = arith.index_cast %add3A_1103 : i32 to index
      %swap3A_1104 = tpu.vector_load %arg16[%swap3A] {strides = array<i32>} : memref<512xf32, #tpu.memory_space<vmem>>, vector<16xf32>,
      tpu.vector_store %arg16[%swap3A], %div3A_1099 {strides = array<i32>} : memref<512xf32, #tpu.memory_space<vmem>>, vector<16xf32>,
    }
    %scan3A_16 = arith.constant 16 : i32
    %scan3A_17 = arith.constant 0 : i32
    %scan3A_18 = arith.constant 0 : i32
    %scan3A_19 = arith.constant 16 : i32
    %scan3A_20 = arith.addi %scan3A_18, %scan3A_19 : i32
    %scan3A_21 = arith.constant 1 : i32
    scf.for %scan3A_31 = %scan3A_18 to %scan3A_20 step %scan3A_21  : i32 {
      %mul3A_32 = arith.constant 16 : i32
      %mul3A_33 = arith.muli %scan3A_31, %mul3A_32 : i32
      %add3A_34 = arith.constant 256 : i32
      %add3A_35 = arith.addi %add3A_34, %mul3A_33 : i32
      %get3A_36 = arith.index_cast %add3A_35 : i32 to index
      %get3A_37 = tpu.vector_load %arg10[%get3A_36] {strides = array<i32>} : memref<512xi32, #tpu.memory_space<vmem>>, vector<16xi32>,
      %mul3A_38 = arith.constant 16 : i32
      %mul3A_39 = arith.muli %scan3A_31, %mul3A_38 : i32
      %add3A_40 = arith.constant 256 : i32
      %add3A_41 = arith.addi %add3A_40, %mul3A_39 : i32
      %get3A_42 = arith.index_cast %add3A_41 : i32 to index
      %get3A_43 = tpu.vector_load %arg11[%get3A_42] {strides = array<i32>} : memref<512xi32, #tpu.memory_space<vmem>>, vector<16xi32>,
      %slice3A = vector.extract_strided_slice %get3A_37 {offsets = [0], sizes = [1], strides = [1]} : vector<16xi32> to vector<1xi32>
      %squeeze3A = vector.extract %slice3A[0] : i32 from vector<1xi32>
      %mul3A_44 = arith.constant 16 : i32
      %mul3A_45 = arith.muli %scan3A_31, %mul3A_44 : i32
      %add3A_46 = arith.constant 0 : i32
      %add3A_47 = arith.addi %mul3A_45, %add3A_46 : i32
      %dma_start3A = arith.constant 0 : i32
      %dma_start3A_48 = tpu.memref_slice %arg14[%add3A_47, %dma_start3A] : memref<256x64xf32, #tpu.memory_space<vmem>> -> memref<1x64xf32, #tpu.memory_space<vmem>>
      %dma_start3A_49 = tpu.memref_squeeze %dma_start3A_48 : memref<1x64xf32, #tpu.memory_space<vmem>> -> memref<64xf32, #tpu.memory_space<vmem>>
      %dma_start3A_50 = arith.constant 0 : i32
      %dma_start3A_51 = tpu.memref_slice %arg2[%squeeze3A, %dma_start3A_50] : memref<1000001x64xf32, #tpu.memory_space<hbm>> -> memref<1x64xf32, #tpu.memory_space<hbm>>
      %dma_start3A_52 = tpu.memref_squeeze %dma_start3A_51 : memref<1x64xf32, #tpu.memory_space<hbm>> -> memref<64xf32, #tpu.memory_space<hbm>>
      %dma_start3A_53 = arith.constant 0 : i32
      %dma_start3A_54 = tpu.memref_slice %arg14[%add3A_47, %dma_start3A_53] : memref<256x64xf32, #tpu.memory_space<vmem>> -> memref<1x64xf32, #tpu.memory_space<vmem>>
      %dma_start3A_55 = tpu.memref_squeeze %dma_start3A_54 : memref<1x64xf32, #tpu.memory_space<vmem>> -> memref<64xf32, #tpu.memory_space<vmem>>
      %dma_start3A_56 = arith.constant 0 : i32
      %dma_start3A_57 = tpu.memref_slice %arg2[%squeeze3A, %dma_start3A_56] : memref<1000001x64xf32, #tpu.memory_space<hbm>> -> memref<1x64xf32, #tpu.memory_space<hbm>>
      %dma_start3A_58 = tpu.memref_squeeze %dma_start3A_57 : memref<1x64xf32, #tpu.memory_space<hbm>> -> memref<64xf32, #tpu.memory_space<hbm>>
      tpu.enqueue_dma source(%dma_start3A_58 : memref<64xf32, #tpu.memory_space<hbm>>) target(%dma_start3A_55 : memref<64xf32, #tpu.memory_space<vmem>>) target_semaphore(%arg17 : memref<!tpu.dma_semaphore, #tpu.memory_space<semaphore_mem>>)
      %slice3A_59 = vector.extract_strided_slice %get3A_43 {offsets = [0], sizes = [1], strides = [1]} : vector<16xi32> to vector<1xi32>
      %squeeze3A_60 = vector.extract %slice3A_59[0] : i32 from vector<1xi32>
      %mul3A_61 = arith.constant 16 : i32
      %mul3A_62 = arith.muli %scan3A_31, %mul3A_61 : i32
      %add3A_63 = arith.constant 0 : i32
      %add3A_64 = arith.addi %mul3A_62, %add3A_63 : i32
      %dma_start3A_65 = arith.constant 0 : i32
      %dma_start3A_66 = tpu.memref_slice %arg15[%add3A_64, %dma_start3A_65] : memref<256x64xf32, #tpu.memory_space<vmem>> -> memref<1x64xf32, #tpu.memory_space<vmem>>
      %dma_start3A_67 = tpu.memref_squeeze %dma_start3A_66 : memref<1x64xf32, #tpu.memory_space<vmem>> -> memref<64xf32, #tpu.memory_space<vmem>>
      %dma_start3A_68 = arith.constant 0 : i32
      %dma_start3A_69 = tpu.memref_slice %arg3[%squeeze3A_60, %dma_start3A_68] : memref<1000001x64xf32, #tpu.memory_space<hbm>> -> memref<1x64xf32, #tpu.memory_space<hbm>>
      %dma_start3A_70 = tpu.memref_squeeze %dma_start3A_69 : memref<1x64xf32, #tpu.memory_space<hbm>> -> memref<64xf32, #tpu.memory_space<hbm>>
      %dma_start3A_71 = arith.constant 0 : i32
      %dma_start3A_72 = tpu.memref_slice %arg15[%add3A_64, %dma_start3A_71] : memref<256x64xf32, #tpu.memory_space<vmem>> -> memref<1x64xf32, #tpu.memory_space<vmem>>
      %dma_start3A_73 = tpu.memref_squeeze %dma_start3A_72 : memref<1x64xf32, #tpu.memory_space<vmem>> -> memref<64xf32, #tpu.memory_space<vmem>>
      %dma_start3A_74 = arith.constant 0 : i32
      %dma_start3A_75 = tpu.memref_slice %arg3[%squeeze3A_60, %dma_start3A_74] : memref<1000001x64xf32, #tpu.memory_space<hbm>> -> memref<1x64xf32, #tpu.memory_space<hbm>>
      %dma_start3A_76 = tpu.memref_squeeze %dma_start3A_75 : memref<1x64xf32, #tpu.memory_space<hbm>> -> memref<64xf32, #tpu.memory_space<hbm>>
      tpu.enqueue_dma source(%dma_start3A_76 : memref<64xf32, #tpu.memory_space<hbm>>) target(%dma_start3A_73 : memref<64xf32, #tpu.memory_space<vmem>>) target_semaphore(%arg17 : memref<!tpu.dma_semaphore, #tpu.memory_space<semaphore_mem>>)
      %slice3A_77 = vector.extract_strided_slice %get3A_37 {offsets = [1], sizes = [1], strides = [1]} : vector<16xi32> to vector<1xi32>
      %squeeze3A_78 = vector.extract %slice3A_77[0] : i32 from vector<1xi32>
      %mul3A_79 = arith.constant 16 : i32
      %mul3A_80 = arith.muli %scan3A_31, %mul3A_79 : i32
      %add3A_81 = arith.constant 1 : i32
      %add3A_82 = arith.addi %mul3A_80, %add3A_81 : i32
      %dma_start3A_83 = arith.constant 0 : i32
      %dma_start3A_84 = tpu.memref_slice %arg14[%add3A_82, %dma_start3A_83] : memref<256x64xf32, #tpu.memory_space<vmem>> -> memref<1x64xf32, #tpu.memory_space<vmem>>
      %dma_start3A_85 = tpu.memref_squeeze %dma_start3A_84 : memref<1x64xf32, #tpu.memory_space<vmem>> -> memref<64xf32, #tpu.memory_space<vmem>>
      %dma_start3A_86 = arith.constant 0 : i32
      %dma_start3A_87 = tpu.memref_slice %arg2[%squeeze3A_78, %dma_start3A_86] : memref<1000001x64xf32, #tpu.memory_space<hbm>> -> memref<1x64xf32, #tpu.memory_space<hbm>>
      %dma_start3A_88 = tpu.memref_squeeze %dma_start3A_87 : memref<1x64xf32, #tpu.memory_space<hbm>> -> memref<64xf32, #tpu.memory_space<hbm>>
      %dma_start3A_89 = arith.constant 0 : i32
      %dma_start3A_90 = tpu.memref_slice %arg14[%add3A_82, %dma_start3A_89] : memref<256x64xf32, #tpu.memory_space<vmem>> -> memref<1x64xf32, #tpu.memory_space<vmem>>
      %dma_start3A_91 = tpu.memref_squeeze %dma_start3A_90 : memref<1x64xf32, #tpu.memory_space<vmem>> -> memref<64xf32, #tpu.memory_space<vmem>>
      %dma_start3A_92 = arith.constant 0 : i32
      %dma_start3A_93 = tpu.memref_slice %arg2[%squeeze3A_78, %dma_start3A_92] : memref<1000001x64xf32, #tpu.memory_space<hbm>> -> memref<1x64xf32, #tpu.memory_space<hbm>>
      %dma_start3A_94 = tpu.memref_squeeze %dma_start3A_93 : memref<1x64xf32, #tpu.memory_space<hbm>> -> memref<64xf32, #tpu.memory_space<hbm>>
      tpu.enqueue_dma source(%dma_start3A_94 : memref<64xf32, #tpu.memory_space<hbm>>) target(%dma_start3A_91 : memref<64xf32, #tpu.memory_space<vmem>>) target_semaphore(%arg17 : memref<!tpu.dma_semaphore, #tpu.memory_space<semaphore_mem>>)
      %slice3A_95 = vector.extract_strided_slice %get3A_43 {offsets = [1], sizes = [1], strides = [1]} : vector<16xi32> to vector<1xi32>
      %squeeze3A_96 = vector.extract %slice3A_95[0] : i32 from vector<1xi32>
      %mul3A_97 = arith.constant 16 : i32
      %mul3A_98 = arith.muli %scan3A_31, %mul3A_97 : i32
      %add3A_99 = arith.constant 1 : i32
      %add3A_100 = arith.addi %mul3A_98, %add3A_99 : i32
      %dma_start3A_101 = arith.constant 0 : i32
      %dma_start3A_102 = tpu.memref_slice %arg15[%add3A_100, %dma_start3A_101] : memref<256x64xf32, #tpu.memory_space<vmem>> -> memref<1x64xf32, #tpu.memory_space<vmem>>
      %dma_start3A_103 = tpu.memref_squeeze %dma_start3A_102 : memref<1x64xf32, #tpu.memory_space<vmem>> -> memref<64xf32, #tpu.memory_space<vmem>>
      %dma_start3A_104 = arith.constant 0 : i32
      %dma_start3A_105 = tpu.memref_slice %arg3[%squeeze3A_96, %dma_start3A_104] : memref<1000001x64xf32, #tpu.memory_space<hbm>> -> memref<1x64xf32, #tpu.memory_space<hbm>>
      %dma_start3A_106 = tpu.memref_squeeze %dma_start3A_105 : memref<1x64xf32, #tpu.memory_space<hbm>> -> memref<64xf32, #tpu.memory_space<hbm>>
      %dma_start3A_107 = arith.constant 0 : i32
      %dma_start3A_108 = tpu.memref_slice %arg15[%add3A_100, %dma_start3A_107] : memref<256x64xf32, #tpu.memory_space<vmem>> -> memref<1x64xf32, #tpu.memory_space<vmem>>
      %dma_start3A_109 = tpu.memref_squeeze %dma_start3A_108 : memref<1x64xf32, #tpu.memory_space<vmem>> -> memref<64xf32, #tpu.memory_space<vmem>>
      %dma_start3A_110 = arith.constant 0 : i32
      %dma_start3A_111 = tpu.memref_slice %arg3[%squeeze3A_96, %dma_start3A_110] : memref<1000001x64xf32, #tpu.memory_space<hbm>> -> memref<1x64xf32, #tpu.memory_space<hbm>>
      %dma_start3A_112 = tpu.memref_squeeze %dma_start3A_111 : memref<1x64xf32, #tpu.memory_space<hbm>> -> memref<64xf32, #tpu.memory_space<hbm>>
      tpu.enqueue_dma source(%dma_start3A_112 : memref<64xf32, #tpu.memory_space<hbm>>) target(%dma_start3A_109 : memref<64xf32, #tpu.memory_space<vmem>>) target_semaphore(%arg17 : memref<!tpu.dma_semaphore, #tpu.memory_space<semaphore_mem>>)
      %slice3A_113 = vector.extract_strided_slice %get3A_37 {offsets = [2], sizes = [1], strides = [1]} : vector<16xi32> to vector<1xi32>
      %squeeze3A_114 = vector.extract %slice3A_113[0] : i32 from vector<1xi32>
      %mul3A_115 = arith.constant 16 : i32
      %mul3A_116 = arith.muli %scan3A_31, %mul3A_115 : i32
      %add3A_117 = arith.constant 2 : i32
      %add3A_118 = arith.addi %mul3A_116, %add3A_117 : i32
      %dma_start3A_119 = arith.constant 0 : i32
      %dma_start3A_120 = tpu.memref_slice %arg14[%add3A_118, %dma_start3A_119] : memref<256x64xf32, #tpu.memory_space<vmem>> -> memref<1x64xf32, #tpu.memory_space<vmem>>
      %dma_start3A_121 = tpu.memref_squeeze %dma_start3A_120 : memref<1x64xf32, #tpu.memory_space<vmem>> -> memref<64xf32, #tpu.memory_space<vmem>>
      %dma_start3A_122 = arith.constant 0 : i32
      %dma_start3A_123 = tpu.memref_slice %arg2[%squeeze3A_114, %dma_start3A_122] : memref<1000001x64xf32, #tpu.memory_space<hbm>> -> memref<1x64xf32, #tpu.memory_space<hbm>>
      %dma_start3A_124 = tpu.memref_squeeze %dma_start3A_123 : memref<1x64xf32, #tpu.memory_space<hbm>> -> memref<64xf32, #tpu.memory_space<hbm>>
      %dma_start3A_125 = arith.constant 0 : i32
      %dma_start3A_126 = tpu.memref_slice %arg14[%add3A_118, %dma_start3A_125] : memref<256x64xf32, #tpu.memory_space<vmem>> -> memref<1x64xf32, #tpu.memory_space<vmem>>
      %dma_start3A_127 = tpu.memref_squeeze %dma_start3A_126 : memref<1x64xf32, #tpu.memory_space<vmem>> -> memref<64xf32, #tpu.memory_space<vmem>>
      %dma_start3A_128 = arith.constant 0 : i32
      %dma_start3A_129 = tpu.memref_slice %arg2[%squeeze3A_114, %dma_start3A_128] : memref<1000001x64xf32, #tpu.memory_space<hbm>> -> memref<1x64xf32, #tpu.memory_space<hbm>>
      %dma_start3A_130 = tpu.memref_squeeze %dma_start3A_129 : memref<1x64xf32, #tpu.memory_space<hbm>> -> memref<64xf32, #tpu.memory_space<hbm>>
      tpu.enqueue_dma source(%dma_start3A_130 : memref<64xf32, #tpu.memory_space<hbm>>) target(%dma_start3A_127 : memref<64xf32, #tpu.memory_space<vmem>>) target_semaphore(%arg17 : memref<!tpu.dma_semaphore, #tpu.memory_space<semaphore_mem>>)
      %slice3A_131 = vector.extract_strided_slice %get3A_43 {offsets = [2], sizes = [1], strides = [1]} : vector<16xi32> to vector<1xi32>
      %squeeze3A_132 = vector.extract %slice3A_131[0] : i32 from vector<1xi32>
      %mul3A_133 = arith.constant 16 : i32
      %mul3A_134 = arith.muli %scan3A_31, %mul3A_133 : i32
      %add3A_135 = arith.constant 2 : i32
      %add3A_136 = arith.addi %mul3A_134, %add3A_135 : i32
      %dma_start3A_137 = arith.constant 0 : i32
      %dma_start3A_138 = tpu.memref_slice %arg15[%add3A_136, %dma_start3A_137] : memref<256x64xf32, #tpu.memory_space<vmem>> -> memref<1x64xf32, #tpu.memory_space<vmem>>
      %dma_start3A_139 = tpu.memref_squeeze %dma_start3A_138 : memref<1x64xf32, #tpu.memory_space<vmem>> -> memref<64xf32, #tpu.memory_space<vmem>>
      %dma_start3A_140 = arith.constant 0 : i32
      %dma_start3A_141 = tpu.memref_slice %arg3[%squeeze3A_132, %dma_start3A_140] : memref<1000001x64xf32, #tpu.memory_space<hbm>> -> memref<1x64xf32, #tpu.memory_space<hbm>>
      %dma_start3A_142 = tpu.memref_squeeze %dma_start3A_141 : memref<1x64xf32, #tpu.memory_space<hbm>> -> memref<64xf32, #tpu.memory_space<hbm>>
      %dma_start3A_143 = arith.constant 0 : i32
      %dma_start3A_144 = tpu.memref_slice %arg15[%add3A_136, %dma_start3A_143] : memref<256x64xf32, #tpu.memory_space<vmem>> -> memref<1x64xf32, #tpu.memory_space<vmem>>
      %dma_start3A_145 = tpu.memref_squeeze %dma_start3A_144 : memref<1x64xf32, #tpu.memory_space<vmem>> -> memref<64xf32, #tpu.memory_space<vmem>>
      %dma_start3A_146 = arith.constant 0 : i32
      %dma_start3A_147 = tpu.memref_slice %arg3[%squeeze3A_132, %dma_start3A_146] : memref<1000001x64xf32, #tpu.memory_space<hbm>> -> memref<1x64xf32, #tpu.memory_space<hbm>>
      %dma_start3A_148 = tpu.memref_squeeze %dma_start3A_147 : memref<1x64xf32, #tpu.memory_space<hbm>> -> memref<64xf32, #tpu.memory_space<hbm>>
      tpu.enqueue_dma source(%dma_start3A_148 : memref<64xf32, #tpu.memory_space<hbm>>) target(%dma_start3A_145 : memref<64xf32, #tpu.memory_space<vmem>>) target_semaphore(%arg17 : memref<!tpu.dma_semaphore, #tpu.memory_space<semaphore_mem>>)
      %slice3A_149 = vector.extract_strided_slice %get3A_37 {offsets = [3], sizes = [1], strides = [1]} : vector<16xi32> to vector<1xi32>
      %squeeze3A_150 = vector.extract %slice3A_149[0] : i32 from vector<1xi32>
      %mul3A_151 = arith.constant 16 : i32
      %mul3A_152 = arith.muli %scan3A_31, %mul3A_151 : i32
      %add3A_153 = arith.constant 3 : i32
      %add3A_154 = arith.addi %mul3A_152, %add3A_153 : i32
      %dma_start3A_155 = arith.constant 0 : i32
      %dma_start3A_156 = tpu.memref_slice %arg14[%add3A_154, %dma_start3A_155] : memref<256x64xf32, #tpu.memory_space<vmem>> -> memref<1x64xf32, #tpu.memory_space<vmem>>
      %dma_start3A_157 = tpu.memref_squeeze %dma_start3A_156 : memref<1x64xf32, #tpu.memory_space<vmem>> -> memref<64xf32, #tpu.memory_space<vmem>>
      %dma_start3A_158 = arith.constant 0 : i32
      %dma_start3A_159 = tpu.memref_slice %arg2[%squeeze3A_150, %dma_start3A_158] : memref<1000001x64xf32, #tpu.memory_space<hbm>> -> memref<1x64xf32, #tpu.memory_space<hbm>>
      %dma_start3A_160 = tpu.memref_squeeze %dma_start3A_159 : memref<1x64xf32, #tpu.memory_space<hbm>> -> memref<64xf32, #tpu.memory_space<hbm>>
      %dma_start3A_161 = arith.constant 0 : i32
      %dma_start3A_162 = tpu.memref_slice %arg14[%add3A_154, %dma_start3A_161] : memref<256x64xf32, #tpu.memory_space<vmem>> -> memref<1x64xf32, #tpu.memory_space<vmem>>
      %dma_start3A_163 = tpu.memref_squeeze %dma_start3A_162 : memref<1x64xf32, #tpu.memory_space<vmem>> -> memref<64xf32, #tpu.memory_space<vmem>>
      %dma_start3A_164 = arith.constant 0 : i32
      %dma_start3A_165 = tpu.memref_slice %arg2[%squeeze3A_150, %dma_start3A_164] : memref<1000001x64xf32, #tpu.memory_space<hbm>> -> memref<1x64xf32, #tpu.memory_space<hbm>>
      %dma_start3A_166 = tpu.memref_squeeze %dma_start3A_165 : memref<1x64xf32, #tpu.memory_space<hbm>> -> memref<64xf32, #tpu.memory_space<hbm>>
      tpu.enqueue_dma source(%dma_start3A_166 : memref<64xf32, #tpu.memory_space<hbm>>) target(%dma_start3A_163 : memref<64xf32, #tpu.memory_space<vmem>>) target_semaphore(%arg17 : memref<!tpu.dma_semaphore, #tpu.memory_space<semaphore_mem>>)
      %slice3A_167 = vector.extract_strided_slice %get3A_43 {offsets = [3], sizes = [1], strides = [1]} : vector<16xi32> to vector<1xi32>
      %squeeze3A_168 = vector.extract %slice3A_167[0] : i32 from vector<1xi32>
      %mul3A_169 = arith.constant 16 : i32
      %mul3A_170 = arith.muli %scan3A_31, %mul3A_169 : i32
      %add3A_171 = arith.constant 3 : i32
      %add3A_172 = arith.addi %mul3A_170, %add3A_171 : i32
      %dma_start3A_173 = arith.constant 0 : i32
      %dma_start3A_174 = tpu.memref_slice %arg15[%add3A_172, %dma_start3A_173] : memref<256x64xf32, #tpu.memory_space<vmem>> -> memref<1x64xf32, #tpu.memory_space<vmem>>
      %dma_start3A_175 = tpu.memref_squeeze %dma_start3A_174 : memref<1x64xf32, #tpu.memory_space<vmem>> -> memref<64xf32, #tpu.memory_space<vmem>>
      %dma_start3A_176 = arith.constant 0 : i32
      %dma_start3A_177 = tpu.memref_slice %arg3[%squeeze3A_168, %dma_start3A_176] : memref<1000001x64xf32, #tpu.memory_space<hbm>> -> memref<1x64xf32, #tpu.memory_space<hbm>>
      %dma_start3A_178 = tpu.memref_squeeze %dma_start3A_177 : memref<1x64xf32, #tpu.memory_space<hbm>> -> memref<64xf32, #tpu.memory_space<hbm>>
      %dma_start3A_179 = arith.constant 0 : i32
      %dma_start3A_180 = tpu.memref_slice %arg15[%add3A_172, %dma_start3A_179] : memref<256x64xf32, #tpu.memory_space<vmem>> -> memref<1x64xf32, #tpu.memory_space<vmem>>
      %dma_start3A_181 = tpu.memref_squeeze %dma_start3A_180 : memref<1x64xf32, #tpu.memory_space<vmem>> -> memref<64xf32, #tpu.memory_space<vmem>>
      %dma_start3A_182 = arith.constant 0 : i32
      %dma_start3A_183 = tpu.memref_slice %arg3[%squeeze3A_168, %dma_start3A_182] : memref<1000001x64xf32, #tpu.memory_space<hbm>> -> memref<1x64xf32, #tpu.memory_space<hbm>>
      %dma_start3A_184 = tpu.memref_squeeze %dma_start3A_183 : memref<1x64xf32, #tpu.memory_space<hbm>> -> memref<64xf32, #tpu.memory_space<hbm>>
      tpu.enqueue_dma source(%dma_start3A_184 : memref<64xf32, #tpu.memory_space<hbm>>) target(%dma_start3A_181 : memref<64xf32, #tpu.memory_space<vmem>>) target_semaphore(%arg17 : memref<!tpu.dma_semaphore, #tpu.memory_space<semaphore_mem>>)
      %slice3A_185 = vector.extract_strided_slice %get3A_37 {offsets = [4], sizes = [1], strides = [1]} : vector<16xi32> to vector<1xi32>
      %squeeze3A_186 = vector.extract %slice3A_185[0] : i32 from vector<1xi32>
      %mul3A_187 = arith.constant 16 : i32
      %mul3A_188 = arith.muli %scan3A_31, %mul3A_187 : i32
      %add3A_189 = arith.constant 4 : i32
      %add3A_190 = arith.addi %mul3A_188, %add3A_189 : i32
      %dma_start3A_191 = arith.constant 0 : i32
      %dma_start3A_192 = tpu.memref_slice %arg14[%add3A_190, %dma_start3A_191] : memref<256x64xf32, #tpu.memory_space<vmem>> -> memref<1x64xf32, #tpu.memory_space<vmem>>
      %dma_start3A_193 = tpu.memref_squeeze %dma_start3A_192 : memref<1x64xf32, #tpu.memory_space<vmem>> -> memref<64xf32, #tpu.memory_space<vmem>>
      %dma_start3A_194 = arith.constant 0 : i32
      %dma_start3A_195 = tpu.memref_slice %arg2[%squeeze3A_186, %dma_start3A_194] : memref<1000001x64xf32, #tpu.memory_space<hbm>> -> memref<1x64xf32, #tpu.memory_space<hbm>>
      %dma_start3A_196 = tpu.memref_squeeze %dma_start3A_195 : memref<1x64xf32, #tpu.memory_space<hbm>> -> memref<64xf32, #tpu.memory_space<hbm>>
      %dma_start3A_197 = arith.constant 0 : i32
      %dma_start3A_198 = tpu.memref_slice %arg14[%add3A_190, %dma_start3A_197] : memref<256x64xf32, #tpu.memory_space<vmem>> -> memref<1x64xf32, #tpu.memory_space<vmem>>
      %dma_start3A_199 = tpu.memref_squeeze %dma_start3A_198 : memref<1x64xf32, #tpu.memory_space<vmem>> -> memref<64xf32, #tpu.memory_space<vmem>>
      %dma_start3A_200 = arith.constant 0 : i32
      %dma_start3A_201 = tpu.memref_slice %arg2[%squeeze3A_186, %dma_start3A_200] : memref<1000001x64xf32, #tpu.memory_space<hbm>> -> memref<1x64xf32, #tpu.memory_space<hbm>>
      %dma_start3A_202 = tpu.memref_squeeze %dma_start3A_201 : memref<1x64xf32, #tpu.memory_space<hbm>> -> memref<64xf32, #tpu.memory_space<hbm>>
      tpu.enqueue_dma source(%dma_start3A_202 : memref<64xf32, #tpu.memory_space<hbm>>) target(%dma_start3A_199 : memref<64xf32, #tpu.memory_space<vmem>>) target_semaphore(%arg17 : memref<!tpu.dma_semaphore, #tpu.memory_space<semaphore_mem>>)
      %slice3A_203 = vector.extract_strided_slice %get3A_43 {offsets = [4], sizes = [1], strides = [1]} : vector<16xi32> to vector<1xi32>
      %squeeze3A_204 = vector.extract %slice3A_203[0] : i32 from vector<1xi32>
      %mul3A_205 = arith.constant 16 : i32
      %mul3A_206 = arith.muli %scan3A_31, %mul3A_205 : i32
      %add3A_207 = arith.constant 4 : i32
      %add3A_208 = arith.addi %mul3A_206, %add3A_207 : i32
      %dma_start3A_209 = arith.constant 0 : i32
      %dma_start3A_210 = tpu.memref_slice %arg15[%add3A_208, %dma_start3A_209] : memref<256x64xf32, #tpu.memory_space<vmem>> -> memref<1x64xf32, #tpu.memory_space<vmem>>
      %dma_start3A_211 = tpu.memref_squeeze %dma_start3A_210 : memref<1x64xf32, #tpu.memory_space<vmem>> -> memref<64xf32, #tpu.memory_space<vmem>>
      %dma_start3A_212 = arith.constant 0 : i32
      %dma_start3A_213 = tpu.memref_slice %arg3[%squeeze3A_204, %dma_start3A_212] : memref<1000001x64xf32, #tpu.memory_space<hbm>> -> memref<1x64xf32, #tpu.memory_space<hbm>>
      %dma_start3A_214 = tpu.memref_squeeze %dma_start3A_213 : memref<1x64xf32, #tpu.memory_space<hbm>> -> memref<64xf32, #tpu.memory_space<hbm>>
      %dma_start3A_215 = arith.constant 0 : i32
      %dma_start3A_216 = tpu.memref_slice %arg15[%add3A_208, %dma_start3A_215] : memref<256x64xf32, #tpu.memory_space<vmem>> -> memref<1x64xf32, #tpu.memory_space<vmem>>
      %dma_start3A_217 = tpu.memref_squeeze %dma_start3A_216 : memref<1x64xf32, #tpu.memory_space<vmem>> -> memref<64xf32, #tpu.memory_space<vmem>>
      %dma_start3A_218 = arith.constant 0 : i32
      %dma_start3A_219 = tpu.memref_slice %arg3[%squeeze3A_204, %dma_start3A_218] : memref<1000001x64xf32, #tpu.memory_space<hbm>> -> memref<1x64xf32, #tpu.memory_space<hbm>>
      %dma_start3A_220 = tpu.memref_squeeze %dma_start3A_219 : memref<1x64xf32, #tpu.memory_space<hbm>> -> memref<64xf32, #tpu.memory_space<hbm>>
      tpu.enqueue_dma source(%dma_start3A_220 : memref<64xf32, #tpu.memory_space<hbm>>) target(%dma_start3A_217 : memref<64xf32, #tpu.memory_space<vmem>>) target_semaphore(%arg17 : memref<!tpu.dma_semaphore, #tpu.memory_space<semaphore_mem>>)
      %slice3A_221 = vector.extract_strided_slice %get3A_37 {offsets = [5], sizes = [1], strides = [1]} : vector<16xi32> to vector<1xi32>
      %squeeze3A_222 = vector.extract %slice3A_221[0] : i32 from vector<1xi32>
      %mul3A_223 = arith.constant 16 : i32
      %mul3A_224 = arith.muli %scan3A_31, %mul3A_223 : i32
      %add3A_225 = arith.constant 5 : i32
      %add3A_226 = arith.addi %mul3A_224, %add3A_225 : i32
      %dma_start3A_227 = arith.constant 0 : i32
      %dma_start3A_228 = tpu.memref_slice %arg14[%add3A_226, %dma_start3A_227] : memref<256x64xf32, #tpu.memory_space<vmem>> -> memref<1x64xf32, #tpu.memory_space<vmem>>
      %dma_start3A_229 = tpu.memref_squeeze %dma_start3A_228 : memref<1x64xf32, #tpu.memory_space<vmem>> -> memref<64xf32, #tpu.memory_space<vmem>>
      %dma_start3A_230 = arith.constant 0 : i32
      %dma_start3A_231 = tpu.memref_slice %arg2[%squeeze3A_222, %dma_start3A_230] : memref<1000001x64xf32, #tpu.memory_space<hbm>> -> memref<1x64xf32, #tpu.memory_space<hbm>>
      %dma_start3A_232 = tpu.memref_squeeze %dma_start3A_231 : memref<1x64xf32, #tpu.memory_space<hbm>> -> memref<64xf32, #tpu.memory_space<hbm>>
      %dma_start3A_233 = arith.constant 0 : i32
      %dma_start3A_234 = tpu.memref_slice %arg14[%add3A_226, %dma_start3A_233] : memref<256x64xf32, #tpu.memory_space<vmem>> -> memref<1x64xf32, #tpu.memory_space<vmem>>
      %dma_start3A_235 = tpu.memref_squeeze %dma_start3A_234 : memref<1x64xf32, #tpu.memory_space<vmem>> -> memref<64xf32, #tpu.memory_space<vmem>>
      %dma_start3A_236 = arith.constant 0 : i32
      %dma_start3A_237 = tpu.memref_slice %arg2[%squeeze3A_222, %dma_start3A_236] : memref<1000001x64xf32, #tpu.memory_space<hbm>> -> memref<1x64xf32, #tpu.memory_space<hbm>>
      %dma_start3A_238 = tpu.memref_squeeze %dma_start3A_237 : memref<1x64xf32, #tpu.memory_space<hbm>> -> memref<64xf32, #tpu.memory_space<hbm>>
      tpu.enqueue_dma source(%dma_start3A_238 : memref<64xf32, #tpu.memory_space<hbm>>) target(%dma_start3A_235 : memref<64xf32, #tpu.memory_space<vmem>>) target_semaphore(%arg17 : memref<!tpu.dma_semaphore, #tpu.memory_space<semaphore_mem>>)
      %slice3A_239 = vector.extract_strided_slice %get3A_43 {offsets = [5], sizes = [1], strides = [1]} : vector<16xi32> to vector<1xi32>
      %squeeze3A_240 = vector.extract %slice3A_239[0] : i32 from vector<1xi32>
      %mul3A_241 = arith.constant 16 : i32
      %mul3A_242 = arith.muli %scan3A_31, %mul3A_241 : i32
      %add3A_243 = arith.constant 5 : i32
      %add3A_244 = arith.addi %mul3A_242, %add3A_243 : i32
      %dma_start3A_245 = arith.constant 0 : i32
      %dma_start3A_246 = tpu.memref_slice %arg15[%add3A_244, %dma_start3A_245] : memref<256x64xf32, #tpu.memory_space<vmem>> -> memref<1x64xf32, #tpu.memory_space<vmem>>
      %dma_start3A_247 = tpu.memref_squeeze %dma_start3A_246 : memref<1x64xf32, #tpu.memory_space<vmem>> -> memref<64xf32, #tpu.memory_space<vmem>>
      %dma_start3A_248 = arith.constant 0 : i32
      %dma_start3A_249 = tpu.memref_slice %arg3[%squeeze3A_240, %dma_start3A_248] : memref<1000001x64xf32, #tpu.memory_space<hbm>> -> memref<1x64xf32, #tpu.memory_space<hbm>>
      %dma_start3A_250 = tpu.memref_squeeze %dma_start3A_249 : memref<1x64xf32, #tpu.memory_space<hbm>> -> memref<64xf32, #tpu.memory_space<hbm>>
      %dma_start3A_251 = arith.constant 0 : i32
      %dma_start3A_252 = tpu.memref_slice %arg15[%add3A_244, %dma_start3A_251] : memref<256x64xf32, #tpu.memory_space<vmem>> -> memref<1x64xf32, #tpu.memory_space<vmem>>
      %dma_start3A_253 = tpu.memref_squeeze %dma_start3A_252 : memref<1x64xf32, #tpu.memory_space<vmem>> -> memref<64xf32, #tpu.memory_space<vmem>>
      %dma_start3A_254 = arith.constant 0 : i32
      %dma_start3A_255 = tpu.memref_slice %arg3[%squeeze3A_240, %dma_start3A_254] : memref<1000001x64xf32, #tpu.memory_space<hbm>> -> memref<1x64xf32, #tpu.memory_space<hbm>>
      %dma_start3A_256 = tpu.memref_squeeze %dma_start3A_255 : memref<1x64xf32, #tpu.memory_space<hbm>> -> memref<64xf32, #tpu.memory_space<hbm>>
      tpu.enqueue_dma source(%dma_start3A_256 : memref<64xf32, #tpu.memory_space<hbm>>) target(%dma_start3A_253 : memref<64xf32, #tpu.memory_space<vmem>>) target_semaphore(%arg17 : memref<!tpu.dma_semaphore, #tpu.memory_space<semaphore_mem>>)
      %slice3A_257 = vector.extract_strided_slice %get3A_37 {offsets = [6], sizes = [1], strides = [1]} : vector<16xi32> to vector<1xi32>
      %squeeze3A_258 = vector.extract %slice3A_257[0] : i32 from vector<1xi32>
      %mul3A_259 = arith.constant 16 : i32
      %mul3A_260 = arith.muli %scan3A_31, %mul3A_259 : i32
      %add3A_261 = arith.constant 6 : i32
      %add3A_262 = arith.addi %mul3A_260, %add3A_261 : i32
      %dma_start3A_263 = arith.constant 0 : i32
      %dma_start3A_264 = tpu.memref_slice %arg14[%add3A_262, %dma_start3A_263] : memref<256x64xf32, #tpu.memory_space<vmem>> -> memref<1x64xf32, #tpu.memory_space<vmem>>
      %dma_start3A_265 = tpu.memref_squeeze %dma_start3A_264 : memref<1x64xf32, #tpu.memory_space<vmem>> -> memref<64xf32, #tpu.memory_space<vmem>>
      %dma_start3A_266 = arith.constant 0 : i32
      %dma_start3A_267 = tpu.memref_slice %arg2[%squeeze3A_258, %dma_start3A_266] : memref<1000001x64xf32, #tpu.memory_space<hbm>> -> memref<1x64xf32, #tpu.memory_space<hbm>>
      %dma_start3A_268 = tpu.memref_squeeze %dma_start3A_267 : memref<1x64xf32, #tpu.memory_space<hbm>> -> memref<64xf32, #tpu.memory_space<hbm>>
      %dma_start3A_269 = arith.constant 0 : i32
      %dma_start3A_270 = tpu.memref_slice %arg14[%add3A_262, %dma_start3A_269] : memref<256x64xf32, #tpu.memory_space<vmem>> -> memref<1x64xf32, #tpu.memory_space<vmem>>
      %dma_start3A_271 = tpu.memref_squeeze %dma_start3A_270 : memref<1x64xf32, #tpu.memory_space<vmem>> -> memref<64xf32, #tpu.memory_space<vmem>>
      %dma_start3A_272 = arith.constant 0 : i32
      %dma_start3A_273 = tpu.memref_slice %arg2[%squeeze3A_258, %dma_start3A_272] : memref<1000001x64xf32, #tpu.memory_space<hbm>> -> memref<1x64xf32, #tpu.memory_space<hbm>>
      %dma_start3A_274 = tpu.memref_squeeze %dma_start3A_273 : memref<1x64xf32, #tpu.memory_space<hbm>> -> memref<64xf32, #tpu.memory_space<hbm>>
      tpu.enqueue_dma source(%dma_start3A_274 : memref<64xf32, #tpu.memory_space<hbm>>) target(%dma_start3A_271 : memref<64xf32, #tpu.memory_space<vmem>>) target_semaphore(%arg17 : memref<!tpu.dma_semaphore, #tpu.memory_space<semaphore_mem>>)
      %slice3A_275 = vector.extract_strided_slice %get3A_43 {offsets = [6], sizes = [1], strides = [1]} : vector<16xi32> to vector<1xi32>
      %squeeze3A_276 = vector.extract %slice3A_275[0] : i32 from vector<1xi32>
      %mul3A_277 = arith.constant 16 : i32
      %mul3A_278 = arith.muli %scan3A_31, %mul3A_277 : i32
      %add3A_279 = arith.constant 6 : i32
      %add3A_280 = arith.addi %mul3A_278, %add3A_279 : i32
      %dma_start3A_281 = arith.constant 0 : i32
      %dma_start3A_282 = tpu.memref_slice %arg15[%add3A_280, %dma_start3A_281] : memref<256x64xf32, #tpu.memory_space<vmem>> -> memref<1x64xf32, #tpu.memory_space<vmem>>
      %dma_start3A_283 = tpu.memref_squeeze %dma_start3A_282 : memref<1x64xf32, #tpu.memory_space<vmem>> -> memref<64xf32, #tpu.memory_space<vmem>>
      %dma_start3A_284 = arith.constant 0 : i32
      %dma_start3A_285 = tpu.memref_slice %arg3[%squeeze3A_276, %dma_start3A_284] : memref<1000001x64xf32, #tpu.memory_space<hbm>> -> memref<1x64xf32, #tpu.memory_space<hbm>>
      %dma_start3A_286 = tpu.memref_squeeze %dma_start3A_285 : memref<1x64xf32, #tpu.memory_space<hbm>> -> memref<64xf32, #tpu.memory_space<hbm>>
      %dma_start3A_287 = arith.constant 0 : i32
      %dma_start3A_288 = tpu.memref_slice %arg15[%add3A_280, %dma_start3A_287] : memref<256x64xf32, #tpu.memory_space<vmem>> -> memref<1x64xf32, #tpu.memory_space<vmem>>
      %dma_start3A_289 = tpu.memref_squeeze %dma_start3A_288 : memref<1x64xf32, #tpu.memory_space<vmem>> -> memref<64xf32, #tpu.memory_space<vmem>>
      %dma_start3A_290 = arith.constant 0 : i32
      %dma_start3A_291 = tpu.memref_slice %arg3[%squeeze3A_276, %dma_start3A_290] : memref<1000001x64xf32, #tpu.memory_space<hbm>> -> memref<1x64xf32, #tpu.memory_space<hbm>>
      %dma_start3A_292 = tpu.memref_squeeze %dma_start3A_291 : memref<1x64xf32, #tpu.memory_space<hbm>> -> memref<64xf32, #tpu.memory_space<hbm>>
      tpu.enqueue_dma source(%dma_start3A_292 : memref<64xf32, #tpu.memory_space<hbm>>) target(%dma_start3A_289 : memref<64xf32, #tpu.memory_space<vmem>>) target_semaphore(%arg17 : memref<!tpu.dma_semaphore, #tpu.memory_space<semaphore_mem>>)
      %slice3A_293 = vector.extract_strided_slice %get3A_37 {offsets = [7], sizes = [1], strides = [1]} : vector<16xi32> to vector<1xi32>
      %squeeze3A_294 = vector.extract %slice3A_293[0] : i32 from vector<1xi32>
      %mul3A_295 = arith.constant 16 : i32
      %mul3A_296 = arith.muli %scan3A_31, %mul3A_295 : i32
      %add3A_297 = arith.constant 7 : i32
      %add3A_298 = arith.addi %mul3A_296, %add3A_297 : i32
      %dma_start3A_299 = arith.constant 0 : i32
      %dma_start3A_300 = tpu.memref_slice %arg14[%add3A_298, %dma_start3A_299] : memref<256x64xf32, #tpu.memory_space<vmem>> -> memref<1x64xf32, #tpu.memory_space<vmem>>
      %dma_start3A_301 = tpu.memref_squeeze %dma_start3A_300 : memref<1x64xf32, #tpu.memory_space<vmem>> -> memref<64xf32, #tpu.memory_space<vmem>>
      %dma_start3A_302 = arith.constant 0 : i32
      %dma_start3A_303 = tpu.memref_slice %arg2[%squeeze3A_294, %dma_start3A_302] : memref<1000001x64xf32, #tpu.memory_space<hbm>> -> memref<1x64xf32, #tpu.memory_space<hbm>>
      %dma_start3A_304 = tpu.memref_squeeze %dma_start3A_303 : memref<1x64xf32, #tpu.memory_space<hbm>> -> memref<64xf32, #tpu.memory_space<hbm>>
      %dma_start3A_305 = arith.constant 0 : i32
      %dma_start3A_306 = tpu.memref_slice %arg14[%add3A_298, %dma_start3A_305] : memref<256x64xf32, #tpu.memory_space<vmem>> -> memref<1x64xf32, #tpu.memory_space<vmem>>
      %dma_start3A_307 = tpu.memref_squeeze %dma_start3A_306 : memref<1x64xf32, #tpu.memory_space<vmem>> -> memref<64xf32, #tpu.memory_space<vmem>>
      %dma_start3A_308 = arith.constant 0 : i32
      %dma_start3A_309 = tpu.memref_slice %arg2[%squeeze3A_294, %dma_start3A_308] : memref<1000001x64xf32, #tpu.memory_space<hbm>> -> memref<1x64xf32, #tpu.memory_space<hbm>>
      %dma_start3A_310 = tpu.memref_squeeze %dma_start3A_309 : memref<1x64xf32, #tpu.memory_space<hbm>> -> memref<64xf32, #tpu.memory_space<hbm>>
      tpu.enqueue_dma source(%dma_start3A_310 : memref<64xf32, #tpu.memory_space<hbm>>) target(%dma_start3A_307 : memref<64xf32, #tpu.memory_space<vmem>>) target_semaphore(%arg17 : memref<!tpu.dma_semaphore, #tpu.memory_space<semaphore_mem>>)
      %slice3A_311 = vector.extract_strided_slice %get3A_43 {offsets = [7], sizes = [1], strides = [1]} : vector<16xi32> to vector<1xi32>
      %squeeze3A_312 = vector.extract %slice3A_311[0] : i32 from vector<1xi32>
      %mul3A_313 = arith.constant 16 : i32
      %mul3A_314 = arith.muli %scan3A_31, %mul3A_313 : i32
      %add3A_315 = arith.constant 7 : i32
      %add3A_316 = arith.addi %mul3A_314, %add3A_315 : i32
      %dma_start3A_317 = arith.constant 0 : i32
      %dma_start3A_318 = tpu.memref_slice %arg15[%add3A_316, %dma_start3A_317] : memref<256x64xf32, #tpu.memory_space<vmem>> -> memref<1x64xf32, #tpu.memory_space<vmem>>
      %dma_start3A_319 = tpu.memref_squeeze %dma_start3A_318 : memref<1x64xf32, #tpu.memory_space<vmem>> -> memref<64xf32, #tpu.memory_space<vmem>>
      %dma_start3A_320 = arith.constant 0 : i32
      %dma_start3A_321 = tpu.memref_slice %arg3[%squeeze3A_312, %dma_start3A_320] : memref<1000001x64xf32, #tpu.memory_space<hbm>> -> memref<1x64xf32, #tpu.memory_space<hbm>>
      %dma_start3A_322 = tpu.memref_squeeze %dma_start3A_321 : memref<1x64xf32, #tpu.memory_space<hbm>> -> memref<64xf32, #tpu.memory_space<hbm>>
      %dma_start3A_323 = arith.constant 0 : i32
      %dma_start3A_324 = tpu.memref_slice %arg15[%add3A_316, %dma_start3A_323] : memref<256x64xf32, #tpu.memory_space<vmem>> -> memref<1x64xf32, #tpu.memory_space<vmem>>
      %dma_start3A_325 = tpu.memref_squeeze %dma_start3A_324 : memref<1x64xf32, #tpu.memory_space<vmem>> -> memref<64xf32, #tpu.memory_space<vmem>>
      %dma_start3A_326 = arith.constant 0 : i32
      %dma_start3A_327 = tpu.memref_slice %arg3[%squeeze3A_312, %dma_start3A_326] : memref<1000001x64xf32, #tpu.memory_space<hbm>> -> memref<1x64xf32, #tpu.memory_space<hbm>>
      %dma_start3A_328 = tpu.memref_squeeze %dma_start3A_327 : memref<1x64xf32, #tpu.memory_space<hbm>> -> memref<64xf32, #tpu.memory_space<hbm>>
      tpu.enqueue_dma source(%dma_start3A_328 : memref<64xf32, #tpu.memory_space<hbm>>) target(%dma_start3A_325 : memref<64xf32, #tpu.memory_space<vmem>>) target_semaphore(%arg17 : memref<!tpu.dma_semaphore, #tpu.memory_space<semaphore_mem>>)
      %slice3A_329 = vector.extract_strided_slice %get3A_37 {offsets = [8], sizes = [1], strides = [1]} : vector<16xi32> to vector<1xi32>
      %squeeze3A_330 = vector.extract %slice3A_329[0] : i32 from vector<1xi32>
      %mul3A_331 = arith.constant 16 : i32
      %mul3A_332 = arith.muli %scan3A_31, %mul3A_331 : i32
      %add3A_333 = arith.constant 8 : i32
      %add3A_334 = arith.addi %mul3A_332, %add3A_333 : i32
      %dma_start3A_335 = arith.constant 0 : i32
      %dma_start3A_336 = tpu.memref_slice %arg14[%add3A_334, %dma_start3A_335] : memref<256x64xf32, #tpu.memory_space<vmem>> -> memref<1x64xf32, #tpu.memory_space<vmem>>
      %dma_start3A_337 = tpu.memref_squeeze %dma_start3A_336 : memref<1x64xf32, #tpu.memory_space<vmem>> -> memref<64xf32, #tpu.memory_space<vmem>>
      %dma_start3A_338 = arith.constant 0 : i32
      %dma_start3A_339 = tpu.memref_slice %arg2[%squeeze3A_330, %dma_start3A_338] : memref<1000001x64xf32, #tpu.memory_space<hbm>> -> memref<1x64xf32, #tpu.memory_space<hbm>>
      %dma_start3A_340 = tpu.memref_squeeze %dma_start3A_339 : memref<1x64xf32, #tpu.memory_space<hbm>> -> memref<64xf32, #tpu.memory_space<hbm>>
      %dma_start3A_341 = arith.constant 0 : i32
      %dma_start3A_342 = tpu.memref_slice %arg14[%add3A_334, %dma_start3A_341] : memref<256x64xf32, #tpu.memory_space<vmem>> -> memref<1x64xf32, #tpu.memory_space<vmem>>
      %dma_start3A_343 = tpu.memref_squeeze %dma_start3A_342 : memref<1x64xf32, #tpu.memory_space<vmem>> -> memref<64xf32, #tpu.memory_space<vmem>>
      %dma_start3A_344 = arith.constant 0 : i32
      %dma_start3A_345 = tpu.memref_slice %arg2[%squeeze3A_330, %dma_start3A_344] : memref<1000001x64xf32, #tpu.memory_space<hbm>> -> memref<1x64xf32, #tpu.memory_space<hbm>>
      %dma_start3A_346 = tpu.memref_squeeze %dma_start3A_345 : memref<1x64xf32, #tpu.memory_space<hbm>> -> memref<64xf32, #tpu.memory_space<hbm>>
      tpu.enqueue_dma source(%dma_start3A_346 : memref<64xf32, #tpu.memory_space<hbm>>) target(%dma_start3A_343 : memref<64xf32, #tpu.memory_space<vmem>>) target_semaphore(%arg17 : memref<!tpu.dma_semaphore, #tpu.memory_space<semaphore_mem>>)
      %slice3A_347 = vector.extract_strided_slice %get3A_43 {offsets = [8], sizes = [1], strides = [1]} : vector<16xi32> to vector<1xi32>
      %squeeze3A_348 = vector.extract %slice3A_347[0] : i32 from vector<1xi32>
      %mul3A_349 = arith.constant 16 : i32
      %mul3A_350 = arith.muli %scan3A_31, %mul3A_349 : i32
      %add3A_351 = arith.constant 8 : i32
      %add3A_352 = arith.addi %mul3A_350, %add3A_351 : i32
      %dma_start3A_353 = arith.constant 0 : i32
      %dma_start3A_354 = tpu.memref_slice %arg15[%add3A_352, %dma_start3A_353] : memref<256x64xf32, #tpu.memory_space<vmem>> -> memref<1x64xf32, #tpu.memory_space<vmem>>
      %dma_start3A_355 = tpu.memref_squeeze %dma_start3A_354 : memref<1x64xf32, #tpu.memory_space<vmem>> -> memref<64xf32, #tpu.memory_space<vmem>>
      %dma_start3A_356 = arith.constant 0 : i32
      %dma_start3A_357 = tpu.memref_slice %arg3[%squeeze3A_348, %dma_start3A_356] : memref<1000001x64xf32, #tpu.memory_space<hbm>> -> memref<1x64xf32, #tpu.memory_space<hbm>>
      %dma_start3A_358 = tpu.memref_squeeze %dma_start3A_357 : memref<1x64xf32, #tpu.memory_space<hbm>> -> memref<64xf32, #tpu.memory_space<hbm>>
      %dma_start3A_359 = arith.constant 0 : i32
      %dma_start3A_360 = tpu.memref_slice %arg15[%add3A_352, %dma_start3A_359] : memref<256x64xf32, #tpu.memory_space<vmem>> -> memref<1x64xf32, #tpu.memory_space<vmem>>
      %dma_start3A_361 = tpu.memref_squeeze %dma_start3A_360 : memref<1x64xf32, #tpu.memory_space<vmem>> -> memref<64xf32, #tpu.memory_space<vmem>>
      %dma_start3A_362 = arith.constant 0 : i32
      %dma_start3A_363 = tpu.memref_slice %arg3[%squeeze3A_348, %dma_start3A_362] : memref<1000001x64xf32, #tpu.memory_space<hbm>> -> memref<1x64xf32, #tpu.memory_space<hbm>>
      %dma_start3A_364 = tpu.memref_squeeze %dma_start3A_363 : memref<1x64xf32, #tpu.memory_space<hbm>> -> memref<64xf32, #tpu.memory_space<hbm>>
      tpu.enqueue_dma source(%dma_start3A_364 : memref<64xf32, #tpu.memory_space<hbm>>) target(%dma_start3A_361 : memref<64xf32, #tpu.memory_space<vmem>>) target_semaphore(%arg17 : memref<!tpu.dma_semaphore, #tpu.memory_space<semaphore_mem>>)
      %slice3A_365 = vector.extract_strided_slice %get3A_37 {offsets = [9], sizes = [1], strides = [1]} : vector<16xi32> to vector<1xi32>
      %squeeze3A_366 = vector.extract %slice3A_365[0] : i32 from vector<1xi32>
      %mul3A_367 = arith.constant 16 : i32
      %mul3A_368 = arith.muli %scan3A_31, %mul3A_367 : i32
      %add3A_369 = arith.constant 9 : i32
      %add3A_370 = arith.addi %mul3A_368, %add3A_369 : i32
      %dma_start3A_371 = arith.constant 0 : i32
      %dma_start3A_372 = tpu.memref_slice %arg14[%add3A_370, %dma_start3A_371] : memref<256x64xf32, #tpu.memory_space<vmem>> -> memref<1x64xf32, #tpu.memory_space<vmem>>
      %dma_start3A_373 = tpu.memref_squeeze %dma_start3A_372 : memref<1x64xf32, #tpu.memory_space<vmem>> -> memref<64xf32, #tpu.memory_space<vmem>>
      %dma_start3A_374 = arith.constant 0 : i32
      %dma_start3A_375 = tpu.memref_slice %arg2[%squeeze3A_366, %dma_start3A_374] : memref<1000001x64xf32, #tpu.memory_space<hbm>> -> memref<1x64xf32, #tpu.memory_space<hbm>>
      %dma_start3A_376 = tpu.memref_squeeze %dma_start3A_375 : memref<1x64xf32, #tpu.memory_space<hbm>> -> memref<64xf32, #tpu.memory_space<hbm>>
      %dma_start3A_377 = arith.constant 0 : i32
      %dma_start3A_378 = tpu.memref_slice %arg14[%add3A_370, %dma_start3A_377] : memref<256x64xf32, #tpu.memory_space<vmem>> -> memref<1x64xf32, #tpu.memory_space<vmem>>
      %dma_start3A_379 = tpu.memref_squeeze %dma_start3A_378 : memref<1x64xf32, #tpu.memory_space<vmem>> -> memref<64xf32, #tpu.memory_space<vmem>>
      %dma_start3A_380 = arith.constant 0 : i32
      %dma_start3A_381 = tpu.memref_slice %arg2[%squeeze3A_366, %dma_start3A_380] : memref<1000001x64xf32, #tpu.memory_space<hbm>> -> memref<1x64xf32, #tpu.memory_space<hbm>>
      %dma_start3A_382 = tpu.memref_squeeze %dma_start3A_381 : memref<1x64xf32, #tpu.memory_space<hbm>> -> memref<64xf32, #tpu.memory_space<hbm>>
      tpu.enqueue_dma source(%dma_start3A_382 : memref<64xf32, #tpu.memory_space<hbm>>) target(%dma_start3A_379 : memref<64xf32, #tpu.memory_space<vmem>>) target_semaphore(%arg17 : memref<!tpu.dma_semaphore, #tpu.memory_space<semaphore_mem>>)
      %slice3A_383 = vector.extract_strided_slice %get3A_43 {offsets = [9], sizes = [1], strides = [1]} : vector<16xi32> to vector<1xi32>
      %squeeze3A_384 = vector.extract %slice3A_383[0] : i32 from vector<1xi32>
      %mul3A_385 = arith.constant 16 : i32
      %mul3A_386 = arith.muli %scan3A_31, %mul3A_385 : i32
      %add3A_387 = arith.constant 9 : i32
      %add3A_388 = arith.addi %mul3A_386, %add3A_387 : i32
      %dma_start3A_389 = arith.constant 0 : i32
      %dma_start3A_390 = tpu.memref_slice %arg15[%add3A_388, %dma_start3A_389] : memref<256x64xf32, #tpu.memory_space<vmem>> -> memref<1x64xf32, #tpu.memory_space<vmem>>
      %dma_start3A_391 = tpu.memref_squeeze %dma_start3A_390 : memref<1x64xf32, #tpu.memory_space<vmem>> -> memref<64xf32, #tpu.memory_space<vmem>>
      %dma_start3A_392 = arith.constant 0 : i32
      %dma_start3A_393 = tpu.memref_slice %arg3[%squeeze3A_384, %dma_start3A_392] : memref<1000001x64xf32, #tpu.memory_space<hbm>> -> memref<1x64xf32, #tpu.memory_space<hbm>>
      %dma_start3A_394 = tpu.memref_squeeze %dma_start3A_393 : memref<1x64xf32, #tpu.memory_space<hbm>> -> memref<64xf32, #tpu.memory_space<hbm>>
      %dma_start3A_395 = arith.constant 0 : i32
      %dma_start3A_396 = tpu.memref_slice %arg15[%add3A_388, %dma_start3A_395] : memref<256x64xf32, #tpu.memory_space<vmem>> -> memref<1x64xf32, #tpu.memory_space<vmem>>
      %dma_start3A_397 = tpu.memref_squeeze %dma_start3A_396 : memref<1x64xf32, #tpu.memory_space<vmem>> -> memref<64xf32, #tpu.memory_space<vmem>>
      %dma_start3A_398 = arith.constant 0 : i32
      %dma_start3A_399 = tpu.memref_slice %arg3[%squeeze3A_384, %dma_start3A_398] : memref<1000001x64xf32, #tpu.memory_space<hbm>> -> memref<1x64xf32, #tpu.memory_space<hbm>>
      %dma_start3A_400 = tpu.memref_squeeze %dma_start3A_399 : memref<1x64xf32, #tpu.memory_space<hbm>> -> memref<64xf32, #tpu.memory_space<hbm>>
      tpu.enqueue_dma source(%dma_start3A_400 : memref<64xf32, #tpu.memory_space<hbm>>) target(%dma_start3A_397 : memref<64xf32, #tpu.memory_space<vmem>>) target_semaphore(%arg17 : memref<!tpu.dma_semaphore, #tpu.memory_space<semaphore_mem>>)
      %slice3A_401 = vector.extract_strided_slice %get3A_37 {offsets = [10], sizes = [1], strides = [1]} : vector<16xi32> to vector<1xi32>
      %squeeze3A_402 = vector.extract %slice3A_401[0] : i32 from vector<1xi32>
      %mul3A_403 = arith.constant 16 : i32
      %mul3A_404 = arith.muli %scan3A_31, %mul3A_403 : i32
      %add3A_405 = arith.constant 10 : i32
      %add3A_406 = arith.addi %mul3A_404, %add3A_405 : i32
      %dma_start3A_407 = arith.constant 0 : i32
      %dma_start3A_408 = tpu.memref_slice %arg14[%add3A_406, %dma_start3A_407] : memref<256x64xf32, #tpu.memory_space<vmem>> -> memref<1x64xf32, #tpu.memory_space<vmem>>
      %dma_start3A_409 = tpu.memref_squeeze %dma_start3A_408 : memref<1x64xf32, #tpu.memory_space<vmem>> -> memref<64xf32, #tpu.memory_space<vmem>>
      %dma_start3A_410 = arith.constant 0 : i32
      %dma_start3A_411 = tpu.memref_slice %arg2[%squeeze3A_402, %dma_start3A_410] : memref<1000001x64xf32, #tpu.memory_space<hbm>> -> memref<1x64xf32, #tpu.memory_space<hbm>>
      %dma_start3A_412 = tpu.memref_squeeze %dma_start3A_411 : memref<1x64xf32, #tpu.memory_space<hbm>> -> memref<64xf32, #tpu.memory_space<hbm>>
      %dma_start3A_413 = arith.constant 0 : i32
      %dma_start3A_414 = tpu.memref_slice %arg14[%add3A_406, %dma_start3A_413] : memref<256x64xf32, #tpu.memory_space<vmem>> -> memref<1x64xf32, #tpu.memory_space<vmem>>
      %dma_start3A_415 = tpu.memref_squeeze %dma_start3A_414 : memref<1x64xf32, #tpu.memory_space<vmem>> -> memref<64xf32, #tpu.memory_space<vmem>>
      %dma_start3A_416 = arith.constant 0 : i32
      %dma_start3A_417 = tpu.memref_slice %arg2[%squeeze3A_402, %dma_start3A_416] : memref<1000001x64xf32, #tpu.memory_space<hbm>> -> memref<1x64xf32, #tpu.memory_space<hbm>>
      %dma_start3A_418 = tpu.memref_squeeze %dma_start3A_417 : memref<1x64xf32, #tpu.memory_space<hbm>> -> memref<64xf32, #tpu.memory_space<hbm>>
      tpu.enqueue_dma source(%dma_start3A_418 : memref<64xf32, #tpu.memory_space<hbm>>) target(%dma_start3A_415 : memref<64xf32, #tpu.memory_space<vmem>>) target_semaphore(%arg17 : memref<!tpu.dma_semaphore, #tpu.memory_space<semaphore_mem>>)
      %slice3A_419 = vector.extract_strided_slice %get3A_43 {offsets = [10], sizes = [1], strides = [1]} : vector<16xi32> to vector<1xi32>
      %squeeze3A_420 = vector.extract %slice3A_419[0] : i32 from vector<1xi32>
      %mul3A_421 = arith.constant 16 : i32
      %mul3A_422 = arith.muli %scan3A_31, %mul3A_421 : i32
      %add3A_423 = arith.constant 10 : i32
      %add3A_424 = arith.addi %mul3A_422, %add3A_423 : i32
      %dma_start3A_425 = arith.constant 0 : i32
      %dma_start3A_426 = tpu.memref_slice %arg15[%add3A_424, %dma_start3A_425] : memref<256x64xf32, #tpu.memory_space<vmem>> -> memref<1x64xf32, #tpu.memory_space<vmem>>
      %dma_start3A_427 = tpu.memref_squeeze %dma_start3A_426 : memref<1x64xf32, #tpu.memory_space<vmem>> -> memref<64xf32, #tpu.memory_space<vmem>>
      %dma_start3A_428 = arith.constant 0 : i32
      %dma_start3A_429 = tpu.memref_slice %arg3[%squeeze3A_420, %dma_start3A_428] : memref<1000001x64xf32, #tpu.memory_space<hbm>> -> memref<1x64xf32, #tpu.memory_space<hbm>>
      %dma_start3A_430 = tpu.memref_squeeze %dma_start3A_429 : memref<1x64xf32, #tpu.memory_space<hbm>> -> memref<64xf32, #tpu.memory_space<hbm>>
      %dma_start3A_431 = arith.constant 0 : i32
      %dma_start3A_432 = tpu.memref_slice %arg15[%add3A_424, %dma_start3A_431] : memref<256x64xf32, #tpu.memory_space<vmem>> -> memref<1x64xf32, #tpu.memory_space<vmem>>
      %dma_start3A_433 = tpu.memref_squeeze %dma_start3A_432 : memref<1x64xf32, #tpu.memory_space<vmem>> -> memref<64xf32, #tpu.memory_space<vmem>>
      %dma_start3A_434 = arith.constant 0 : i32
      %dma_start3A_435 = tpu.memref_slice %arg3[%squeeze3A_420, %dma_start3A_434] : memref<1000001x64xf32, #tpu.memory_space<hbm>> -> memref<1x64xf32, #tpu.memory_space<hbm>>
      %dma_start3A_436 = tpu.memref_squeeze %dma_start3A_435 : memref<1x64xf32, #tpu.memory_space<hbm>> -> memref<64xf32, #tpu.memory_space<hbm>>
      tpu.enqueue_dma source(%dma_start3A_436 : memref<64xf32, #tpu.memory_space<hbm>>) target(%dma_start3A_433 : memref<64xf32, #tpu.memory_space<vmem>>) target_semaphore(%arg17 : memref<!tpu.dma_semaphore, #tpu.memory_space<semaphore_mem>>)
      %slice3A_437 = vector.extract_strided_slice %get3A_37 {offsets = [11], sizes = [1], strides = [1]} : vector<16xi32> to vector<1xi32>
      %squeeze3A_438 = vector.extract %slice3A_437[0] : i32 from vector<1xi32>
      %mul3A_439 = arith.constant 16 : i32
      %mul3A_440 = arith.muli %scan3A_31, %mul3A_439 : i32
      %add3A_441 = arith.constant 11 : i32
      %add3A_442 = arith.addi %mul3A_440, %add3A_441 : i32
      %dma_start3A_443 = arith.constant 0 : i32
      %dma_start3A_444 = tpu.memref_slice %arg14[%add3A_442, %dma_start3A_443] : memref<256x64xf32, #tpu.memory_space<vmem>> -> memref<1x64xf32, #tpu.memory_space<vmem>>
      %dma_start3A_445 = tpu.memref_squeeze %dma_start3A_444 : memref<1x64xf32, #tpu.memory_space<vmem>> -> memref<64xf32, #tpu.memory_space<vmem>>
      %dma_start3A_446 = arith.constant 0 : i32
      %dma_start3A_447 = tpu.memref_slice %arg2[%squeeze3A_438, %dma_start3A_446] : memref<1000001x64xf32, #tpu.memory_space<hbm>> -> memref<1x64xf32, #tpu.memory_space<hbm>>
      %dma_start3A_448 = tpu.memref_squeeze %dma_start3A_447 : memref<1x64xf32, #tpu.memory_space<hbm>> -> memref<64xf32, #tpu.memory_space<hbm>>
      %dma_start3A_449 = arith.constant 0 : i32
      %dma_start3A_450 = tpu.memref_slice %arg14[%add3A_442, %dma_start3A_449] : memref<256x64xf32, #tpu.memory_space<vmem>> -> memref<1x64xf32, #tpu.memory_space<vmem>>
      %dma_start3A_451 = tpu.memref_squeeze %dma_start3A_450 : memref<1x64xf32, #tpu.memory_space<vmem>> -> memref<64xf32, #tpu.memory_space<vmem>>
      %dma_start3A_452 = arith.constant 0 : i32
      %dma_start3A_453 = tpu.memref_slice %arg2[%squeeze3A_438, %dma_start3A_452] : memref<1000001x64xf32, #tpu.memory_space<hbm>> -> memref<1x64xf32, #tpu.memory_space<hbm>>
      %dma_start3A_454 = tpu.memref_squeeze %dma_start3A_453 : memref<1x64xf32, #tpu.memory_space<hbm>> -> memref<64xf32, #tpu.memory_space<hbm>>
      tpu.enqueue_dma source(%dma_start3A_454 : memref<64xf32, #tpu.memory_space<hbm>>) target(%dma_start3A_451 : memref<64xf32, #tpu.memory_space<vmem>>) target_semaphore(%arg17 : memref<!tpu.dma_semaphore, #tpu.memory_space<semaphore_mem>>)
      %slice3A_455 = vector.extract_strided_slice %get3A_43 {offsets = [11], sizes = [1], strides = [1]} : vector<16xi32> to vector<1xi32>
      %squeeze3A_456 = vector.extract %slice3A_455[0] : i32 from vector<1xi32>
      %mul3A_457 = arith.constant 16 : i32
      %mul3A_458 = arith.muli %scan3A_31, %mul3A_457 : i32
      %add3A_459 = arith.constant 11 : i32
      %add3A_460 = arith.addi %mul3A_458, %add3A_459 : i32
      %dma_start3A_461 = arith.constant 0 : i32
      %dma_start3A_462 = tpu.memref_slice %arg15[%add3A_460, %dma_start3A_461] : memref<256x64xf32, #tpu.memory_space<vmem>> -> memref<1x64xf32, #tpu.memory_space<vmem>>
      %dma_start3A_463 = tpu.memref_squeeze %dma_start3A_462 : memref<1x64xf32, #tpu.memory_space<vmem>> -> memref<64xf32, #tpu.memory_space<vmem>>
      %dma_start3A_464 = arith.constant 0 : i32
      %dma_start3A_465 = tpu.memref_slice %arg3[%squeeze3A_456, %dma_start3A_464] : memref<1000001x64xf32, #tpu.memory_space<hbm>> -> memref<1x64xf32, #tpu.memory_space<hbm>>
      %dma_start3A_466 = tpu.memref_squeeze %dma_start3A_465 : memref<1x64xf32, #tpu.memory_space<hbm>> -> memref<64xf32, #tpu.memory_space<hbm>>
      %dma_start3A_467 = arith.constant 0 : i32
      %dma_start3A_468 = tpu.memref_slice %arg15[%add3A_460, %dma_start3A_467] : memref<256x64xf32, #tpu.memory_space<vmem>> -> memref<1x64xf32, #tpu.memory_space<vmem>>
      %dma_start3A_469 = tpu.memref_squeeze %dma_start3A_468 : memref<1x64xf32, #tpu.memory_space<vmem>> -> memref<64xf32, #tpu.memory_space<vmem>>
      %dma_start3A_470 = arith.constant 0 : i32
      %dma_start3A_471 = tpu.memref_slice %arg3[%squeeze3A_456, %dma_start3A_470] : memref<1000001x64xf32, #tpu.memory_space<hbm>> -> memref<1x64xf32, #tpu.memory_space<hbm>>
      %dma_start3A_472 = tpu.memref_squeeze %dma_start3A_471 : memref<1x64xf32, #tpu.memory_space<hbm>> -> memref<64xf32, #tpu.memory_space<hbm>>
      tpu.enqueue_dma source(%dma_start3A_472 : memref<64xf32, #tpu.memory_space<hbm>>) target(%dma_start3A_469 : memref<64xf32, #tpu.memory_space<vmem>>) target_semaphore(%arg17 : memref<!tpu.dma_semaphore, #tpu.memory_space<semaphore_mem>>)
      %slice3A_473 = vector.extract_strided_slice %get3A_37 {offsets = [12], sizes = [1], strides = [1]} : vector<16xi32> to vector<1xi32>
      %squeeze3A_474 = vector.extract %slice3A_473[0] : i32 from vector<1xi32>
      %mul3A_475 = arith.constant 16 : i32
      %mul3A_476 = arith.muli %scan3A_31, %mul3A_475 : i32
      %add3A_477 = arith.constant 12 : i32
      %add3A_478 = arith.addi %mul3A_476, %add3A_477 : i32
      %dma_start3A_479 = arith.constant 0 : i32
      %dma_start3A_480 = tpu.memref_slice %arg14[%add3A_478, %dma_start3A_479] : memref<256x64xf32, #tpu.memory_space<vmem>> -> memref<1x64xf32, #tpu.memory_space<vmem>>
      %dma_start3A_481 = tpu.memref_squeeze %dma_start3A_480 : memref<1x64xf32, #tpu.memory_space<vmem>> -> memref<64xf32, #tpu.memory_space<vmem>>
      %dma_start3A_482 = arith.constant 0 : i32
      %dma_start3A_483 = tpu.memref_slice %arg2[%squeeze3A_474, %dma_start3A_482] : memref<1000001x64xf32, #tpu.memory_space<hbm>> -> memref<1x64xf32, #tpu.memory_space<hbm>>
      %dma_start3A_484 = tpu.memref_squeeze %dma_start3A_483 : memref<1x64xf32, #tpu.memory_space<hbm>> -> memref<64xf32, #tpu.memory_space<hbm>>
      %dma_start3A_485 = arith.constant 0 : i32
      %dma_start3A_486 = tpu.memref_slice %arg14[%add3A_478, %dma_start3A_485] : memref<256x64xf32, #tpu.memory_space<vmem>> -> memref<1x64xf32, #tpu.memory_space<vmem>>
      %dma_start3A_487 = tpu.memref_squeeze %dma_start3A_486 : memref<1x64xf32, #tpu.memory_space<vmem>> -> memref<64xf32, #tpu.memory_space<vmem>>
      %dma_start3A_488 = arith.constant 0 : i32
      %dma_start3A_489 = tpu.memref_slice %arg2[%squeeze3A_474, %dma_start3A_488] : memref<1000001x64xf32, #tpu.memory_space<hbm>> -> memref<1x64xf32, #tpu.memory_space<hbm>>
      %dma_start3A_490 = tpu.memref_squeeze %dma_start3A_489 : memref<1x64xf32, #tpu.memory_space<hbm>> -> memref<64xf32, #tpu.memory_space<hbm>>
      tpu.enqueue_dma source(%dma_start3A_490 : memref<64xf32, #tpu.memory_space<hbm>>) target(%dma_start3A_487 : memref<64xf32, #tpu.memory_space<vmem>>) target_semaphore(%arg17 : memref<!tpu.dma_semaphore, #tpu.memory_space<semaphore_mem>>)
      %slice3A_491 = vector.extract_strided_slice %get3A_43 {offsets = [12], sizes = [1], strides = [1]} : vector<16xi32> to vector<1xi32>
      %squeeze3A_492 = vector.extract %slice3A_491[0] : i32 from vector<1xi32>
      %mul3A_493 = arith.constant 16 : i32
      %mul3A_494 = arith.muli %scan3A_31, %mul3A_493 : i32
      %add3A_495 = arith.constant 12 : i32
      %add3A_496 = arith.addi %mul3A_494, %add3A_495 : i32
      %dma_start3A_497 = arith.constant 0 : i32
      %dma_start3A_498 = tpu.memref_slice %arg15[%add3A_496, %dma_start3A_497] : memref<256x64xf32, #tpu.memory_space<vmem>> -> memref<1x64xf32, #tpu.memory_space<vmem>>
      %dma_start3A_499 = tpu.memref_squeeze %dma_start3A_498 : memref<1x64xf32, #tpu.memory_space<vmem>> -> memref<64xf32, #tpu.memory_space<vmem>>
      %dma_start3A_500 = arith.constant 0 : i32
      %dma_start3A_501 = tpu.memref_slice %arg3[%squeeze3A_492, %dma_start3A_500] : memref<1000001x64xf32, #tpu.memory_space<hbm>> -> memref<1x64xf32, #tpu.memory_space<hbm>>
      %dma_start3A_502 = tpu.memref_squeeze %dma_start3A_501 : memref<1x64xf32, #tpu.memory_space<hbm>> -> memref<64xf32, #tpu.memory_space<hbm>>
      %dma_start3A_503 = arith.constant 0 : i32
      %dma_start3A_504 = tpu.memref_slice %arg15[%add3A_496, %dma_start3A_503] : memref<256x64xf32, #tpu.memory_space<vmem>> -> memref<1x64xf32, #tpu.memory_space<vmem>>
      %dma_start3A_505 = tpu.memref_squeeze %dma_start3A_504 : memref<1x64xf32, #tpu.memory_space<vmem>> -> memref<64xf32, #tpu.memory_space<vmem>>
      %dma_start3A_506 = arith.constant 0 : i32
      %dma_start3A_507 = tpu.memref_slice %arg3[%squeeze3A_492, %dma_start3A_506] : memref<1000001x64xf32, #tpu.memory_space<hbm>> -> memref<1x64xf32, #tpu.memory_space<hbm>>
      %dma_start3A_508 = tpu.memref_squeeze %dma_start3A_507 : memref<1x64xf32, #tpu.memory_space<hbm>> -> memref<64xf32, #tpu.memory_space<hbm>>
      tpu.enqueue_dma source(%dma_start3A_508 : memref<64xf32, #tpu.memory_space<hbm>>) target(%dma_start3A_505 : memref<64xf32, #tpu.memory_space<vmem>>) target_semaphore(%arg17 : memref<!tpu.dma_semaphore, #tpu.memory_space<semaphore_mem>>)
      %slice3A_509 = vector.extract_strided_slice %get3A_37 {offsets = [13], sizes = [1], strides = [1]} : vector<16xi32> to vector<1xi32>
      %squeeze3A_510 = vector.extract %slice3A_509[0] : i32 from vector<1xi32>
      %mul3A_511 = arith.constant 16 : i32
      %mul3A_512 = arith.muli %scan3A_31, %mul3A_511 : i32
      %add3A_513 = arith.constant 13 : i32
      %add3A_514 = arith.addi %mul3A_512, %add3A_513 : i32
      %dma_start3A_515 = arith.constant 0 : i32
      %dma_start3A_516 = tpu.memref_slice %arg14[%add3A_514, %dma_start3A_515] : memref<256x64xf32, #tpu.memory_space<vmem>> -> memref<1x64xf32, #tpu.memory_space<vmem>>
      %dma_start3A_517 = tpu.memref_squeeze %dma_start3A_516 : memref<1x64xf32, #tpu.memory_space<vmem>> -> memref<64xf32, #tpu.memory_space<vmem>>
      %dma_start3A_518 = arith.constant 0 : i32
      %dma_start3A_519 = tpu.memref_slice %arg2[%squeeze3A_510, %dma_start3A_518] : memref<1000001x64xf32, #tpu.memory_space<hbm>> -> memref<1x64xf32, #tpu.memory_space<hbm>>
      %dma_start3A_520 = tpu.memref_squeeze %dma_start3A_519 : memref<1x64xf32, #tpu.memory_space<hbm>> -> memref<64xf32, #tpu.memory_space<hbm>>
      %dma_start3A_521 = arith.constant 0 : i32
      %dma_start3A_522 = tpu.memref_slice %arg14[%add3A_514, %dma_start3A_521] : memref<256x64xf32, #tpu.memory_space<vmem>> -> memref<1x64xf32, #tpu.memory_space<vmem>>
      %dma_start3A_523 = tpu.memref_squeeze %dma_start3A_522 : memref<1x64xf32, #tpu.memory_space<vmem>> -> memref<64xf32, #tpu.memory_space<vmem>>
      %dma_start3A_524 = arith.constant 0 : i32
      %dma_start3A_525 = tpu.memref_slice %arg2[%squeeze3A_510, %dma_start3A_524] : memref<1000001x64xf32, #tpu.memory_space<hbm>> -> memref<1x64xf32, #tpu.memory_space<hbm>>
      %dma_start3A_526 = tpu.memref_squeeze %dma_start3A_525 : memref<1x64xf32, #tpu.memory_space<hbm>> -> memref<64xf32, #tpu.memory_space<hbm>>
      tpu.enqueue_dma source(%dma_start3A_526 : memref<64xf32, #tpu.memory_space<hbm>>) target(%dma_start3A_523 : memref<64xf32, #tpu.memory_space<vmem>>) target_semaphore(%arg17 : memref<!tpu.dma_semaphore, #tpu.memory_space<semaphore_mem>>)
      %slice3A_527 = vector.extract_strided_slice %get3A_43 {offsets = [13], sizes = [1], strides = [1]} : vector<16xi32> to vector<1xi32>
      %squeeze3A_528 = vector.extract %slice3A_527[0] : i32 from vector<1xi32>
      %mul3A_529 = arith.constant 16 : i32
      %mul3A_530 = arith.muli %scan3A_31, %mul3A_529 : i32
      %add3A_531 = arith.constant 13 : i32
      %add3A_532 = arith.addi %mul3A_530, %add3A_531 : i32
      %dma_start3A_533 = arith.constant 0 : i32
      %dma_start3A_534 = tpu.memref_slice %arg15[%add3A_532, %dma_start3A_533] : memref<256x64xf32, #tpu.memory_space<vmem>> -> memref<1x64xf32, #tpu.memory_space<vmem>>
      %dma_start3A_535 = tpu.memref_squeeze %dma_start3A_534 : memref<1x64xf32, #tpu.memory_space<vmem>> -> memref<64xf32, #tpu.memory_space<vmem>>
      %dma_start3A_536 = arith.constant 0 : i32
      %dma_start3A_537 = tpu.memref_slice %arg3[%squeeze3A_528, %dma_start3A_536] : memref<1000001x64xf32, #tpu.memory_space<hbm>> -> memref<1x64xf32, #tpu.memory_space<hbm>>
      %dma_start3A_538 = tpu.memref_squeeze %dma_start3A_537 : memref<1x64xf32, #tpu.memory_space<hbm>> -> memref<64xf32, #tpu.memory_space<hbm>>
      %dma_start3A_539 = arith.constant 0 : i32
      %dma_start3A_540 = tpu.memref_slice %arg15[%add3A_532, %dma_start3A_539] : memref<256x64xf32, #tpu.memory_space<vmem>> -> memref<1x64xf32, #tpu.memory_space<vmem>>
      %dma_start3A_541 = tpu.memref_squeeze %dma_start3A_540 : memref<1x64xf32, #tpu.memory_space<vmem>> -> memref<64xf32, #tpu.memory_space<vmem>>
      %dma_start3A_542 = arith.constant 0 : i32
      %dma_start3A_543 = tpu.memref_slice %arg3[%squeeze3A_528, %dma_start3A_542] : memref<1000001x64xf32, #tpu.memory_space<hbm>> -> memref<1x64xf32, #tpu.memory_space<hbm>>
      %dma_start3A_544 = tpu.memref_squeeze %dma_start3A_543 : memref<1x64xf32, #tpu.memory_space<hbm>> -> memref<64xf32, #tpu.memory_space<hbm>>
      tpu.enqueue_dma source(%dma_start3A_544 : memref<64xf32, #tpu.memory_space<hbm>>) target(%dma_start3A_541 : memref<64xf32, #tpu.memory_space<vmem>>) target_semaphore(%arg17 : memref<!tpu.dma_semaphore, #tpu.memory_space<semaphore_mem>>)
      %slice3A_545 = vector.extract_strided_slice %get3A_37 {offsets = [14], sizes = [1], strides = [1]} : vector<16xi32> to vector<1xi32>
      %squeeze3A_546 = vector.extract %slice3A_545[0] : i32 from vector<1xi32>
      %mul3A_547 = arith.constant 16 : i32
      %mul3A_548 = arith.muli %scan3A_31, %mul3A_547 : i32
      %add3A_549 = arith.constant 14 : i32
      %add3A_550 = arith.addi %mul3A_548, %add3A_549 : i32
      %dma_start3A_551 = arith.constant 0 : i32
      %dma_start3A_552 = tpu.memref_slice %arg14[%add3A_550, %dma_start3A_551] : memref<256x64xf32, #tpu.memory_space<vmem>> -> memref<1x64xf32, #tpu.memory_space<vmem>>
      %dma_start3A_553 = tpu.memref_squeeze %dma_start3A_552 : memref<1x64xf32, #tpu.memory_space<vmem>> -> memref<64xf32, #tpu.memory_space<vmem>>
      %dma_start3A_554 = arith.constant 0 : i32
      %dma_start3A_555 = tpu.memref_slice %arg2[%squeeze3A_546, %dma_start3A_554] : memref<1000001x64xf32, #tpu.memory_space<hbm>> -> memref<1x64xf32, #tpu.memory_space<hbm>>
      %dma_start3A_556 = tpu.memref_squeeze %dma_start3A_555 : memref<1x64xf32, #tpu.memory_space<hbm>> -> memref<64xf32, #tpu.memory_space<hbm>>
      %dma_start3A_557 = arith.constant 0 : i32
      %dma_start3A_558 = tpu.memref_slice %arg14[%add3A_550, %dma_start3A_557] : memref<256x64xf32, #tpu.memory_space<vmem>> -> memref<1x64xf32, #tpu.memory_space<vmem>>
      %dma_start3A_559 = tpu.memref_squeeze %dma_start3A_558 : memref<1x64xf32, #tpu.memory_space<vmem>> -> memref<64xf32, #tpu.memory_space<vmem>>
      %dma_start3A_560 = arith.constant 0 : i32
      %dma_start3A_561 = tpu.memref_slice %arg2[%squeeze3A_546, %dma_start3A_560] : memref<1000001x64xf32, #tpu.memory_space<hbm>> -> memref<1x64xf32, #tpu.memory_space<hbm>>
      %dma_start3A_562 = tpu.memref_squeeze %dma_start3A_561 : memref<1x64xf32, #tpu.memory_space<hbm>> -> memref<64xf32, #tpu.memory_space<hbm>>
      tpu.enqueue_dma source(%dma_start3A_562 : memref<64xf32, #tpu.memory_space<hbm>>) target(%dma_start3A_559 : memref<64xf32, #tpu.memory_space<vmem>>) target_semaphore(%arg17 : memref<!tpu.dma_semaphore, #tpu.memory_space<semaphore_mem>>)
      %slice3A_563 = vector.extract_strided_slice %get3A_43 {offsets = [14], sizes = [1], strides = [1]} : vector<16xi32> to vector<1xi32>
      %squeeze3A_564 = vector.extract %slice3A_563[0] : i32 from vector<1xi32>
      %mul3A_565 = arith.constant 16 : i32
      %mul3A_566 = arith.muli %scan3A_31, %mul3A_565 : i32
      %add3A_567 = arith.constant 14 : i32
      %add3A_568 = arith.addi %mul3A_566, %add3A_567 : i32
      %dma_start3A_569 = arith.constant 0 : i32
      %dma_start3A_570 = tpu.memref_slice %arg15[%add3A_568, %dma_start3A_569] : memref<256x64xf32, #tpu.memory_space<vmem>> -> memref<1x64xf32, #tpu.memory_space<vmem>>
      %dma_start3A_571 = tpu.memref_squeeze %dma_start3A_570 : memref<1x64xf32, #tpu.memory_space<vmem>> -> memref<64xf32, #tpu.memory_space<vmem>>
      %dma_start3A_572 = arith.constant 0 : i32
      %dma_start3A_573 = tpu.memref_slice %arg3[%squeeze3A_564, %dma_start3A_572] : memref<1000001x64xf32, #tpu.memory_space<hbm>> -> memref<1x64xf32, #tpu.memory_space<hbm>>
      %dma_start3A_574 = tpu.memref_squeeze %dma_start3A_573 : memref<1x64xf32, #tpu.memory_space<hbm>> -> memref<64xf32, #tpu.memory_space<hbm>>
      %dma_start3A_575 = arith.constant 0 : i32
      %dma_start3A_576 = tpu.memref_slice %arg15[%add3A_568, %dma_start3A_575] : memref<256x64xf32, #tpu.memory_space<vmem>> -> memref<1x64xf32, #tpu.memory_space<vmem>>
      %dma_start3A_577 = tpu.memref_squeeze %dma_start3A_576 : memref<1x64xf32, #tpu.memory_space<vmem>> -> memref<64xf32, #tpu.memory_space<vmem>>
      %dma_start3A_578 = arith.constant 0 : i32
      %dma_start3A_579 = tpu.memref_slice %arg3[%squeeze3A_564, %dma_start3A_578] : memref<1000001x64xf32, #tpu.memory_space<hbm>> -> memref<1x64xf32, #tpu.memory_space<hbm>>
      %dma_start3A_580 = tpu.memref_squeeze %dma_start3A_579 : memref<1x64xf32, #tpu.memory_space<hbm>> -> memref<64xf32, #tpu.memory_space<hbm>>
      tpu.enqueue_dma source(%dma_start3A_580 : memref<64xf32, #tpu.memory_space<hbm>>) target(%dma_start3A_577 : memref<64xf32, #tpu.memory_space<vmem>>) target_semaphore(%arg17 : memref<!tpu.dma_semaphore, #tpu.memory_space<semaphore_mem>>)
      %slice3A_581 = vector.extract_strided_slice %get3A_37 {offsets = [15], sizes = [1], strides = [1]} : vector<16xi32> to vector<1xi32>
      %squeeze3A_582 = vector.extract %slice3A_581[0] : i32 from vector<1xi32>
      %mul3A_583 = arith.constant 16 : i32
      %mul3A_584 = arith.muli %scan3A_31, %mul3A_583 : i32
      %add3A_585 = arith.constant 15 : i32
      %add3A_586 = arith.addi %mul3A_584, %add3A_585 : i32
      %dma_start3A_587 = arith.constant 0 : i32
      %dma_start3A_588 = tpu.memref_slice %arg14[%add3A_586, %dma_start3A_587] : memref<256x64xf32, #tpu.memory_space<vmem>> -> memref<1x64xf32, #tpu.memory_space<vmem>>
      %dma_start3A_589 = tpu.memref_squeeze %dma_start3A_588 : memref<1x64xf32, #tpu.memory_space<vmem>> -> memref<64xf32, #tpu.memory_space<vmem>>
      %dma_start3A_590 = arith.constant 0 : i32
      %dma_start3A_591 = tpu.memref_slice %arg2[%squeeze3A_582, %dma_start3A_590] : memref<1000001x64xf32, #tpu.memory_space<hbm>> -> memref<1x64xf32, #tpu.memory_space<hbm>>
      %dma_start3A_592 = tpu.memref_squeeze %dma_start3A_591 : memref<1x64xf32, #tpu.memory_space<hbm>> -> memref<64xf32, #tpu.memory_space<hbm>>
      %dma_start3A_593 = arith.constant 0 : i32
      %dma_start3A_594 = tpu.memref_slice %arg14[%add3A_586, %dma_start3A_593] : memref<256x64xf32, #tpu.memory_space<vmem>> -> memref<1x64xf32, #tpu.memory_space<vmem>>
      %dma_start3A_595 = tpu.memref_squeeze %dma_start3A_594 : memref<1x64xf32, #tpu.memory_space<vmem>> -> memref<64xf32, #tpu.memory_space<vmem>>
      %dma_start3A_596 = arith.constant 0 : i32
      %dma_start3A_597 = tpu.memref_slice %arg2[%squeeze3A_582, %dma_start3A_596] : memref<1000001x64xf32, #tpu.memory_space<hbm>> -> memref<1x64xf32, #tpu.memory_space<hbm>>
      %dma_start3A_598 = tpu.memref_squeeze %dma_start3A_597 : memref<1x64xf32, #tpu.memory_space<hbm>> -> memref<64xf32, #tpu.memory_space<hbm>>
      tpu.enqueue_dma source(%dma_start3A_598 : memref<64xf32, #tpu.memory_space<hbm>>) target(%dma_start3A_595 : memref<64xf32, #tpu.memory_space<vmem>>) target_semaphore(%arg17 : memref<!tpu.dma_semaphore, #tpu.memory_space<semaphore_mem>>)
      %slice3A_599 = vector.extract_strided_slice %get3A_43 {offsets = [15], sizes = [1], strides = [1]} : vector<16xi32> to vector<1xi32>
      %squeeze3A_600 = vector.extract %slice3A_599[0] : i32 from vector<1xi32>
      %mul3A_601 = arith.constant 16 : i32
      %mul3A_602 = arith.muli %scan3A_31, %mul3A_601 : i32
      %add3A_603 = arith.constant 15 : i32
      %add3A_604 = arith.addi %mul3A_602, %add3A_603 : i32
      %dma_start3A_605 = arith.constant 0 : i32
      %dma_start3A_606 = tpu.memref_slice %arg15[%add3A_604, %dma_start3A_605] : memref<256x64xf32, #tpu.memory_space<vmem>> -> memref<1x64xf32, #tpu.memory_space<vmem>>
      %dma_start3A_607 = tpu.memref_squeeze %dma_start3A_606 : memref<1x64xf32, #tpu.memory_space<vmem>> -> memref<64xf32, #tpu.memory_space<vmem>>
      %dma_start3A_608 = arith.constant 0 : i32
      %dma_start3A_609 = tpu.memref_slice %arg3[%squeeze3A_600, %dma_start3A_608] : memref<1000001x64xf32, #tpu.memory_space<hbm>> -> memref<1x64xf32, #tpu.memory_space<hbm>>
      %dma_start3A_610 = tpu.memref_squeeze %dma_start3A_609 : memref<1x64xf32, #tpu.memory_space<hbm>> -> memref<64xf32, #tpu.memory_space<hbm>>
      %dma_start3A_611 = arith.constant 0 : i32
      %dma_start3A_612 = tpu.memref_slice %arg15[%add3A_604, %dma_start3A_611] : memref<256x64xf32, #tpu.memory_space<vmem>> -> memref<1x64xf32, #tpu.memory_space<vmem>>
      %dma_start3A_613 = tpu.memref_squeeze %dma_start3A_612 : memref<1x64xf32, #tpu.memory_space<vmem>> -> memref<64xf32, #tpu.memory_space<vmem>>
      %dma_start3A_614 = arith.constant 0 : i32
      %dma_start3A_615 = tpu.memref_slice %arg3[%squeeze3A_600, %dma_start3A_614] : memref<1000001x64xf32, #tpu.memory_space<hbm>> -> memref<1x64xf32, #tpu.memory_space<hbm>>
      %dma_start3A_616 = tpu.memref_squeeze %dma_start3A_615 : memref<1x64xf32, #tpu.memory_space<hbm>> -> memref<64xf32, #tpu.memory_space<hbm>>
      tpu.enqueue_dma source(%dma_start3A_616 : memref<64xf32, #tpu.memory_space<hbm>>) target(%dma_start3A_613 : memref<64xf32, #tpu.memory_space<vmem>>) target_semaphore(%arg17 : memref<!tpu.dma_semaphore, #tpu.memory_space<semaphore_mem>>)
    }
    %scan3A_22 = arith.constant 16 : i32
    tpu.wait_dma2 semaphore(%arg17 : memref<!tpu.dma_semaphore, #tpu.memory_space<semaphore_mem>>) src(%arg8 : memref<256x64xf32, #tpu.memory_space<hbm>>) dst(%arg14 : memref<256x64xf32, #tpu.memory_space<vmem>>)
    tpu.wait_dma2 semaphore(%arg17 : memref<!tpu.dma_semaphore, #tpu.memory_space<semaphore_mem>>) src(%arg8 : memref<256x64xf32, #tpu.memory_space<hbm>>) dst(%arg15 : memref<256x64xf32, #tpu.memory_space<vmem>>)
    %scan3A_23 = arith.constant 0 : i32
    %scan3A_24 = arith.constant 0 : i32
    %scan3A_25 = arith.constant 16 : i32
    %scan3A_26 = arith.addi %scan3A_24, %scan3A_25 : i32
    %scan3A_27 = arith.constant 1 : i32
    scf.for %scan3A_31 = %scan3A_24 to %scan3A_26 step %scan3A_27  : i32 {
      %mul3A_32 = arith.constant 16 : i32
      %mul3A_33 = arith.muli %scan3A_31, %mul3A_32 : i32
      %add3A_34 = vector.broadcast %mul3A_33 : i32 to vector<16xi32>
      %add3A_35 = arith.addi %add3A_34, %iota3A : vector<16xi32>
      %broadcast_in_dim3A = arith.constant 0.000000e+00 : f32
      %broadcast_in_dim3A_36 = vector.broadcast %broadcast_in_dim3A : f32 to vector<16xf32>
      %broadcast_in_dim3A_37 = arith.constant 0.000000e+00 : f32
      %broadcast_in_dim3A_38 = vector.broadcast %broadcast_in_dim3A_37 : f32 to vector<16xf32>
      %broadcast_in_dim3A_39 = arith.constant 0.000000e+00 : f32
      %broadcast_in_dim3A_40 = vector.broadcast %broadcast_in_dim3A_39 : f32 to vector<16xf32>
      %broadcast_in_dim3A_41 = arith.constant 0 : i32
      %broadcast_in_dim3A_42 = vector.broadcast %broadcast_in_dim3A_41 : i32 to vector<16xi32>
      %gather3A = tpu.vector_load_idx %arg14[%add3A_35, %broadcast_in_dim3A_42] : memref<256x64xf32, #tpu.memory_space<vmem>>[vector<16xi32>, vector<16xi32>], vector<16xf32>,
      %gather3A_43 = tpu.vector_load_idx %arg15[%add3A_35, %broadcast_in_dim3A_42] : memref<256x64xf32, #tpu.memory_space<vmem>>[vector<16xi32>, vector<16xi32>], vector<16xf32>,
      %get3A_44 = arith.constant 0 : i32
      %get3A_45 = arith.index_cast %get3A_44 : i32 to index
      %get3A_46 = arith.constant 0 : index
      %get3A_47 = tpu.vector_load %arg12[%get3A_45, %get3A_46] {strides = array<i32>} : memref<64x16xf32, #tpu.memory_space<vmem>>, vector<16xf32>,
      %mul3A_48 = arith.mulf %gather3A, %gather3A : vector<16xf32>
      %add3A_49 = arith.addf %broadcast_in_dim3A_36, %mul3A_48 : vector<16xf32>
      %mul3A_50 = arith.mulf %gather3A_43, %gather3A_43 : vector<16xf32>
      %add3A_51 = arith.addf %broadcast_in_dim3A_38, %mul3A_50 : vector<16xf32>
      %mul3A_52 = arith.mulf %gather3A, %gather3A_43 : vector<16xf32>
      %mul3A_53 = arith.mulf %mul3A_52, %get3A_47 : vector<16xf32>
      %add3A_54 = arith.addf %broadcast_in_dim3A_40, %mul3A_53 : vector<16xf32>
      %broadcast_in_dim3A_55 = arith.constant 1 : i32
      %broadcast_in_dim3A_56 = vector.broadcast %broadcast_in_dim3A_55 : i32 to vector<16xi32>
      %gather3A_57 = tpu.vector_load_idx %arg14[%add3A_35, %broadcast_in_dim3A_56] : memref<256x64xf32, #tpu.memory_space<vmem>>[vector<16xi32>, vector<16xi32>], vector<16xf32>,
      %gather3A_58 = tpu.vector_load_idx %arg15[%add3A_35, %broadcast_in_dim3A_56] : memref<256x64xf32, #tpu.memory_space<vmem>>[vector<16xi32>, vector<16xi32>], vector<16xf32>,
      %get3A_59 = arith.constant 1 : i32
      %get3A_60 = arith.index_cast %get3A_59 : i32 to index
      %get3A_61 = arith.constant 0 : index
      %get3A_62 = tpu.vector_load %arg12[%get3A_60, %get3A_61] {strides = array<i32>} : memref<64x16xf32, #tpu.memory_space<vmem>>, vector<16xf32>,
      %mul3A_63 = arith.mulf %gather3A_57, %gather3A_57 : vector<16xf32>
      %add3A_64 = arith.addf %add3A_49, %mul3A_63 : vector<16xf32>
      %mul3A_65 = arith.mulf %gather3A_58, %gather3A_58 : vector<16xf32>
      %add3A_66 = arith.addf %add3A_51, %mul3A_65 : vector<16xf32>
      %mul3A_67 = arith.mulf %gather3A_57, %gather3A_58 : vector<16xf32>
      %mul3A_68 = arith.mulf %mul3A_67, %get3A_62 : vector<16xf32>
      %add3A_69 = arith.addf %add3A_54, %mul3A_68 : vector<16xf32>
      %broadcast_in_dim3A_70 = arith.constant 2 : i32
      %broadcast_in_dim3A_71 = vector.broadcast %broadcast_in_dim3A_70 : i32 to vector<16xi32>
      %gather3A_72 = tpu.vector_load_idx %arg14[%add3A_35, %broadcast_in_dim3A_71] : memref<256x64xf32, #tpu.memory_space<vmem>>[vector<16xi32>, vector<16xi32>], vector<16xf32>,
      %gather3A_73 = tpu.vector_load_idx %arg15[%add3A_35, %broadcast_in_dim3A_71] : memref<256x64xf32, #tpu.memory_space<vmem>>[vector<16xi32>, vector<16xi32>], vector<16xf32>,
      %get3A_74 = arith.constant 2 : i32
      %get3A_75 = arith.index_cast %get3A_74 : i32 to index
      %get3A_76 = arith.constant 0 : index
      %get3A_77 = tpu.vector_load %arg12[%get3A_75, %get3A_76] {strides = array<i32>} : memref<64x16xf32, #tpu.memory_space<vmem>>, vector<16xf32>,
      %mul3A_78 = arith.mulf %gather3A_72, %gather3A_72 : vector<16xf32>
      %add3A_79 = arith.addf %add3A_64, %mul3A_78 : vector<16xf32>
      %mul3A_80 = arith.mulf %gather3A_73, %gather3A_73 : vector<16xf32>
      %add3A_81 = arith.addf %add3A_66, %mul3A_80 : vector<16xf32>
      %mul3A_82 = arith.mulf %gather3A_72, %gather3A_73 : vector<16xf32>
      %mul3A_83 = arith.mulf %mul3A_82, %get3A_77 : vector<16xf32>
      %add3A_84 = arith.addf %add3A_69, %mul3A_83 : vector<16xf32>
      %broadcast_in_dim3A_85 = arith.constant 3 : i32
      %broadcast_in_dim3A_86 = vector.broadcast %broadcast_in_dim3A_85 : i32 to vector<16xi32>
      %gather3A_87 = tpu.vector_load_idx %arg14[%add3A_35, %broadcast_in_dim3A_86] : memref<256x64xf32, #tpu.memory_space<vmem>>[vector<16xi32>, vector<16xi32>], vector<16xf32>,
      %gather3A_88 = tpu.vector_load_idx %arg15[%add3A_35, %broadcast_in_dim3A_86] : memref<256x64xf32, #tpu.memory_space<vmem>>[vector<16xi32>, vector<16xi32>], vector<16xf32>,
      %get3A_89 = arith.constant 3 : i32
      %get3A_90 = arith.index_cast %get3A_89 : i32 to index
      %get3A_91 = arith.constant 0 : index
      %get3A_92 = tpu.vector_load %arg12[%get3A_90, %get3A_91] {strides = array<i32>} : memref<64x16xf32, #tpu.memory_space<vmem>>, vector<16xf32>,
      %mul3A_93 = arith.mulf %gather3A_87, %gather3A_87 : vector<16xf32>
      %add3A_94 = arith.addf %add3A_79, %mul3A_93 : vector<16xf32>
      %mul3A_95 = arith.mulf %gather3A_88, %gather3A_88 : vector<16xf32>
      %add3A_96 = arith.addf %add3A_81, %mul3A_95 : vector<16xf32>
      %mul3A_97 = arith.mulf %gather3A_87, %gather3A_88 : vector<16xf32>
      %mul3A_98 = arith.mulf %mul3A_97, %get3A_92 : vector<16xf32>
      %add3A_99 = arith.addf %add3A_84, %mul3A_98 : vector<16xf32>
      %broadcast_in_dim3A_100 = arith.constant 4 : i32
      %broadcast_in_dim3A_101 = vector.broadcast %broadcast_in_dim3A_100 : i32 to vector<16xi32>
      %gather3A_102 = tpu.vector_load_idx %arg14[%add3A_35, %broadcast_in_dim3A_101] : memref<256x64xf32, #tpu.memory_space<vmem>>[vector<16xi32>, vector<16xi32>], vector<16xf32>,
      %gather3A_103 = tpu.vector_load_idx %arg15[%add3A_35, %broadcast_in_dim3A_101] : memref<256x64xf32, #tpu.memory_space<vmem>>[vector<16xi32>, vector<16xi32>], vector<16xf32>,
      %get3A_104 = arith.constant 4 : i32
      %get3A_105 = arith.index_cast %get3A_104 : i32 to index
      %get3A_106 = arith.constant 0 : index
      %get3A_107 = tpu.vector_load %arg12[%get3A_105, %get3A_106] {strides = array<i32>} : memref<64x16xf32, #tpu.memory_space<vmem>>, vector<16xf32>,
      %mul3A_108 = arith.mulf %gather3A_102, %gather3A_102 : vector<16xf32>
      %add3A_109 = arith.addf %add3A_94, %mul3A_108 : vector<16xf32>
      %mul3A_110 = arith.mulf %gather3A_103, %gather3A_103 : vector<16xf32>
      %add3A_111 = arith.addf %add3A_96, %mul3A_110 : vector<16xf32>
      %mul3A_112 = arith.mulf %gather3A_102, %gather3A_103 : vector<16xf32>
      %mul3A_113 = arith.mulf %mul3A_112, %get3A_107 : vector<16xf32>
      %add3A_114 = arith.addf %add3A_99, %mul3A_113 : vector<16xf32>
      %broadcast_in_dim3A_115 = arith.constant 5 : i32
      %broadcast_in_dim3A_116 = vector.broadcast %broadcast_in_dim3A_115 : i32 to vector<16xi32>
      %gather3A_117 = tpu.vector_load_idx %arg14[%add3A_35, %broadcast_in_dim3A_116] : memref<256x64xf32, #tpu.memory_space<vmem>>[vector<16xi32>, vector<16xi32>], vector<16xf32>,
      %gather3A_118 = tpu.vector_load_idx %arg15[%add3A_35, %broadcast_in_dim3A_116] : memref<256x64xf32, #tpu.memory_space<vmem>>[vector<16xi32>, vector<16xi32>], vector<16xf32>,
      %get3A_119 = arith.constant 5 : i32
      %get3A_120 = arith.index_cast %get3A_119 : i32 to index
      %get3A_121 = arith.constant 0 : index
      %get3A_122 = tpu.vector_load %arg12[%get3A_120, %get3A_121] {strides = array<i32>} : memref<64x16xf32, #tpu.memory_space<vmem>>, vector<16xf32>,
      %mul3A_123 = arith.mulf %gather3A_117, %gather3A_117 : vector<16xf32>
      %add3A_124 = arith.addf %add3A_109, %mul3A_123 : vector<16xf32>
      %mul3A_125 = arith.mulf %gather3A_118, %gather3A_118 : vector<16xf32>
      %add3A_126 = arith.addf %add3A_111, %mul3A_125 : vector<16xf32>
      %mul3A_127 = arith.mulf %gather3A_117, %gather3A_118 : vector<16xf32>
      %mul3A_128 = arith.mulf %mul3A_127, %get3A_122 : vector<16xf32>
      %add3A_129 = arith.addf %add3A_114, %mul3A_128 : vector<16xf32>
      %broadcast_in_dim3A_130 = arith.constant 6 : i32
      %broadcast_in_dim3A_131 = vector.broadcast %broadcast_in_dim3A_130 : i32 to vector<16xi32>
      %gather3A_132 = tpu.vector_load_idx %arg14[%add3A_35, %broadcast_in_dim3A_131] : memref<256x64xf32, #tpu.memory_space<vmem>>[vector<16xi32>, vector<16xi32>], vector<16xf32>,
      %gather3A_133 = tpu.vector_load_idx %arg15[%add3A_35, %broadcast_in_dim3A_131] : memref<256x64xf32, #tpu.memory_space<vmem>>[vector<16xi32>, vector<16xi32>], vector<16xf32>,
      %get3A_134 = arith.constant 6 : i32
      %get3A_135 = arith.index_cast %get3A_134 : i32 to index
      %get3A_136 = arith.constant 0 : index
      %get3A_137 = tpu.vector_load %arg12[%get3A_135, %get3A_136] {strides = array<i32>} : memref<64x16xf32, #tpu.memory_space<vmem>>, vector<16xf32>,
      %mul3A_138 = arith.mulf %gather3A_132, %gather3A_132 : vector<16xf32>
      %add3A_139 = arith.addf %add3A_124, %mul3A_138 : vector<16xf32>
      %mul3A_140 = arith.mulf %gather3A_133, %gather3A_133 : vector<16xf32>
      %add3A_141 = arith.addf %add3A_126, %mul3A_140 : vector<16xf32>
      %mul3A_142 = arith.mulf %gather3A_132, %gather3A_133 : vector<16xf32>
      %mul3A_143 = arith.mulf %mul3A_142, %get3A_137 : vector<16xf32>
      %add3A_144 = arith.addf %add3A_129, %mul3A_143 : vector<16xf32>
      %broadcast_in_dim3A_145 = arith.constant 7 : i32
      %broadcast_in_dim3A_146 = vector.broadcast %broadcast_in_dim3A_145 : i32 to vector<16xi32>
      %gather3A_147 = tpu.vector_load_idx %arg14[%add3A_35, %broadcast_in_dim3A_146] : memref<256x64xf32, #tpu.memory_space<vmem>>[vector<16xi32>, vector<16xi32>], vector<16xf32>,
      %gather3A_148 = tpu.vector_load_idx %arg15[%add3A_35, %broadcast_in_dim3A_146] : memref<256x64xf32, #tpu.memory_space<vmem>>[vector<16xi32>, vector<16xi32>], vector<16xf32>,
      %get3A_149 = arith.constant 7 : i32
      %get3A_150 = arith.index_cast %get3A_149 : i32 to index
      %get3A_151 = arith.constant 0 : index
      %get3A_152 = tpu.vector_load %arg12[%get3A_150, %get3A_151] {strides = array<i32>} : memref<64x16xf32, #tpu.memory_space<vmem>>, vector<16xf32>,
      %mul3A_153 = arith.mulf %gather3A_147, %gather3A_147 : vector<16xf32>
      %add3A_154 = arith.addf %add3A_139, %mul3A_153 : vector<16xf32>
      %mul3A_155 = arith.mulf %gather3A_148, %gather3A_148 : vector<16xf32>
      %add3A_156 = arith.addf %add3A_141, %mul3A_155 : vector<16xf32>
      %mul3A_157 = arith.mulf %gather3A_147, %gather3A_148 : vector<16xf32>
      %mul3A_158 = arith.mulf %mul3A_157, %get3A_152 : vector<16xf32>
      %add3A_159 = arith.addf %add3A_144, %mul3A_158 : vector<16xf32>
      %broadcast_in_dim3A_160 = arith.constant 8 : i32
      %broadcast_in_dim3A_161 = vector.broadcast %broadcast_in_dim3A_160 : i32 to vector<16xi32>
      %gather3A_162 = tpu.vector_load_idx %arg14[%add3A_35, %broadcast_in_dim3A_161] : memref<256x64xf32, #tpu.memory_space<vmem>>[vector<16xi32>, vector<16xi32>], vector<16xf32>,
      %gather3A_163 = tpu.vector_load_idx %arg15[%add3A_35, %broadcast_in_dim3A_161] : memref<256x64xf32, #tpu.memory_space<vmem>>[vector<16xi32>, vector<16xi32>], vector<16xf32>,
      %get3A_164 = arith.constant 8 : i32
      %get3A_165 = arith.index_cast %get3A_164 : i32 to index
      %get3A_166 = arith.constant 0 : index
      %get3A_167 = tpu.vector_load %arg12[%get3A_165, %get3A_166] {strides = array<i32>} : memref<64x16xf32, #tpu.memory_space<vmem>>, vector<16xf32>,
      %mul3A_168 = arith.mulf %gather3A_162, %gather3A_162 : vector<16xf32>
      %add3A_169 = arith.addf %add3A_154, %mul3A_168 : vector<16xf32>
      %mul3A_170 = arith.mulf %gather3A_163, %gather3A_163 : vector<16xf32>
      %add3A_171 = arith.addf %add3A_156, %mul3A_170 : vector<16xf32>
      %mul3A_172 = arith.mulf %gather3A_162, %gather3A_163 : vector<16xf32>
      %mul3A_173 = arith.mulf %mul3A_172, %get3A_167 : vector<16xf32>
      %add3A_174 = arith.addf %add3A_159, %mul3A_173 : vector<16xf32>
      %broadcast_in_dim3A_175 = arith.constant 9 : i32
      %broadcast_in_dim3A_176 = vector.broadcast %broadcast_in_dim3A_175 : i32 to vector<16xi32>
      %gather3A_177 = tpu.vector_load_idx %arg14[%add3A_35, %broadcast_in_dim3A_176] : memref<256x64xf32, #tpu.memory_space<vmem>>[vector<16xi32>, vector<16xi32>], vector<16xf32>,
      %gather3A_178 = tpu.vector_load_idx %arg15[%add3A_35, %broadcast_in_dim3A_176] : memref<256x64xf32, #tpu.memory_space<vmem>>[vector<16xi32>, vector<16xi32>], vector<16xf32>,
      %get3A_179 = arith.constant 9 : i32
      %get3A_180 = arith.index_cast %get3A_179 : i32 to index
      %get3A_181 = arith.constant 0 : index
      %get3A_182 = tpu.vector_load %arg12[%get3A_180, %get3A_181] {strides = array<i32>} : memref<64x16xf32, #tpu.memory_space<vmem>>, vector<16xf32>,
      %mul3A_183 = arith.mulf %gather3A_177, %gather3A_177 : vector<16xf32>
      %add3A_184 = arith.addf %add3A_169, %mul3A_183 : vector<16xf32>
      %mul3A_185 = arith.mulf %gather3A_178, %gather3A_178 : vector<16xf32>
      %add3A_186 = arith.addf %add3A_171, %mul3A_185 : vector<16xf32>
      %mul3A_187 = arith.mulf %gather3A_177, %gather3A_178 : vector<16xf32>
      %mul3A_188 = arith.mulf %mul3A_187, %get3A_182 : vector<16xf32>
      %add3A_189 = arith.addf %add3A_174, %mul3A_188 : vector<16xf32>
      %broadcast_in_dim3A_190 = arith.constant 10 : i32
      %broadcast_in_dim3A_191 = vector.broadcast %broadcast_in_dim3A_190 : i32 to vector<16xi32>
      %gather3A_192 = tpu.vector_load_idx %arg14[%add3A_35, %broadcast_in_dim3A_191] : memref<256x64xf32, #tpu.memory_space<vmem>>[vector<16xi32>, vector<16xi32>], vector<16xf32>,
      %gather3A_193 = tpu.vector_load_idx %arg15[%add3A_35, %broadcast_in_dim3A_191] : memref<256x64xf32, #tpu.memory_space<vmem>>[vector<16xi32>, vector<16xi32>], vector<16xf32>,
      %get3A_194 = arith.constant 10 : i32
      %get3A_195 = arith.index_cast %get3A_194 : i32 to index
      %get3A_196 = arith.constant 0 : index
      %get3A_197 = tpu.vector_load %arg12[%get3A_195, %get3A_196] {strides = array<i32>} : memref<64x16xf32, #tpu.memory_space<vmem>>, vector<16xf32>,
      %mul3A_198 = arith.mulf %gather3A_192, %gather3A_192 : vector<16xf32>
      %add3A_199 = arith.addf %add3A_184, %mul3A_198 : vector<16xf32>
      %mul3A_200 = arith.mulf %gather3A_193, %gather3A_193 : vector<16xf32>
      %add3A_201 = arith.addf %add3A_186, %mul3A_200 : vector<16xf32>
      %mul3A_202 = arith.mulf %gather3A_192, %gather3A_193 : vector<16xf32>
      %mul3A_203 = arith.mulf %mul3A_202, %get3A_197 : vector<16xf32>
      %add3A_204 = arith.addf %add3A_189, %mul3A_203 : vector<16xf32>
      %broadcast_in_dim3A_205 = arith.constant 11 : i32
      %broadcast_in_dim3A_206 = vector.broadcast %broadcast_in_dim3A_205 : i32 to vector<16xi32>
      %gather3A_207 = tpu.vector_load_idx %arg14[%add3A_35, %broadcast_in_dim3A_206] : memref<256x64xf32, #tpu.memory_space<vmem>>[vector<16xi32>, vector<16xi32>], vector<16xf32>,
      %gather3A_208 = tpu.vector_load_idx %arg15[%add3A_35, %broadcast_in_dim3A_206] : memref<256x64xf32, #tpu.memory_space<vmem>>[vector<16xi32>, vector<16xi32>], vector<16xf32>,
      %get3A_209 = arith.constant 11 : i32
      %get3A_210 = arith.index_cast %get3A_209 : i32 to index
      %get3A_211 = arith.constant 0 : index
      %get3A_212 = tpu.vector_load %arg12[%get3A_210, %get3A_211] {strides = array<i32>} : memref<64x16xf32, #tpu.memory_space<vmem>>, vector<16xf32>,
      %mul3A_213 = arith.mulf %gather3A_207, %gather3A_207 : vector<16xf32>
      %add3A_214 = arith.addf %add3A_199, %mul3A_213 : vector<16xf32>
      %mul3A_215 = arith.mulf %gather3A_208, %gather3A_208 : vector<16xf32>
      %add3A_216 = arith.addf %add3A_201, %mul3A_215 : vector<16xf32>
      %mul3A_217 = arith.mulf %gather3A_207, %gather3A_208 : vector<16xf32>
      %mul3A_218 = arith.mulf %mul3A_217, %get3A_212 : vector<16xf32>
      %add3A_219 = arith.addf %add3A_204, %mul3A_218 : vector<16xf32>
      %broadcast_in_dim3A_220 = arith.constant 12 : i32
      %broadcast_in_dim3A_221 = vector.broadcast %broadcast_in_dim3A_220 : i32 to vector<16xi32>
      %gather3A_222 = tpu.vector_load_idx %arg14[%add3A_35, %broadcast_in_dim3A_221] : memref<256x64xf32, #tpu.memory_space<vmem>>[vector<16xi32>, vector<16xi32>], vector<16xf32>,
      %gather3A_223 = tpu.vector_load_idx %arg15[%add3A_35, %broadcast_in_dim3A_221] : memref<256x64xf32, #tpu.memory_space<vmem>>[vector<16xi32>, vector<16xi32>], vector<16xf32>,
      %get3A_224 = arith.constant 12 : i32
      %get3A_225 = arith.index_cast %get3A_224 : i32 to index
      %get3A_226 = arith.constant 0 : index
      %get3A_227 = tpu.vector_load %arg12[%get3A_225, %get3A_226] {strides = array<i32>} : memref<64x16xf32, #tpu.memory_space<vmem>>, vector<16xf32>,
      %mul3A_228 = arith.mulf %gather3A_222, %gather3A_222 : vector<16xf32>
      %add3A_229 = arith.addf %add3A_214, %mul3A_228 : vector<16xf32>
      %mul3A_230 = arith.mulf %gather3A_223, %gather3A_223 : vector<16xf32>
      %add3A_231 = arith.addf %add3A_216, %mul3A_230 : vector<16xf32>
      %mul3A_232 = arith.mulf %gather3A_222, %gather3A_223 : vector<16xf32>
      %mul3A_233 = arith.mulf %mul3A_232, %get3A_227 : vector<16xf32>
      %add3A_234 = arith.addf %add3A_219, %mul3A_233 : vector<16xf32>
      %broadcast_in_dim3A_235 = arith.constant 13 : i32
      %broadcast_in_dim3A_236 = vector.broadcast %broadcast_in_dim3A_235 : i32 to vector<16xi32>
      %gather3A_237 = tpu.vector_load_idx %arg14[%add3A_35, %broadcast_in_dim3A_236] : memref<256x64xf32, #tpu.memory_space<vmem>>[vector<16xi32>, vector<16xi32>], vector<16xf32>,
      %gather3A_238 = tpu.vector_load_idx %arg15[%add3A_35, %broadcast_in_dim3A_236] : memref<256x64xf32, #tpu.memory_space<vmem>>[vector<16xi32>, vector<16xi32>], vector<16xf32>,
      %get3A_239 = arith.constant 13 : i32
      %get3A_240 = arith.index_cast %get3A_239 : i32 to index
      %get3A_241 = arith.constant 0 : index
      %get3A_242 = tpu.vector_load %arg12[%get3A_240, %get3A_241] {strides = array<i32>} : memref<64x16xf32, #tpu.memory_space<vmem>>, vector<16xf32>,
      %mul3A_243 = arith.mulf %gather3A_237, %gather3A_237 : vector<16xf32>
      %add3A_244 = arith.addf %add3A_229, %mul3A_243 : vector<16xf32>
      %mul3A_245 = arith.mulf %gather3A_238, %gather3A_238 : vector<16xf32>
      %add3A_246 = arith.addf %add3A_231, %mul3A_245 : vector<16xf32>
      %mul3A_247 = arith.mulf %gather3A_237, %gather3A_238 : vector<16xf32>
      %mul3A_248 = arith.mulf %mul3A_247, %get3A_242 : vector<16xf32>
      %add3A_249 = arith.addf %add3A_234, %mul3A_248 : vector<16xf32>
      %broadcast_in_dim3A_250 = arith.constant 14 : i32
      %broadcast_in_dim3A_251 = vector.broadcast %broadcast_in_dim3A_250 : i32 to vector<16xi32>
      %gather3A_252 = tpu.vector_load_idx %arg14[%add3A_35, %broadcast_in_dim3A_251] : memref<256x64xf32, #tpu.memory_space<vmem>>[vector<16xi32>, vector<16xi32>], vector<16xf32>,
      %gather3A_253 = tpu.vector_load_idx %arg15[%add3A_35, %broadcast_in_dim3A_251] : memref<256x64xf32, #tpu.memory_space<vmem>>[vector<16xi32>, vector<16xi32>], vector<16xf32>,
      %get3A_254 = arith.constant 14 : i32
      %get3A_255 = arith.index_cast %get3A_254 : i32 to index
      %get3A_256 = arith.constant 0 : index
      %get3A_257 = tpu.vector_load %arg12[%get3A_255, %get3A_256] {strides = array<i32>} : memref<64x16xf32, #tpu.memory_space<vmem>>, vector<16xf32>,
      %mul3A_258 = arith.mulf %gather3A_252, %gather3A_252 : vector<16xf32>
      %add3A_259 = arith.addf %add3A_244, %mul3A_258 : vector<16xf32>
      %mul3A_260 = arith.mulf %gather3A_253, %gather3A_253 : vector<16xf32>
      %add3A_261 = arith.addf %add3A_246, %mul3A_260 : vector<16xf32>
      %mul3A_262 = arith.mulf %gather3A_252, %gather3A_253 : vector<16xf32>
      %mul3A_263 = arith.mulf %mul3A_262, %get3A_257 : vector<16xf32>
      %add3A_264 = arith.addf %add3A_249, %mul3A_263 : vector<16xf32>
      %broadcast_in_dim3A_265 = arith.constant 15 : i32
      %broadcast_in_dim3A_266 = vector.broadcast %broadcast_in_dim3A_265 : i32 to vector<16xi32>
      %gather3A_267 = tpu.vector_load_idx %arg14[%add3A_35, %broadcast_in_dim3A_266] : memref<256x64xf32, #tpu.memory_space<vmem>>[vector<16xi32>, vector<16xi32>], vector<16xf32>,
      %gather3A_268 = tpu.vector_load_idx %arg15[%add3A_35, %broadcast_in_dim3A_266] : memref<256x64xf32, #tpu.memory_space<vmem>>[vector<16xi32>, vector<16xi32>], vector<16xf32>,
      %get3A_269 = arith.constant 15 : i32
      %get3A_270 = arith.index_cast %get3A_269 : i32 to index
      %get3A_271 = arith.constant 0 : index
      %get3A_272 = tpu.vector_load %arg12[%get3A_270, %get3A_271] {strides = array<i32>} : memref<64x16xf32, #tpu.memory_space<vmem>>, vector<16xf32>,
      %mul3A_273 = arith.mulf %gather3A_267, %gather3A_267 : vector<16xf32>
      %add3A_274 = arith.addf %add3A_259, %mul3A_273 : vector<16xf32>
      %mul3A_275 = arith.mulf %gather3A_268, %gather3A_268 : vector<16xf32>
      %add3A_276 = arith.addf %add3A_261, %mul3A_275 : vector<16xf32>
      %mul3A_277 = arith.mulf %gather3A_267, %gather3A_268 : vector<16xf32>
      %mul3A_278 = arith.mulf %mul3A_277, %get3A_272 : vector<16xf32>
      %add3A_279 = arith.addf %add3A_264, %mul3A_278 : vector<16xf32>
      %broadcast_in_dim3A_280 = arith.constant 16 : i32
      %broadcast_in_dim3A_281 = vector.broadcast %broadcast_in_dim3A_280 : i32 to vector<16xi32>
      %gather3A_282 = tpu.vector_load_idx %arg14[%add3A_35, %broadcast_in_dim3A_281] : memref<256x64xf32, #tpu.memory_space<vmem>>[vector<16xi32>, vector<16xi32>], vector<16xf32>,
      %gather3A_283 = tpu.vector_load_idx %arg15[%add3A_35, %broadcast_in_dim3A_281] : memref<256x64xf32, #tpu.memory_space<vmem>>[vector<16xi32>, vector<16xi32>], vector<16xf32>,
      %get3A_284 = arith.constant 16 : i32
      %get3A_285 = arith.index_cast %get3A_284 : i32 to index
      %get3A_286 = arith.constant 0 : index
      %get3A_287 = tpu.vector_load %arg12[%get3A_285, %get3A_286] {strides = array<i32>} : memref<64x16xf32, #tpu.memory_space<vmem>>, vector<16xf32>,
      %mul3A_288 = arith.mulf %gather3A_282, %gather3A_282 : vector<16xf32>
      %add3A_289 = arith.addf %add3A_274, %mul3A_288 : vector<16xf32>
      %mul3A_290 = arith.mulf %gather3A_283, %gather3A_283 : vector<16xf32>
      %add3A_291 = arith.addf %add3A_276, %mul3A_290 : vector<16xf32>
      %mul3A_292 = arith.mulf %gather3A_282, %gather3A_283 : vector<16xf32>
      %mul3A_293 = arith.mulf %mul3A_292, %get3A_287 : vector<16xf32>
      %add3A_294 = arith.addf %add3A_279, %mul3A_293 : vector<16xf32>
      %broadcast_in_dim3A_295 = arith.constant 17 : i32
      %broadcast_in_dim3A_296 = vector.broadcast %broadcast_in_dim3A_295 : i32 to vector<16xi32>
      %gather3A_297 = tpu.vector_load_idx %arg14[%add3A_35, %broadcast_in_dim3A_296] : memref<256x64xf32, #tpu.memory_space<vmem>>[vector<16xi32>, vector<16xi32>], vector<16xf32>,
      %gather3A_298 = tpu.vector_load_idx %arg15[%add3A_35, %broadcast_in_dim3A_296] : memref<256x64xf32, #tpu.memory_space<vmem>>[vector<16xi32>, vector<16xi32>], vector<16xf32>,
      %get3A_299 = arith.constant 17 : i32
      %get3A_300 = arith.index_cast %get3A_299 : i32 to index
      %get3A_301 = arith.constant 0 : index
      %get3A_302 = tpu.vector_load %arg12[%get3A_300, %get3A_301] {strides = array<i32>} : memref<64x16xf32, #tpu.memory_space<vmem>>, vector<16xf32>,
      %mul3A_303 = arith.mulf %gather3A_297, %gather3A_297 : vector<16xf32>
      %add3A_304 = arith.addf %add3A_289, %mul3A_303 : vector<16xf32>
      %mul3A_305 = arith.mulf %gather3A_298, %gather3A_298 : vector<16xf32>
      %add3A_306 = arith.addf %add3A_291, %mul3A_305 : vector<16xf32>
      %mul3A_307 = arith.mulf %gather3A_297, %gather3A_298 : vector<16xf32>
      %mul3A_308 = arith.mulf %mul3A_307, %get3A_302 : vector<16xf32>
      %add3A_309 = arith.addf %add3A_294, %mul3A_308 : vector<16xf32>
      %broadcast_in_dim3A_310 = arith.constant 18 : i32
      %broadcast_in_dim3A_311 = vector.broadcast %broadcast_in_dim3A_310 : i32 to vector<16xi32>
      %gather3A_312 = tpu.vector_load_idx %arg14[%add3A_35, %broadcast_in_dim3A_311] : memref<256x64xf32, #tpu.memory_space<vmem>>[vector<16xi32>, vector<16xi32>], vector<16xf32>,
      %gather3A_313 = tpu.vector_load_idx %arg15[%add3A_35, %broadcast_in_dim3A_311] : memref<256x64xf32, #tpu.memory_space<vmem>>[vector<16xi32>, vector<16xi32>], vector<16xf32>,
      %get3A_314 = arith.constant 18 : i32
      %get3A_315 = arith.index_cast %get3A_314 : i32 to index
      %get3A_316 = arith.constant 0 : index
      %get3A_317 = tpu.vector_load %arg12[%get3A_315, %get3A_316] {strides = array<i32>} : memref<64x16xf32, #tpu.memory_space<vmem>>, vector<16xf32>,
      %mul3A_318 = arith.mulf %gather3A_312, %gather3A_312 : vector<16xf32>
      %add3A_319 = arith.addf %add3A_304, %mul3A_318 : vector<16xf32>
      %mul3A_320 = arith.mulf %gather3A_313, %gather3A_313 : vector<16xf32>
      %add3A_321 = arith.addf %add3A_306, %mul3A_320 : vector<16xf32>
      %mul3A_322 = arith.mulf %gather3A_312, %gather3A_313 : vector<16xf32>
      %mul3A_323 = arith.mulf %mul3A_322, %get3A_317 : vector<16xf32>
      %add3A_324 = arith.addf %add3A_309, %mul3A_323 : vector<16xf32>
      %broadcast_in_dim3A_325 = arith.constant 19 : i32
      %broadcast_in_dim3A_326 = vector.broadcast %broadcast_in_dim3A_325 : i32 to vector<16xi32>
      %gather3A_327 = tpu.vector_load_idx %arg14[%add3A_35, %broadcast_in_dim3A_326] : memref<256x64xf32, #tpu.memory_space<vmem>>[vector<16xi32>, vector<16xi32>], vector<16xf32>,
      %gather3A_328 = tpu.vector_load_idx %arg15[%add3A_35, %broadcast_in_dim3A_326] : memref<256x64xf32, #tpu.memory_space<vmem>>[vector<16xi32>, vector<16xi32>], vector<16xf32>,
      %get3A_329 = arith.constant 19 : i32
      %get3A_330 = arith.index_cast %get3A_329 : i32 to index
      %get3A_331 = arith.constant 0 : index
      %get3A_332 = tpu.vector_load %arg12[%get3A_330, %get3A_331] {strides = array<i32>} : memref<64x16xf32, #tpu.memory_space<vmem>>, vector<16xf32>,
      %mul3A_333 = arith.mulf %gather3A_327, %gather3A_327 : vector<16xf32>
      %add3A_334 = arith.addf %add3A_319, %mul3A_333 : vector<16xf32>
      %mul3A_335 = arith.mulf %gather3A_328, %gather3A_328 : vector<16xf32>
      %add3A_336 = arith.addf %add3A_321, %mul3A_335 : vector<16xf32>
      %mul3A_337 = arith.mulf %gather3A_327, %gather3A_328 : vector<16xf32>
      %mul3A_338 = arith.mulf %mul3A_337, %get3A_332 : vector<16xf32>
      %add3A_339 = arith.addf %add3A_324, %mul3A_338 : vector<16xf32>
      %broadcast_in_dim3A_340 = arith.constant 20 : i32
      %broadcast_in_dim3A_341 = vector.broadcast %broadcast_in_dim3A_340 : i32 to vector<16xi32>
      %gather3A_342 = tpu.vector_load_idx %arg14[%add3A_35, %broadcast_in_dim3A_341] : memref<256x64xf32, #tpu.memory_space<vmem>>[vector<16xi32>, vector<16xi32>], vector<16xf32>,
      %gather3A_343 = tpu.vector_load_idx %arg15[%add3A_35, %broadcast_in_dim3A_341] : memref<256x64xf32, #tpu.memory_space<vmem>>[vector<16xi32>, vector<16xi32>], vector<16xf32>,
      %get3A_344 = arith.constant 20 : i32
      %get3A_345 = arith.index_cast %get3A_344 : i32 to index
      %get3A_346 = arith.constant 0 : index
      %get3A_347 = tpu.vector_load %arg12[%get3A_345, %get3A_346] {strides = array<i32>} : memref<64x16xf32, #tpu.memory_space<vmem>>, vector<16xf32>,
      %mul3A_348 = arith.mulf %gather3A_342, %gather3A_342 : vector<16xf32>
      %add3A_349 = arith.addf %add3A_334, %mul3A_348 : vector<16xf32>
      %mul3A_350 = arith.mulf %gather3A_343, %gather3A_343 : vector<16xf32>
      %add3A_351 = arith.addf %add3A_336, %mul3A_350 : vector<16xf32>
      %mul3A_352 = arith.mulf %gather3A_342, %gather3A_343 : vector<16xf32>
      %mul3A_353 = arith.mulf %mul3A_352, %get3A_347 : vector<16xf32>
      %add3A_354 = arith.addf %add3A_339, %mul3A_353 : vector<16xf32>
      %broadcast_in_dim3A_355 = arith.constant 21 : i32
      %broadcast_in_dim3A_356 = vector.broadcast %broadcast_in_dim3A_355 : i32 to vector<16xi32>
      %gather3A_357 = tpu.vector_load_idx %arg14[%add3A_35, %broadcast_in_dim3A_356] : memref<256x64xf32, #tpu.memory_space<vmem>>[vector<16xi32>, vector<16xi32>], vector<16xf32>,
      %gather3A_358 = tpu.vector_load_idx %arg15[%add3A_35, %broadcast_in_dim3A_356] : memref<256x64xf32, #tpu.memory_space<vmem>>[vector<16xi32>, vector<16xi32>], vector<16xf32>,
      %get3A_359 = arith.constant 21 : i32
      %get3A_360 = arith.index_cast %get3A_359 : i32 to index
      %get3A_361 = arith.constant 0 : index
      %get3A_362 = tpu.vector_load %arg12[%get3A_360, %get3A_361] {strides = array<i32>} : memref<64x16xf32, #tpu.memory_space<vmem>>, vector<16xf32>,
      %mul3A_363 = arith.mulf %gather3A_357, %gather3A_357 : vector<16xf32>
      %add3A_364 = arith.addf %add3A_349, %mul3A_363 : vector<16xf32>
      %mul3A_365 = arith.mulf %gather3A_358, %gather3A_358 : vector<16xf32>
      %add3A_366 = arith.addf %add3A_351, %mul3A_365 : vector<16xf32>
      %mul3A_367 = arith.mulf %gather3A_357, %gather3A_358 : vector<16xf32>
      %mul3A_368 = arith.mulf %mul3A_367, %get3A_362 : vector<16xf32>
      %add3A_369 = arith.addf %add3A_354, %mul3A_368 : vector<16xf32>
      %broadcast_in_dim3A_370 = arith.constant 22 : i32
      %broadcast_in_dim3A_371 = vector.broadcast %broadcast_in_dim3A_370 : i32 to vector<16xi32>
      %gather3A_372 = tpu.vector_load_idx %arg14[%add3A_35, %broadcast_in_dim3A_371] : memref<256x64xf32, #tpu.memory_space<vmem>>[vector<16xi32>, vector<16xi32>], vector<16xf32>,
      %gather3A_373 = tpu.vector_load_idx %arg15[%add3A_35, %broadcast_in_dim3A_371] : memref<256x64xf32, #tpu.memory_space<vmem>>[vector<16xi32>, vector<16xi32>], vector<16xf32>,
      %get3A_374 = arith.constant 22 : i32
      %get3A_375 = arith.index_cast %get3A_374 : i32 to index
      %get3A_376 = arith.constant 0 : index
      %get3A_377 = tpu.vector_load %arg12[%get3A_375, %get3A_376] {strides = array<i32>} : memref<64x16xf32, #tpu.memory_space<vmem>>, vector<16xf32>,
      %mul3A_378 = arith.mulf %gather3A_372, %gather3A_372 : vector<16xf32>
      %add3A_379 = arith.addf %add3A_364, %mul3A_378 : vector<16xf32>
      %mul3A_380 = arith.mulf %gather3A_373, %gather3A_373 : vector<16xf32>
      %add3A_381 = arith.addf %add3A_366, %mul3A_380 : vector<16xf32>
      %mul3A_382 = arith.mulf %gather3A_372, %gather3A_373 : vector<16xf32>
      %mul3A_383 = arith.mulf %mul3A_382, %get3A_377 : vector<16xf32>
      %add3A_384 = arith.addf %add3A_369, %mul3A_383 : vector<16xf32>
      %broadcast_in_dim3A_385 = arith.constant 23 : i32
      %broadcast_in_dim3A_386 = vector.broadcast %broadcast_in_dim3A_385 : i32 to vector<16xi32>
      %gather3A_387 = tpu.vector_load_idx %arg14[%add3A_35, %broadcast_in_dim3A_386] : memref<256x64xf32, #tpu.memory_space<vmem>>[vector<16xi32>, vector<16xi32>], vector<16xf32>,
      %gather3A_388 = tpu.vector_load_idx %arg15[%add3A_35, %broadcast_in_dim3A_386] : memref<256x64xf32, #tpu.memory_space<vmem>>[vector<16xi32>, vector<16xi32>], vector<16xf32>,
      %get3A_389 = arith.constant 23 : i32
      %get3A_390 = arith.index_cast %get3A_389 : i32 to index
      %get3A_391 = arith.constant 0 : index
      %get3A_392 = tpu.vector_load %arg12[%get3A_390, %get3A_391] {strides = array<i32>} : memref<64x16xf32, #tpu.memory_space<vmem>>, vector<16xf32>,
      %mul3A_393 = arith.mulf %gather3A_387, %gather3A_387 : vector<16xf32>
      %add3A_394 = arith.addf %add3A_379, %mul3A_393 : vector<16xf32>
      %mul3A_395 = arith.mulf %gather3A_388, %gather3A_388 : vector<16xf32>
      %add3A_396 = arith.addf %add3A_381, %mul3A_395 : vector<16xf32>
      %mul3A_397 = arith.mulf %gather3A_387, %gather3A_388 : vector<16xf32>
      %mul3A_398 = arith.mulf %mul3A_397, %get3A_392 : vector<16xf32>
      %add3A_399 = arith.addf %add3A_384, %mul3A_398 : vector<16xf32>
      %broadcast_in_dim3A_400 = arith.constant 24 : i32
      %broadcast_in_dim3A_401 = vector.broadcast %broadcast_in_dim3A_400 : i32 to vector<16xi32>
      %gather3A_402 = tpu.vector_load_idx %arg14[%add3A_35, %broadcast_in_dim3A_401] : memref<256x64xf32, #tpu.memory_space<vmem>>[vector<16xi32>, vector<16xi32>], vector<16xf32>,
      %gather3A_403 = tpu.vector_load_idx %arg15[%add3A_35, %broadcast_in_dim3A_401] : memref<256x64xf32, #tpu.memory_space<vmem>>[vector<16xi32>, vector<16xi32>], vector<16xf32>,
      %get3A_404 = arith.constant 24 : i32
      %get3A_405 = arith.index_cast %get3A_404 : i32 to index
      %get3A_406 = arith.constant 0 : index
      %get3A_407 = tpu.vector_load %arg12[%get3A_405, %get3A_406] {strides = array<i32>} : memref<64x16xf32, #tpu.memory_space<vmem>>, vector<16xf32>,
      %mul3A_408 = arith.mulf %gather3A_402, %gather3A_402 : vector<16xf32>
      %add3A_409 = arith.addf %add3A_394, %mul3A_408 : vector<16xf32>
      %mul3A_410 = arith.mulf %gather3A_403, %gather3A_403 : vector<16xf32>
      %add3A_411 = arith.addf %add3A_396, %mul3A_410 : vector<16xf32>
      %mul3A_412 = arith.mulf %gather3A_402, %gather3A_403 : vector<16xf32>
      %mul3A_413 = arith.mulf %mul3A_412, %get3A_407 : vector<16xf32>
      %add3A_414 = arith.addf %add3A_399, %mul3A_413 : vector<16xf32>
      %broadcast_in_dim3A_415 = arith.constant 25 : i32
      %broadcast_in_dim3A_416 = vector.broadcast %broadcast_in_dim3A_415 : i32 to vector<16xi32>
      %gather3A_417 = tpu.vector_load_idx %arg14[%add3A_35, %broadcast_in_dim3A_416] : memref<256x64xf32, #tpu.memory_space<vmem>>[vector<16xi32>, vector<16xi32>], vector<16xf32>,
      %gather3A_418 = tpu.vector_load_idx %arg15[%add3A_35, %broadcast_in_dim3A_416] : memref<256x64xf32, #tpu.memory_space<vmem>>[vector<16xi32>, vector<16xi32>], vector<16xf32>,
      %get3A_419 = arith.constant 25 : i32
      %get3A_420 = arith.index_cast %get3A_419 : i32 to index
      %get3A_421 = arith.constant 0 : index
      %get3A_422 = tpu.vector_load %arg12[%get3A_420, %get3A_421] {strides = array<i32>} : memref<64x16xf32, #tpu.memory_space<vmem>>, vector<16xf32>,
      %mul3A_423 = arith.mulf %gather3A_417, %gather3A_417 : vector<16xf32>
      %add3A_424 = arith.addf %add3A_409, %mul3A_423 : vector<16xf32>
      %mul3A_425 = arith.mulf %gather3A_418, %gather3A_418 : vector<16xf32>
      %add3A_426 = arith.addf %add3A_411, %mul3A_425 : vector<16xf32>
      %mul3A_427 = arith.mulf %gather3A_417, %gather3A_418 : vector<16xf32>
      %mul3A_428 = arith.mulf %mul3A_427, %get3A_422 : vector<16xf32>
      %add3A_429 = arith.addf %add3A_414, %mul3A_428 : vector<16xf32>
      %broadcast_in_dim3A_430 = arith.constant 26 : i32
      %broadcast_in_dim3A_431 = vector.broadcast %broadcast_in_dim3A_430 : i32 to vector<16xi32>
      %gather3A_432 = tpu.vector_load_idx %arg14[%add3A_35, %broadcast_in_dim3A_431] : memref<256x64xf32, #tpu.memory_space<vmem>>[vector<16xi32>, vector<16xi32>], vector<16xf32>,
      %gather3A_433 = tpu.vector_load_idx %arg15[%add3A_35, %broadcast_in_dim3A_431] : memref<256x64xf32, #tpu.memory_space<vmem>>[vector<16xi32>, vector<16xi32>], vector<16xf32>,
      %get3A_434 = arith.constant 26 : i32
      %get3A_435 = arith.index_cast %get3A_434 : i32 to index
      %get3A_436 = arith.constant 0 : index
      %get3A_437 = tpu.vector_load %arg12[%get3A_435, %get3A_436] {strides = array<i32>} : memref<64x16xf32, #tpu.memory_space<vmem>>, vector<16xf32>,
      %mul3A_438 = arith.mulf %gather3A_432, %gather3A_432 : vector<16xf32>
      %add3A_439 = arith.addf %add3A_424, %mul3A_438 : vector<16xf32>
      %mul3A_440 = arith.mulf %gather3A_433, %gather3A_433 : vector<16xf32>
      %add3A_441 = arith.addf %add3A_426, %mul3A_440 : vector<16xf32>
      %mul3A_442 = arith.mulf %gather3A_432, %gather3A_433 : vector<16xf32>
      %mul3A_443 = arith.mulf %mul3A_442, %get3A_437 : vector<16xf32>
      %add3A_444 = arith.addf %add3A_429, %mul3A_443 : vector<16xf32>
      %broadcast_in_dim3A_445 = arith.constant 27 : i32
      %broadcast_in_dim3A_446 = vector.broadcast %broadcast_in_dim3A_445 : i32 to vector<16xi32>
      %gather3A_447 = tpu.vector_load_idx %arg14[%add3A_35, %broadcast_in_dim3A_446] : memref<256x64xf32, #tpu.memory_space<vmem>>[vector<16xi32>, vector<16xi32>], vector<16xf32>,
      %gather3A_448 = tpu.vector_load_idx %arg15[%add3A_35, %broadcast_in_dim3A_446] : memref<256x64xf32, #tpu.memory_space<vmem>>[vector<16xi32>, vector<16xi32>], vector<16xf32>,
      %get3A_449 = arith.constant 27 : i32
      %get3A_450 = arith.index_cast %get3A_449 : i32 to index
      %get3A_451 = arith.constant 0 : index
      %get3A_452 = tpu.vector_load %arg12[%get3A_450, %get3A_451] {strides = array<i32>} : memref<64x16xf32, #tpu.memory_space<vmem>>, vector<16xf32>,
      %mul3A_453 = arith.mulf %gather3A_447, %gather3A_447 : vector<16xf32>
      %add3A_454 = arith.addf %add3A_439, %mul3A_453 : vector<16xf32>
      %mul3A_455 = arith.mulf %gather3A_448, %gather3A_448 : vector<16xf32>
      %add3A_456 = arith.addf %add3A_441, %mul3A_455 : vector<16xf32>
      %mul3A_457 = arith.mulf %gather3A_447, %gather3A_448 : vector<16xf32>
      %mul3A_458 = arith.mulf %mul3A_457, %get3A_452 : vector<16xf32>
      %add3A_459 = arith.addf %add3A_444, %mul3A_458 : vector<16xf32>
      %broadcast_in_dim3A_460 = arith.constant 28 : i32
      %broadcast_in_dim3A_461 = vector.broadcast %broadcast_in_dim3A_460 : i32 to vector<16xi32>
      %gather3A_462 = tpu.vector_load_idx %arg14[%add3A_35, %broadcast_in_dim3A_461] : memref<256x64xf32, #tpu.memory_space<vmem>>[vector<16xi32>, vector<16xi32>], vector<16xf32>,
      %gather3A_463 = tpu.vector_load_idx %arg15[%add3A_35, %broadcast_in_dim3A_461] : memref<256x64xf32, #tpu.memory_space<vmem>>[vector<16xi32>, vector<16xi32>], vector<16xf32>,
      %get3A_464 = arith.constant 28 : i32
      %get3A_465 = arith.index_cast %get3A_464 : i32 to index
      %get3A_466 = arith.constant 0 : index
      %get3A_467 = tpu.vector_load %arg12[%get3A_465, %get3A_466] {strides = array<i32>} : memref<64x16xf32, #tpu.memory_space<vmem>>, vector<16xf32>,
      %mul3A_468 = arith.mulf %gather3A_462, %gather3A_462 : vector<16xf32>
      %add3A_469 = arith.addf %add3A_454, %mul3A_468 : vector<16xf32>
      %mul3A_470 = arith.mulf %gather3A_463, %gather3A_463 : vector<16xf32>
      %add3A_471 = arith.addf %add3A_456, %mul3A_470 : vector<16xf32>
      %mul3A_472 = arith.mulf %gather3A_462, %gather3A_463 : vector<16xf32>
      %mul3A_473 = arith.mulf %mul3A_472, %get3A_467 : vector<16xf32>
      %add3A_474 = arith.addf %add3A_459, %mul3A_473 : vector<16xf32>
      %broadcast_in_dim3A_475 = arith.constant 29 : i32
      %broadcast_in_dim3A_476 = vector.broadcast %broadcast_in_dim3A_475 : i32 to vector<16xi32>
      %gather3A_477 = tpu.vector_load_idx %arg14[%add3A_35, %broadcast_in_dim3A_476] : memref<256x64xf32, #tpu.memory_space<vmem>>[vector<16xi32>, vector<16xi32>], vector<16xf32>,
      %gather3A_478 = tpu.vector_load_idx %arg15[%add3A_35, %broadcast_in_dim3A_476] : memref<256x64xf32, #tpu.memory_space<vmem>>[vector<16xi32>, vector<16xi32>], vector<16xf32>,
      %get3A_479 = arith.constant 29 : i32
      %get3A_480 = arith.index_cast %get3A_479 : i32 to index
      %get3A_481 = arith.constant 0 : index
      %get3A_482 = tpu.vector_load %arg12[%get3A_480, %get3A_481] {strides = array<i32>} : memref<64x16xf32, #tpu.memory_space<vmem>>, vector<16xf32>,
      %mul3A_483 = arith.mulf %gather3A_477, %gather3A_477 : vector<16xf32>
      %add3A_484 = arith.addf %add3A_469, %mul3A_483 : vector<16xf32>
      %mul3A_485 = arith.mulf %gather3A_478, %gather3A_478 : vector<16xf32>
      %add3A_486 = arith.addf %add3A_471, %mul3A_485 : vector<16xf32>
      %mul3A_487 = arith.mulf %gather3A_477, %gather3A_478 : vector<16xf32>
      %mul3A_488 = arith.mulf %mul3A_487, %get3A_482 : vector<16xf32>
      %add3A_489 = arith.addf %add3A_474, %mul3A_488 : vector<16xf32>
      %broadcast_in_dim3A_490 = arith.constant 30 : i32
      %broadcast_in_dim3A_491 = vector.broadcast %broadcast_in_dim3A_490 : i32 to vector<16xi32>
      %gather3A_492 = tpu.vector_load_idx %arg14[%add3A_35, %broadcast_in_dim3A_491] : memref<256x64xf32, #tpu.memory_space<vmem>>[vector<16xi32>, vector<16xi32>], vector<16xf32>,
      %gather3A_493 = tpu.vector_load_idx %arg15[%add3A_35, %broadcast_in_dim3A_491] : memref<256x64xf32, #tpu.memory_space<vmem>>[vector<16xi32>, vector<16xi32>], vector<16xf32>,
      %get3A_494 = arith.constant 30 : i32
      %get3A_495 = arith.index_cast %get3A_494 : i32 to index
      %get3A_496 = arith.constant 0 : index
      %get3A_497 = tpu.vector_load %arg12[%get3A_495, %get3A_496] {strides = array<i32>} : memref<64x16xf32, #tpu.memory_space<vmem>>, vector<16xf32>,
      %mul3A_498 = arith.mulf %gather3A_492, %gather3A_492 : vector<16xf32>
      %add3A_499 = arith.addf %add3A_484, %mul3A_498 : vector<16xf32>
      %mul3A_500 = arith.mulf %gather3A_493, %gather3A_493 : vector<16xf32>
      %add3A_501 = arith.addf %add3A_486, %mul3A_500 : vector<16xf32>
      %mul3A_502 = arith.mulf %gather3A_492, %gather3A_493 : vector<16xf32>
      %mul3A_503 = arith.mulf %mul3A_502, %get3A_497 : vector<16xf32>
      %add3A_504 = arith.addf %add3A_489, %mul3A_503 : vector<16xf32>
      %broadcast_in_dim3A_505 = arith.constant 31 : i32
      %broadcast_in_dim3A_506 = vector.broadcast %broadcast_in_dim3A_505 : i32 to vector<16xi32>
      %gather3A_507 = tpu.vector_load_idx %arg14[%add3A_35, %broadcast_in_dim3A_506] : memref<256x64xf32, #tpu.memory_space<vmem>>[vector<16xi32>, vector<16xi32>], vector<16xf32>,
      %gather3A_508 = tpu.vector_load_idx %arg15[%add3A_35, %broadcast_in_dim3A_506] : memref<256x64xf32, #tpu.memory_space<vmem>>[vector<16xi32>, vector<16xi32>], vector<16xf32>,
      %get3A_509 = arith.constant 31 : i32
      %get3A_510 = arith.index_cast %get3A_509 : i32 to index
      %get3A_511 = arith.constant 0 : index
      %get3A_512 = tpu.vector_load %arg12[%get3A_510, %get3A_511] {strides = array<i32>} : memref<64x16xf32, #tpu.memory_space<vmem>>, vector<16xf32>,
      %mul3A_513 = arith.mulf %gather3A_507, %gather3A_507 : vector<16xf32>
      %add3A_514 = arith.addf %add3A_499, %mul3A_513 : vector<16xf32>
      %mul3A_515 = arith.mulf %gather3A_508, %gather3A_508 : vector<16xf32>
      %add3A_516 = arith.addf %add3A_501, %mul3A_515 : vector<16xf32>
      %mul3A_517 = arith.mulf %gather3A_507, %gather3A_508 : vector<16xf32>
      %mul3A_518 = arith.mulf %mul3A_517, %get3A_512 : vector<16xf32>
      %add3A_519 = arith.addf %add3A_504, %mul3A_518 : vector<16xf32>
      %broadcast_in_dim3A_520 = arith.constant 32 : i32
      %broadcast_in_dim3A_521 = vector.broadcast %broadcast_in_dim3A_520 : i32 to vector<16xi32>
      %gather3A_522 = tpu.vector_load_idx %arg14[%add3A_35, %broadcast_in_dim3A_521] : memref<256x64xf32, #tpu.memory_space<vmem>>[vector<16xi32>, vector<16xi32>], vector<16xf32>,
      %gather3A_523 = tpu.vector_load_idx %arg15[%add3A_35, %broadcast_in_dim3A_521] : memref<256x64xf32, #tpu.memory_space<vmem>>[vector<16xi32>, vector<16xi32>], vector<16xf32>,
      %get3A_524 = arith.constant 32 : i32
      %get3A_525 = arith.index_cast %get3A_524 : i32 to index
      %get3A_526 = arith.constant 0 : index
      %get3A_527 = tpu.vector_load %arg12[%get3A_525, %get3A_526] {strides = array<i32>} : memref<64x16xf32, #tpu.memory_space<vmem>>, vector<16xf32>,
      %mul3A_528 = arith.mulf %gather3A_522, %gather3A_522 : vector<16xf32>
      %add3A_529 = arith.addf %add3A_514, %mul3A_528 : vector<16xf32>
      %mul3A_530 = arith.mulf %gather3A_523, %gather3A_523 : vector<16xf32>
      %add3A_531 = arith.addf %add3A_516, %mul3A_530 : vector<16xf32>
      %mul3A_532 = arith.mulf %gather3A_522, %gather3A_523 : vector<16xf32>
      %mul3A_533 = arith.mulf %mul3A_532, %get3A_527 : vector<16xf32>
      %add3A_534 = arith.addf %add3A_519, %mul3A_533 : vector<16xf32>
      %broadcast_in_dim3A_535 = arith.constant 33 : i32
      %broadcast_in_dim3A_536 = vector.broadcast %broadcast_in_dim3A_535 : i32 to vector<16xi32>
      %gather3A_537 = tpu.vector_load_idx %arg14[%add3A_35, %broadcast_in_dim3A_536] : memref<256x64xf32, #tpu.memory_space<vmem>>[vector<16xi32>, vector<16xi32>], vector<16xf32>,
      %gather3A_538 = tpu.vector_load_idx %arg15[%add3A_35, %broadcast_in_dim3A_536] : memref<256x64xf32, #tpu.memory_space<vmem>>[vector<16xi32>, vector<16xi32>], vector<16xf32>,
      %get3A_539 = arith.constant 33 : i32
      %get3A_540 = arith.index_cast %get3A_539 : i32 to index
      %get3A_541 = arith.constant 0 : index
      %get3A_542 = tpu.vector_load %arg12[%get3A_540, %get3A_541] {strides = array<i32>} : memref<64x16xf32, #tpu.memory_space<vmem>>, vector<16xf32>,
      %mul3A_543 = arith.mulf %gather3A_537, %gather3A_537 : vector<16xf32>
      %add3A_544 = arith.addf %add3A_529, %mul3A_543 : vector<16xf32>
      %mul3A_545 = arith.mulf %gather3A_538, %gather3A_538 : vector<16xf32>
      %add3A_546 = arith.addf %add3A_531, %mul3A_545 : vector<16xf32>
      %mul3A_547 = arith.mulf %gather3A_537, %gather3A_538 : vector<16xf32>
      %mul3A_548 = arith.mulf %mul3A_547, %get3A_542 : vector<16xf32>
      %add3A_549 = arith.addf %add3A_534, %mul3A_548 : vector<16xf32>
      %broadcast_in_dim3A_550 = arith.constant 34 : i32
      %broadcast_in_dim3A_551 = vector.broadcast %broadcast_in_dim3A_550 : i32 to vector<16xi32>
      %gather3A_552 = tpu.vector_load_idx %arg14[%add3A_35, %broadcast_in_dim3A_551] : memref<256x64xf32, #tpu.memory_space<vmem>>[vector<16xi32>, vector<16xi32>], vector<16xf32>,
      %gather3A_553 = tpu.vector_load_idx %arg15[%add3A_35, %broadcast_in_dim3A_551] : memref<256x64xf32, #tpu.memory_space<vmem>>[vector<16xi32>, vector<16xi32>], vector<16xf32>,
      %get3A_554 = arith.constant 34 : i32
      %get3A_555 = arith.index_cast %get3A_554 : i32 to index
      %get3A_556 = arith.constant 0 : index
      %get3A_557 = tpu.vector_load %arg12[%get3A_555, %get3A_556] {strides = array<i32>} : memref<64x16xf32, #tpu.memory_space<vmem>>, vector<16xf32>,
      %mul3A_558 = arith.mulf %gather3A_552, %gather3A_552 : vector<16xf32>
      %add3A_559 = arith.addf %add3A_544, %mul3A_558 : vector<16xf32>
      %mul3A_560 = arith.mulf %gather3A_553, %gather3A_553 : vector<16xf32>
      %add3A_561 = arith.addf %add3A_546, %mul3A_560 : vector<16xf32>
      %mul3A_562 = arith.mulf %gather3A_552, %gather3A_553 : vector<16xf32>
      %mul3A_563 = arith.mulf %mul3A_562, %get3A_557 : vector<16xf32>
      %add3A_564 = arith.addf %add3A_549, %mul3A_563 : vector<16xf32>
      %broadcast_in_dim3A_565 = arith.constant 35 : i32
      %broadcast_in_dim3A_566 = vector.broadcast %broadcast_in_dim3A_565 : i32 to vector<16xi32>
      %gather3A_567 = tpu.vector_load_idx %arg14[%add3A_35, %broadcast_in_dim3A_566] : memref<256x64xf32, #tpu.memory_space<vmem>>[vector<16xi32>, vector<16xi32>], vector<16xf32>,
      %gather3A_568 = tpu.vector_load_idx %arg15[%add3A_35, %broadcast_in_dim3A_566] : memref<256x64xf32, #tpu.memory_space<vmem>>[vector<16xi32>, vector<16xi32>], vector<16xf32>,
      %get3A_569 = arith.constant 35 : i32
      %get3A_570 = arith.index_cast %get3A_569 : i32 to index
      %get3A_571 = arith.constant 0 : index
      %get3A_572 = tpu.vector_load %arg12[%get3A_570, %get3A_571] {strides = array<i32>} : memref<64x16xf32, #tpu.memory_space<vmem>>, vector<16xf32>,
      %mul3A_573 = arith.mulf %gather3A_567, %gather3A_567 : vector<16xf32>
      %add3A_574 = arith.addf %add3A_559, %mul3A_573 : vector<16xf32>
      %mul3A_575 = arith.mulf %gather3A_568, %gather3A_568 : vector<16xf32>
      %add3A_576 = arith.addf %add3A_561, %mul3A_575 : vector<16xf32>
      %mul3A_577 = arith.mulf %gather3A_567, %gather3A_568 : vector<16xf32>
      %mul3A_578 = arith.mulf %mul3A_577, %get3A_572 : vector<16xf32>
      %add3A_579 = arith.addf %add3A_564, %mul3A_578 : vector<16xf32>
      %broadcast_in_dim3A_580 = arith.constant 36 : i32
      %broadcast_in_dim3A_581 = vector.broadcast %broadcast_in_dim3A_580 : i32 to vector<16xi32>
      %gather3A_582 = tpu.vector_load_idx %arg14[%add3A_35, %broadcast_in_dim3A_581] : memref<256x64xf32, #tpu.memory_space<vmem>>[vector<16xi32>, vector<16xi32>], vector<16xf32>,
      %gather3A_583 = tpu.vector_load_idx %arg15[%add3A_35, %broadcast_in_dim3A_581] : memref<256x64xf32, #tpu.memory_space<vmem>>[vector<16xi32>, vector<16xi32>], vector<16xf32>,
      %get3A_584 = arith.constant 36 : i32
      %get3A_585 = arith.index_cast %get3A_584 : i32 to index
      %get3A_586 = arith.constant 0 : index
      %get3A_587 = tpu.vector_load %arg12[%get3A_585, %get3A_586] {strides = array<i32>} : memref<64x16xf32, #tpu.memory_space<vmem>>, vector<16xf32>,
      %mul3A_588 = arith.mulf %gather3A_582, %gather3A_582 : vector<16xf32>
      %add3A_589 = arith.addf %add3A_574, %mul3A_588 : vector<16xf32>
      %mul3A_590 = arith.mulf %gather3A_583, %gather3A_583 : vector<16xf32>
      %add3A_591 = arith.addf %add3A_576, %mul3A_590 : vector<16xf32>
      %mul3A_592 = arith.mulf %gather3A_582, %gather3A_583 : vector<16xf32>
      %mul3A_593 = arith.mulf %mul3A_592, %get3A_587 : vector<16xf32>
      %add3A_594 = arith.addf %add3A_579, %mul3A_593 : vector<16xf32>
      %broadcast_in_dim3A_595 = arith.constant 37 : i32
      %broadcast_in_dim3A_596 = vector.broadcast %broadcast_in_dim3A_595 : i32 to vector<16xi32>
      %gather3A_597 = tpu.vector_load_idx %arg14[%add3A_35, %broadcast_in_dim3A_596] : memref<256x64xf32, #tpu.memory_space<vmem>>[vector<16xi32>, vector<16xi32>], vector<16xf32>,
      %gather3A_598 = tpu.vector_load_idx %arg15[%add3A_35, %broadcast_in_dim3A_596] : memref<256x64xf32, #tpu.memory_space<vmem>>[vector<16xi32>, vector<16xi32>], vector<16xf32>,
      %get3A_599 = arith.constant 37 : i32
      %get3A_600 = arith.index_cast %get3A_599 : i32 to index
      %get3A_601 = arith.constant 0 : index
      %get3A_602 = tpu.vector_load %arg12[%get3A_600, %get3A_601] {strides = array<i32>} : memref<64x16xf32, #tpu.memory_space<vmem>>, vector<16xf32>,
      %mul3A_603 = arith.mulf %gather3A_597, %gather3A_597 : vector<16xf32>
      %add3A_604 = arith.addf %add3A_589, %mul3A_603 : vector<16xf32>
      %mul3A_605 = arith.mulf %gather3A_598, %gather3A_598 : vector<16xf32>
      %add3A_606 = arith.addf %add3A_591, %mul3A_605 : vector<16xf32>
      %mul3A_607 = arith.mulf %gather3A_597, %gather3A_598 : vector<16xf32>
      %mul3A_608 = arith.mulf %mul3A_607, %get3A_602 : vector<16xf32>
      %add3A_609 = arith.addf %add3A_594, %mul3A_608 : vector<16xf32>
      %broadcast_in_dim3A_610 = arith.constant 38 : i32
      %broadcast_in_dim3A_611 = vector.broadcast %broadcast_in_dim3A_610 : i32 to vector<16xi32>
      %gather3A_612 = tpu.vector_load_idx %arg14[%add3A_35, %broadcast_in_dim3A_611] : memref<256x64xf32, #tpu.memory_space<vmem>>[vector<16xi32>, vector<16xi32>], vector<16xf32>,
      %gather3A_613 = tpu.vector_load_idx %arg15[%add3A_35, %broadcast_in_dim3A_611] : memref<256x64xf32, #tpu.memory_space<vmem>>[vector<16xi32>, vector<16xi32>], vector<16xf32>,
      %get3A_614 = arith.constant 38 : i32
      %get3A_615 = arith.index_cast %get3A_614 : i32 to index
      %get3A_616 = arith.constant 0 : index
      %get3A_617 = tpu.vector_load %arg12[%get3A_615, %get3A_616] {strides = array<i32>} : memref<64x16xf32, #tpu.memory_space<vmem>>, vector<16xf32>,
      %mul3A_618 = arith.mulf %gather3A_612, %gather3A_612 : vector<16xf32>
      %add3A_619 = arith.addf %add3A_604, %mul3A_618 : vector<16xf32>
      %mul3A_620 = arith.mulf %gather3A_613, %gather3A_613 : vector<16xf32>
      %add3A_621 = arith.addf %add3A_606, %mul3A_620 : vector<16xf32>
      %mul3A_622 = arith.mulf %gather3A_612, %gather3A_613 : vector<16xf32>
      %mul3A_623 = arith.mulf %mul3A_622, %get3A_617 : vector<16xf32>
      %add3A_624 = arith.addf %add3A_609, %mul3A_623 : vector<16xf32>
      %broadcast_in_dim3A_625 = arith.constant 39 : i32
      %broadcast_in_dim3A_626 = vector.broadcast %broadcast_in_dim3A_625 : i32 to vector<16xi32>
      %gather3A_627 = tpu.vector_load_idx %arg14[%add3A_35, %broadcast_in_dim3A_626] : memref<256x64xf32, #tpu.memory_space<vmem>>[vector<16xi32>, vector<16xi32>], vector<16xf32>,
      %gather3A_628 = tpu.vector_load_idx %arg15[%add3A_35, %broadcast_in_dim3A_626] : memref<256x64xf32, #tpu.memory_space<vmem>>[vector<16xi32>, vector<16xi32>], vector<16xf32>,
      %get3A_629 = arith.constant 39 : i32
      %get3A_630 = arith.index_cast %get3A_629 : i32 to index
      %get3A_631 = arith.constant 0 : index
      %get3A_632 = tpu.vector_load %arg12[%get3A_630, %get3A_631] {strides = array<i32>} : memref<64x16xf32, #tpu.memory_space<vmem>>, vector<16xf32>,
      %mul3A_633 = arith.mulf %gather3A_627, %gather3A_627 : vector<16xf32>
      %add3A_634 = arith.addf %add3A_619, %mul3A_633 : vector<16xf32>
      %mul3A_635 = arith.mulf %gather3A_628, %gather3A_628 : vector<16xf32>
      %add3A_636 = arith.addf %add3A_621, %mul3A_635 : vector<16xf32>
      %mul3A_637 = arith.mulf %gather3A_627, %gather3A_628 : vector<16xf32>
      %mul3A_638 = arith.mulf %mul3A_637, %get3A_632 : vector<16xf32>
      %add3A_639 = arith.addf %add3A_624, %mul3A_638 : vector<16xf32>
      %broadcast_in_dim3A_640 = arith.constant 40 : i32
      %broadcast_in_dim3A_641 = vector.broadcast %broadcast_in_dim3A_640 : i32 to vector<16xi32>
      %gather3A_642 = tpu.vector_load_idx %arg14[%add3A_35, %broadcast_in_dim3A_641] : memref<256x64xf32, #tpu.memory_space<vmem>>[vector<16xi32>, vector<16xi32>], vector<16xf32>,
      %gather3A_643 = tpu.vector_load_idx %arg15[%add3A_35, %broadcast_in_dim3A_641] : memref<256x64xf32, #tpu.memory_space<vmem>>[vector<16xi32>, vector<16xi32>], vector<16xf32>,
      %get3A_644 = arith.constant 40 : i32
      %get3A_645 = arith.index_cast %get3A_644 : i32 to index
      %get3A_646 = arith.constant 0 : index
      %get3A_647 = tpu.vector_load %arg12[%get3A_645, %get3A_646] {strides = array<i32>} : memref<64x16xf32, #tpu.memory_space<vmem>>, vector<16xf32>,
      %mul3A_648 = arith.mulf %gather3A_642, %gather3A_642 : vector<16xf32>
      %add3A_649 = arith.addf %add3A_634, %mul3A_648 : vector<16xf32>
      %mul3A_650 = arith.mulf %gather3A_643, %gather3A_643 : vector<16xf32>
      %add3A_651 = arith.addf %add3A_636, %mul3A_650 : vector<16xf32>
      %mul3A_652 = arith.mulf %gather3A_642, %gather3A_643 : vector<16xf32>
      %mul3A_653 = arith.mulf %mul3A_652, %get3A_647 : vector<16xf32>
      %add3A_654 = arith.addf %add3A_639, %mul3A_653 : vector<16xf32>
      %broadcast_in_dim3A_655 = arith.constant 41 : i32
      %broadcast_in_dim3A_656 = vector.broadcast %broadcast_in_dim3A_655 : i32 to vector<16xi32>
      %gather3A_657 = tpu.vector_load_idx %arg14[%add3A_35, %broadcast_in_dim3A_656] : memref<256x64xf32, #tpu.memory_space<vmem>>[vector<16xi32>, vector<16xi32>], vector<16xf32>,
      %gather3A_658 = tpu.vector_load_idx %arg15[%add3A_35, %broadcast_in_dim3A_656] : memref<256x64xf32, #tpu.memory_space<vmem>>[vector<16xi32>, vector<16xi32>], vector<16xf32>,
      %get3A_659 = arith.constant 41 : i32
      %get3A_660 = arith.index_cast %get3A_659 : i32 to index
      %get3A_661 = arith.constant 0 : index
      %get3A_662 = tpu.vector_load %arg12[%get3A_660, %get3A_661] {strides = array<i32>} : memref<64x16xf32, #tpu.memory_space<vmem>>, vector<16xf32>,
      %mul3A_663 = arith.mulf %gather3A_657, %gather3A_657 : vector<16xf32>
      %add3A_664 = arith.addf %add3A_649, %mul3A_663 : vector<16xf32>
      %mul3A_665 = arith.mulf %gather3A_658, %gather3A_658 : vector<16xf32>
      %add3A_666 = arith.addf %add3A_651, %mul3A_665 : vector<16xf32>
      %mul3A_667 = arith.mulf %gather3A_657, %gather3A_658 : vector<16xf32>
      %mul3A_668 = arith.mulf %mul3A_667, %get3A_662 : vector<16xf32>
      %add3A_669 = arith.addf %add3A_654, %mul3A_668 : vector<16xf32>
      %broadcast_in_dim3A_670 = arith.constant 42 : i32
      %broadcast_in_dim3A_671 = vector.broadcast %broadcast_in_dim3A_670 : i32 to vector<16xi32>
      %gather3A_672 = tpu.vector_load_idx %arg14[%add3A_35, %broadcast_in_dim3A_671] : memref<256x64xf32, #tpu.memory_space<vmem>>[vector<16xi32>, vector<16xi32>], vector<16xf32>,
      %gather3A_673 = tpu.vector_load_idx %arg15[%add3A_35, %broadcast_in_dim3A_671] : memref<256x64xf32, #tpu.memory_space<vmem>>[vector<16xi32>, vector<16xi32>], vector<16xf32>,
      %get3A_674 = arith.constant 42 : i32
      %get3A_675 = arith.index_cast %get3A_674 : i32 to index
      %get3A_676 = arith.constant 0 : index
      %get3A_677 = tpu.vector_load %arg12[%get3A_675, %get3A_676] {strides = array<i32>} : memref<64x16xf32, #tpu.memory_space<vmem>>, vector<16xf32>,
      %mul3A_678 = arith.mulf %gather3A_672, %gather3A_672 : vector<16xf32>
      %add3A_679 = arith.addf %add3A_664, %mul3A_678 : vector<16xf32>
      %mul3A_680 = arith.mulf %gather3A_673, %gather3A_673 : vector<16xf32>
      %add3A_681 = arith.addf %add3A_666, %mul3A_680 : vector<16xf32>
      %mul3A_682 = arith.mulf %gather3A_672, %gather3A_673 : vector<16xf32>
      %mul3A_683 = arith.mulf %mul3A_682, %get3A_677 : vector<16xf32>
      %add3A_684 = arith.addf %add3A_669, %mul3A_683 : vector<16xf32>
      %broadcast_in_dim3A_685 = arith.constant 43 : i32
      %broadcast_in_dim3A_686 = vector.broadcast %broadcast_in_dim3A_685 : i32 to vector<16xi32>
      %gather3A_687 = tpu.vector_load_idx %arg14[%add3A_35, %broadcast_in_dim3A_686] : memref<256x64xf32, #tpu.memory_space<vmem>>[vector<16xi32>, vector<16xi32>], vector<16xf32>,
      %gather3A_688 = tpu.vector_load_idx %arg15[%add3A_35, %broadcast_in_dim3A_686] : memref<256x64xf32, #tpu.memory_space<vmem>>[vector<16xi32>, vector<16xi32>], vector<16xf32>,
      %get3A_689 = arith.constant 43 : i32
      %get3A_690 = arith.index_cast %get3A_689 : i32 to index
      %get3A_691 = arith.constant 0 : index
      %get3A_692 = tpu.vector_load %arg12[%get3A_690, %get3A_691] {strides = array<i32>} : memref<64x16xf32, #tpu.memory_space<vmem>>, vector<16xf32>,
      %mul3A_693 = arith.mulf %gather3A_687, %gather3A_687 : vector<16xf32>
      %add3A_694 = arith.addf %add3A_679, %mul3A_693 : vector<16xf32>
      %mul3A_695 = arith.mulf %gather3A_688, %gather3A_688 : vector<16xf32>
      %add3A_696 = arith.addf %add3A_681, %mul3A_695 : vector<16xf32>
      %mul3A_697 = arith.mulf %gather3A_687, %gather3A_688 : vector<16xf32>
      %mul3A_698 = arith.mulf %mul3A_697, %get3A_692 : vector<16xf32>
      %add3A_699 = arith.addf %add3A_684, %mul3A_698 : vector<16xf32>
      %broadcast_in_dim3A_700 = arith.constant 44 : i32
      %broadcast_in_dim3A_701 = vector.broadcast %broadcast_in_dim3A_700 : i32 to vector<16xi32>
      %gather3A_702 = tpu.vector_load_idx %arg14[%add3A_35, %broadcast_in_dim3A_701] : memref<256x64xf32, #tpu.memory_space<vmem>>[vector<16xi32>, vector<16xi32>], vector<16xf32>,
      %gather3A_703 = tpu.vector_load_idx %arg15[%add3A_35, %broadcast_in_dim3A_701] : memref<256x64xf32, #tpu.memory_space<vmem>>[vector<16xi32>, vector<16xi32>], vector<16xf32>,
      %get3A_704 = arith.constant 44 : i32
      %get3A_705 = arith.index_cast %get3A_704 : i32 to index
      %get3A_706 = arith.constant 0 : index
      %get3A_707 = tpu.vector_load %arg12[%get3A_705, %get3A_706] {strides = array<i32>} : memref<64x16xf32, #tpu.memory_space<vmem>>, vector<16xf32>,
      %mul3A_708 = arith.mulf %gather3A_702, %gather3A_702 : vector<16xf32>
      %add3A_709 = arith.addf %add3A_694, %mul3A_708 : vector<16xf32>
      %mul3A_710 = arith.mulf %gather3A_703, %gather3A_703 : vector<16xf32>
      %add3A_711 = arith.addf %add3A_696, %mul3A_710 : vector<16xf32>
      %mul3A_712 = arith.mulf %gather3A_702, %gather3A_703 : vector<16xf32>
      %mul3A_713 = arith.mulf %mul3A_712, %get3A_707 : vector<16xf32>
      %add3A_714 = arith.addf %add3A_699, %mul3A_713 : vector<16xf32>
      %broadcast_in_dim3A_715 = arith.constant 45 : i32
      %broadcast_in_dim3A_716 = vector.broadcast %broadcast_in_dim3A_715 : i32 to vector<16xi32>
      %gather3A_717 = tpu.vector_load_idx %arg14[%add3A_35, %broadcast_in_dim3A_716] : memref<256x64xf32, #tpu.memory_space<vmem>>[vector<16xi32>, vector<16xi32>], vector<16xf32>,
      %gather3A_718 = tpu.vector_load_idx %arg15[%add3A_35, %broadcast_in_dim3A_716] : memref<256x64xf32, #tpu.memory_space<vmem>>[vector<16xi32>, vector<16xi32>], vector<16xf32>,
      %get3A_719 = arith.constant 45 : i32
      %get3A_720 = arith.index_cast %get3A_719 : i32 to index
      %get3A_721 = arith.constant 0 : index
      %get3A_722 = tpu.vector_load %arg12[%get3A_720, %get3A_721] {strides = array<i32>} : memref<64x16xf32, #tpu.memory_space<vmem>>, vector<16xf32>,
      %mul3A_723 = arith.mulf %gather3A_717, %gather3A_717 : vector<16xf32>
      %add3A_724 = arith.addf %add3A_709, %mul3A_723 : vector<16xf32>
      %mul3A_725 = arith.mulf %gather3A_718, %gather3A_718 : vector<16xf32>
      %add3A_726 = arith.addf %add3A_711, %mul3A_725 : vector<16xf32>
      %mul3A_727 = arith.mulf %gather3A_717, %gather3A_718 : vector<16xf32>
      %mul3A_728 = arith.mulf %mul3A_727, %get3A_722 : vector<16xf32>
      %add3A_729 = arith.addf %add3A_714, %mul3A_728 : vector<16xf32>
      %broadcast_in_dim3A_730 = arith.constant 46 : i32
      %broadcast_in_dim3A_731 = vector.broadcast %broadcast_in_dim3A_730 : i32 to vector<16xi32>
      %gather3A_732 = tpu.vector_load_idx %arg14[%add3A_35, %broadcast_in_dim3A_731] : memref<256x64xf32, #tpu.memory_space<vmem>>[vector<16xi32>, vector<16xi32>], vector<16xf32>,
      %gather3A_733 = tpu.vector_load_idx %arg15[%add3A_35, %broadcast_in_dim3A_731] : memref<256x64xf32, #tpu.memory_space<vmem>>[vector<16xi32>, vector<16xi32>], vector<16xf32>,
      %get3A_734 = arith.constant 46 : i32
      %get3A_735 = arith.index_cast %get3A_734 : i32 to index
      %get3A_736 = arith.constant 0 : index
      %get3A_737 = tpu.vector_load %arg12[%get3A_735, %get3A_736] {strides = array<i32>} : memref<64x16xf32, #tpu.memory_space<vmem>>, vector<16xf32>,
      %mul3A_738 = arith.mulf %gather3A_732, %gather3A_732 : vector<16xf32>
      %add3A_739 = arith.addf %add3A_724, %mul3A_738 : vector<16xf32>
      %mul3A_740 = arith.mulf %gather3A_733, %gather3A_733 : vector<16xf32>
      %add3A_741 = arith.addf %add3A_726, %mul3A_740 : vector<16xf32>
      %mul3A_742 = arith.mulf %gather3A_732, %gather3A_733 : vector<16xf32>
      %mul3A_743 = arith.mulf %mul3A_742, %get3A_737 : vector<16xf32>
      %add3A_744 = arith.addf %add3A_729, %mul3A_743 : vector<16xf32>
      %broadcast_in_dim3A_745 = arith.constant 47 : i32
      %broadcast_in_dim3A_746 = vector.broadcast %broadcast_in_dim3A_745 : i32 to vector<16xi32>
      %gather3A_747 = tpu.vector_load_idx %arg14[%add3A_35, %broadcast_in_dim3A_746] : memref<256x64xf32, #tpu.memory_space<vmem>>[vector<16xi32>, vector<16xi32>], vector<16xf32>,
      %gather3A_748 = tpu.vector_load_idx %arg15[%add3A_35, %broadcast_in_dim3A_746] : memref<256x64xf32, #tpu.memory_space<vmem>>[vector<16xi32>, vector<16xi32>], vector<16xf32>,
      %get3A_749 = arith.constant 47 : i32
      %get3A_750 = arith.index_cast %get3A_749 : i32 to index
      %get3A_751 = arith.constant 0 : index
      %get3A_752 = tpu.vector_load %arg12[%get3A_750, %get3A_751] {strides = array<i32>} : memref<64x16xf32, #tpu.memory_space<vmem>>, vector<16xf32>,
      %mul3A_753 = arith.mulf %gather3A_747, %gather3A_747 : vector<16xf32>
      %add3A_754 = arith.addf %add3A_739, %mul3A_753 : vector<16xf32>
      %mul3A_755 = arith.mulf %gather3A_748, %gather3A_748 : vector<16xf32>
      %add3A_756 = arith.addf %add3A_741, %mul3A_755 : vector<16xf32>
      %mul3A_757 = arith.mulf %gather3A_747, %gather3A_748 : vector<16xf32>
      %mul3A_758 = arith.mulf %mul3A_757, %get3A_752 : vector<16xf32>
      %add3A_759 = arith.addf %add3A_744, %mul3A_758 : vector<16xf32>
      %broadcast_in_dim3A_760 = arith.constant 48 : i32
      %broadcast_in_dim3A_761 = vector.broadcast %broadcast_in_dim3A_760 : i32 to vector<16xi32>
      %gather3A_762 = tpu.vector_load_idx %arg14[%add3A_35, %broadcast_in_dim3A_761] : memref<256x64xf32, #tpu.memory_space<vmem>>[vector<16xi32>, vector<16xi32>], vector<16xf32>,
      %gather3A_763 = tpu.vector_load_idx %arg15[%add3A_35, %broadcast_in_dim3A_761] : memref<256x64xf32, #tpu.memory_space<vmem>>[vector<16xi32>, vector<16xi32>], vector<16xf32>,
      %get3A_764 = arith.constant 48 : i32
      %get3A_765 = arith.index_cast %get3A_764 : i32 to index
      %get3A_766 = arith.constant 0 : index
      %get3A_767 = tpu.vector_load %arg12[%get3A_765, %get3A_766] {strides = array<i32>} : memref<64x16xf32, #tpu.memory_space<vmem>>, vector<16xf32>,
      %mul3A_768 = arith.mulf %gather3A_762, %gather3A_762 : vector<16xf32>
      %add3A_769 = arith.addf %add3A_754, %mul3A_768 : vector<16xf32>
      %mul3A_770 = arith.mulf %gather3A_763, %gather3A_763 : vector<16xf32>
      %add3A_771 = arith.addf %add3A_756, %mul3A_770 : vector<16xf32>
      %mul3A_772 = arith.mulf %gather3A_762, %gather3A_763 : vector<16xf32>
      %mul3A_773 = arith.mulf %mul3A_772, %get3A_767 : vector<16xf32>
      %add3A_774 = arith.addf %add3A_759, %mul3A_773 : vector<16xf32>
      %broadcast_in_dim3A_775 = arith.constant 49 : i32
      %broadcast_in_dim3A_776 = vector.broadcast %broadcast_in_dim3A_775 : i32 to vector<16xi32>
      %gather3A_777 = tpu.vector_load_idx %arg14[%add3A_35, %broadcast_in_dim3A_776] : memref<256x64xf32, #tpu.memory_space<vmem>>[vector<16xi32>, vector<16xi32>], vector<16xf32>,
      %gather3A_778 = tpu.vector_load_idx %arg15[%add3A_35, %broadcast_in_dim3A_776] : memref<256x64xf32, #tpu.memory_space<vmem>>[vector<16xi32>, vector<16xi32>], vector<16xf32>,
      %get3A_779 = arith.constant 49 : i32
      %get3A_780 = arith.index_cast %get3A_779 : i32 to index
      %get3A_781 = arith.constant 0 : index
      %get3A_782 = tpu.vector_load %arg12[%get3A_780, %get3A_781] {strides = array<i32>} : memref<64x16xf32, #tpu.memory_space<vmem>>, vector<16xf32>,
      %mul3A_783 = arith.mulf %gather3A_777, %gather3A_777 : vector<16xf32>
      %add3A_784 = arith.addf %add3A_769, %mul3A_783 : vector<16xf32>
      %mul3A_785 = arith.mulf %gather3A_778, %gather3A_778 : vector<16xf32>
      %add3A_786 = arith.addf %add3A_771, %mul3A_785 : vector<16xf32>
      %mul3A_787 = arith.mulf %gather3A_777, %gather3A_778 : vector<16xf32>
      %mul3A_788 = arith.mulf %mul3A_787, %get3A_782 : vector<16xf32>
      %add3A_789 = arith.addf %add3A_774, %mul3A_788 : vector<16xf32>
      %broadcast_in_dim3A_790 = arith.constant 50 : i32
      %broadcast_in_dim3A_791 = vector.broadcast %broadcast_in_dim3A_790 : i32 to vector<16xi32>
      %gather3A_792 = tpu.vector_load_idx %arg14[%add3A_35, %broadcast_in_dim3A_791] : memref<256x64xf32, #tpu.memory_space<vmem>>[vector<16xi32>, vector<16xi32>], vector<16xf32>,
      %gather3A_793 = tpu.vector_load_idx %arg15[%add3A_35, %broadcast_in_dim3A_791] : memref<256x64xf32, #tpu.memory_space<vmem>>[vector<16xi32>, vector<16xi32>], vector<16xf32>,
      %get3A_794 = arith.constant 50 : i32
      %get3A_795 = arith.index_cast %get3A_794 : i32 to index
      %get3A_796 = arith.constant 0 : index
      %get3A_797 = tpu.vector_load %arg12[%get3A_795, %get3A_796] {strides = array<i32>} : memref<64x16xf32, #tpu.memory_space<vmem>>, vector<16xf32>,
      %mul3A_798 = arith.mulf %gather3A_792, %gather3A_792 : vector<16xf32>
      %add3A_799 = arith.addf %add3A_784, %mul3A_798 : vector<16xf32>
      %mul3A_800 = arith.mulf %gather3A_793, %gather3A_793 : vector<16xf32>
      %add3A_801 = arith.addf %add3A_786, %mul3A_800 : vector<16xf32>
      %mul3A_802 = arith.mulf %gather3A_792, %gather3A_793 : vector<16xf32>
      %mul3A_803 = arith.mulf %mul3A_802, %get3A_797 : vector<16xf32>
      %add3A_804 = arith.addf %add3A_789, %mul3A_803 : vector<16xf32>
      %broadcast_in_dim3A_805 = arith.constant 51 : i32
      %broadcast_in_dim3A_806 = vector.broadcast %broadcast_in_dim3A_805 : i32 to vector<16xi32>
      %gather3A_807 = tpu.vector_load_idx %arg14[%add3A_35, %broadcast_in_dim3A_806] : memref<256x64xf32, #tpu.memory_space<vmem>>[vector<16xi32>, vector<16xi32>], vector<16xf32>,
      %gather3A_808 = tpu.vector_load_idx %arg15[%add3A_35, %broadcast_in_dim3A_806] : memref<256x64xf32, #tpu.memory_space<vmem>>[vector<16xi32>, vector<16xi32>], vector<16xf32>,
      %get3A_809 = arith.constant 51 : i32
      %get3A_810 = arith.index_cast %get3A_809 : i32 to index
      %get3A_811 = arith.constant 0 : index
      %get3A_812 = tpu.vector_load %arg12[%get3A_810, %get3A_811] {strides = array<i32>} : memref<64x16xf32, #tpu.memory_space<vmem>>, vector<16xf32>,
      %mul3A_813 = arith.mulf %gather3A_807, %gather3A_807 : vector<16xf32>
      %add3A_814 = arith.addf %add3A_799, %mul3A_813 : vector<16xf32>
      %mul3A_815 = arith.mulf %gather3A_808, %gather3A_808 : vector<16xf32>
      %add3A_816 = arith.addf %add3A_801, %mul3A_815 : vector<16xf32>
      %mul3A_817 = arith.mulf %gather3A_807, %gather3A_808 : vector<16xf32>
      %mul3A_818 = arith.mulf %mul3A_817, %get3A_812 : vector<16xf32>
      %add3A_819 = arith.addf %add3A_804, %mul3A_818 : vector<16xf32>
      %broadcast_in_dim3A_820 = arith.constant 52 : i32
      %broadcast_in_dim3A_821 = vector.broadcast %broadcast_in_dim3A_820 : i32 to vector<16xi32>
      %gather3A_822 = tpu.vector_load_idx %arg14[%add3A_35, %broadcast_in_dim3A_821] : memref<256x64xf32, #tpu.memory_space<vmem>>[vector<16xi32>, vector<16xi32>], vector<16xf32>,
      %gather3A_823 = tpu.vector_load_idx %arg15[%add3A_35, %broadcast_in_dim3A_821] : memref<256x64xf32, #tpu.memory_space<vmem>>[vector<16xi32>, vector<16xi32>], vector<16xf32>,
      %get3A_824 = arith.constant 52 : i32
      %get3A_825 = arith.index_cast %get3A_824 : i32 to index
      %get3A_826 = arith.constant 0 : index
      %get3A_827 = tpu.vector_load %arg12[%get3A_825, %get3A_826] {strides = array<i32>} : memref<64x16xf32, #tpu.memory_space<vmem>>, vector<16xf32>,
      %mul3A_828 = arith.mulf %gather3A_822, %gather3A_822 : vector<16xf32>
      %add3A_829 = arith.addf %add3A_814, %mul3A_828 : vector<16xf32>
      %mul3A_830 = arith.mulf %gather3A_823, %gather3A_823 : vector<16xf32>
      %add3A_831 = arith.addf %add3A_816, %mul3A_830 : vector<16xf32>
      %mul3A_832 = arith.mulf %gather3A_822, %gather3A_823 : vector<16xf32>
      %mul3A_833 = arith.mulf %mul3A_832, %get3A_827 : vector<16xf32>
      %add3A_834 = arith.addf %add3A_819, %mul3A_833 : vector<16xf32>
      %broadcast_in_dim3A_835 = arith.constant 53 : i32
      %broadcast_in_dim3A_836 = vector.broadcast %broadcast_in_dim3A_835 : i32 to vector<16xi32>
      %gather3A_837 = tpu.vector_load_idx %arg14[%add3A_35, %broadcast_in_dim3A_836] : memref<256x64xf32, #tpu.memory_space<vmem>>[vector<16xi32>, vector<16xi32>], vector<16xf32>,
      %gather3A_838 = tpu.vector_load_idx %arg15[%add3A_35, %broadcast_in_dim3A_836] : memref<256x64xf32, #tpu.memory_space<vmem>>[vector<16xi32>, vector<16xi32>], vector<16xf32>,
      %get3A_839 = arith.constant 53 : i32
      %get3A_840 = arith.index_cast %get3A_839 : i32 to index
      %get3A_841 = arith.constant 0 : index
      %get3A_842 = tpu.vector_load %arg12[%get3A_840, %get3A_841] {strides = array<i32>} : memref<64x16xf32, #tpu.memory_space<vmem>>, vector<16xf32>,
      %mul3A_843 = arith.mulf %gather3A_837, %gather3A_837 : vector<16xf32>
      %add3A_844 = arith.addf %add3A_829, %mul3A_843 : vector<16xf32>
      %mul3A_845 = arith.mulf %gather3A_838, %gather3A_838 : vector<16xf32>
      %add3A_846 = arith.addf %add3A_831, %mul3A_845 : vector<16xf32>
      %mul3A_847 = arith.mulf %gather3A_837, %gather3A_838 : vector<16xf32>
      %mul3A_848 = arith.mulf %mul3A_847, %get3A_842 : vector<16xf32>
      %add3A_849 = arith.addf %add3A_834, %mul3A_848 : vector<16xf32>
      %broadcast_in_dim3A_850 = arith.constant 54 : i32
      %broadcast_in_dim3A_851 = vector.broadcast %broadcast_in_dim3A_850 : i32 to vector<16xi32>
      %gather3A_852 = tpu.vector_load_idx %arg14[%add3A_35, %broadcast_in_dim3A_851] : memref<256x64xf32, #tpu.memory_space<vmem>>[vector<16xi32>, vector<16xi32>], vector<16xf32>,
      %gather3A_853 = tpu.vector_load_idx %arg15[%add3A_35, %broadcast_in_dim3A_851] : memref<256x64xf32, #tpu.memory_space<vmem>>[vector<16xi32>, vector<16xi32>], vector<16xf32>,
      %get3A_854 = arith.constant 54 : i32
      %get3A_855 = arith.index_cast %get3A_854 : i32 to index
      %get3A_856 = arith.constant 0 : index
      %get3A_857 = tpu.vector_load %arg12[%get3A_855, %get3A_856] {strides = array<i32>} : memref<64x16xf32, #tpu.memory_space<vmem>>, vector<16xf32>,
      %mul3A_858 = arith.mulf %gather3A_852, %gather3A_852 : vector<16xf32>
      %add3A_859 = arith.addf %add3A_844, %mul3A_858 : vector<16xf32>
      %mul3A_860 = arith.mulf %gather3A_853, %gather3A_853 : vector<16xf32>
      %add3A_861 = arith.addf %add3A_846, %mul3A_860 : vector<16xf32>
      %mul3A_862 = arith.mulf %gather3A_852, %gather3A_853 : vector<16xf32>
      %mul3A_863 = arith.mulf %mul3A_862, %get3A_857 : vector<16xf32>
      %add3A_864 = arith.addf %add3A_849, %mul3A_863 : vector<16xf32>
      %broadcast_in_dim3A_865 = arith.constant 55 : i32
      %broadcast_in_dim3A_866 = vector.broadcast %broadcast_in_dim3A_865 : i32 to vector<16xi32>
      %gather3A_867 = tpu.vector_load_idx %arg14[%add3A_35, %broadcast_in_dim3A_866] : memref<256x64xf32, #tpu.memory_space<vmem>>[vector<16xi32>, vector<16xi32>], vector<16xf32>,
      %gather3A_868 = tpu.vector_load_idx %arg15[%add3A_35, %broadcast_in_dim3A_866] : memref<256x64xf32, #tpu.memory_space<vmem>>[vector<16xi32>, vector<16xi32>], vector<16xf32>,
      %get3A_869 = arith.constant 55 : i32
      %get3A_870 = arith.index_cast %get3A_869 : i32 to index
      %get3A_871 = arith.constant 0 : index
      %get3A_872 = tpu.vector_load %arg12[%get3A_870, %get3A_871] {strides = array<i32>} : memref<64x16xf32, #tpu.memory_space<vmem>>, vector<16xf32>,
      %mul3A_873 = arith.mulf %gather3A_867, %gather3A_867 : vector<16xf32>
      %add3A_874 = arith.addf %add3A_859, %mul3A_873 : vector<16xf32>
      %mul3A_875 = arith.mulf %gather3A_868, %gather3A_868 : vector<16xf32>
      %add3A_876 = arith.addf %add3A_861, %mul3A_875 : vector<16xf32>
      %mul3A_877 = arith.mulf %gather3A_867, %gather3A_868 : vector<16xf32>
      %mul3A_878 = arith.mulf %mul3A_877, %get3A_872 : vector<16xf32>
      %add3A_879 = arith.addf %add3A_864, %mul3A_878 : vector<16xf32>
      %broadcast_in_dim3A_880 = arith.constant 56 : i32
      %broadcast_in_dim3A_881 = vector.broadcast %broadcast_in_dim3A_880 : i32 to vector<16xi32>
      %gather3A_882 = tpu.vector_load_idx %arg14[%add3A_35, %broadcast_in_dim3A_881] : memref<256x64xf32, #tpu.memory_space<vmem>>[vector<16xi32>, vector<16xi32>], vector<16xf32>,
      %gather3A_883 = tpu.vector_load_idx %arg15[%add3A_35, %broadcast_in_dim3A_881] : memref<256x64xf32, #tpu.memory_space<vmem>>[vector<16xi32>, vector<16xi32>], vector<16xf32>,
      %get3A_884 = arith.constant 56 : i32
      %get3A_885 = arith.index_cast %get3A_884 : i32 to index
      %get3A_886 = arith.constant 0 : index
      %get3A_887 = tpu.vector_load %arg12[%get3A_885, %get3A_886] {strides = array<i32>} : memref<64x16xf32, #tpu.memory_space<vmem>>, vector<16xf32>,
      %mul3A_888 = arith.mulf %gather3A_882, %gather3A_882 : vector<16xf32>
      %add3A_889 = arith.addf %add3A_874, %mul3A_888 : vector<16xf32>
      %mul3A_890 = arith.mulf %gather3A_883, %gather3A_883 : vector<16xf32>
      %add3A_891 = arith.addf %add3A_876, %mul3A_890 : vector<16xf32>
      %mul3A_892 = arith.mulf %gather3A_882, %gather3A_883 : vector<16xf32>
      %mul3A_893 = arith.mulf %mul3A_892, %get3A_887 : vector<16xf32>
      %add3A_894 = arith.addf %add3A_879, %mul3A_893 : vector<16xf32>
      %broadcast_in_dim3A_895 = arith.constant 57 : i32
      %broadcast_in_dim3A_896 = vector.broadcast %broadcast_in_dim3A_895 : i32 to vector<16xi32>
      %gather3A_897 = tpu.vector_load_idx %arg14[%add3A_35, %broadcast_in_dim3A_896] : memref<256x64xf32, #tpu.memory_space<vmem>>[vector<16xi32>, vector<16xi32>], vector<16xf32>,
      %gather3A_898 = tpu.vector_load_idx %arg15[%add3A_35, %broadcast_in_dim3A_896] : memref<256x64xf32, #tpu.memory_space<vmem>>[vector<16xi32>, vector<16xi32>], vector<16xf32>,
      %get3A_899 = arith.constant 57 : i32
      %get3A_900 = arith.index_cast %get3A_899 : i32 to index
      %get3A_901 = arith.constant 0 : index
      %get3A_902 = tpu.vector_load %arg12[%get3A_900, %get3A_901] {strides = array<i32>} : memref<64x16xf32, #tpu.memory_space<vmem>>, vector<16xf32>,
      %mul3A_903 = arith.mulf %gather3A_897, %gather3A_897 : vector<16xf32>
      %add3A_904 = arith.addf %add3A_889, %mul3A_903 : vector<16xf32>
      %mul3A_905 = arith.mulf %gather3A_898, %gather3A_898 : vector<16xf32>
      %add3A_906 = arith.addf %add3A_891, %mul3A_905 : vector<16xf32>
      %mul3A_907 = arith.mulf %gather3A_897, %gather3A_898 : vector<16xf32>
      %mul3A_908 = arith.mulf %mul3A_907, %get3A_902 : vector<16xf32>
      %add3A_909 = arith.addf %add3A_894, %mul3A_908 : vector<16xf32>
      %broadcast_in_dim3A_910 = arith.constant 58 : i32
      %broadcast_in_dim3A_911 = vector.broadcast %broadcast_in_dim3A_910 : i32 to vector<16xi32>
      %gather3A_912 = tpu.vector_load_idx %arg14[%add3A_35, %broadcast_in_dim3A_911] : memref<256x64xf32, #tpu.memory_space<vmem>>[vector<16xi32>, vector<16xi32>], vector<16xf32>,
      %gather3A_913 = tpu.vector_load_idx %arg15[%add3A_35, %broadcast_in_dim3A_911] : memref<256x64xf32, #tpu.memory_space<vmem>>[vector<16xi32>, vector<16xi32>], vector<16xf32>,
      %get3A_914 = arith.constant 58 : i32
      %get3A_915 = arith.index_cast %get3A_914 : i32 to index
      %get3A_916 = arith.constant 0 : index
      %get3A_917 = tpu.vector_load %arg12[%get3A_915, %get3A_916] {strides = array<i32>} : memref<64x16xf32, #tpu.memory_space<vmem>>, vector<16xf32>,
      %mul3A_918 = arith.mulf %gather3A_912, %gather3A_912 : vector<16xf32>
      %add3A_919 = arith.addf %add3A_904, %mul3A_918 : vector<16xf32>
      %mul3A_920 = arith.mulf %gather3A_913, %gather3A_913 : vector<16xf32>
      %add3A_921 = arith.addf %add3A_906, %mul3A_920 : vector<16xf32>
      %mul3A_922 = arith.mulf %gather3A_912, %gather3A_913 : vector<16xf32>
      %mul3A_923 = arith.mulf %mul3A_922, %get3A_917 : vector<16xf32>
      %add3A_924 = arith.addf %add3A_909, %mul3A_923 : vector<16xf32>
      %broadcast_in_dim3A_925 = arith.constant 59 : i32
      %broadcast_in_dim3A_926 = vector.broadcast %broadcast_in_dim3A_925 : i32 to vector<16xi32>
      %gather3A_927 = tpu.vector_load_idx %arg14[%add3A_35, %broadcast_in_dim3A_926] : memref<256x64xf32, #tpu.memory_space<vmem>>[vector<16xi32>, vector<16xi32>], vector<16xf32>,
      %gather3A_928 = tpu.vector_load_idx %arg15[%add3A_35, %broadcast_in_dim3A_926] : memref<256x64xf32, #tpu.memory_space<vmem>>[vector<16xi32>, vector<16xi32>], vector<16xf32>,
      %get3A_929 = arith.constant 59 : i32
      %get3A_930 = arith.index_cast %get3A_929 : i32 to index
      %get3A_931 = arith.constant 0 : index
      %get3A_932 = tpu.vector_load %arg12[%get3A_930, %get3A_931] {strides = array<i32>} : memref<64x16xf32, #tpu.memory_space<vmem>>, vector<16xf32>,
      %mul3A_933 = arith.mulf %gather3A_927, %gather3A_927 : vector<16xf32>
      %add3A_934 = arith.addf %add3A_919, %mul3A_933 : vector<16xf32>
      %mul3A_935 = arith.mulf %gather3A_928, %gather3A_928 : vector<16xf32>
      %add3A_936 = arith.addf %add3A_921, %mul3A_935 : vector<16xf32>
      %mul3A_937 = arith.mulf %gather3A_927, %gather3A_928 : vector<16xf32>
      %mul3A_938 = arith.mulf %mul3A_937, %get3A_932 : vector<16xf32>
      %add3A_939 = arith.addf %add3A_924, %mul3A_938 : vector<16xf32>
      %broadcast_in_dim3A_940 = arith.constant 60 : i32
      %broadcast_in_dim3A_941 = vector.broadcast %broadcast_in_dim3A_940 : i32 to vector<16xi32>
      %gather3A_942 = tpu.vector_load_idx %arg14[%add3A_35, %broadcast_in_dim3A_941] : memref<256x64xf32, #tpu.memory_space<vmem>>[vector<16xi32>, vector<16xi32>], vector<16xf32>,
      %gather3A_943 = tpu.vector_load_idx %arg15[%add3A_35, %broadcast_in_dim3A_941] : memref<256x64xf32, #tpu.memory_space<vmem>>[vector<16xi32>, vector<16xi32>], vector<16xf32>,
      %get3A_944 = arith.constant 60 : i32
      %get3A_945 = arith.index_cast %get3A_944 : i32 to index
      %get3A_946 = arith.constant 0 : index
      %get3A_947 = tpu.vector_load %arg12[%get3A_945, %get3A_946] {strides = array<i32>} : memref<64x16xf32, #tpu.memory_space<vmem>>, vector<16xf32>,
      %mul3A_948 = arith.mulf %gather3A_942, %gather3A_942 : vector<16xf32>
      %add3A_949 = arith.addf %add3A_934, %mul3A_948 : vector<16xf32>
      %mul3A_950 = arith.mulf %gather3A_943, %gather3A_943 : vector<16xf32>
      %add3A_951 = arith.addf %add3A_936, %mul3A_950 : vector<16xf32>
      %mul3A_952 = arith.mulf %gather3A_942, %gather3A_943 : vector<16xf32>
      %mul3A_953 = arith.mulf %mul3A_952, %get3A_947 : vector<16xf32>
      %add3A_954 = arith.addf %add3A_939, %mul3A_953 : vector<16xf32>
      %broadcast_in_dim3A_955 = arith.constant 61 : i32
      %broadcast_in_dim3A_956 = vector.broadcast %broadcast_in_dim3A_955 : i32 to vector<16xi32>
      %gather3A_957 = tpu.vector_load_idx %arg14[%add3A_35, %broadcast_in_dim3A_956] : memref<256x64xf32, #tpu.memory_space<vmem>>[vector<16xi32>, vector<16xi32>], vector<16xf32>,
      %gather3A_958 = tpu.vector_load_idx %arg15[%add3A_35, %broadcast_in_dim3A_956] : memref<256x64xf32, #tpu.memory_space<vmem>>[vector<16xi32>, vector<16xi32>], vector<16xf32>,
      %get3A_959 = arith.constant 61 : i32
      %get3A_960 = arith.index_cast %get3A_959 : i32 to index
      %get3A_961 = arith.constant 0 : index
      %get3A_962 = tpu.vector_load %arg12[%get3A_960, %get3A_961] {strides = array<i32>} : memref<64x16xf32, #tpu.memory_space<vmem>>, vector<16xf32>,
      %mul3A_963 = arith.mulf %gather3A_957, %gather3A_957 : vector<16xf32>
      %add3A_964 = arith.addf %add3A_949, %mul3A_963 : vector<16xf32>
      %mul3A_965 = arith.mulf %gather3A_958, %gather3A_958 : vector<16xf32>
      %add3A_966 = arith.addf %add3A_951, %mul3A_965 : vector<16xf32>
      %mul3A_967 = arith.mulf %gather3A_957, %gather3A_958 : vector<16xf32>
      %mul3A_968 = arith.mulf %mul3A_967, %get3A_962 : vector<16xf32>
      %add3A_969 = arith.addf %add3A_954, %mul3A_968 : vector<16xf32>
      %broadcast_in_dim3A_970 = arith.constant 62 : i32
      %broadcast_in_dim3A_971 = vector.broadcast %broadcast_in_dim3A_970 : i32 to vector<16xi32>
      %gather3A_972 = tpu.vector_load_idx %arg14[%add3A_35, %broadcast_in_dim3A_971] : memref<256x64xf32, #tpu.memory_space<vmem>>[vector<16xi32>, vector<16xi32>], vector<16xf32>,
      %gather3A_973 = tpu.vector_load_idx %arg15[%add3A_35, %broadcast_in_dim3A_971] : memref<256x64xf32, #tpu.memory_space<vmem>>[vector<16xi32>, vector<16xi32>], vector<16xf32>,
      %get3A_974 = arith.constant 62 : i32
      %get3A_975 = arith.index_cast %get3A_974 : i32 to index
      %get3A_976 = arith.constant 0 : index
      %get3A_977 = tpu.vector_load %arg12[%get3A_975, %get3A_976] {strides = array<i32>} : memref<64x16xf32, #tpu.memory_space<vmem>>, vector<16xf32>,
      %mul3A_978 = arith.mulf %gather3A_972, %gather3A_972 : vector<16xf32>
      %add3A_979 = arith.addf %add3A_964, %mul3A_978 : vector<16xf32>
      %mul3A_980 = arith.mulf %gather3A_973, %gather3A_973 : vector<16xf32>
      %add3A_981 = arith.addf %add3A_966, %mul3A_980 : vector<16xf32>
      %mul3A_982 = arith.mulf %gather3A_972, %gather3A_973 : vector<16xf32>
      %mul3A_983 = arith.mulf %mul3A_982, %get3A_977 : vector<16xf32>
      %add3A_984 = arith.addf %add3A_969, %mul3A_983 : vector<16xf32>
      %broadcast_in_dim3A_985 = arith.constant 63 : i32
      %broadcast_in_dim3A_986 = vector.broadcast %broadcast_in_dim3A_985 : i32 to vector<16xi32>
      %gather3A_987 = tpu.vector_load_idx %arg14[%add3A_35, %broadcast_in_dim3A_986] : memref<256x64xf32, #tpu.memory_space<vmem>>[vector<16xi32>, vector<16xi32>], vector<16xf32>,
      %gather3A_988 = tpu.vector_load_idx %arg15[%add3A_35, %broadcast_in_dim3A_986] : memref<256x64xf32, #tpu.memory_space<vmem>>[vector<16xi32>, vector<16xi32>], vector<16xf32>,
      %get3A_989 = arith.constant 63 : i32
      %get3A_990 = arith.index_cast %get3A_989 : i32 to index
      %get3A_991 = arith.constant 0 : index
      %get3A_992 = tpu.vector_load %arg12[%get3A_990, %get3A_991] {strides = array<i32>} : memref<64x16xf32, #tpu.memory_space<vmem>>, vector<16xf32>,
      %mul3A_993 = arith.mulf %gather3A_987, %gather3A_987 : vector<16xf32>
      %add3A_994 = arith.addf %add3A_979, %mul3A_993 : vector<16xf32>
      %mul3A_995 = arith.mulf %gather3A_988, %gather3A_988 : vector<16xf32>
      %add3A_996 = arith.addf %add3A_981, %mul3A_995 : vector<16xf32>
      %mul3A_997 = arith.mulf %gather3A_987, %gather3A_988 : vector<16xf32>
      %mul3A_998 = arith.mulf %mul3A_997, %get3A_992 : vector<16xf32>
      %add3A_999 = arith.addf %add3A_984, %mul3A_998 : vector<16xf32>
      %bitcast_convert_type3A = tpu.bitcast %add3A_994 : vector<16xf32> -> vector<16xi32>
      %shift_right_logical3A = arith.constant 1 : i32
      %shift_right_logical3A_1000 = vector.broadcast %shift_right_logical3A : i32 to vector<16xi32>
      %shift_right_logical3A_1001 = arith.shrui %bitcast_convert_type3A, %shift_right_logical3A_1000 : vector<16xi32>
      %sub3A = arith.constant 1597463007 : i32
      %sub3A_1002 = vector.broadcast %sub3A : i32 to vector<16xi32>
      %sub3A_1003 = arith.subi %sub3A_1002, %shift_right_logical3A_1001 : vector<16xi32>
      %bitcast_convert_type3A_1004 = tpu.bitcast %sub3A_1003 : vector<16xi32> -> vector<16xf32>
      %mul3A_1005 = arith.constant 5.000000e-01 : f32
      %mul3A_1006 = vector.broadcast %mul3A_1005 : f32 to vector<16xf32>
      %mul3A_1007 = arith.mulf %mul3A_1006, %add3A_994 : vector<16xf32>
      %mul3A_1008 = arith.mulf %mul3A_1007, %bitcast_convert_type3A_1004 : vector<16xf32>
      %mul3A_1009 = arith.mulf %mul3A_1008, %bitcast_convert_type3A_1004 : vector<16xf32>
      %sub3A_1010 = arith.constant 1.500000e+00 : f32
      %sub3A_1011 = vector.broadcast %sub3A_1010 : f32 to vector<16xf32>
      %sub3A_1012 = arith.subf %sub3A_1011, %mul3A_1009 : vector<16xf32>
      %mul3A_1013 = arith.mulf %bitcast_convert_type3A_1004, %sub3A_1012 : vector<16xf32>
      %mul3A_1014 = arith.constant 5.000000e-01 : f32
      %mul3A_1015 = vector.broadcast %mul3A_1014 : f32 to vector<16xf32>
      %mul3A_1016 = arith.mulf %mul3A_1015, %add3A_994 : vector<16xf32>
      %mul3A_1017 = arith.mulf %mul3A_1016, %mul3A_1013 : vector<16xf32>
      %mul3A_1018 = arith.mulf %mul3A_1017, %mul3A_1013 : vector<16xf32>
      %sub3A_1019 = arith.constant 1.500000e+00 : f32
      %sub3A_1020 = vector.broadcast %sub3A_1019 : f32 to vector<16xf32>
      %sub3A_1021 = arith.subf %sub3A_1020, %mul3A_1018 : vector<16xf32>
      %mul3A_1022 = arith.mulf %mul3A_1013, %sub3A_1021 : vector<16xf32>
      %mul3A_1023 = arith.constant 5.000000e-01 : f32
      %mul3A_1024 = vector.broadcast %mul3A_1023 : f32 to vector<16xf32>
      %mul3A_1025 = arith.mulf %mul3A_1024, %add3A_994 : vector<16xf32>
      %mul3A_1026 = arith.mulf %mul3A_1025, %mul3A_1022 : vector<16xf32>
      %mul3A_1027 = arith.mulf %mul3A_1026, %mul3A_1022 : vector<16xf32>
      %sub3A_1028 = arith.constant 1.500000e+00 : f32
      %sub3A_1029 = vector.broadcast %sub3A_1028 : f32 to vector<16xf32>
      %sub3A_1030 = arith.subf %sub3A_1029, %mul3A_1027 : vector<16xf32>
      %mul3A_1031 = arith.mulf %mul3A_1022, %sub3A_1030 : vector<16xf32>
      %mul3A_1032 = arith.mulf %add3A_994, %mul3A_1031 : vector<16xf32>
      %bitcast_convert_type3A_1033 = tpu.bitcast %add3A_996 : vector<16xf32> -> vector<16xi32>
      %shift_right_logical3A_1034 = arith.constant 1 : i32
      %shift_right_logical3A_1035 = vector.broadcast %shift_right_logical3A_1034 : i32 to vector<16xi32>
      %shift_right_logical3A_1036 = arith.shrui %bitcast_convert_type3A_1033, %shift_right_logical3A_1035 : vector<16xi32>
      %sub3A_1037 = arith.constant 1597463007 : i32
      %sub3A_1038 = vector.broadcast %sub3A_1037 : i32 to vector<16xi32>
      %sub3A_1039 = arith.subi %sub3A_1038, %shift_right_logical3A_1036 : vector<16xi32>
      %bitcast_convert_type3A_1040 = tpu.bitcast %sub3A_1039 : vector<16xi32> -> vector<16xf32>
      %mul3A_1041 = arith.constant 5.000000e-01 : f32
      %mul3A_1042 = vector.broadcast %mul3A_1041 : f32 to vector<16xf32>
      %mul3A_1043 = arith.mulf %mul3A_1042, %add3A_996 : vector<16xf32>
      %mul3A_1044 = arith.mulf %mul3A_1043, %bitcast_convert_type3A_1040 : vector<16xf32>
      %mul3A_1045 = arith.mulf %mul3A_1044, %bitcast_convert_type3A_1040 : vector<16xf32>
      %sub3A_1046 = arith.constant 1.500000e+00 : f32
      %sub3A_1047 = vector.broadcast %sub3A_1046 : f32 to vector<16xf32>
      %sub3A_1048 = arith.subf %sub3A_1047, %mul3A_1045 : vector<16xf32>
      %mul3A_1049 = arith.mulf %bitcast_convert_type3A_1040, %sub3A_1048 : vector<16xf32>
      %mul3A_1050 = arith.constant 5.000000e-01 : f32
      %mul3A_1051 = vector.broadcast %mul3A_1050 : f32 to vector<16xf32>
      %mul3A_1052 = arith.mulf %mul3A_1051, %add3A_996 : vector<16xf32>
      %mul3A_1053 = arith.mulf %mul3A_1052, %mul3A_1049 : vector<16xf32>
      %mul3A_1054 = arith.mulf %mul3A_1053, %mul3A_1049 : vector<16xf32>
      %sub3A_1055 = arith.constant 1.500000e+00 : f32
      %sub3A_1056 = vector.broadcast %sub3A_1055 : f32 to vector<16xf32>
      %sub3A_1057 = arith.subf %sub3A_1056, %mul3A_1054 : vector<16xf32>
      %mul3A_1058 = arith.mulf %mul3A_1049, %sub3A_1057 : vector<16xf32>
      %mul3A_1059 = arith.constant 5.000000e-01 : f32
      %mul3A_1060 = vector.broadcast %mul3A_1059 : f32 to vector<16xf32>
      %mul3A_1061 = arith.mulf %mul3A_1060, %add3A_996 : vector<16xf32>
      %mul3A_1062 = arith.mulf %mul3A_1061, %mul3A_1058 : vector<16xf32>
      %mul3A_1063 = arith.mulf %mul3A_1062, %mul3A_1058 : vector<16xf32>
      %sub3A_1064 = arith.constant 1.500000e+00 : f32
      %sub3A_1065 = vector.broadcast %sub3A_1064 : f32 to vector<16xf32>
      %sub3A_1066 = arith.subf %sub3A_1065, %mul3A_1063 : vector<16xf32>
      %mul3A_1067 = arith.mulf %mul3A_1058, %sub3A_1066 : vector<16xf32>
      %mul3A_1068 = arith.mulf %add3A_996, %mul3A_1067 : vector<16xf32>
      %gt3A = arith.constant 1.000000e+00 : f32
      %gt3A_1069 = vector.broadcast %gt3A : f32 to vector<16xf32>
      %gt3A_1070 = arith.cmpf ogt, %mul3A_1032, %gt3A_1069 : vector<16xf32>
      %add3A_1071 = arith.constant 1.000000e-07 : f32
      %add3A_1072 = vector.broadcast %add3A_1071 : f32 to vector<16xf32>
      %add3A_1073 = arith.addf %mul3A_1032, %add3A_1072 : vector<16xf32>
      %div3A = arith.constant 1.000000e+00 : f32
      %div3A_1074 = vector.broadcast %div3A : f32 to vector<16xf32>
      %div3A_1075 = arith.divf %div3A_1074, %add3A_1073 : vector<16xf32>
      %jit3A = arith.constant 1.000000e+00 : f32
      %broadcast_in_dim3A_1076 = vector.broadcast %jit3A : f32 to vector<16xf32>
      %select_n3A = arith.select %gt3A_1070, %div3A_1075, %broadcast_in_dim3A_1076 : vector<16xi1>, vector<16xf32>
      %gt3A_1077 = arith.constant 1.000000e+00 : f32
      %gt3A_1078 = vector.broadcast %gt3A_1077 : f32 to vector<16xf32>
      %gt3A_1079 = arith.cmpf ogt, %mul3A_1068, %gt3A_1078 : vector<16xf32>
      %add3A_1080 = arith.constant 1.000000e-07 : f32
      %add3A_1081 = vector.broadcast %add3A_1080 : f32 to vector<16xf32>
      %add3A_1082 = arith.addf %mul3A_1068, %add3A_1081 : vector<16xf32>
      %div3A_1083 = arith.constant 1.000000e+00 : f32
      %div3A_1084 = vector.broadcast %div3A_1083 : f32 to vector<16xf32>
      %div3A_1085 = arith.divf %div3A_1084, %add3A_1082 : vector<16xf32>
      %jit3A_1086 = arith.constant 1.000000e+00 : f32
      %broadcast_in_dim3A_1087 = vector.broadcast %jit3A_1086 : f32 to vector<16xf32>
      %select_n3A_1088 = arith.select %gt3A_1079, %div3A_1085, %broadcast_in_dim3A_1087 : vector<16xi1>, vector<16xf32>
      %mul3A_1089 = arith.mulf %add3A_999, %select_n3A : vector<16xf32>
      %mul3A_1090 = arith.mulf %mul3A_1089, %select_n3A_1088 : vector<16xf32>
      %add3A_1091 = arith.addf %mul3A_1090, %get3A_5 : vector<16xf32>
      %neg3A = arith.constant 0.000000e+00 : f32
      %neg3A_1092 = vector.broadcast %neg3A : f32 to vector<16xf32>
      %neg3A_1093 = arith.subf %neg3A_1092, %add3A_1091 : vector<16xf32>
      %exp3A = math.exp %neg3A_1093 : vector<16xf32>
      %add3A_1094 = arith.constant 1.000000e+00 : f32
      %add3A_1095 = vector.broadcast %add3A_1094 : f32 to vector<16xf32>
      %add3A_1096 = arith.addf %add3A_1095, %exp3A : vector<16xf32>
      %div3A_1097 = arith.constant 1.000000e+00 : f32
      %div3A_1098 = vector.broadcast %div3A_1097 : f32 to vector<16xf32>
      %div3A_1099 = arith.divf %div3A_1098, %add3A_1096 : vector<16xf32>
      %mul3A_1100 = arith.constant 16 : i32
      %mul3A_1101 = arith.muli %scan3A_31, %mul3A_1100 : i32
      %add3A_1102 = arith.constant 256 : i32
      %add3A_1103 = arith.addi %add3A_1102, %mul3A_1101 : i32
      %swap3A = arith.index_cast %add3A_1103 : i32 to index
      %swap3A_1104 = tpu.vector_load %arg16[%swap3A] {strides = array<i32>} : memref<512xf32, #tpu.memory_space<vmem>>, vector<16xf32>,
      tpu.vector_store %arg16[%swap3A], %div3A_1099 {strides = array<i32>} : memref<512xf32, #tpu.memory_space<vmem>>, vector<16xf32>,
    }
    %scan3A_28 = arith.constant 16 : i32
    %mul3A_29 = arith.constant 512 : i32
    %mul3A_30 = arith.muli %add3A, %mul3A_29 : i32
    "tpu.region"() ({
      %run_scoped3A = tpu.sem_alloc : memref<!tpu.dma_semaphore, #tpu.memory_space<semaphore_mem>>
      %dma_start3A = tpu.memref_slice %arg9[%mul3A_30] : memref<16384xf32, #tpu.memory_space<hbm>> -> memref<512xf32, #tpu.memory_space<hbm>>
      %dma_start3A_31 = tpu.memref_slice %arg9[%mul3A_30] : memref<16384xf32, #tpu.memory_space<hbm>> -> memref<512xf32, #tpu.memory_space<hbm>>
      tpu.enqueue_dma source(%arg16 : memref<512xf32, #tpu.memory_space<vmem>>) target(%dma_start3A_31 : memref<512xf32, #tpu.memory_space<hbm>>) target_semaphore(%run_scoped3A : memref<!tpu.dma_semaphore, #tpu.memory_space<semaphore_mem>>)
      %dma_wait3A = tpu.memref_slice %arg9[%mul3A_30] : memref<16384xf32, #tpu.memory_space<hbm>> -> memref<512xf32, #tpu.memory_space<hbm>>
      %dma_wait3A_32 = tpu.memref_slice %arg9[%mul3A_30] : memref<16384xf32, #tpu.memory_space<hbm>> -> memref<512xf32, #tpu.memory_space<hbm>>
      tpu.wait_dma2 semaphore(%run_scoped3A : memref<!tpu.dma_semaphore, #tpu.memory_space<semaphore_mem>>) src(%arg16 : memref<512xf32, #tpu.memory_space<vmem>>) dst(%dma_wait3A_32 : memref<512xf32, #tpu.memory_space<hbm>>)
      tpu.yield
    }) : () -> ()
    return
  }
}

</mosaic_0001>

<sc_bundles>
// kernel: skipgram_sc.3.cloned.1.call-start
scs
__scs_entry_jumppad:
0x0: {  	(pc) =	sbr.rel $0x88, $3  }
0x1: {  	(tag) =	ssettag $0x0;
	lr =	simm.s32 $0x1  }
0x2: {  	[smem:$0x3F9A] =	sst lr;
	_ =	strace $0xD0000000  }
0x3: {  	_ = 	snop  }
0x4: {  	_ = 	snop  }
0x5: {  	_ = 	snop  }
0x6: {  	_ = 	snop  }
0x7: {  	_ = 	snop  }
__scs_overlays_trampoline_lowered:
0x8: {  	[smem:$0x3FA9] =	sst s0  }
0x9: {  	[smem:$0x3FAA] =	sst s1  }
0xa: {  	[smem:$0x3FAB] =	sst s2  }
0xb: {  	[smem:$0x3FAC] =	sst s3  }
0xc: {  	[smem:$0x3FAD] =	sst s4  }
0xd: {  	[smem:$0x3FAE] =	sst s5  }
0xe: {  	[smem:$0x3FAF] =	sst s6  }
0xf: {  	[smem:$0x3FB0] =	sst s7  }
0x10: {  	[smem:$0x3FB1] =	sst s8  }
0x11: {  	[smem:$0x3FB2] =	sst s9;
	s0 =	simm.s32 @!p0 $0x0  }
0x12: {  	s1 =	sld [smem:$0x3F98];
	s0 =	simm.s32 @p0 $0x1  }
0x13: {  	[smem:$0x3FB3] =	sst s0;
	s0 =	simm.s32 @!p1 $0x0  }
0x14: {  	s2 =	sld [smem:$0x3F97];
	s0 =	simm.s32 @p1 $0x1  }
0x15: {  	[smem:$0x3FB4] =	sst s0;
	s0 =	simm.s32 @!p2 $0x0  }
0x16: {  	s3 =	sld [smem:$0x3FDB];
	s0 =	simm.s32 @p2 $0x1  }
0x17: {  	s4 =	simm.s32 $0x1BF5;
	[smem:$0x3FB6] =	sst s0  }
0x18: {  	s0 =	sld [smem:$0x3F99];
	_ =	swait.ge [sflag:s4], $0x0  }
0x19: {  	s7 =	sld [smem:$0x3F9A]  }
0x1a: {  	s8 =	sadd.s32 $0xFFFFE003, lr  }
0x1b: {  	s9 =	sadd.s32 $0xFFFFFEF7, lr;
	s5 =	simm.s32 $0xFFFFFFFF;
	p2 =	slt.u32 s8, $0xFFFFF086  }
0x1c: {  	p1 =	slt.u32 s9, $0xF7A;
	s5 =	simm.s32 @!p2 $0x0  }
0x1d: {  	s5 =	simm.s32 @p1 $0x1;
	p0 =	seq.s32 s7, s2  }
0x1e: {  	s7 =	smul.u32 @!p0 $0xF7A, s2;
	p2 =	seq.s32 @!p0 s5, $0x0  }
0x1f: {  	s9 =	smul.u32 $0xF7A, s1;
	s8 =	simm.s32 @!p0 $0x1BF5;
	p2 =	por !p2, p0  }
0x20: {  	[sflag:s8] =	ssyncset.s32 @!p0 $0xFFFFF086;
	s6 =	sadd.s32 @!p0 s3, s7;
	s7 =	simm.s32 @!p0 $0x108  }
0x21: {  	s3 =	sadd.s32 s3, s9;
	s6 =	sadd.s32 @!p0 $0x88, s6;
	s7 =	simm.s32 @p2 $0x1082  }
0x22: {  	[simem:s7], [sflag:s8] =	dma.local @!p0 [hbm:s6], $0xF7A  }
0x23: {  	s9 =	sor.u32 $0xD0000000, s2;
	s6 =	simm.s32 $0x108;
	_ =	swait.ge @!p0 [sflag:s8], $0x0  }
0x24: {  	s3 =	sadd.s32 $0x88, s3;
	s6 =	simm.s32 @!p1 $0x1082;
	[sflag:s4] =	ssyncset.s32 $0xFFFFF086  }
0x25: {  	[simem:s6], [sflag:s4] =	dma.local [hbm:s3], $0xF7A  }
0x26: {  	[smem:$0x3F9A] =	sst s1;
	(tag) =	ssettag s2;
	_ =	strace s9  }
0x27: {  	s1 =	sld [smem:$0x3FAA]  }
0x28: {  	s2 =	sld [smem:$0x3FAB]  }
0x29: {  	s4 =	sld [smem:$0x3FAD]  }
0x2a: {  	p0 =	seq.s32 s5, $0x0;
	s5 =	sld [smem:$0x3FAE]  }
0x2b: {  	s6 =	sld [smem:$0x3FAF]  }
0x2c: {  	s7 =	sld [smem:$0x3FB0]  }
0x2d: {  	s3 =	simm.s32 $0x108;
	s8 =	sld [smem:$0x3FB1]  }
0x2e: {  	s3 =	simm.s32 @!p0 $0x1082;
	s9 =	sld [smem:$0x3FB2]  }
0x2f: {  	lr =	sadd.s32 s0, s3;
	s0 =	sld [smem:$0x3FA9]  }
0x30: {  	s3 =	sld [smem:$0x3FAC]  }
0x31: {  	[smem:$0x3FB5] =	sst s10  }
0x32: {  	s10 =	sld [smem:$0x3FB3];
	_ =	sdelay $0x3  }
0x33: {  	p0 =	seq.s32 s10, $0x1;
	s10 =	sld [smem:$0x3FB5];
	_ =	sdelay $0x3  }
0x34: {  	[smem:$0x3FB5] =	sst s10  }
0x35: {  	s10 =	sld [smem:$0x3FB4];
	_ =	sdelay $0x3  }
0x36: {  	p1 =	seq.s32 s10, $0x1;
	s10 =	sld [smem:$0x3FB5];
	_ =	sdelay $0x3  }
0x37: {  	[smem:$0x3FB5] =	sst s10  }
0x38: {  	s10 =	sld [smem:$0x3FB6]  }
0x39: {  	_ = 	snop;
	(pc) =	sbr.ind lr, $3  }
0x3a: {  	_ = 	snop  }
0x3b: {  	_ = 	snop  }
0x3c: {  	p2 =	seq.s32 s10, $0x1;
	s10 =	sld [smem:$0x3FB5]  }
0x3d: {  	_ =	shalt  }
0x3e: {  	_ =	shalt  }
0x3f: {  	_ =	shalt  }
0x40: {  	_ =	shalt  }
0x41: {  	_ =	shalt  }
0x42: {  	_ =	shalt  }
0x43: {  	_ =	shalt  }
0x44: {  	_ =	shalt  }
0x45: {  	_ =	shalt  }
0x46: {  	_ =	shalt  }
0x47: {  	_ =	shalt  }
0x48: {  	_ =	shalt  }
0x49: {  	_ =	shalt  }
0x4a: {  	_ =	shalt  }
0x4b: {  	_ =	shalt  }
0x4c: {  	_ =	shalt  }
0x4d: {  	_ =	shalt  }
0x4e: {  	_ =	shalt  }
0x4f: {  	_ =	shalt  }
0x50: {  	_ =	shalt  }
0x51: {  	_ =	shalt  }
0x52: {  	_ =	shalt  }
0x53: {  	_ =	shalt  }
0x54: {  	_ =	shalt  }
0x55: {  	_ =	shalt  }
0x56: {  	_ =	shalt  }
0x57: {  	_ =	shalt  }
0x58: {  	_ =	shalt  }
0x59: {  	_ =	shalt  }
0x5a: {  	_ =	shalt  }
0x5b: {  	_ =	shalt  }
0x5c: {  	_ =	shalt  }
0x5d: {  	_ =	shalt  }
0x5e: {  	_ =	shalt  }
0x5f: {  	_ =	shalt  }
0x60: {  	_ =	shalt  }
0x61: {  	_ =	shalt  }
0x62: {  	_ =	shalt  }
0x63: {  	_ =	shalt  }
0x64: {  	_ =	shalt  }
0x65: {  	_ =	shalt  }
0x66: {  	_ =	shalt  }
0x67: {  	_ =	shalt  }
0x68: {  	_ =	shalt  }
0x69: {  	_ =	shalt  }
0x6a: {  	_ =	shalt  }
0x6b: {  	_ =	shalt  }
0x6c: {  	_ =	shalt  }
0x6d: {  	_ =	shalt  }
0x6e: {  	_ =	shalt  }
0x6f: {  	_ =	shalt  }
0x70: {  	_ =	shalt  }
0x71: {  	_ =	shalt  }
0x72: {  	_ =	shalt  }
0x73: {  	_ =	shalt  }
0x74: {  	_ =	shalt  }
0x75: {  	_ =	shalt  }
0x76: {  	_ =	shalt  }
0x77: {  	_ =	shalt  }
0x78: {  	_ =	shalt  }
0x79: {  	_ =	shalt  }
0x7a: {  	_ =	shalt  }
0x7b: {  	_ =	shalt  }
0x7c: {  	_ =	shalt  }
0x7d: {  	_ =	shalt  }
0x7e: {  	_ =	shalt  }
0x7f: {  	_ =	shalt  }
0x80: {  	_ =	shalt  }
0x81: {  	_ =	shalt  }
0x82: {  	_ =	shalt  }
0x83: {  	_ =	shalt  }
0x84: {  	_ =	shalt  }
0x85: {  	_ =	shalt  }
0x86: {  	_ =	shalt  }
0x87: {  	_ =	shalt  }
.Lfunc_end0:
.L_simem_size_0:
called_computation_lowered:
.L_overlay_start_0:
0x88: {  	s2 =	sld [smem:$0x3FD9]  }
0x89: {  	s3 =	sld [smem:$0x3FFE];
	_ =	sdelay $0x1  }
0x8a: {  	s1 =	srdreg.scid  }
0x8b: {  	s0 =	sand.u32 $0x1, s1  }
0x8c: {  	s17 =	sshll.u32 s0, $0xA;
	s2 =	sadd.s32 s3, s2  }
0x8d: {  	s2 =	sadd.s32 s2, s17  }
0x8e: {  	[smem:$0x3FC1] =	sst s2  }
0x8f: {  	_ = 	snop  }
0x90: {  	s2 =	sld [smem:$0x3FC6]  }
0x91: {  	s18 =	sld [smem:$0x3FC4]  }
0x92: {  	s4 =	sld [smem:$0x3FC3]  }
0x93: {  	s5 =	sld [smem:$0x3FD0];
	(tm) =	ssettm $0x1  }
0x94: {  	s6 =	sld [smem:$0x3FFB];
	_ =	sdelay $0x3  }
0x95: {  	_ =	strace s6  }
0x96: {  	s6 =	sld [smem:$0x3FFC];
	_ =	sdelay $0x3  }
0x97: {  	_ =	strace s6  }
0x98: {  	s6 =	sld [smem:$0x3FFD];
	_ =	sdelay $0x3  }
0x99: {  	_ =	strace s6  }
0x9a: {  	_ =	strace $0x8FFFFFFF  }
0x9b: {  	s19 =	sld [smem:$0x3FDB];
	_ =	sdelay $0x1  }
0x9c: {  	s7 =	simm.s32 $_scs_section_size  }
0x9d: {  	s8 =	simm.s32 $_size__tile_overlayer_lowered;
	s9 =	simm.s32 $_tile_overlayer_lowered  }
0x9e: {  	s22 =	simm.s32 $0x1BFF;
	s21 =	sshll.u32 s9, $0x1;
	s6 =	sadd.s32 s7, s19  }
0x9f: {  	s10 =	simm.s32 $0x0;
	s20 =	sshll.u32 s8, $0x1;
	s8 =	sadd.s32 s21, s6  }
0xa0: {  	[timem:s10], [sflag:s22] =	dma.local [hbm:s8], s20  }
0xa1: {  	_ =	swait.ge [sflag:s22], s20  }
0xa2: {  	s7 =	ssub.s32 $0x0, s20;
	[sflag:s22] =	ssyncset.done $0x0  }
0xa3: {  	[sflag:s22] =	ssyncadd.s32 s7;
	_ =	sdelay $0x1  }
0xa4: {  	s23 =	simm.s32 $0x1B8B  }
0xa5: {  	_ =	swait.ge [sflag:s23], $0x1  }
0xa6: {  	[sflag:s23] =	ssyncset.done $0x0  }
0xa7: {  	s25 =	simm.s32 $0x1B8E;
	s24 =	sld [smem:$0x3FFE];
	[sflag:s23] =	ssyncadd.s32 $0xFFFFFFFF  }
0xa8: {  	s26 =	simm.s32 $execute0_lowered;
	[smem:$0x3FD2] =	sst s25  }
0xa9: {  	s8 =	sshll.u32 s26, $0x1;
	_ =	strace $0x80000046;
	[dreg:$0x1] =	wrdreg $0xFFFFFFFF  }
0xaa: {  	s28 =	simm.s32 $_size_execute0_lowered;
	s6 =	sadd.s32 s6, s8;
	[dreg:$0x0] =	wrdreg $0x0  }
0xab: {  	s8 =	sshll.u32 s28, $0x1;
	[dreg:$0x2] =	wrdreg s6  }
0xac: {  	[dreg:$0x3] =	wrdreg s8  }
0xad: {  	[dreg:$0x4] =	wrdreg $0xC0  }
0xae: {  	_ =	task [dreg:s10], $0x5FFFF  }
0xaf: {  	[dreg:$0x1] =	wrdreg $0xFFFFFFFF  }
0xb0: {  	[dreg:$0x0] =	wrdreg $0x60  }
0xb1: {  	[dreg:$0x2] =	wrdreg s24  }
0xb2: {  	[dreg:$0x3] =	wrdreg s18  }
0xb3: {  	[dreg:$0x4] =	wrdreg s4  }
0xb4: {  	[dreg:$0x5] =	wrdreg s2  }
0xb5: {  	[dreg:$0x6] =	wrdreg s5  }
0xb6: {  	[dreg:$0x7] =	wrdreg $0x9  }
0xb7: {  	_ =	task.clear_ibuf [dreg:s10], $0x8FFFF;
	_ =	strace $0x90000046  }
0xb8: {  	s29 =	simm.s32 $0x9;
	_ =	strace $0x80000048  }
0xb9: {  	_ =	swait.ge [sflag:s29], $0x1  }
0xba: {  	[sflag:s29] =	ssyncadd.s32 $0xFFFFFFFF  }
0xbb: {  	_ =	strace $0x90000048  }
0xbc: {  	_ =	sfence  }
0xbd: {  	s30 =	sld [smem:$0x0];
	_ =	sdelay $0x2  }
0xbe: {  	s31 =	sshll.u32 s1, $0xD;
	s1 =	sshrl.u32 s1, $0x2  }
0xbf: {  	s3 =	sand.u32 $0x4000, s31;
	s1 =	sadd.s32 s1, s30  }
0xc0: {  	s0 =	sor.u32 s3, s0;
	s1 =	sshll.u32 s1, $0x11  }
0xc1: {  	s0 =	sor.u32 s1, s0  }
0xc2: {  	s0 =	sadd.s32 $0x8F2B, s0  }
0xc3: {  	[sflag:s0] =	ssyncadd.remote.s32 $0x1  }
0xc4: {  	_ =	sfence.sel $0xFFFF  }
0xc5: {  	[dreg:$0x0] =	wrdreg $0xFFFFFFFF;
	(pc) =	sbr.abs _section_cstart, $3  }
0xc6: {  	[dreg:$0x1] =	wrdreg $0xFFFFFFFF  }
0xc7: {  	_ =	task.clear_ibuf [dreg:s10], $0x2FFFF;
	_ =	strace $0x9FFFFFFF  }
0xc8: {  	(tm) =	ssettm $0x7FFFFFFF  }
0xc9: {  	_ =	shalt  }
tec
execute0_lowered:
.L_overlay_start_1:
0x0: {  	(tag) =	ssettag $0x1  }
0x1: {  	s0 =	rddreg [dreg:$0x0]  }
0x2: {  	s1 =	rddreg [dreg:$0x1]  }
0x3: {  	s3 =	rddreg [dreg:$0x2]  }
0x4: {  	s6 =	rddreg [dreg:$0x4]  }
0x5: {  	s2 =	simm.s32 $0x0;
	s5 =	srdreg.scid;
	s10 =	stileid.u32  }
0x6: {  	[smem:$0x7FF] =	sst s2;
	s4 =	sadd.s32 $0x1800, s0;
	s7 =	sand.u32 $0x1, s5  }
0x7: {  	s28 =	sadd.s32 $0xF43E00, s0;
	s10 =	sshll.u32 s10, $0x7;
	_ =	strace $0x80000047  }
0x8: {  	[dreg:$0x6] =	wrdreg s4;
	s8 =	ssub.s32 $0x2, s7;
	s7 =	sshll.u32 s7, $0x6  }
0x9: {  	s0 =	sadd.s32 $0x400, s0;
	[dreg:$0x7] =	wrdreg s28;
	s7 =	sor.u32 s7, s10  }
0xa: {  	[dreg:$0x1a] =	wrdreg s0;
	s1 =	sadd.s32 s1, s7  }
0xb: {  	s9 =	sshrl.u32 s8, $0x1;
	s30 =	sadd.s32 s3, s7;
	[dreg:$0x1b] =	wrdreg s1  }
0xc: {  	s29 =	ssub.s32 s8, s9;
	s31 =	sadd.s32 s6, s7;
	[dreg:$0x1c] =	wrdreg s30  }
0xd: {  	v0 =	vlaneseq.u32;
	[dreg:$0x1d] =	wrdreg s31;
	s0 =	smax.u32 s29, $0x1  }
0xe: {  	v0 =	vmul.u32 $0x80, v0;
	s3 =	simm.s32 $0x2;
	s1 =	simm.s32 $0x0;
	[dreg:$0x1e] =	wrdreg s0  }
.LBB2_1:
0xf: {  	[dreg:$0x1f] =	wrdreg s1  }
0x10: {  	s0 =	rddreg [dreg:$0x1b]  }
0x11: {  	[tilespmem:s2], [sflag:$0x2] =	stream.linear.gather [hbm4b:s0+s2], $0x200, $0x38;
	[tilespmem:$0x12680] =	vst v63  }
0x12: {  	_ =	swait.ge [sflag:s3], $0x200  }
0x13: {  	[sflag:s3] =	ssyncset.done $0x0  }
0x14: {  	s21 =	simm.s32 $0x200;
	s22 =	rddreg [dreg:$0x1c];
	[sflag:s3] =	ssyncadd.s32 $0xFFFFFE00  }
0x15: {  	[tilespmem:s21], [sflag:$0x2] =	stream.linear.gather [hbm4b:s22+s2], $0x200, $0x38;
	[tilespmem:$0x12680] =	vst v63  }
0x16: {  	_ =	swait.ge [sflag:s3], $0x200  }
0x17: {  	[sflag:s3] =	ssyncset.done $0x0  }
0x18: {  	s6 =	simm.s32 $0x400;
	s23 =	rddreg [dreg:$0x1a];
	[sflag:s3] =	ssyncadd.s32 $0xFFFFFE00  }
0x19: {  	[tilespmem:s6], [sflag:$0x2] =	stream.linear.gather [hbm4b:s23+s2], $0x2000, $0x38;
	[tilespmem:$0x12680] =	vst v63  }
0x1a: {  	_ =	swait.ge [sflag:s3], $0x2000  }
0x1b: {  	[sflag:s3] =	ssyncset.done $0x0  }
0x1c: {  	[sflag:s3] =	ssyncadd.s32 $0xFFFFE000  }
0x1d: {  	s25 =	simm.s32 $0x2400;
	s24 =	rddreg [dreg:$0x3]  }
0x1e: {  	[tilespmem:s25], [sflag:$0x2] =	stream.linear.gather [hbm4b:s24+s2], $0x80, $0x38;
	[tilespmem:$0x12680] =	vst v63  }
0x1f: {  	_ =	swait.ge [sflag:s3], $0x80  }
0x20: {  	[sflag:s3] =	ssyncset.done $0x0  }
0x21: {  	[sflag:s3] =	ssyncadd.s32 $0xFFFFFF80  }
0x22: {  	v1 =	vld [tilespmem:s2+$0x0]  }
0x23: {  	v2 =	vld [tilespmem:s21+$0x0];
	_ =	sdelay $0x3  }
0x24: {  	v3 =	vshll.u32 v1, $0x4  }
0x25: {  	v2 =	vshll.u32 v2, $0x4;
	(v2sf) =	vpush v3, $0x0  }
0x26: {  	(v2sf) =	vpush v2, $0x0  }
0x27: {  	(v2sf) =	vpush v3, $0x1;
	_ =	sdelay $0x2  }
0x28: {  	(v2sf) =	vpush v2, $0x1;
	_ =	sdelay $0x1  }
0x29: {  	(v2sf) =	vpush v3, $0x2;
	_ =	sdelay $0x1  }
0x2a: {  	(v2sf) =	vpush v2, $0x2;
	_ =	sdelay $0x1  }
0x2b: {  	s20 =	simm.s32 $0x2000;
	s19 =	simm.s32 $0x0;
	s26 =	simm.s32 $0xA480;
	(v2sf) =	vpush v3, $0x3  }
0x2c: {  	s1 =	simm.s32 $0x2900;
	s7 =	simm.s32 $0x2480;
	s9 =	simm.s32 $0x2680  }
0x2d: {  	s10 =	simm.s32 $0x2600;
	s15 =	simm.s32 $0xA500;
	s17 =	simm.s32 $0x2580  }
0x2e: {  	s29 =	simm.s32 $0x2A80;
	s28 =	simm.s32 $0x2B80;
	s0 =	simm.s32 $0xA980  }
0x2f: {  	s22 =	simm.s32 $0xA580;
	s6 =	simm.s32 $0x2700;
	s8 =	spop (v2sf);
	(v2sf) =	vpush v2, $0x3  }
0x30: {  	s4 =	rddreg [dreg:$0x6];
	s8 =	sand.u32 $0x1FFFFFF0, s8;
	s11 =	spop (v2sf)  }
0x31: {  	s5 =	rddreg [dreg:$0x7];
	s8 =	sadd.s32 s4, s8;
	s31 =	spop (v2sf)  }
0x32: {  	v1 =	vld [tilespmem:$0x2400];
	(v2sf) =	vpush v3, $0x4;
	[tilespmem:s7], [sflag:$0x1] =	stream.linear.gather [hbm4b:s8+s2], $0x80, $0x38  }
0x33: {  	(v2sf) =	vpush v2, $0x4;
	s30 =	sand.u32 $0x1FFFFFF0, s11;
	s7 =	simm.s32 $0xA600;
	s11 =	sand.u32 $0x1FFFFFF0, s31  }
0x34: {  	s8 =	sadd.s32 s5, s30;
	s12 =	spop (v2sf);
	s13 =	sadd.s32 s4, s11  }
0x35: {  	(v2sf) =	vpush v3, $0x5;
	[tilespmem:s26], [sflag:$0x1] =	stream.linear.gather [hbm4b:s8+s2], $0x80, $0x38;
	[tilespmem:$0x12680] =	vst v63  }
0x36: {  	s14 =	sand.u32 $0x1FFFFFF0, s12;
	s16 =	spop (v2sf);
	s8 =	simm.s32 $0x2500  }
0x37: {  	(v2sf) =	vpush v2, $0x5;
	[tilespmem:s8], [sflag:$0x1] =	stream.linear.gather [hbm4b:s13+s2], $0x80, $0x38;
	[tilespmem:$0x12680] =	vst v63  }
0x38: {  	s11 =	sadd.s32 s5, s14;
	s18 =	spop (v2sf);
	s8 =	sand.u32 $0x1FFFFFF0, s16  }
0x39: {  	(v2sf) =	vpush v3, $0x6;
	[tilespmem:s15], [sflag:$0x1] =	stream.linear.gather [hbm4b:s11+s2], $0x80, $0x38;
	[tilespmem:$0x12680] =	vst v63  }
0x3a: {  	s21 =	spop (v2sf);
	s8 =	sadd.s32 s4, s8;
	s11 =	sand.u32 $0x1FFFFFF0, s18  }
0x3b: {  	(v2sf) =	vpush v2, $0x6;
	[tilespmem:s17], [sflag:$0x1] =	stream.linear.gather [hbm4b:s8+s2], $0x80, $0x38;
	[tilespmem:$0x12680] =	vst v63  }
0x3c: {  	s12 =	simm.s32 $0xAA80;
	s24 =	sand.u32 $0x1FFFFFF0, s21;
	s23 =	sadd.s32 s5, s11  }
0x3d: {  	[tilespmem:s22], [sflag:$0x1] =	stream.linear.gather [hbm4b:s23+s2], $0x80, $0x38;
	[tilespmem:$0x12680] =	vst v63  }
0x3e: {  	s26 =	simm.s32 $0xA680;
	s11 =	sadd.s32 s4, s24;
	s25 =	spop (v2sf)  }
0x3f: {  	(v2sf) =	vpush v3, $0x7;
	[tilespmem:s10], [sflag:$0x1] =	stream.linear.gather [hbm4b:s11+s2], $0x80, $0x38;
	[tilespmem:$0x12680] =	vst v63  }
0x40: {  	s13 =	simm.s32 $0x2B00;
	s16 =	simm.s32 $0xA700;
	s8 =	sand.u32 $0x1FFFFFF0, s25  }
0x41: {  	s18 =	simm.s32 $0x2780;
	s30 =	spop (v2sf);
	s8 =	sadd.s32 s5, s8  }
0x42: {  	(v2sf) =	vpush v2, $0x7;
	s11 =	sand.u32 $0x1FFFFFF0, s30;
	s31 =	spop (v2sf);
	s30 =	simm.s32 $0xA780  }
0x43: {  	(v2sf) =	vpush v3, $0x8;
	[tilespmem:s7], [sflag:$0x1] =	stream.linear.gather [hbm4b:s8+s2], $0x80, $0x38;
	[tilespmem:$0x12680] =	vst v63  }
0x44: {  	s14 =	sadd.s32 s4, s11;
	s15 =	sand.u32 $0x1FFFFFF0, s31;
	s17 =	spop (v2sf)  }
0x45: {  	(v2sf) =	vpush v2, $0x8;
	[tilespmem:s9], [sflag:$0x1] =	stream.linear.gather [hbm4b:s14+s2], $0x80, $0x38;
	[tilespmem:$0x12680] =	vst v63  }
0x46: {  	s8 =	sadd.s32 s5, s15;
	s21 =	spop (v2sf);
	s9 =	sand.u32 $0x1FFFFFF0, s17  }
0x47: {  	(v2sf) =	vpush v3, $0x9;
	[tilespmem:s26], [sflag:$0x1] =	stream.linear.gather [hbm4b:s8+s2], $0x80, $0x38;
	[tilespmem:$0x12680] =	vst v63  }
0x48: {  	s10 =	sand.u32 $0x1FFFFFF0, s21;
	s22 =	spop (v2sf);
	s9 =	sadd.s32 s4, s9  }
0x49: {  	(v2sf) =	vpush v2, $0x9;
	[tilespmem:s6], [sflag:$0x1] =	stream.linear.gather [hbm4b:s9+s2], $0x80, $0x38;
	[tilespmem:$0x12680] =	vst v63  }
0x4a: {  	s23 =	sadd.s32 s5, s10;
	s24 =	sand.u32 $0x1FFFFFF0, s22;
	s25 =	spop (v2sf)  }
0x4b: {  	(v2sf) =	vpush v3, $0xA;
	[tilespmem:s16], [sflag:$0x1] =	stream.linear.gather [hbm4b:s23+s2], $0x80, $0x38;
	[tilespmem:$0x12680] =	vst v63  }
0x4c: {  	s14 =	simm.s32 $0x2800;
	s26 =	sadd.s32 s4, s24;
	s7 =	sand.u32 $0x1FFFFFF0, s25  }
0x4d: {  	(v2sf) =	vpush v2, $0xA;
	[tilespmem:s18], [sflag:$0x1] =	stream.linear.gather [hbm4b:s26+s2], $0x80, $0x38;
	[tilespmem:$0x12680] =	vst v63  }
0x4e: {  	s17 =	simm.s32 $0xA800;
	s7 =	sadd.s32 s5, s7;
	s31 =	spop (v2sf)  }
0x4f: {  	(v2sf) =	vpush v3, $0xB;
	[tilespmem:s30], [sflag:$0x1] =	stream.linear.gather [hbm4b:s7+s2], $0x80, $0x38;
	[tilespmem:$0x12680] =	vst v63  }
0x50: {  	s21 =	simm.s32 $0x2880;
	s24 =	simm.s32 $0xA880;
	s9 =	sand.u32 $0x1FFFFFF0, s31  }
0x51: {  	s30 =	simm.s32 $0xA900;
	s3 =	spop (v2sf);
	(v2sf) =	vpush v2, $0xB;
	s15 =	sadd.s32 s4, s9  }
0x52: {  	s16 =	sand.u32 $0x1FFFFFF0, s3;
	s18 =	spop (v2sf);
	s3 =	simm.s32 $0x2980  }
0x53: {  	[tilespmem:s14], [sflag:$0x1] =	stream.linear.gather [hbm4b:s15+s2], $0x80, $0x38;
	[tilespmem:$0x12680] =	vst v63  }
0x54: {  	s9 =	sadd.s32 s5, s16;
	s8 =	sand.u32 $0x1FFFFFF0, s18;
	s22 =	spop (v2sf)  }
0x55: {  	[tilespmem:s17], [sflag:$0x1] =	stream.linear.gather [hbm4b:s9+s2], $0x80, $0x38;
	[tilespmem:$0x12680] =	vst v63  }
0x56: {  	(v2sf) =	vpush v3, $0xC;
	s8 =	sadd.s32 s4, s8;
	s23 =	spop (v2sf);
	s9 =	sand.u32 $0x1FFFFFF0, s22  }
0x57: {  	(v2sf) =	vpush v2, $0xC;
	[tilespmem:s21], [sflag:$0x1] =	stream.linear.gather [hbm4b:s8+s2], $0x80, $0x38;
	[tilespmem:$0x12680] =	vst v63  }
0x58: {  	s26 =	sand.u32 $0x1FFFFFF0, s23;
	s31 =	spop (v2sf);
	s25 =	sadd.s32 s5, s9  }
0x59: {  	[tilespmem:s24], [sflag:$0x1] =	stream.linear.gather [hbm4b:s25+s2], $0x80, $0x38;
	[tilespmem:$0x12680] =	vst v63  }
0x5a: {  	s9 =	sadd.s32 s4, s26;
	s14 =	spop (v2sf);
	s8 =	sand.u32 $0x1FFFFFF0, s31  }
0x5b: {  	[tilespmem:s1], [sflag:$0x1] =	stream.linear.gather [hbm4b:s9+s2], $0x80, $0x38;
	[tilespmem:$0x12680] =	vst v63  }
0x5c: {  	s15 =	spop (v2sf);
	s8 =	sadd.s32 s5, s8;
	s9 =	sand.u32 $0x1FFFFFF0, s14  }
0x5d: {  	[tilespmem:s30], [sflag:$0x1] =	stream.linear.gather [hbm4b:s8+s2], $0x80, $0x38;
	[tilespmem:$0x12680] =	vst v63  }
0x5e: {  	s17 =	sand.u32 $0x1FFFFFF0, s15;
	s16 =	sadd.s32 s4, s9;
	s18 =	spop (v2sf)  }
0x5f: {  	[tilespmem:s3], [sflag:$0x1] =	stream.linear.gather [hbm4b:s16+s2], $0x80, $0x38;
	[tilespmem:$0x12680] =	vst v63  }
0x60: {  	s11 =	simm.s32 $0xAB00;
	s21 =	sadd.s32 s5, s17;
	s23 =	spop (v2sf)  }
0x61: {  	[tilespmem:s0], [sflag:$0x1] =	stream.linear.gather [hbm4b:s21+s2], $0x80, $0x38;
	[tilespmem:$0x12680] =	vst v63  }
0x62: {  	s6 =	simm.s32 $0xAA00;
	(v2sf) =	vpush v3, $0xD;
	s22 =	sand.u32 $0x1FFFFFF0, s18;
	s26 =	sand.u32 $0x1FFFFFF0, s23  }
0x63: {  	s24 =	simm.s32 $0x2A00;
	(v2sf) =	vpush v2, $0xD;
	s25 =	sadd.s32 s4, s22;
	s30 =	sadd.s32 s5, s26  }
0x64: {  	(v2sf) =	vpush v3, $0xE;
	[tilespmem:s24], [sflag:$0x1] =	stream.linear.gather [hbm4b:s25+s2], $0x80, $0x38;
	[tilespmem:$0x12680] =	vst v63  }
0x65: {  	(v2sf) =	vpush v2, $0xE;
	s31 =	spop (v2sf);
	s26 =	simm.s32 $0xAB80;
	s24 =	simm.s32 $0x10  }
0x66: {  	s25 =	simm.s32 $0x210;
	(v2sf) =	vpush v3, $0xF;
	s0 =	sand.u32 $0x1FFFFFF0, s31;
	s1 =	spop (v2sf)  }
0x67: {  	(v2sf) =	vpush v2, $0xF;
	[tilespmem:s6], [sflag:$0x1] =	stream.linear.gather [hbm4b:s30+s2], $0x80, $0x38;
	[tilespmem:$0x12680] =	vst v63  }
.LBB2_2:
0x68: {  	_ =	sdelay $0x3  }
0x69: {  	s4 =	rddreg [dreg:$0x6]  }
0x6a: {  	s1 =	sand.u32 $0x1FFFFFF0, s1;
	s5 =	rddreg [dreg:$0x7];
	s0 =	sadd.s32 s4, s0  }
0x6b: {  	[tilespmem:s29], [sflag:$0x1] =	stream.linear.gather [hbm4b:s0+s2], $0x80, $0x38;
	[tilespmem:$0x12680] =	vst v63  }
0x6c: {  	s8 =	sadd.s32 s5, s1  }
0x6d: {  	[tilespmem:s12], [sflag:$0x1] =	stream.linear.gather [hbm4b:s8+s2], $0x80, $0x38;
	[tilespmem:$0x12680] =	vst v63  }
0x6e: {  	s6 =	spop (v2sf)  }
0x6f: {  	s9 =	sand.u32 $0x1FFFFFF0, s6;
	s10 =	spop (v2sf)  }
0x70: {  	s12 =	sadd.s32 s4, s9;
	s14 =	sand.u32 $0x1FFFFFF0, s10;
	s3 =	spop (v2sf)  }
0x71: {  	[tilespmem:s13], [sflag:$0x1] =	stream.linear.gather [hbm4b:s12+s2], $0x80, $0x38;
	[tilespmem:$0x12680] =	vst v63  }
0x72: {  	s15 =	sadd.s32 s5, s14;
	s16 =	sand.u32 $0x1FFFFFF0, s3;
	s17 =	spop (v2sf)  }
0x73: {  	[tilespmem:s11], [sflag:$0x1] =	stream.linear.gather [hbm4b:s15+s2], $0x80, $0x38;
	[tilespmem:$0x12680] =	vst v63  }
0x74: {  	s18 =	sadd.s32 s4, s16;
	s21 =	sand.u32 $0x1FFFFFF0, s17;
	s22 =	spop (v2sf)  }
0x75: {  	[tilespmem:s28], [sflag:$0x1] =	stream.linear.gather [hbm4b:s18+s2], $0x80, $0x38;
	[tilespmem:$0x12680] =	vst v63  }
0x76: {  	s23 =	sadd.s32 s5, s21;
	s30 =	sand.u32 $0x1FFFFFF0, s22;
	s31 =	spop (v2sf)  }
0x77: {  	[tilespmem:s26], [sflag:$0x1] =	stream.linear.gather [hbm4b:s23+s2], $0x80, $0x38;
	[tilespmem:$0x12680] =	vst v63  }
0x78: {  	s6 =	sadd.s32 $0x2C00, s19;
	s1 =	sadd.s32 s4, s30;
	s3 =	sand.u32 $0x1FFFFFF0, s31  }
0x79: {  	[tilespmem:s6], [sflag:$0x1] =	stream.linear.gather [hbm4b:s1+s2], $0x80, $0x38;
	[tilespmem:$0x12680] =	vst v63  }
0x7a: {  	s7 =	sadd.s32 $0xAC00, s19;
	s8 =	sadd.s32 s5, s3  }
0x7b: {  	[tilespmem:s7], [sflag:$0x1] =	stream.linear.gather [hbm4b:s8+s2], $0x80, $0x38;
	[tilespmem:$0x12680] =	vst v63  }
0x7c: {  	v2 =	vld [tilespmem:s24+$0x0]  }
0x7d: {  	v4 =	vld [tilespmem:s25+$0x0];
	_ =	sdelay $0x3  }
0x7e: {  	v3 =	vshll.u32 v2, $0x4  }
0x7f: {  	s9 =	smov.u32 s20;
	v2 =	vshll.u32 v4, $0x4;
	(v2sf) =	vpush v3, $0x0  }
0x80: {  	p0 =	sne.s32 s20, $0x1E000;
	s19 =	sshra.s32 s9, $0x2;
	(v2sf) =	vpush v2, $0x0  }
0x81: {  	s20 =	sadd.s32 $0x2000, s20;
	s0 =	sadd.s32 $0x2700, s19;
	s10 =	sadd.s32 $0x2900, s19;
	(v2sf) =	vpush v3, $0x1  }
0x82: {  	s16 =	sadd.s32 $0x2600, s19;
	s14 =	sadd.s32 $0xA700, s19;
	s12 =	sadd.s32 $0xAA00, s19  }
0x83: {  	s9 =	sadd.s32 $0xA780, s19;
	s13 =	sadd.s32 $0xA900, s19;
	[dreg:$0x16] =	wrdreg s0;
	(v2sf) =	vpush v2, $0x1  }
0x84: {  	s17 =	sadd.s32 $0x2980, s19;
	s29 =	sadd.s32 $0x2A80, s19;
	[dreg:$0xc] =	wrdreg s10  }
0x85: {  	s11 =	sadd.s32 $0xA980, s19;
	s15 =	sadd.s32 $0xA600, s19;
	[dreg:$0xa] =	wrdreg s12;
	(v2sf) =	vpush v3, $0x2  }
0x86: {  	s21 =	sadd.s32 $0x2580, s19;
	s0 =	sadd.s32 $0xA580, s19;
	[dreg:$0x10] =	wrdreg s13  }
0x87: {  	s10 =	sadd.s32 $0x2780, s19;
	[dreg:$0xe] =	wrdreg s17;
	s17 =	sadd.s32 $0x2800, s19;
	(v2sf) =	vpush v2, $0x2  }
0x88: {  	s22 =	sadd.s32 $0xA880, s19;
	s12 =	sadd.s32 $0x2500, s19;
	s31 =	sadd.s32 $0xA480, s19  }
0x89: {  	[dreg:$0x8] =	wrdreg s11;
	s11 =	sadd.s32 $0xA680, s19;
	s30 =	sadd.s32 $0xA500, s19;
	(v2sf) =	vpush v3, $0x3  }
0x8a: {  	[dreg:$0x12] =	wrdreg s22;
	s3 =	sadd.s32 $0x2480, s19;
	s23 =	sadd.s32 $0xA800, s19  }
0x8b: {  	s18 =	sadd.s32 $0x2680, s19;
	s26 =	sadd.s32 $0x2880, s19;
	[dreg:$0x18] =	wrdreg s23;
	(v2sf) =	vpush v2, $0x3  }
0x8c: {  	s28 =	sadd.s32 $0x2B80, s19;
	[dreg:$0x14] =	wrdreg s26;
	s26 =	sadd.s32 $0xAB80, s19;
	(v2sf) =	vpush v3, $0x4  }
0x8d: {  	s6 =	sadd.s32 $0x2B00, s19;
	s1 =	sadd.s32 $0x2A00, s19;
	s2 =	simm.s32 $0x0  }
0x8e: {  	s8 =	sadd.s32 $0xAA80, s19;
	s7 =	sadd.s32 $0xAB00, s19;
	s13 =	spop (v2sf)  }
0x8f: {  	s24 =	sadd.s32 $0x10, s24;
	s22 =	sand.u32 $0x1FFFFFF0, s13;
	s23 =	spop (v2sf)  }
0x90: {  	(v2sf) =	vpush v2, $0x4;
	s22 =	sadd.s32 s4, s22;
	s23 =	sand.u32 $0x1FFFFFF0, s23;
	s13 =	spop (v2sf)  }
0x91: {  	[tilespmem:s3], [sflag:$0x1] =	stream.linear.gather [hbm4b:s22+s2], $0x80, $0x38;
	[tilespmem:$0x12680] =	vst v63  }
0x92: {  	(v2sf) =	vpush v3, $0x5;
	s22 =	sadd.s32 s5, s23;
	s13 =	sand.u32 $0x1FFFFFF0, s13;
	s23 =	spop (v2sf)  }
0x93: {  	(v2sf) =	vpush v2, $0x5;
	[tilespmem:s31], [sflag:$0x1] =	stream.linear.gather [hbm4b:s22+s2], $0x80, $0x38;
	[tilespmem:$0x12680] =	vst v63  }
0x94: {  	s13 =	sadd.s32 s4, s13;
	s23 =	sand.u32 $0x1FFFFFF0, s23;
	s31 =	spop (v2sf)  }
0x95: {  	[tilespmem:s12], [sflag:$0x1] =	stream.linear.gather [hbm4b:s13+s2], $0x80, $0x38;
	[tilespmem:$0x12680] =	vst v63  }
0x96: {  	s22 =	spop (v2sf);
	s12 =	sadd.s32 s5, s23;
	s13 =	sand.u32 $0x1FFFFFF0, s31  }
0x97: {  	(v2sf) =	vpush v3, $0x6;
	[tilespmem:s30], [sflag:$0x1] =	stream.linear.gather [hbm4b:s12+s2], $0x80, $0x38;
	[tilespmem:$0x12680] =	vst v63  }
0x98: {  	s25 =	sadd.s32 $0x10, s25;
	(v2sf) =	vpush v2, $0x6;
	s31 =	spop (v2sf);
	s23 =	sadd.s32 s4, s13  }
0x99: {  	[tilespmem:s21], [sflag:$0x1] =	stream.linear.gather [hbm4b:s23+s2], $0x80, $0x38;
	[tilespmem:$0x12680] =	vst v63  }
0x9a: {  	(v2sf) =	vpush v3, $0x7;
	s13 =	smov.u32 s6;
	s30 =	sand.u32 $0x1FFFFFF0, s22;
	s23 =	spop (v2sf)  }
0x9b: {  	s22 =	sand.u32 $0x1FFFFFF0, s31;
	s21 =	sadd.s32 s5, s30;
	s6 =	spop (v2sf)  }
0x9c: {  	(v2sf) =	vpush v2, $0x7;
	[tilespmem:s0], [sflag:$0x1] =	stream.linear.gather [hbm4b:s21+s2], $0x80, $0x38;
	[tilespmem:$0x12680] =	vst v63  }
0x9d: {  	s30 =	sadd.s32 s4, s22;
	s31 =	sand.u32 $0x1FFFFFF0, s23;
	s21 =	sand.u32 $0x1FFFFFF0, s6  }
0x9e: {  	(v2sf) =	vpush v3, $0x8;
	[tilespmem:s16], [sflag:$0x1] =	stream.linear.gather [hbm4b:s30+s2], $0x80, $0x38;
	[tilespmem:$0x12680] =	vst v63  }
0x9f: {  	s23 =	sadd.s32 s4, s21;
	s16 =	sadd.s32 s5, s31;
	s22 =	spop (v2sf)  }
0xa0: {  	[tilespmem:s15], [sflag:$0x1] =	stream.linear.gather [hbm4b:s16+s2], $0x80, $0x38;
	[tilespmem:$0x12680] =	vst v63  }
0xa1: {  	s30 =	sand.u32 $0x1FFFFFF0, s22;
	s31 =	spop (v2sf);
	s22 =	rddreg [dreg:$0x16]  }
0xa2: {  	(v2sf) =	vpush v2, $0x8;
	s6 =	sadd.s32 s5, s30;
	s12 =	sand.u32 $0x1FFFFFF0, s31;
	s15 =	spop (v2sf)  }
0xa3: {  	(v2sf) =	vpush v3, $0x9;
	[tilespmem:s18], [sflag:$0x1] =	stream.linear.gather [hbm4b:s23+s2], $0x80, $0x38;
	[tilespmem:$0x12680] =	vst v63  }
0xa4: {  	s16 =	sadd.s32 s4, s12;
	s18 =	sand.u32 $0x1FFFFFF0, s15;
	s12 =	smov.u32 s8  }
0xa5: {  	[tilespmem:s11], [sflag:$0x1] =	stream.linear.gather [hbm4b:s6+s2], $0x80, $0x38;
	[tilespmem:$0x12680] =	vst v63  }
0xa6: {  	s21 =	spop (v2sf);
	s23 =	sadd.s32 s5, s18;
	s2 =	simm.s32 $0x0  }
0xa7: {  	(v2sf) =	vpush v2, $0x9;
	s30 =	sand.u32 $0x1FFFFFF0, s21;
	s11 =	smov.u32 s7;
	s31 =	spop (v2sf)  }
0xa8: {  	[tilespmem:s22], [sflag:$0x1] =	stream.linear.gather [hbm4b:s16+s2], $0x80, $0x38;
	[tilespmem:$0x12680] =	vst v63  }
0xa9: {  	(v2sf) =	vpush v3, $0xA;
	s3 =	sadd.s32 s4, s30;
	s7 =	sand.u32 $0x1FFFFFF0, s31;
	s8 =	spop (v2sf)  }
0xaa: {  	[tilespmem:s14], [sflag:$0x1] =	stream.linear.gather [hbm4b:s23+s2], $0x80, $0x38;
	[tilespmem:$0x12680] =	vst v63  }
0xab: {  	(v2sf) =	vpush v2, $0xA;
	s31 =	rddreg [dreg:$0x18];
	s14 =	sand.u32 $0x1FFFFFF0, s8;
	s15 =	spop (v2sf)  }
0xac: {  	[tilespmem:s10], [sflag:$0x1] =	stream.linear.gather [hbm4b:s3+s2], $0x80, $0x38;
	[tilespmem:$0x12680] =	vst v63  }
0xad: {  	s10 =	sadd.s32 s5, s7;
	s18 =	sand.u32 $0x1FFFFFF0, s15;
	s21 =	spop (v2sf)  }
0xae: {  	[tilespmem:s9], [sflag:$0x1] =	stream.linear.gather [hbm4b:s10+s2], $0x80, $0x38;
	[tilespmem:$0x12680] =	vst v63  }
0xaf: {  	(v2sf) =	vpush v3, $0xB;
	s16 =	sadd.s32 s4, s14;
	s22 =	sadd.s32 s5, s18;
	s23 =	sand.u32 $0x1FFFFFF0, s21  }
0xb0: {  	[tilespmem:s17], [sflag:$0x1] =	stream.linear.gather [hbm4b:s16+s2], $0x80, $0x38;
	[tilespmem:$0x12680] =	vst v63  }
0xb1: {  	(v2sf) =	vpush v2, $0xB;
	s3 =	sadd.s32 s4, s23;
	s9 =	rddreg [dreg:$0x14];
	s30 =	spop (v2sf)  }
0xb2: {  	(v2sf) =	vpush v3, $0xC;
	s16 =	rddreg [dreg:$0x12];
	s6 =	sand.u32 $0x1FFFFFF0, s30;
	s8 =	spop (v2sf)  }
0xb3: {  	[tilespmem:s31], [sflag:$0x1] =	stream.linear.gather [hbm4b:s22+s2], $0x80, $0x38;
	[tilespmem:$0x12680] =	vst v63  }
0xb4: {  	(v2sf) =	vpush v2, $0xC;
	s10 =	sadd.s32 s5, s6;
	s14 =	sand.u32 $0x1FFFFFF0, s8;
	s22 =	rddreg [dreg:$0xc]  }
0xb5: {  	[tilespmem:s9], [sflag:$0x1] =	stream.linear.gather [hbm4b:s3+s2], $0x80, $0x38;
	[tilespmem:$0x12680] =	vst v63  }
0xb6: {  	s15 =	spop (v2sf);
	s8 =	rddreg [dreg:$0x10];
	s17 =	sadd.s32 s4, s14  }
0xb7: {  	[tilespmem:s16], [sflag:$0x1] =	stream.linear.gather [hbm4b:s10+s2], $0x80, $0x38;
	[tilespmem:$0x12680] =	vst v63  }
0xb8: {  	s18 =	sand.u32 $0x1FFFFFF0, s15;
	s15 =	rddreg [dreg:$0xe];
	s21 =	spop (v2sf)  }
0xb9: {  	[tilespmem:s22], [sflag:$0x1] =	stream.linear.gather [hbm4b:s17+s2], $0x80, $0x38;
	[tilespmem:$0x12680] =	vst v63  }
0xba: {  	s23 =	sadd.s32 s5, s18;
	s30 =	sand.u32 $0x1FFFFFF0, s21;
	s31 =	spop (v2sf)  }
0xbb: {  	[tilespmem:s8], [sflag:$0x1] =	stream.linear.gather [hbm4b:s23+s2], $0x80, $0x38;
	[tilespmem:$0x12680] =	vst v63  }
0xbc: {  	s21 =	rddreg [dreg:$0x8];
	s9 =	sadd.s32 s4, s30;
	s10 =	sand.u32 $0x1FFFFFF0, s31  }
0xbd: {  	[tilespmem:s15], [sflag:$0x1] =	stream.linear.gather [hbm4b:s9+s2], $0x80, $0x38;
	[tilespmem:$0x12680] =	vst v63  }
0xbe: {  	s14 =	spop (v2sf);
	s31 =	rddreg [dreg:$0xa];
	s16 =	sadd.s32 s5, s10  }
0xbf: {  	(v2sf) =	vpush v3, $0xD;
	[tilespmem:s21], [sflag:$0x1] =	stream.linear.gather [hbm4b:s16+s2], $0x80, $0x38;
	[tilespmem:$0x12680] =	vst v63  }
.Ltmp0:
0xc0: {  	(v2sf) =	vpush v2, $0xD;
	s17 =	sand.u32 $0x1FFFFFF0, s14;
	s18 =	spop (v2sf);
	(pc) =	sbr.rel @p0 .LBB2_2-.Ltmp0, $4  }
0xc1: {  	(v2sf) =	vpush v3, $0xE;
	s22 =	sadd.s32 s4, s17;
	s23 =	sand.u32 $0x1FFFFFF0, s18;
	s30 =	spop (v2sf)  }
0xc2: {  	(v2sf) =	vpush v2, $0xE;
	[tilespmem:s1], [sflag:$0x1] =	stream.linear.gather [hbm4b:s22+s2], $0x80, $0x38;
	[tilespmem:$0x12680] =	vst v63  }
0xc3: {  	(v2sf) =	vpush v3, $0xF;
	s3 =	sadd.s32 s5, s23;
	s0 =	sand.u32 $0x1FFFFFF0, s30;
	s1 =	spop (v2sf)  }
0xc4: {  	(v2sf) =	vpush v2, $0xF;
	[tilespmem:s31], [sflag:$0x1] =	stream.linear.gather [hbm4b:s3+s2], $0x80, $0x38;
	[tilespmem:$0x12680] =	vst v63  }
0xc5: {  	_ =	sdelay $0x3  }
0xc6: {  	s4 =	rddreg [dreg:$0x6]  }
0xc7: {  	s1 =	sand.u32 $0x1FFFFFF0, s1;
	s5 =	rddreg [dreg:$0x7];
	s0 =	sadd.s32 s4, s0  }
0xc8: {  	[tilespmem:s29], [sflag:$0x1] =	stream.linear.gather [hbm4b:s0+s2], $0x80, $0x38;
	[tilespmem:$0x12680] =	vst v63  }
0xc9: {  	s8 =	sadd.s32 s5, s1  }
0xca: {  	[tilespmem:s12], [sflag:$0x1] =	stream.linear.gather [hbm4b:s8+s2], $0x80, $0x38;
	[tilespmem:$0x12680] =	vst v63  }
0xcb: {  	s3 =	spop (v2sf)  }
0xcc: {  	s9 =	sand.u32 $0x1FFFFFF0, s3;
	s10 =	spop (v2sf)  }
0xcd: {  	s12 =	sadd.s32 s4, s9;
	s14 =	sand.u32 $0x1FFFFFF0, s10;
	s15 =	spop (v2sf)  }
0xce: {  	[tilespmem:s13], [sflag:$0x1] =	stream.linear.gather [hbm4b:s12+s2], $0x80, $0x38;
	[tilespmem:$0x12680] =	vst v63  }
0xcf: {  	s16 =	sadd.s32 s5, s14;
	s17 =	sand.u32 $0x1FFFFFF0, s15;
	s18 =	spop (v2sf)  }
0xd0: {  	[tilespmem:s11], [sflag:$0x1] =	stream.linear.gather [hbm4b:s16+s2], $0x80, $0x38;
	[tilespmem:$0x12680] =	vst v63  }
0xd1: {  	s20 =	sadd.s32 s4, s17;
	s21 =	sand.u32 $0x1FFFFFF0, s18;
	s22 =	spop (v2sf)  }
0xd2: {  	[tilespmem:s28], [sflag:$0x1] =	stream.linear.gather [hbm4b:s20+s2], $0x80, $0x38;
	[tilespmem:$0x12680] =	vst v63  }
0xd3: {  	s23 =	sadd.s32 s5, s21;
	s24 =	sand.u32 $0x1FFFFFF0, s22;
	s25 =	spop (v2sf)  }
0xd4: {  	[tilespmem:s26], [sflag:$0x1] =	stream.linear.gather [hbm4b:s23+s2], $0x80, $0x38;
	[tilespmem:$0x12680] =	vst v63  }
0xd5: {  	s1 =	sadd.s32 s4, s24;
	s3 =	sand.u32 $0x1FFFFFF0, s25;
	s28 =	sadd.s32 $0x2C00, s19  }
0xd6: {  	[tilespmem:s28], [sflag:$0x1] =	stream.linear.gather [hbm4b:s1+s2], $0x80, $0x38;
	[tilespmem:$0x12680] =	vst v63  }
0xd7: {  	s31 =	simm.s32 $0x1;
	s29 =	sadd.s32 $0xAC00, s19;
	s30 =	sadd.s32 s5, s3  }
0xd8: {  	[tilespmem:s29], [sflag:$0x1] =	stream.linear.gather [hbm4b:s30+s2], $0x80, $0x38;
	[tilespmem:$0x12680] =	vst v63  }
0xd9: {  	_ =	swait.ge [sflag:s31], $0x8000  }
0xda: {  	[sflag:s31] =	ssyncset.done $0x0  }
0xdb: {  	[sflag:s31] =	ssyncadd.s32 $0xFFFF8000  }
0xdc: {  	_ =	swait.ge [sflag:s31], $0x8000  }
0xdd: {  	s0 =	simm.s32 $0x2480;
	s19 =	simm.s32 $0x0;
	[sflag:s31] =	ssyncset.done $0x0  }
0xde: {  	s20 =	simm.s32 $0x12480;
	s1 =	simm.s32 $0xA480;
	[sflag:s31] =	ssyncadd.s32 $0xFFFF8000  }
.LBB2_4:
0xdf: {  	v7 =	vld [tilespmem:$0x400]  }
0xe0: {  	v10 =	vld [tilespmem:$0x480]  }
0xe1: {  	v13 =	vld [tilespmem:$0x500]  }
0xe2: {  	v16 =	vld [tilespmem:$0x580]  }
0xe3: {  	v19 =	vld [tilespmem:$0x600]  }
0xe4: {  	v22 =	vld [tilespmem:$0x680]  }
0xe5: {  	v2 =	vmov s19;
	v26 =	vld [tilespmem:$0x700]  }
0xe6: {  	v62 =	vld [tilespmem:$0x780];
	v2 =	vshll.u32 v2, $0x7  }
0xe7: {  	v32 =	vld [tilespmem:$0x880];
	v2 =	vor.u32 v0, v2  }
0xe8: {  	v43 =	vld [tilespmem:$0x900]  }
0xe9: {  	v54 =	vld [tilespmem:$0xA00];
	v3 =	vor.u32 $0x1, v2  }
0xea: {  	v30 =	vld [tilespmem:$0x1500]  }
0xeb: {  	v31 =	vld [tilespmem:$0x1580];
	v6 =	vor.u32 $0x2, v2  }
0xec: {  	v4 =	vld.idx.msk [tilespmem:v2+s0+$0x0], $0xffff  }
0xed: {  	v9 =	vor.u32 $0x3, v2;
	v5 =	vld.idx.msk [tilespmem:v2+s1+$0x0], $0xffff  }
0xee: {  	v8 =	vld.idx.msk [tilespmem:v3+s0+$0x0], $0xffff  }
0xef: {  	v12 =	vor.u32 $0x4, v2;
	v3 =	vld.idx.msk [tilespmem:v3+s1+$0x0], $0xffff  }
0xf0: {  	v11 =	vld.idx.msk [tilespmem:v6+s0+$0x0], $0xffff  }
0xf1: {  	v15 =	vor.u32 $0x5, v2;
	v6 =	vld.idx.msk [tilespmem:v6+s1+$0x0], $0xffff  }
0xf2: {  	v14 =	vld.idx.msk [tilespmem:v9+s0+$0x0], $0xffff  }
0xf3: {  	v18 =	vor.u32 $0x6, v2;
	v9 =	vld.idx.msk [tilespmem:v9+s1+$0x0], $0xffff  }
0xf4: {  	v17 =	vld.idx.msk [tilespmem:v12+s0+$0x0], $0xffff  }
0xf5: {  	v21 =	vor.u32 $0x7, v2;
	v12 =	vld.idx.msk [tilespmem:v12+s1+$0x0], $0xffff  }
0xf6: {  	v20 =	vld.idx.msk [tilespmem:v15+s0+$0x0], $0xffff  }
0xf7: {  	v25 =	vor.u32 $0x8, v2;
	v15 =	vld.idx.msk [tilespmem:v15+s1+$0x0], $0xffff  }
0xf8: {  	v61 =	vor.u32 $0x9, v2;
	v23 =	vld.idx.msk [tilespmem:v18+s0+$0x0], $0xffff  }
0xf9: {  	v35 =	vor.u32 $0xA, v2;
	v18 =	vld.idx.msk [tilespmem:v18+s1+$0x0], $0xffff;
	v24 =	vmul.f32 v5, v4  }
0xfa: {  	v63 =	vor.u32 $0xB, v2;
	v27 =	vld.idx.msk [tilespmem:v21+s0+$0x0], $0xffff;
	v4 =	vmul.f32 v4, v4;
	v5 =	vmul.f32 v5, v5  }
0xfb: {  	v42 =	vor.u32 $0xC, v2;
	v60 =	vld.idx.msk [tilespmem:v21+s1+$0x0], $0xffff;
	v59 =	vmul.f32 v8, v8;
	v28 =	vmul.f32 v3, v3  }
0xfc: {  	v48 =	vor.u32 $0xD, v2;
	v34 =	vld.idx.msk [tilespmem:v25+s1+$0x0], $0xffff;
	v3 =	vmul.f32 v3, v8;
	v33 =	vmul.f32 v11, v11  }
0xfd: {  	v38 =	vld.idx.msk [tilespmem:v61+s1+$0x0], $0xffff;
	v29 =	vmul.f32 v6, v6;
	v6 =	vmul.f32 v6, v11  }
0xfe: {  	v41 =	vld.idx.msk [tilespmem:v35+s1+$0x0], $0xffff;
	v36 =	vmul.f32 v14, v14;
	v37 =	vmul.f32 v9, v9  }
0xff: {  	v47 =	vld.idx.msk [tilespmem:v63+s1+$0x0], $0xffff;
	v9 =	vmul.f32 v9, v14;
	v39 =	vmul.f32 v17, v17  }
0x100: {  	v52 =	vld.idx.msk [tilespmem:v42+s1+$0x0], $0xffff;
	v40 =	vmul.f32 v12, v12;
	v12 =	vmul.f32 v12, v17  }
0x101: {  	v57 =	vld.idx.msk [tilespmem:v48+s0+$0x0], $0xffff;
	v45 =	vmul.f32 v20, v20;
	v46 =	vmul.f32 v15, v15  }
0x102: {  	v21 =	vld.idx.msk [tilespmem:v48+s1+$0x0], $0xffff;
	v15 =	vmul.f32 v15, v20;
	v50 =	vmul.f32 v23, v23  }
0x103: {  	v48 =	vld [tilespmem:$0xC80];
	v51 =	vmul.f32 v18, v18;
	v18 =	vmul.f32 v18, v23  }
0x104: {  	v53 =	vor.u32 $0xE, v2;
	v58 =	vmul.f32 v60, v60;
	v8 =	vmul.f32 v60, v27;
	v60 =	vld [tilespmem:$0xA80]  }
0x105: {  	v56 =	vmul.f32 v27, v27;
	v7 =	vmul.f32 v7, v24;
	v5 =	vadd.f32 v28, v5;
	v28 =	vld.idx.msk [tilespmem:v25+s0+$0x0], $0xffff  }
0x106: {  	v3 =	vmul.f32 v10, v3;
	v6 =	vmul.f32 v13, v6;
	v13 =	vld.idx.msk [tilespmem:v61+s0+$0x0], $0xffff  }
0x107: {  	v9 =	vmul.f32 v16, v9;
	v16 =	vld.idx.msk [tilespmem:v35+s0+$0x0], $0xffff;
	v44 =	vmul.f32 v19, v12  }
0x108: {  	v4 =	vadd.f32 v59, v4;
	v19 =	vld.idx.msk [tilespmem:v63+s0+$0x0], $0xffff;
	v49 =	vmul.f32 v22, v15;
	v55 =	vmul.f32 v26, v18  }
0x109: {  	v8 =	vmul.f32 v62, v8;
	v62 =	vld.idx.msk [tilespmem:v53+s0+$0x0], $0xffff;
	v7 =	vadd.f32 $0.0e+00, v7;
	v5 =	vadd.f32 v29, v5  }
0x10a: {  	v59 =	vor.u32 $0xF, v2;
	v25 =	vld.idx.msk [tilespmem:v53+s1+$0x0], $0xffff;
	v4 =	vadd.f32 v33, v4;
	v33 =	vmul.f32 v34, v34  }
0x10b: {  	v10 =	vld [tilespmem:$0x980];
	v3 =	vadd.f32 v3, v7;
	v5 =	vadd.f32 v37, v5;
	v37 =	vmul.f32 v38, v38  }
0x10c: {  	v22 =	vld.idx.msk [tilespmem:v42+s0+$0x0], $0xffff;
	v4 =	vadd.f32 v36, v4;
	v61 =	vmul.f32 v28, v28;
	v11 =	vmul.f32 v34, v28  }
0x10d: {  	v35 =	vld [tilespmem:$0xB00];
	v3 =	vadd.f32 v6, v3;
	v36 =	vmul.f32 v13, v13;
	v13 =	vmul.f32 v38, v13  }
0x10e: {  	v7 =	vld [tilespmem:$0x800];
	v34 =	vor.u32 $0x10, v2;
	v63 =	vmul.f32 v16, v16;
	v16 =	vmul.f32 v41, v16  }
0x10f: {  	v42 =	vld [tilespmem:$0xC00];
	v24 =	vmul.f32 v25, v62;
	v4 =	vadd.f32 v39, v4;
	v5 =	vadd.f32 v40, v5  }
0x110: {  	v18 =	vld.idx.msk [tilespmem:v59+s0+$0x0], $0xffff;
	v39 =	vor.u32 $0x11, v2;
	v3 =	vadd.f32 v9, v3;
	v6 =	vmul.f32 v32, v13  }
0x111: {  	v38 =	vld.idx.msk [tilespmem:v59+s1+$0x0], $0xffff;
	v32 =	vmul.f32 v41, v41;
	v41 =	vor.u32 $0x12, v2;
	v9 =	vmul.f32 v43, v16  }
0x112: {  	v53 =	vld [tilespmem:$0xD00];
	v43 =	vmul.f32 v19, v19;
	v19 =	vmul.f32 v47, v19;
	v4 =	vadd.f32 v45, v4  }
0x113: {  	v12 =	vld [tilespmem:$0xE00];
	v5 =	vadd.f32 v46, v5;
	v7 =	vmul.f32 v7, v11;
	v45 =	vmul.f32 v47, v47  }
0x114: {  	v28 =	vld [tilespmem:$0x1680];
	v47 =	vor.u32 $0x13, v2;
	v3 =	vadd.f32 v44, v3;
	v10 =	vmul.f32 v10, v19  }
0x115: {  	v40 =	vld [tilespmem:$0xB80];
	v4 =	vadd.f32 v50, v4;
	v5 =	vadd.f32 v51, v5;
	v50 =	vmul.f32 v52, v52  }
0x116: {  	v11 =	vld [tilespmem:$0xD80];
	v14 =	vmul.f32 v38, v18;
	v3 =	vadd.f32 v49, v3;
	v49 =	vmul.f32 v22, v22  }
0x117: {  	v13 =	vld.idx.msk [tilespmem:v34+s0+$0x0], $0xffff;
	v22 =	vmul.f32 v52, v22;
	v52 =	vor.u32 $0x14, v2;
	v4 =	vadd.f32 v56, v4  }
0x118: {  	v44 =	vld.idx.msk [tilespmem:v39+s0+$0x0], $0xffff;
	v5 =	vadd.f32 v58, v5;
	v56 =	vmul.f32 v21, v21;
	v21 =	vmul.f32 v21, v57  }
0x119: {  	v46 =	vld.idx.msk [tilespmem:v39+s1+$0x0], $0xffff;
	v58 =	vor.u32 $0x15, v2;
	v3 =	vadd.f32 v55, v3;
	v54 =	vmul.f32 v54, v22  }
0x11a: {  	v19 =	vld.idx.msk [tilespmem:v41+s0+$0x0], $0xffff;
	v55 =	vmul.f32 v57, v57;
	v4 =	vadd.f32 v61, v4;
	v59 =	vmul.f32 v60, v21  }
0x11b: {  	v51 =	vld.idx.msk [tilespmem:v41+s1+$0x0], $0xffff;
	v5 =	vadd.f32 v33, v5;
	v60 =	vmul.f32 v62, v62;
	v61 =	vmul.f32 v25, v25  }
0x11c: {  	v33 =	vld.idx.msk [tilespmem:v34+s1+$0x0], $0xffff;
	v34 =	vor.u32 $0x16, v2;
	v3 =	vadd.f32 v8, v3;
	v8 =	vmul.f32 v35, v24  }
0x11d: {  	v39 =	vld [tilespmem:$0xE80];
	v35 =	vmul.f32 v18, v18;
	v4 =	vadd.f32 v36, v4;
	v5 =	vadd.f32 v37, v5  }
0x11e: {  	v22 =	vld.idx.msk [tilespmem:v47+s0+$0x0], $0xffff;
	v36 =	vmul.f32 v38, v38;
	v38 =	vor.u32 $0x17, v2;
	v16 =	vmul.f32 v46, v44  }
0x11f: {  	v57 =	vld.idx.msk [tilespmem:v47+s1+$0x0], $0xffff;
	v3 =	vadd.f32 v7, v3;
	v7 =	vmul.f32 v40, v14;
	v40 =	vmul.f32 v13, v13  }
0x120: {  	v24 =	vld.idx.msk [tilespmem:v58+s0+$0x0], $0xffff;
	v47 =	vmul.f32 v19, v19;
	v19 =	vmul.f32 v51, v19;
	v4 =	vadd.f32 v63, v4  }
0x121: {  	v37 =	vld.idx.msk [tilespmem:v58+s1+$0x0], $0xffff;
	v5 =	vadd.f32 v32, v5;
	v3 =	vadd.f32 v6, v3;
	v63 =	vmul.f32 v33, v33  }
0x122: {  	v21 =	vld.idx.msk [tilespmem:v52+s0+$0x0], $0xffff;
	v13 =	vmul.f32 v33, v13;
	v33 =	vor.u32 $0x18, v2;
	v4 =	vadd.f32 v43, v4  }
0x123: {  	v62 =	vld.idx.msk [tilespmem:v52+s1+$0x0], $0xffff;
	v5 =	vadd.f32 v45, v5;
	v43 =	vmul.f32 v46, v46;
	v45 =	vor.u32 $0x19, v2  }
0x124: {  	v41 =	vld.idx.msk [tilespmem:v34+s0+$0x0], $0xffff;
	v3 =	vadd.f32 v9, v3;
	v6 =	vmul.f32 v42, v13;
	v42 =	vmul.f32 v44, v44  }
0x125: {  	v32 =	vld.idx.msk [tilespmem:v34+s1+$0x0], $0xffff;
	v9 =	vmul.f32 v48, v16;
	v4 =	vadd.f32 v49, v4;
	v5 =	vadd.f32 v50, v5  }
0x126: {  	v52 =	vld [tilespmem:$0x1000];
	v49 =	vmul.f32 v51, v51;
	v51 =	vor.u32 $0x1A, v2;
	v18 =	vmul.f32 v37, v24  }
0x127: {  	v58 =	vld [tilespmem:$0x1080];
	v3 =	vadd.f32 v10, v3;
	v10 =	vmul.f32 v53, v19;
	v53 =	vmul.f32 v22, v22  }
0x128: {  	v14 =	vld.idx.msk [tilespmem:v38+s0+$0x0], $0xffff;
	v22 =	vmul.f32 v57, v22;
	v4 =	vadd.f32 v55, v4;
	v5 =	vadd.f32 v56, v5  }
0x129: {  	v44 =	vld.idx.msk [tilespmem:v38+s1+$0x0], $0xffff;
	v55 =	vmul.f32 v57, v57;
	v57 =	vor.u32 $0x1B, v2;
	v38 =	vmul.f32 v41, v41  }
0x12a: {  	v34 =	vld [tilespmem:$0xF00];
	v15 =	vmul.f32 v32, v41;
	v41 =	vor.u32 $0x1E, v2;
	v3 =	vadd.f32 v54, v3  }
0x12b: {  	v48 =	vld.idx.msk [tilespmem:v33+s0+$0x0], $0xffff;
	v11 =	vmul.f32 v11, v22;
	v4 =	vadd.f32 v60, v4;
	v5 =	vadd.f32 v61, v5  }
0x12c: {  	v50 =	vld.idx.msk [tilespmem:v33+s1+$0x0], $0xffff;
	v3 =	vadd.f32 v59, v3;
	v59 =	vmul.f32 v21, v21;
	v21 =	vmul.f32 v62, v21  }
0x12d: {  	v54 =	vld.idx.msk [tilespmem:v45+s0+$0x0], $0xffff;
	v60 =	vmul.f32 v62, v62;
	v4 =	vadd.f32 v35, v4;
	v35 =	vmul.f32 v24, v24  }
0x12e: {  	v56 =	vld.idx.msk [tilespmem:v45+s1+$0x0], $0xffff;
	v5 =	vadd.f32 v36, v5;
	v36 =	vmul.f32 v37, v37;
	v12 =	vmul.f32 v12, v21  }
0x12f: {  	v22 =	vld.idx.msk [tilespmem:v51+s0+$0x0], $0xffff;
	v3 =	vadd.f32 v8, v3;
	v8 =	vmul.f32 v39, v18;
	v39 =	vmul.f32 v32, v32  }
0x130: {  	v61 =	vld.idx.msk [tilespmem:v51+s1+$0x0], $0xffff;
	v62 =	vor.u32 $0x1C, v2;
	v32 =	vmul.f32 v14, v14;
	v14 =	vmul.f32 v44, v14  }
0x131: {  	v46 =	vld [tilespmem:$0xF80];
	v37 =	vor.u32 $0x1D, v2;
	v45 =	vmul.f32 v48, v48;
	v16 =	vmul.f32 v50, v48  }
0x132: {  	v21 =	vld.idx.msk [tilespmem:v57+s0+$0x0], $0xffff;
	v4 =	vadd.f32 v40, v4;
	v5 =	vadd.f32 v63, v5;
	v51 =	vmul.f32 v54, v54  }
0x133: {  	v24 =	vld.idx.msk [tilespmem:v57+s1+$0x0], $0xffff;
	v19 =	vmul.f32 v56, v54;
	v3 =	vadd.f32 v7, v3;
	v7 =	vmul.f32 v34, v15  }
0x134: {  	v48 =	vld.idx.msk [tilespmem:v41+s1+$0x0], $0xffff;
	v34 =	vmul.f32 v44, v44;
	v4 =	vadd.f32 v42, v4;
	v5 =	vadd.f32 v43, v5  }
0x135: {  	v63 =	vld [tilespmem:$0x1100];
	v43 =	vor.u32 $0x1F, v2;
	v57 =	vmul.f32 v22, v22;
	v22 =	vmul.f32 v61, v22  }
0x136: {  	v18 =	vld.idx.msk [tilespmem:v62+s0+$0x0], $0xffff;
	v3 =	vadd.f32 v6, v3;
	v6 =	vmul.f32 v46, v14;
	v4 =	vadd.f32 v47, v4  }
0x137: {  	v40 =	vld.idx.msk [tilespmem:v62+s1+$0x0], $0xffff;
	v5 =	vadd.f32 v49, v5;
	v47 =	vmul.f32 v50, v50;
	v49 =	vor.u32 $0x20, v2  }
0x138: {  	v44 =	vld [tilespmem:$0x1280];
	v62 =	vmul.f32 v21, v21;
	v21 =	vmul.f32 v24, v21;
	v4 =	vadd.f32 v53, v4  }
0x139: {  	v33 =	vld.idx.msk [tilespmem:v37+s0+$0x0], $0xffff;
	v3 =	vadd.f32 v9, v3;
	v9 =	vmul.f32 v52, v16;
	v5 =	vadd.f32 v55, v5  }
0x13a: {  	v42 =	vld [tilespmem:$0x1200];
	v53 =	vmul.f32 v56, v56;
	v55 =	vor.u32 $0x21, v2;
	v4 =	vadd.f32 v59, v4  }
0x13b: {  	v3 =	vadd.f32 v10, v3;
	v52 =	vld.idx.msk [tilespmem:v43+s0+$0x0], $0xffff;
	v10 =	vmul.f32 v58, v19;
	v5 =	vadd.f32 v60, v5  }
0x13c: {  	v54 =	vld.idx.msk [tilespmem:v43+s1+$0x0], $0xffff;
	v17 =	vmul.f32 v40, v18;
	v43 =	vor.u32 $0x25, v2;
	v4 =	vadd.f32 v35, v4  }
0x13d: {  	v46 =	vld.idx.msk [tilespmem:v41+s0+$0x0], $0xffff;
	v59 =	vmul.f32 v61, v61;
	v61 =	vor.u32 $0x22, v2;
	v5 =	vadd.f32 v36, v5  }
0x13e: {  	v50 =	vld [tilespmem:$0x1300];
	v41 =	vmul.f32 v33, v33;
	v3 =	vadd.f32 v11, v3;
	v4 =	vadd.f32 v38, v4  }
0x13f: {  	v58 =	vld.idx.msk [tilespmem:v49+s0+$0x0], $0xffff;
	v11 =	vmul.f32 v63, v22;
	v22 =	vor.u32 $0x2A, v2;
	v5 =	vadd.f32 v39, v5  }
0x140: {  	v35 =	vld.idx.msk [tilespmem:v37+s1+$0x0], $0xffff;
	v36 =	vmul.f32 v24, v24;
	v3 =	vadd.f32 v12, v3;
	v4 =	vadd.f32 v32, v4  }
0x141: {  	v37 =	vor.u32 $0x23, v2;
	v12 =	vld [tilespmem:$0x1180];
	v38 =	vmul.f32 v18, v18;
	v5 =	vadd.f32 v34, v5  }
0x142: {  	v63 =	vld.idx.msk [tilespmem:v55+s0+$0x0], $0xffff;
	v39 =	vmul.f32 v40, v40;
	v3 =	vadd.f32 v8, v3;
	v4 =	vadd.f32 v45, v4  }
0x143: {  	v60 =	vld.idx.msk [tilespmem:v49+s1+$0x0], $0xffff;
	v40 =	vor.u32 $0x24, v2;
	v49 =	vmul.f32 v54, v54;
	v5 =	vadd.f32 v47, v5  }
0x144: {  	v27 =	vld.idx.msk [tilespmem:v55+s1+$0x0], $0xffff;
	v8 =	vmul.f32 v42, v17;
	v3 =	vadd.f32 v7, v3;
	v4 =	vadd.f32 v51, v4  }
0x145: {  	v56 =	vld [tilespmem:$0x1380];
	v42 =	vmul.f32 v35, v35;
	v15 =	vmul.f32 v35, v33;
	v5 =	vadd.f32 v53, v5  }
0x146: {  	v24 =	vld.idx.msk [tilespmem:v43+s0+$0x0], $0xffff;
	v12 =	vmul.f32 v12, v21;
	v45 =	vmul.f32 v48, v48;
	v4 =	vadd.f32 v57, v4  }
0x147: {  	v18 =	vld.idx.msk [tilespmem:v61+s1+$0x0], $0xffff;
	v47 =	vor.u32 $0x26, v2;
	v55 =	vmul.f32 v63, v63;
	v5 =	vadd.f32 v59, v5  }
0x148: {  	v21 =	vld.idx.msk [tilespmem:v61+s0+$0x0], $0xffff;
	v61 =	vor.u32 $0x29, v2;
	v3 =	vadd.f32 v6, v3;
	v4 =	vadd.f32 v62, v4  }
0x149: {  	v17 =	vld [tilespmem:$0x1800];
	v63 =	vmul.f32 v27, v63;
	v7 =	vmul.f32 v44, v15;
	v5 =	vadd.f32 v36, v5  }
0x14a: {  	v34 =	vld [tilespmem:$0x1700];
	v44 =	vmul.f32 v46, v46;
	v3 =	vadd.f32 v9, v3;
	v4 =	vadd.f32 v38, v4  }
0x14b: {  	v29 =	vld.idx.msk [tilespmem:v37+s0+$0x0], $0xffff;
	v46 =	vmul.f32 v48, v46;
	v48 =	vmul.f32 v52, v52;
	v5 =	vadd.f32 v39, v5  }
0x14c: {  	v20 =	vld.idx.msk [tilespmem:v37+s1+$0x0], $0xffff;
	v26 =	vmul.f32 v24, v24;
	v3 =	vadd.f32 v10, v3;
	v4 =	vadd.f32 v41, v4  }
0x14d: {  	v37 =	vld [tilespmem:$0x1780];
	v51 =	vor.u32 $0x27, v2;
	v6 =	vmul.f32 v50, v46;
	v5 =	vadd.f32 v42, v5  }
0x14e: {  	v33 =	vld.idx.msk [tilespmem:v40+s0+$0x0], $0xffff;
	v50 =	vmul.f32 v54, v52;
	v3 =	vadd.f32 v11, v3;
	v4 =	vadd.f32 v44, v4  }
0x14f: {  	v52 =	vmul.f32 v58, v58;
	v54 =	vmul.f32 v60, v60;
	v10 =	vld [tilespmem:$0x1400];
	v5 =	vadd.f32 v45, v5  }
0x150: {  	v58 =	vmul.f32 v60, v58;
	v32 =	vld.idx.msk [tilespmem:v47+s0+$0x0], $0xffff;
	v3 =	vadd.f32 v12, v3;
	v4 =	vadd.f32 v48, v4  }
0x151: {  	v60 =	vmul.f32 v18, v18;
	v57 =	vmul.f32 v27, v27;
	v35 =	vld.idx.msk [tilespmem:v47+s1+$0x0], $0xffff;
	v5 =	vadd.f32 v49, v5  }
0x152: {  	v13 =	vmul.f32 v20, v20;
	v11 =	vld [tilespmem:$0x1480];
	v3 =	vadd.f32 v8, v3;
	v4 =	vadd.f32 v52, v4  }
0x153: {  	v53 =	vmul.f32 v56, v50;
	v56 =	vor.u32 $0x28, v2;
	v36 =	vld.idx.msk [tilespmem:v51+s0+$0x0], $0xffff;
	v5 =	vadd.f32 v54, v5  }
0x154: {  	v59 =	vmul.f32 v21, v21;
	v38 =	vld.idx.msk [tilespmem:v40+s1+$0x0], $0xffff;
	v3 =	vadd.f32 v7, v3;
	v4 =	vadd.f32 v55, v4  }
0x155: {  	v20 =	vmul.f32 v20, v29;
	v50 =	vor.u32 $0x2D, v2;
	v39 =	vld [tilespmem:$0x1600];
	v5 =	vadd.f32 v57, v5  }
0x156: {  	v62 =	vmul.f32 v29, v29;
	v41 =	vld.idx.msk [tilespmem:v43+s1+$0x0], $0xffff;
	v3 =	vadd.f32 v6, v3;
	v4 =	vadd.f32 v59, v4  }
0x157: {  	v14 =	vmul.f32 v33, v33;
	v40 =	vld.idx.msk [tilespmem:v51+s1+$0x0], $0xffff;
	v42 =	vor.u32 $0x2B, v2;
	v5 =	vadd.f32 v60, v5  }
0x158: {  	v12 =	vld.idx.msk [tilespmem:v61+s1+$0x0], $0xffff;
	v8 =	vmul.f32 v10, v58;
	v3 =	vadd.f32 v53, v3;
	v4 =	vadd.f32 v62, v4  }
0x159: {  	v16 =	vld.idx.msk [tilespmem:v56+s0+$0x0], $0xffff;
	v43 =	vmul.f32 v32, v32;
	v23 =	vmul.f32 v38, v38;
	v7 =	vadd.f32 v13, v5  }
0x15a: {  	v25 =	vld.idx.msk [tilespmem:v56+s1+$0x0], $0xffff;
	v10 =	vmul.f32 v11, v63;
	v3 =	vadd.f32 v8, v3;
	v4 =	vadd.f32 v14, v4  }
0x15b: {  	v19 =	vld.idx.msk [tilespmem:v50+s0+$0x0], $0xffff;
	v58 =	vor.u32 $0x2F, v2;
	v27 =	vmul.f32 v41, v41;
	v7 =	vadd.f32 v23, v7  }
0x15c: {  	v44 =	vmul.f32 v18, v21;
	v18 =	vld.idx.msk [tilespmem:v42+s1+$0x0], $0xffff;
	v10 =	vadd.f32 v10, v3;
	v3 =	vadd.f32 v26, v4  }
0x15d: {  	v47 =	vor.u32 $0x2C, v2;
	v45 =	vmul.f32 v35, v35;
	v5 =	vld.idx.msk [tilespmem:v61+s0+$0x0], $0xffff;
	v8 =	vadd.f32 v27, v7  }
0x15e: {  	v46 =	vmul.f32 v36, v36;
	v48 =	vmul.f32 v40, v40;
	v13 =	vld.idx.msk [tilespmem:v22+s1+$0x0], $0xffff;
	v3 =	vadd.f32 v43, v3  }
0x15f: {  	v49 =	vmul.f32 v16, v16;
	v52 =	vmul.f32 v25, v25;
	v7 =	vld.idx.msk [tilespmem:v22+s0+$0x0], $0xffff;
	v15 =	vadd.f32 v45, v8  }
0x160: {  	v55 =	vor.u32 $0x2E, v2;
	v59 =	vmul.f32 v31, v20;
	v20 =	vld.idx.msk [tilespmem:v58+s1+$0x0], $0xffff;
	v4 =	vadd.f32 v46, v3  }
0x161: {  	v62 =	vor.u32 $0x30, v2;
	v14 =	vmul.f32 v30, v44;
	v3 =	vld.idx.msk [tilespmem:v42+s0+$0x0], $0xffff;
	v51 =	vadd.f32 v48, v15  }
0x162: {  	v56 =	vmul.f32 v12, v12;
	v23 =	vld.idx.msk [tilespmem:v47+s1+$0x0], $0xffff;
	v54 =	vmul.f32 v5, v5;
	v53 =	vadd.f32 v49, v4  }
0x163: {  	v10 =	vadd.f32 v14, v10;
	v14 =	vld.idx.msk [tilespmem:v47+s0+$0x0], $0xffff;
	v60 =	vmul.f32 v13, v13;
	v15 =	vadd.f32 v52, v51  }
0x164: {  	v26 =	vld.idx.msk [tilespmem:v50+s1+$0x0], $0xffff;
	v5 =	vmul.f32 v12, v5;
	v57 =	vmul.f32 v7, v7;
	v11 =	vadd.f32 v54, v53  }
0x165: {  	v9 =	vld.idx.msk [tilespmem:v55+s0+$0x0], $0xffff;
	v63 =	vadd.f32 v59, v10;
	v43 =	vmul.f32 v18, v18;
	v15 =	vadd.f32 v56, v15  }
0x166: {  	v22 =	vld.idx.msk [tilespmem:v62+s1+$0x0], $0xffff;
	v45 =	vor.u32 $0x31, v2;
	v61 =	vmul.f32 v3, v3;
	v11 =	vadd.f32 v57, v11  }
0x167: {  	v10 =	vld.idx.msk [tilespmem:v58+s0+$0x0], $0xffff;
	v58 =	vor.u32 $0x35, v2;
	v46 =	vmul.f32 v38, v33;
	v42 =	vadd.f32 v60, v15  }
0x168: {  	v44 =	vmul.f32 v14, v14;
	v49 =	vor.u32 $0x32, v2;
	v15 =	vld.idx.msk [tilespmem:v55+s1+$0x0], $0xffff;
	v11 =	vadd.f32 v61, v11  }
0x169: {  	v6 =	vld [tilespmem:$0x1880];
	v48 =	vmul.f32 v23, v23;
	v50 =	vmul.f32 v26, v26;
	v47 =	vadd.f32 v43, v42  }
0x16a: {  	v8 =	vld [tilespmem:$0x1900];
	v13 =	vmul.f32 v13, v7;
	v42 =	vmul.f32 v19, v19;
	v27 =	vadd.f32 v44, v11  }
0x16b: {  	v39 =	vmul.f32 v39, v46;
	v51 =	vmul.f32 v9, v9;
	v33 =	vadd.f32 v48, v47;
	v11 =	vld.idx.msk [tilespmem:v62+s0+$0x0], $0xffff  }
0x16c: {  	v59 =	vmul.f32 v22, v22;
	v21 =	vld.idx.msk [tilespmem:v45+s0+$0x0], $0xffff;
	v43 =	vor.u32 $0x33, v2;
	v27 =	vadd.f32 v42, v27  }
0x16d: {  	v55 =	vmul.f32 v41, v24;
	v24 =	vld.idx.msk [tilespmem:v49+s0+$0x0], $0xffff;
	v52 =	vmul.f32 v15, v15;
	v33 =	vadd.f32 v50, v33  }
0x16e: {  	v54 =	vmul.f32 v10, v10;
	v44 =	vor.u32 $0x34, v2;
	v53 =	vadd.f32 v51, v27;
	v27 =	vld.idx.msk [tilespmem:v45+s1+$0x0], $0xffff  }
0x16f: {  	v30 =	vadd.f32 v39, v63;
	v56 =	vmul.f32 v20, v20;
	v29 =	vld.idx.msk [tilespmem:v49+s1+$0x0], $0xffff;
	v33 =	vadd.f32 v52, v33  }
0x170: {  	v47 =	vmul.f32 v35, v32;
	v32 =	vld.idx.msk [tilespmem:v58+s0+$0x0], $0xffff;
	v57 =	vmul.f32 v11, v11;
	v39 =	vadd.f32 v54, v53  }
0x171: {  	v61 =	vor.u32 $0x36, v2;
	v45 =	vmul.f32 v28, v55;
	v28 =	vld.idx.msk [tilespmem:v43+s0+$0x0], $0xffff;
	v33 =	vadd.f32 v56, v33  }
0x172: {  	v60 =	vmul.f32 v21, v21;
	v31 =	vld.idx.msk [tilespmem:v43+s1+$0x0], $0xffff;
	v54 =	vor.u32 $0x38, v2;
	v39 =	vadd.f32 v57, v39  }
0x173: {  	v45 =	vadd.f32 v45, v30;
	v30 =	vld.idx.msk [tilespmem:v44+s0+$0x0], $0xffff;
	v38 =	vadd.f32 v59, v33;
	v46 =	vmul.f32 v27, v27  }
0x174: {  	v63 =	vor.u32 $0x37, v2;
	v62 =	vmul.f32 v24, v24;
	v33 =	vld.idx.msk [tilespmem:v44+s1+$0x0], $0xffff;
	v39 =	vadd.f32 v60, v39  }
0x175: {  	v35 =	vld.idx.msk [tilespmem:v58+s1+$0x0], $0xffff;
	v47 =	vmul.f32 v34, v47;
	v52 =	vmul.f32 v29, v29;
	v38 =	vadd.f32 v46, v38  }
0x176: {  	v50 =	vmul.f32 v40, v36;
	v34 =	vld.idx.msk [tilespmem:v61+s0+$0x0], $0xffff;
	v53 =	vmul.f32 v28, v28;
	v39 =	vadd.f32 v62, v39  }
0x177: {  	v56 =	vor.u32 $0x39, v2;
	v55 =	vmul.f32 v31, v31;
	v36 =	vld.idx.msk [tilespmem:v54+s0+$0x0], $0xffff;
	v38 =	vadd.f32 v52, v38  }
0x178: {  	v51 =	vor.u32 $0x3B, v2;
	v48 =	vmul.f32 v30, v30;
	v41 =	vadd.f32 v53, v39;
	v39 =	vld.idx.msk [tilespmem:v61+s1+$0x0], $0xffff  }
0x179: {  	v44 =	vor.u32 $0x3A, v2;
	v57 =	vmul.f32 v33, v33;
	v46 =	vadd.f32 v55, v38;
	v38 =	vld.idx.msk [tilespmem:v63+s0+$0x0], $0xffff  }
0x17a: {  	v49 =	vmul.f32 v32, v32;
	v58 =	vmul.f32 v35, v35;
	v40 =	vld.idx.msk [tilespmem:v54+s1+$0x0], $0xffff;
	v48 =	vadd.f32 v48, v41  }
0x17b: {  	v45 =	vadd.f32 v47, v45;
	v60 =	vmul.f32 v37, v50;
	v41 =	vld.idx.msk [tilespmem:v63+s1+$0x0], $0xffff;
	v46 =	vadd.f32 v57, v46  }
0x17c: {  	v59 =	vmul.f32 v34, v34;
	v50 =	vor.u32 $0x3C, v2;
	v37 =	vld.idx.msk [tilespmem:v56+s0+$0x0], $0xffff;
	v48 =	vadd.f32 v49, v48  }
0x17d: {  	v43 =	vld.idx.msk [tilespmem:v56+s1+$0x0], $0xffff;
	v52 =	vadd.f32 v60, v45;
	v53 =	vmul.f32 v25, v16;
	v46 =	vadd.f32 v58, v46  }
0x17e: {  	v42 =	vld.idx.msk [tilespmem:v44+s0+$0x0], $0xffff;
	v61 =	vmul.f32 v39, v39;
	v48 =	vadd.f32 v59, v48;
	v62 =	vmul.f32 v38, v38  }
0x17f: {  	v4 =	vld [tilespmem:$0x1980];
	v60 =	vmul.f32 v40, v40;
	v58 =	vmul.f32 v36, v36;
	v59 =	vor.u32 $0x3D, v2  }
0x180: {  	v44 =	vld.idx.msk [tilespmem:v44+s1+$0x0], $0xffff;
	v63 =	vadd.f32 v61, v46;
	v56 =	vmul.f32 v41, v41;
	v57 =	vadd.f32 v62, v48  }
0x181: {  	v16 =	vld.idx.msk [tilespmem:v51+s0+$0x0], $0xffff;
	v53 =	vmul.f32 v17, v53;
	v61 =	vmul.f32 v37, v37  }
0x182: {  	v25 =	vld.idx.msk [tilespmem:v51+s1+$0x0], $0xffff;
	v62 =	vor.u32 $0x3E, v2;
	v45 =	vadd.f32 v56, v63;
	v47 =	vadd.f32 v58, v57  }
0x183: {  	v54 =	vmul.f32 v43, v43;
	v17 =	vld.idx.msk [tilespmem:v50+s0+$0x0], $0xffff;
	v63 =	vmul.f32 v42, v42  }
0x184: {  	v46 =	vadd.f32 v60, v45;
	v45 =	vld.idx.msk [tilespmem:v50+s1+$0x0], $0xffff;
	v50 =	vor.u32 $0x3F, v2;
	v47 =	vadd.f32 v61, v47  }
0x185: {  	v8 =	vmul.f32 v8, v13;
	v57 =	vmul.f32 v44, v44;
	v2 =	vld.idx.msk [tilespmem:v59+s0+$0x0], $0xffff  }
0x186: {  	v58 =	vmul.f32 v16, v16;
	v12 =	vld.idx.msk [tilespmem:v59+s1+$0x0], $0xffff;
	v46 =	vadd.f32 v54, v46;
	v47 =	vadd.f32 v63, v47  }
0x187: {  	v52 =	vadd.f32 v53, v52;
	v59 =	vmul.f32 v6, v5;
	v60 =	vmul.f32 v25, v25;
	v5 =	vld.idx.msk [tilespmem:v62+s0+$0x0], $0xffff  }
0x188: {  	v61 =	vmul.f32 v17, v17;
	v6 =	vld.idx.msk [tilespmem:v62+s1+$0x0], $0xffff;
	v46 =	vadd.f32 v57, v46;
	v47 =	vadd.f32 v58, v47  }
0x189: {  	v3 =	vmul.f32 v18, v3;
	v49 =	vadd.f32 v59, v52;
	v62 =	vmul.f32 v45, v45;
	v7 =	vld.idx.msk [tilespmem:v50+s0+$0x0], $0xffff  }
0x18a: {  	v63 =	vld [tilespmem:$0x1A00];
	v52 =	vmul.f32 v2, v2;
	v46 =	vadd.f32 v60, v46;
	v47 =	vadd.f32 v61, v47  }
0x18b: {  	v3 =	vmul.f32 v4, v3;
	v54 =	vmul.f32 v12, v12;
	v50 =	vld.idx.msk [tilespmem:v50+s1+$0x0], $0xffff  }
0x18c: {  	v56 =	vmul.f32 v5, v5;
	v53 =	vadd.f32 v62, v46;
	v47 =	vadd.f32 v52, v47  }
0x18d: {  	v8 =	vadd.f32 v8, v49;
	v57 =	vmul.f32 v23, v14;
	v60 =	vmul.f32 v6, v6  }
0x18e: {  	v55 =	vld [tilespmem:$0x1A80];
	v58 =	vadd.f32 v54, v53;
	v61 =	vmul.f32 v7, v7;
	v59 =	vadd.f32 v56, v47  }
0x18f: {  	v3 =	vadd.f32 v3, v8;
	v4 =	vmul.f32 v63, v57  }
0x190: {  	v63 =	vld [tilespmem:$0x1B00];
	v48 =	vmul.f32 v50, v50;
	v14 =	vadd.f32 v60, v58;
	v18 =	vadd.f32 v61, v59  }
0x191: {  	v10 =	vmul.f32 v20, v10;
	v62 =	vmul.f32 v26, v19;
	v3 =	vadd.f32 v4, v3  }
0x192: {  	v52 =	vld [tilespmem:$0x1B80];
	v14 =	vadd.f32 v48, v14;
	v53 =	vshrl.u32 v18, $0x1;
	v23 =	vmul.f32 $5.000000000e-01, v18  }
0x193: {  	v51 =	vmul.f32 v55, v62;
	v54 =	vmul.f32 v15, v9;
	v55 =	vsub.s32 $0x5F3759DF, v53  }
0x194: {  	v56 =	vld [tilespmem:$0x1C00];
	v57 =	vshrl.u32 v14, $0x1;
	v46 =	vmul.f32 $5.000000000e-01, v14;
	v19 =	vmul.f32 v55, v23  }
0x195: {  	v3 =	vadd.f32 v51, v3;
	v4 =	vmul.f32 v63, v54;
	v58 =	vsub.s32 $0x5F3759DF, v57  }
0x196: {  	v59 =	vld [tilespmem:$0x1C80];
	v26 =	vmul.f32 v58, v46;
	v19 =	vmul.f32 v55, v19  }
0x197: {  	v61 =	vmul.f32 v22, v11;
	v60 =	vmul.f32 v52, v10;
	v3 =	vadd.f32 v4, v3  }
0x198: {  	v62 =	vld [tilespmem:$0x1D00];
	v22 =	vmul.f32 v58, v26;
	v63 =	vsub.f32 $1.500000000e+00, v19  }
0x199: {  	v27 =	vmul.f32 v27, v21;
	v3 =	vadd.f32 v60, v3;
	v26 =	vmul.f32 v56, v61  }
0x19a: {  	v47 =	vld [tilespmem:$0x1D80];
	v48 =	vsub.f32 $1.500000000e+00, v22;
	v9 =	vmul.f32 v55, v63  }
0x19b: {  	v51 =	vmul.f32 v29, v24;
	v49 =	vmul.f32 v59, v27;
	v3 =	vadd.f32 v26, v3  }
0x19c: {  	v52 =	vld [tilespmem:$0x1E00];
	v13 =	vmul.f32 v58, v48;
	v53 =	vmul.f32 v9, v23  }
0x19d: {  	v54 =	vmul.f32 v62, v51;
	v55 =	vmul.f32 v31, v28;
	v3 =	vadd.f32 v49, v3  }
0x19e: {  	v56 =	vld [tilespmem:$0x1E80];
	v57 =	vmul.f32 v13, v46;
	v15 =	vmul.f32 v53, v9  }
0x19f: {  	v59 =	vmul.f32 v33, v30;
	v58 =	vmul.f32 v47, v55;
	v3 =	vadd.f32 v54, v3  }
0x1a0: {  	v60 =	vld [tilespmem:$0x1F00];
	v20 =	vmul.f32 v57, v13;
	v15 =	vsub.f32 $1.500000000e+00, v15  }
0x1a1: {  	v62 =	vmul.f32 v35, v32;
	v61 =	vmul.f32 v52, v59;
	v3 =	vadd.f32 v58, v3  }
0x1a2: {  	v63 =	vld [tilespmem:$0x1F80];
	v24 =	vsub.f32 $1.500000000e+00, v20;
	v9 =	vmul.f32 v15, v9  }
0x1a3: {  	v27 =	vmul.f32 v39, v34;
	v26 =	vmul.f32 v56, v62;
	v3 =	vadd.f32 v61, v3  }
0x1a4: {  	v29 =	vld [tilespmem:$0x2000];
	v28 =	vmul.f32 v24, v13;
	v30 =	vmul.f32 v9, v23  }
0x1a5: {  	v32 =	vmul.f32 v41, v38;
	v31 =	vmul.f32 v60, v27;
	v3 =	vadd.f32 v26, v3  }
0x1a6: {  	v33 =	vld [tilespmem:$0x2080];
	v34 =	vmul.f32 v28, v46;
	v19 =	vmul.f32 v30, v9  }
0x1a7: {  	v36 =	vmul.f32 v40, v36;
	v35 =	vmul.f32 v63, v32;
	v3 =	vadd.f32 v31, v3  }
0x1a8: {  	v38 =	vld [tilespmem:$0x2100];
	v20 =	vmul.f32 v34, v28;
	v19 =	vsub.f32 $1.500000000e+00, v19  }
0x1a9: {  	v40 =	vmul.f32 v43, v37;
	v39 =	vmul.f32 v29, v36;
	v3 =	vadd.f32 v35, v3  }
0x1aa: {  	v41 =	vld [tilespmem:$0x2180];
	v43 =	vsub.f32 $1.500000000e+00, v20;
	v9 =	vmul.f32 v19, v9  }
0x1ab: {  	v47 =	vmul.f32 v44, v42;
	v46 =	vmul.f32 v33, v40;
	v3 =	vadd.f32 v39, v3  }
0x1ac: {  	v48 =	vld [tilespmem:$0x2200];
	v10 =	vmul.f32 v43, v28;
	v9 =	vmul.f32 v9, v18  }
0x1ad: {  	v51 =	vmul.f32 v25, v16;
	v49 =	vmul.f32 v38, v47;
	v3 =	vadd.f32 v46, v3  }
0x1ae: {  	v52 =	vld [tilespmem:$0x2280];
	v10 =	vmul.f32 v10, v14;
	v53 =	vadd.f32 $1.000000010e-07, v9  }
0x1af: {  	v55 =	vmul.f32 v45, v17;
	v54 =	vmul.f32 v41, v51;
	v3 =	vadd.f32 v49, v3  }
0x1b0: {  	v56 =	vld [tilespmem:$0x2300];
	v57 =	vadd.f32 $1.000000010e-07, v10;
	(erf) = vrcp.f32 v53  }
0x1b1: {  	v2 =	vmul.f32 v12, v2;
	v58 =	vmul.f32 v48, v55;
	v3 =	vadd.f32 v54, v3  }
0x1b2: {  	v59 =	vld [tilespmem:$0x2380];
	(erf) = vrcp.f32 v57  }
0x1b3: {  	v60 =	vmul.f32 v6, v5;
	v2 =	vmul.f32 v52, v2;
	v3 =	vadd.f32 v58, v3;
	_ =	sdelay $0x1  }
0x1b4: {  	v61 =	vmul.f32 v50, v7;
	v2 =	vadd.f32 v2, v3;
	v3 =	vmul.f32 v56, v60;
	_ =	sdelay $0x1  }
0x1b5: {  	v2 =	vadd.f32 v3, v2;
	v3 =	vmul.f32 v59, v61;
	_ =	sdelay $0x1  }
0x1b6: {  	vm0 =	vgt.f32 v9, $1.000000000e+00;
	v2 =	vadd.f32 v3, v2;
	v62 =	vpop (erf)  }
0x1b7: {  	v3 =	vnsel vm0, $0x3F800000, v62  }
0x1b8: {  	vm15 =	vgt.f32 v10, $1.000000000e+00;
	v63 =	vpop (erf);
	v2 =	vmul.f32 v3, v2  }
0x1b9: {  	v3 =	vnsel vm15, $0x3F800000, v63  }
0x1ba: {  	v2 =	vmul.f32 v3, v2;
	_ =	sdelay $0x1  }
0x1bb: {  	v2 =	vadd.f32 v2, v1;
	_ =	sdelay $0x1  }
0x1bc: {  	v2 =	vsub.f32 $0.0e+00, v2;
	_ =	sdelay $0x1  }
0x1bd: {  	v2 =	vmul.f32 $1.442695020e+00, v2;
	_ =	sdelay $0x1  }
0x1be: {  	(erf) = vpow2.f32 v2;
	_ =	sdelay $0x8  }
0x1bf: {  	v2 =	vpop (erf)  }
0x1c0: {  	v2 =	vadd.f32 $1.000000000e+00, v2;
	_ =	sdelay $0x1  }
0x1c1: {  	(erf) = vrcp.f32 v2;
	_ =	sdelay $0x4  }
0x1c2: {  	p0 =	sne.s32 s19, $0xF0  }
.Ltmp1:
0x1c3: {  	_ = 	snop;
	(pc) =	sbr.rel @p0 .LBB2_4-.Ltmp1, $3  }
0x1c4: {  	_ =	sdelay $0x1  }
0x1c5: {  	v2 =	vpop (erf)  }
0x1c6: {  	s19 =	sadd.s32 $0x10, s19;
	[tilespmem:s20+$0x0] =	vst v2;
	s20 =	sadd.s32 $0x10, s20  }
0x1c7: {  	s0 =	simm.s32 $0x100  }
0x1c8: {  	s26 =	simm.s32 $0x300;
	v2 =	vld [tilespmem:s0+$0x0]  }
0x1c9: {  	v4 =	vld [tilespmem:s26+$0x0];
	_ =	sdelay $0x3  }
0x1ca: {  	v3 =	vshll.u32 v2, $0x4  }
0x1cb: {  	v2 =	vshll.u32 v4, $0x4;
	(v2sf) =	vpush v3, $0x0  }
0x1cc: {  	(v2sf) =	vpush v2, $0x0  }
0x1cd: {  	(v2sf) =	vpush v3, $0x1;
	_ =	sdelay $0x2  }
0x1ce: {  	(v2sf) =	vpush v2, $0x1;
	_ =	sdelay $0x1  }
0x1cf: {  	(v2sf) =	vpush v3, $0x2;
	_ =	sdelay $0x1  }
0x1d0: {  	(v2sf) =	vpush v2, $0x2;
	_ =	sdelay $0x1  }
0x1d1: {  	s20 =	simm.s32 $0x2000;
	s19 =	simm.s32 $0x0;
	s3 =	simm.s32 $0xA480;
	(v2sf) =	vpush v3, $0x3  }
0x1d2: {  	s6 =	simm.s32 $0x2700;
	s1 =	simm.s32 $0x2900;
	s7 =	simm.s32 $0x2480  }
0x1d3: {  	s9 =	simm.s32 $0x2680;
	s10 =	simm.s32 $0x2600;
	s4 =	rddreg [dreg:$0x6]  }
0x1d4: {  	s5 =	rddreg [dreg:$0x7];
	s15 =	simm.s32 $0xA500;
	s17 =	simm.s32 $0x2580  }
0x1d5: {  	s22 =	simm.s32 $0xA580;
	s29 =	simm.s32 $0x2A80;
	s8 =	spop (v2sf);
	(v2sf) =	vpush v2, $0x3  }
0x1d6: {  	s28 =	simm.s32 $0x2B80;
	s8 =	sand.u32 $0x1FFFFFF0, s8;
	s11 =	spop (v2sf)  }
0x1d7: {  	s0 =	simm.s32 $0xA980;
	s8 =	sadd.s32 s4, s8;
	s31 =	spop (v2sf)  }
0x1d8: {  	(v2sf) =	vpush v3, $0x4;
	[tilespmem:s7], [sflag:$0x1] =	stream.linear.gather [hbm4b:s8+s2], $0x80, $0x38;
	[tilespmem:$0x12680] =	vst v63  }
0x1d9: {  	s26 =	simm.s32 $0xA680;
	(v2sf) =	vpush v2, $0x4;
	s30 =	sand.u32 $0x1FFFFFF0, s11;
	s11 =	sand.u32 $0x1FFFFFF0, s31  }
0x1da: {  	s8 =	sadd.s32 s5, s30;
	s12 =	spop (v2sf);
	s13 =	sadd.s32 s4, s11  }
0x1db: {  	(v2sf) =	vpush v3, $0x5;
	[tilespmem:s3], [sflag:$0x1] =	stream.linear.gather [hbm4b:s8+s2], $0x80, $0x38;
	[tilespmem:$0x12680] =	vst v63  }
0x1dc: {  	s14 =	sand.u32 $0x1FFFFFF0, s12;
	s16 =	spop (v2sf);
	s8 =	simm.s32 $0x2500  }
0x1dd: {  	(v2sf) =	vpush v2, $0x5;
	[tilespmem:s8], [sflag:$0x1] =	stream.linear.gather [hbm4b:s13+s2], $0x80, $0x38;
	[tilespmem:$0x12680] =	vst v63  }
0x1de: {  	s11 =	sadd.s32 s5, s14;
	s18 =	spop (v2sf);
	s8 =	sand.u32 $0x1FFFFFF0, s16  }
0x1df: {  	(v2sf) =	vpush v3, $0x6;
	[tilespmem:s15], [sflag:$0x1] =	stream.linear.gather [hbm4b:s11+s2], $0x80, $0x38;
	[tilespmem:$0x12680] =	vst v63  }
0x1e0: {  	s21 =	spop (v2sf);
	s8 =	sadd.s32 s4, s8;
	s11 =	sand.u32 $0x1FFFFFF0, s18  }
0x1e1: {  	(v2sf) =	vpush v2, $0x6;
	[tilespmem:s17], [sflag:$0x1] =	stream.linear.gather [hbm4b:s8+s2], $0x80, $0x38;
	[tilespmem:$0x12680] =	vst v63  }
0x1e2: {  	s7 =	simm.s32 $0xA600;
	s24 =	sand.u32 $0x1FFFFFF0, s21;
	s23 =	sadd.s32 s5, s11  }
0x1e3: {  	[tilespmem:s22], [sflag:$0x1] =	stream.linear.gather [hbm4b:s23+s2], $0x80, $0x38;
	[tilespmem:$0x12680] =	vst v63  }
0x1e4: {  	s12 =	simm.s32 $0xAA80;
	s11 =	sadd.s32 s4, s24;
	s25 =	spop (v2sf)  }
0x1e5: {  	(v2sf) =	vpush v3, $0x7;
	[tilespmem:s10], [sflag:$0x1] =	stream.linear.gather [hbm4b:s11+s2], $0x80, $0x38;
	[tilespmem:$0x12680] =	vst v63  }
0x1e6: {  	s13 =	simm.s32 $0x2B00;
	s16 =	simm.s32 $0xA700;
	s8 =	sand.u32 $0x1FFFFFF0, s25  }
0x1e7: {  	s18 =	simm.s32 $0x2780;
	s30 =	spop (v2sf);
	s8 =	sadd.s32 s5, s8  }
0x1e8: {  	(v2sf) =	vpush v2, $0x7;
	s11 =	sand.u32 $0x1FFFFFF0, s30;
	s31 =	spop (v2sf);
	s30 =	simm.s32 $0xA780  }
0x1e9: {  	(v2sf) =	vpush v3, $0x8;
	[tilespmem:s7], [sflag:$0x1] =	stream.linear.gather [hbm4b:s8+s2], $0x80, $0x38;
	[tilespmem:$0x12680] =	vst v63  }
0x1ea: {  	s14 =	sadd.s32 s4, s11;
	s15 =	sand.u32 $0x1FFFFFF0, s31;
	s17 =	spop (v2sf)  }
0x1eb: {  	(v2sf) =	vpush v2, $0x8;
	[tilespmem:s9], [sflag:$0x1] =	stream.linear.gather [hbm4b:s14+s2], $0x80, $0x38;
	[tilespmem:$0x12680] =	vst v63  }
0x1ec: {  	s8 =	sadd.s32 s5, s15;
	s21 =	spop (v2sf);
	s9 =	sand.u32 $0x1FFFFFF0, s17  }
0x1ed: {  	(v2sf) =	vpush v3, $0x9;
	[tilespmem:s26], [sflag:$0x1] =	stream.linear.gather [hbm4b:s8+s2], $0x80, $0x38;
	[tilespmem:$0x12680] =	vst v63  }
0x1ee: {  	s10 =	sand.u32 $0x1FFFFFF0, s21;
	s22 =	spop (v2sf);
	s9 =	sadd.s32 s4, s9  }
0x1ef: {  	(v2sf) =	vpush v2, $0x9;
	[tilespmem:s6], [sflag:$0x1] =	stream.linear.gather [hbm4b:s9+s2], $0x80, $0x38;
	[tilespmem:$0x12680] =	vst v63  }
0x1f0: {  	s23 =	sadd.s32 s5, s10;
	s24 =	sand.u32 $0x1FFFFFF0, s22;
	s25 =	spop (v2sf)  }
0x1f1: {  	(v2sf) =	vpush v3, $0xA;
	[tilespmem:s16], [sflag:$0x1] =	stream.linear.gather [hbm4b:s23+s2], $0x80, $0x38;
	[tilespmem:$0x12680] =	vst v63  }
0x1f2: {  	s14 =	simm.s32 $0x2800;
	s26 =	sadd.s32 s4, s24;
	s7 =	sand.u32 $0x1FFFFFF0, s25  }
0x1f3: {  	(v2sf) =	vpush v2, $0xA;
	[tilespmem:s18], [sflag:$0x1] =	stream.linear.gather [hbm4b:s26+s2], $0x80, $0x38;
	[tilespmem:$0x12680] =	vst v63  }
0x1f4: {  	s17 =	simm.s32 $0xA800;
	s7 =	sadd.s32 s5, s7;
	s31 =	spop (v2sf)  }
0x1f5: {  	(v2sf) =	vpush v3, $0xB;
	[tilespmem:s30], [sflag:$0x1] =	stream.linear.gather [hbm4b:s7+s2], $0x80, $0x38;
	[tilespmem:$0x12680] =	vst v63  }
0x1f6: {  	s21 =	simm.s32 $0x2880;
	s24 =	simm.s32 $0xA880;
	s9 =	sand.u32 $0x1FFFFFF0, s31  }
0x1f7: {  	s30 =	simm.s32 $0xA900;
	s3 =	spop (v2sf);
	(v2sf) =	vpush v2, $0xB;
	s15 =	sadd.s32 s4, s9  }
0x1f8: {  	s16 =	sand.u32 $0x1FFFFFF0, s3;
	s18 =	spop (v2sf);
	s3 =	simm.s32 $0x2980  }
0x1f9: {  	[tilespmem:s14], [sflag:$0x1] =	stream.linear.gather [hbm4b:s15+s2], $0x80, $0x38;
	[tilespmem:$0x12680] =	vst v63  }
0x1fa: {  	s9 =	sadd.s32 s5, s16;
	s8 =	sand.u32 $0x1FFFFFF0, s18;
	s22 =	spop (v2sf)  }
0x1fb: {  	[tilespmem:s17], [sflag:$0x1] =	stream.linear.gather [hbm4b:s9+s2], $0x80, $0x38;
	[tilespmem:$0x12680] =	vst v63  }
0x1fc: {  	(v2sf) =	vpush v3, $0xC;
	s8 =	sadd.s32 s4, s8;
	s23 =	spop (v2sf);
	s9 =	sand.u32 $0x1FFFFFF0, s22  }
0x1fd: {  	(v2sf) =	vpush v2, $0xC;
	[tilespmem:s21], [sflag:$0x1] =	stream.linear.gather [hbm4b:s8+s2], $0x80, $0x38;
	[tilespmem:$0x12680] =	vst v63  }
0x1fe: {  	s26 =	sand.u32 $0x1FFFFFF0, s23;
	s31 =	spop (v2sf);
	s25 =	sadd.s32 s5, s9  }
0x1ff: {  	[tilespmem:s24], [sflag:$0x1] =	stream.linear.gather [hbm4b:s25+s2], $0x80, $0x38;
	[tilespmem:$0x12680] =	vst v63  }
0x200: {  	s9 =	sadd.s32 s4, s26;
	s14 =	spop (v2sf);
	s8 =	sand.u32 $0x1FFFFFF0, s31  }
0x201: {  	[tilespmem:s1], [sflag:$0x1] =	stream.linear.gather [hbm4b:s9+s2], $0x80, $0x38;
	[tilespmem:$0x12680] =	vst v63  }
0x202: {  	s15 =	spop (v2sf);
	s8 =	sadd.s32 s5, s8;
	s9 =	sand.u32 $0x1FFFFFF0, s14  }
0x203: {  	[tilespmem:s30], [sflag:$0x1] =	stream.linear.gather [hbm4b:s8+s2], $0x80, $0x38;
	[tilespmem:$0x12680] =	vst v63  }
0x204: {  	s17 =	sand.u32 $0x1FFFFFF0, s15;
	s16 =	sadd.s32 s4, s9;
	s18 =	spop (v2sf)  }
0x205: {  	[tilespmem:s3], [sflag:$0x1] =	stream.linear.gather [hbm4b:s16+s2], $0x80, $0x38;
	[tilespmem:$0x12680] =	vst v63  }
0x206: {  	s11 =	simm.s32 $0xAB00;
	s21 =	sadd.s32 s5, s17;
	s23 =	spop (v2sf)  }
0x207: {  	[tilespmem:s0], [sflag:$0x1] =	stream.linear.gather [hbm4b:s21+s2], $0x80, $0x38;
	[tilespmem:$0x12680] =	vst v63  }
0x208: {  	s6 =	simm.s32 $0xAA00;
	(v2sf) =	vpush v3, $0xD;
	s22 =	sand.u32 $0x1FFFFFF0, s18;
	s26 =	sand.u32 $0x1FFFFFF0, s23  }
0x209: {  	s24 =	simm.s32 $0x2A00;
	(v2sf) =	vpush v2, $0xD;
	s25 =	sadd.s32 s4, s22;
	s30 =	sadd.s32 s5, s26  }
0x20a: {  	(v2sf) =	vpush v3, $0xE;
	[tilespmem:s24], [sflag:$0x1] =	stream.linear.gather [hbm4b:s25+s2], $0x80, $0x38;
	[tilespmem:$0x12680] =	vst v63  }
0x20b: {  	(v2sf) =	vpush v2, $0xE;
	s31 =	spop (v2sf);
	s5 =	simm.s32 $0xAB80;
	s24 =	simm.s32 $0x110  }
0x20c: {  	s25 =	simm.s32 $0x310;
	(v2sf) =	vpush v3, $0xF;
	s0 =	sand.u32 $0x1FFFFFF0, s31;
	s1 =	spop (v2sf)  }
0x20d: {  	(v2sf) =	vpush v2, $0xF;
	[tilespmem:s6], [sflag:$0x1] =	stream.linear.gather [hbm4b:s30+s2], $0x80, $0x38;
	[tilespmem:$0x12680] =	vst v63  }
.LBB2_6:
0x20e: {  	_ =	sdelay $0x3  }
0x20f: {  	s26 =	rddreg [dreg:$0x6]  }
0x210: {  	s1 =	sand.u32 $0x1FFFFFF0, s1;
	s17 =	rddreg [dreg:$0x7];
	s0 =	sadd.s32 s26, s0  }
0x211: {  	[tilespmem:s29], [sflag:$0x1] =	stream.linear.gather [hbm4b:s0+s2], $0x80, $0x38;
	[tilespmem:$0x12680] =	vst v63  }
0x212: {  	s7 =	sadd.s32 s17, s1  }
0x213: {  	[tilespmem:s12], [sflag:$0x1] =	stream.linear.gather [hbm4b:s7+s2], $0x80, $0x38;
	[tilespmem:$0x12680] =	vst v63  }
0x214: {  	s6 =	spop (v2sf)  }
0x215: {  	s8 =	sand.u32 $0x1FFFFFF0, s6;
	s9 =	spop (v2sf)  }
0x216: {  	s10 =	sadd.s32 s26, s8;
	s12 =	sand.u32 $0x1FFFFFF0, s9;
	s3 =	spop (v2sf)  }
0x217: {  	[tilespmem:s13], [sflag:$0x1] =	stream.linear.gather [hbm4b:s10+s2], $0x80, $0x38;
	[tilespmem:$0x12680] =	vst v63  }
0x218: {  	s13 =	sadd.s32 s17, s12;
	s14 =	sand.u32 $0x1FFFFFF0, s3;
	s15 =	spop (v2sf)  }
0x219: {  	[tilespmem:s11], [sflag:$0x1] =	stream.linear.gather [hbm4b:s13+s2], $0x80, $0x38;
	[tilespmem:$0x12680] =	vst v63  }
0x21a: {  	s16 =	sadd.s32 s26, s14;
	s18 =	sand.u32 $0x1FFFFFF0, s15;
	s21 =	spop (v2sf)  }
0x21b: {  	[tilespmem:s28], [sflag:$0x1] =	stream.linear.gather [hbm4b:s16+s2], $0x80, $0x38;
	[tilespmem:$0x12680] =	vst v63  }
0x21c: {  	s22 =	sadd.s32 s17, s18;
	s23 =	sand.u32 $0x1FFFFFF0, s21;
	s30 =	spop (v2sf)  }
0x21d: {  	[tilespmem:s5], [sflag:$0x1] =	stream.linear.gather [hbm4b:s22+s2], $0x80, $0x38;
	[tilespmem:$0x12680] =	vst v63  }
0x21e: {  	s31 =	sadd.s32 $0x2C00, s19;
	s1 =	sadd.s32 s26, s23;
	s3 =	sand.u32 $0x1FFFFFF0, s30  }
0x21f: {  	[tilespmem:s31], [sflag:$0x1] =	stream.linear.gather [hbm4b:s1+s2], $0x80, $0x38;
	[tilespmem:$0x12680] =	vst v63  }
0x220: {  	s4 =	sadd.s32 $0xAC00, s19;
	s5 =	sadd.s32 s17, s3  }
0x221: {  	[tilespmem:s4], [sflag:$0x1] =	stream.linear.gather [hbm4b:s5+s2], $0x80, $0x38;
	[tilespmem:$0x12680] =	vst v63  }
0x222: {  	v2 =	vld [tilespmem:s24+$0x0]  }
0x223: {  	v4 =	vld [tilespmem:s25+$0x0];
	_ =	sdelay $0x3  }
0x224: {  	v3 =	vshll.u32 v2, $0x4  }
0x225: {  	v2 =	vshll.u32 v4, $0x4;
	(v2sf) =	vpush v3, $0x0  }
0x226: {  	s6 =	smov.u32 s20;
	(v2sf) =	vpush v2, $0x0  }
0x227: {  	p0 =	sne.s32 s20, $0x1E000;
	s20 =	sadd.s32 $0x2000, s20;
	s19 =	sshra.s32 s6, $0x2;
	(v2sf) =	vpush v3, $0x1  }
0x228: {  	s0 =	sadd.s32 $0x2700, s19;
	s7 =	sadd.s32 $0x2900, s19;
	s8 =	sadd.s32 $0xA980, s19  }
0x229: {  	s10 =	sadd.s32 $0x2780, s19;
	s9 =	sadd.s32 $0xAA00, s19;
	[dreg:$0x17] =	wrdreg s0;
	(v2sf) =	vpush v2, $0x1  }
0x22a: {  	s6 =	sadd.s32 $0xAB00, s19;
	s12 =	sadd.s32 $0xA900, s19;
	[dreg:$0xd] =	wrdreg s7  }
0x22b: {  	s29 =	sadd.s32 $0x2A80, s19;
	[dreg:$0x9] =	wrdreg s8;
	s15 =	sadd.s32 $0xA600, s19;
	(v2sf) =	vpush v3, $0x2  }
0x22c: {  	s7 =	sadd.s32 $0xAA80, s19;
	s0 =	sadd.s32 $0xA580, s19;
	[dreg:$0xb] =	wrdreg s9;
	(v2sf) =	vpush v2, $0x2  }
0x22d: {  	s14 =	sadd.s32 $0xA700, s19;
	s9 =	sadd.s32 $0xA780, s19;
	[dreg:$0x11] =	wrdreg s12  }
0x22e: {  	s8 =	sadd.s32 $0x2800, s19;
	s12 =	sadd.s32 $0x2500, s19;
	s18 =	sadd.s32 $0x2680, s19;
	(v2sf) =	vpush v3, $0x3  }
0x22f: {  	s21 =	sadd.s32 $0x2580, s19;
	s11 =	sadd.s32 $0xA680, s19;
	s13 =	sadd.s32 $0x2980, s19  }
0x230: {  	s30 =	sadd.s32 $0xA500, s19;
	[dreg:$0xf] =	wrdreg s13;
	s23 =	sadd.s32 $0xA800, s19  }
0x231: {  	s16 =	sadd.s32 $0x2600, s19;
	[dreg:$0x19] =	wrdreg s23;
	s22 =	sadd.s32 $0xA880, s19  }
0x232: {  	s28 =	sadd.s32 $0x2B80, s19;
	s3 =	sadd.s32 $0x2480, s19;
	[dreg:$0x13] =	wrdreg s22;
	(v2sf) =	vpush v2, $0x3  }
0x233: {  	s31 =	sadd.s32 $0xA480, s19;
	s1 =	sadd.s32 $0x2A00, s19;
	s5 =	sadd.s32 $0x2880, s19  }
0x234: {  	s4 =	sadd.s32 $0x2B00, s19;
	[dreg:$0x15] =	wrdreg s5;
	(v2sf) =	vpush v3, $0x4;
	s13 =	spop (v2sf)  }
0x235: {  	s24 =	sadd.s32 $0x10, s24;
	s22 =	sand.u32 $0x1FFFFFF0, s13;
	s23 =	spop (v2sf)  }
0x236: {  	(v2sf) =	vpush v2, $0x4;
	s22 =	sadd.s32 s26, s22;
	s23 =	sand.u32 $0x1FFFFFF0, s23;
	s13 =	spop (v2sf)  }
0x237: {  	[tilespmem:s3], [sflag:$0x1] =	stream.linear.gather [hbm4b:s22+s2], $0x80, $0x38;
	[tilespmem:$0x12680] =	vst v63  }
0x238: {  	s25 =	sadd.s32 $0x10, s25;
	(v2sf) =	vpush v3, $0x5;
	s22 =	sadd.s32 s17, s23;
	s23 =	spop (v2sf)  }
0x239: {  	(v2sf) =	vpush v2, $0x5;
	[tilespmem:s31], [sflag:$0x1] =	stream.linear.gather [hbm4b:s22+s2], $0x80, $0x38;
	[tilespmem:$0x12680] =	vst v63  }
0x23a: {  	s5 =	sadd.s32 $0xAB80, s19;
	s13 =	sand.u32 $0x1FFFFFF0, s13;
	s31 =	spop (v2sf)  }
0x23b: {  	s13 =	sadd.s32 s26, s13;
	s23 =	sand.u32 $0x1FFFFFF0, s23;
	s22 =	spop (v2sf)  }
0x23c: {  	(v2sf) =	vpush v3, $0x6;
	[tilespmem:s12], [sflag:$0x1] =	stream.linear.gather [hbm4b:s13+s2], $0x80, $0x38;
	[tilespmem:$0x12680] =	vst v63  }
0x23d: {  	s12 =	sadd.s32 s17, s23;
	s13 =	sand.u32 $0x1FFFFFF0, s31;
	s31 =	spop (v2sf)  }
0x23e: {  	(v2sf) =	vpush v2, $0x6;
	[tilespmem:s30], [sflag:$0x1] =	stream.linear.gather [hbm4b:s12+s2], $0x80, $0x38;
	[tilespmem:$0x12680] =	vst v63  }
0x23f: {  	s23 =	sadd.s32 s26, s13;
	s13 =	smov.u32 s4;
	s30 =	sand.u32 $0x1FFFFFF0, s22  }
0x240: {  	(v2sf) =	vpush v3, $0x7;
	[tilespmem:s21], [sflag:$0x1] =	stream.linear.gather [hbm4b:s23+s2], $0x80, $0x38;
	[tilespmem:$0x12680] =	vst v63  }
0x241: {  	s22 =	sand.u32 $0x1FFFFFF0, s31;
	s21 =	sadd.s32 s17, s30;
	s23 =	spop (v2sf)  }
0x242: {  	(v2sf) =	vpush v2, $0x7;
	[tilespmem:s0], [sflag:$0x1] =	stream.linear.gather [hbm4b:s21+s2], $0x80, $0x38;
	[tilespmem:$0x12680] =	vst v63  }
0x243: {  	s30 =	sadd.s32 s26, s22;
	s31 =	sand.u32 $0x1FFFFFF0, s23;
	s4 =	spop (v2sf)  }
0x244: {  	[tilespmem:s16], [sflag:$0x1] =	stream.linear.gather [hbm4b:s30+s2], $0x80, $0x38;
	[tilespmem:$0x12680] =	vst v63  }
0x245: {  	s21 =	sand.u32 $0x1FFFFFF0, s4;
	s16 =	sadd.s32 s17, s31;
	s22 =	spop (v2sf)  }
0x246: {  	(v2sf) =	vpush v3, $0x8;
	[tilespmem:s15], [sflag:$0x1] =	stream.linear.gather [hbm4b:s16+s2], $0x80, $0x38;
	[tilespmem:$0x12680] =	vst v63  }
0x247: {  	s23 =	sadd.s32 s26, s21;
	s30 =	sand.u32 $0x1FFFFFF0, s22;
	s31 =	spop (v2sf)  }
0x248: {  	(v2sf) =	vpush v2, $0x8;
	s22 =	rddreg [dreg:$0x17];
	s12 =	sand.u32 $0x1FFFFFF0, s31;
	s15 =	spop (v2sf)  }
0x249: {  	(v2sf) =	vpush v3, $0x9;
	[tilespmem:s18], [sflag:$0x1] =	stream.linear.gather [hbm4b:s23+s2], $0x80, $0x38;
	[tilespmem:$0x12680] =	vst v63  }
0x24a: {  	s4 =	sadd.s32 s17, s30;
	s16 =	sadd.s32 s26, s12;
	s18 =	sand.u32 $0x1FFFFFF0, s15  }
0x24b: {  	(v2sf) =	vpush v2, $0x9;
	s12 =	smov.u32 s7;
	s21 =	spop (v2sf);
	s23 =	sadd.s32 s17, s18  }
0x24c: {  	[tilespmem:s11], [sflag:$0x1] =	stream.linear.gather [hbm4b:s4+s2], $0x80, $0x38;
	[tilespmem:$0x12680] =	vst v63  }
0x24d: {  	(v2sf) =	vpush v3, $0xA;
	s30 =	sand.u32 $0x1FFFFFF0, s21;
	s11 =	smov.u32 s6;
	s31 =	spop (v2sf)  }
0x24e: {  	[tilespmem:s22], [sflag:$0x1] =	stream.linear.gather [hbm4b:s16+s2], $0x80, $0x38;
	[tilespmem:$0x12680] =	vst v63  }
0x24f: {  	s4 =	sadd.s32 s26, s30;
	s6 =	sand.u32 $0x1FFFFFF0, s31;
	s7 =	spop (v2sf)  }
0x250: {  	[tilespmem:s14], [sflag:$0x1] =	stream.linear.gather [hbm4b:s23+s2], $0x80, $0x38;
	[tilespmem:$0x12680] =	vst v63  }
0x251: {  	(v2sf) =	vpush v2, $0xA;
	s15 =	sand.u32 $0x1FFFFFF0, s7;
	s7 =	rddreg [dreg:$0x19];
	s16 =	spop (v2sf)  }
0x252: {  	[tilespmem:s10], [sflag:$0x1] =	stream.linear.gather [hbm4b:s4+s2], $0x80, $0x38;
	[tilespmem:$0x12680] =	vst v63  }
0x253: {  	(v2sf) =	vpush v3, $0xB;
	s18 =	sadd.s32 s26, s15;
	s14 =	sadd.s32 s17, s6;
	s21 =	sand.u32 $0x1FFFFFF0, s16  }
0x254: {  	[tilespmem:s9], [sflag:$0x1] =	stream.linear.gather [hbm4b:s14+s2], $0x80, $0x38;
	[tilespmem:$0x12680] =	vst v63  }
0x255: {  	s22 =	spop (v2sf);
	s23 =	sadd.s32 s17, s21;
	s21 =	rddreg [dreg:$0x13]  }
0x256: {  	[tilespmem:s8], [sflag:$0x1] =	stream.linear.gather [hbm4b:s18+s2], $0x80, $0x38;
	[tilespmem:$0x12680] =	vst v63  }
0x257: {  	(v2sf) =	vpush v2, $0xB;
	s30 =	sand.u32 $0x1FFFFFF0, s22;
	s14 =	rddreg [dreg:$0x15];
	s31 =	spop (v2sf)  }
0x258: {  	(v2sf) =	vpush v3, $0xC;
	s8 =	sadd.s32 s26, s30;
	s9 =	sand.u32 $0x1FFFFFF0, s31;
	s10 =	spop (v2sf)  }
0x259: {  	[tilespmem:s7], [sflag:$0x1] =	stream.linear.gather [hbm4b:s23+s2], $0x80, $0x38;
	[tilespmem:$0x12680] =	vst v63  }
0x25a: {  	(v2sf) =	vpush v2, $0xC;
	s31 =	rddreg [dreg:$0xd];
	s15 =	sadd.s32 s17, s9;
	s18 =	spop (v2sf)  }
0x25b: {  	[tilespmem:s14], [sflag:$0x1] =	stream.linear.gather [hbm4b:s8+s2], $0x80, $0x38;
	[tilespmem:$0x12680] =	vst v63  }
0x25c: {  	s16 =	sand.u32 $0x1FFFFFF0, s10;
	s23 =	sand.u32 $0x1FFFFFF0, s18;
	s30 =	spop (v2sf)  }
0x25d: {  	[tilespmem:s21], [sflag:$0x1] =	stream.linear.gather [hbm4b:s15+s2], $0x80, $0x38;
	[tilespmem:$0x12680] =	vst v63  }
0x25e: {  	s22 =	sadd.s32 s26, s16;
	s4 =	sadd.s32 s17, s23;
	s6 =	sand.u32 $0x1FFFFFF0, s30  }
0x25f: {  	[tilespmem:s31], [sflag:$0x1] =	stream.linear.gather [hbm4b:s22+s2], $0x80, $0x38;
	[tilespmem:$0x12680] =	vst v63  }
0x260: {  	s8 =	rddreg [dreg:$0x11];
	s7 =	spop (v2sf);
	s9 =	sadd.s32 s26, s6  }
0x261: {  	[tilespmem:s8], [sflag:$0x1] =	stream.linear.gather [hbm4b:s4+s2], $0x80, $0x38;
	[tilespmem:$0x12680] =	vst v63  }
0x262: {  	s10 =	sand.u32 $0x1FFFFFF0, s7;
	s14 =	spop (v2sf);
	s15 =	rddreg [dreg:$0xf]  }
0x263: {  	[tilespmem:s15], [sflag:$0x1] =	stream.linear.gather [hbm4b:s9+s2], $0x80, $0x38;
	[tilespmem:$0x12680] =	vst v63  }
0x264: {  	s16 =	sadd.s32 s17, s10;
	s18 =	sand.u32 $0x1FFFFFF0, s14;
	s22 =	rddreg [dreg:$0x9]  }
0x265: {  	(v2sf) =	vpush v3, $0xD;
	[tilespmem:s22], [sflag:$0x1] =	stream.linear.gather [hbm4b:s16+s2], $0x80, $0x38;
	[tilespmem:$0x12680] =	vst v63  }
.Ltmp2:
0x266: {  	(v2sf) =	vpush v2, $0xD;
	s23 =	sadd.s32 s26, s18;
	s21 =	spop (v2sf);
	(pc) =	sbr.rel @p0 .LBB2_6-.Ltmp2, $4  }
0x267: {  	(v2sf) =	vpush v3, $0xE;
	s31 =	rddreg [dreg:$0xb];
	s26 =	sand.u32 $0x1FFFFFF0, s21;
	s30 =	spop (v2sf)  }
0x268: {  	(v2sf) =	vpush v2, $0xE;
	[tilespmem:s1], [sflag:$0x1] =	stream.linear.gather [hbm4b:s23+s2], $0x80, $0x38;
	[tilespmem:$0x12680] =	vst v63  }
0x269: {  	(v2sf) =	vpush v3, $0xF;
	s3 =	sadd.s32 s17, s26;
	s0 =	sand.u32 $0x1FFFFFF0, s30;
	s1 =	spop (v2sf)  }
0x26a: {  	(v2sf) =	vpush v2, $0xF;
	[tilespmem:s31], [sflag:$0x1] =	stream.linear.gather [hbm4b:s3+s2], $0x80, $0x38;
	[tilespmem:$0x12680] =	vst v63  }
0x26b: {  	_ =	sdelay $0x3  }
0x26c: {  	s4 =	rddreg [dreg:$0x6]  }
0x26d: {  	s1 =	sand.u32 $0x1FFFFFF0, s1;
	s6 =	rddreg [dreg:$0x7];
	s0 =	sadd.s32 s4, s0  }
0x26e: {  	[tilespmem:s29], [sflag:$0x1] =	stream.linear.gather [hbm4b:s0+s2], $0x80, $0x38;
	[tilespmem:$0x12680] =	vst v63  }
0x26f: {  	s8 =	sadd.s32 s6, s1  }
0x270: {  	[tilespmem:s12], [sflag:$0x1] =	stream.linear.gather [hbm4b:s8+s2], $0x80, $0x38;
	[tilespmem:$0x12680] =	vst v63  }
0x271: {  	s3 =	spop (v2sf)  }
0x272: {  	s9 =	sand.u32 $0x1FFFFFF0, s3;
	s10 =	spop (v2sf)  }
0x273: {  	s14 =	sadd.s32 s4, s9;
	s15 =	sand.u32 $0x1FFFFFF0, s10;
	s16 =	spop (v2sf)  }
0x274: {  	[tilespmem:s13], [sflag:$0x1] =	stream.linear.gather [hbm4b:s14+s2], $0x80, $0x38;
	[tilespmem:$0x12680] =	vst v63  }
0x275: {  	s17 =	sadd.s32 s6, s15;
	s18 =	sand.u32 $0x1FFFFFF0, s16;
	s20 =	spop (v2sf)  }
0x276: {  	[tilespmem:s11], [sflag:$0x1] =	stream.linear.gather [hbm4b:s17+s2], $0x80, $0x38;
	[tilespmem:$0x12680] =	vst v63  }
0x277: {  	s21 =	sadd.s32 s4, s18;
	s22 =	sand.u32 $0x1FFFFFF0, s20;
	s23 =	spop (v2sf)  }
0x278: {  	[tilespmem:s28], [sflag:$0x1] =	stream.linear.gather [hbm4b:s21+s2], $0x80, $0x38;
	[tilespmem:$0x12680] =	vst v63  }
0x279: {  	s24 =	sadd.s32 s6, s22;
	s25 =	sand.u32 $0x1FFFFFF0, s23;
	s26 =	spop (v2sf)  }
0x27a: {  	[tilespmem:s5], [sflag:$0x1] =	stream.linear.gather [hbm4b:s24+s2], $0x80, $0x38;
	[tilespmem:$0x12680] =	vst v63  }
0x27b: {  	s1 =	sadd.s32 s4, s25;
	s3 =	sand.u32 $0x1FFFFFF0, s26;
	s28 =	sadd.s32 $0x2C00, s19  }
0x27c: {  	[tilespmem:s28], [sflag:$0x1] =	stream.linear.gather [hbm4b:s1+s2], $0x80, $0x38;
	[tilespmem:$0x12680] =	vst v63  }
0x27d: {  	s31 =	simm.s32 $0x1;
	s29 =	sadd.s32 $0xAC00, s19;
	s30 =	sadd.s32 s6, s3  }
0x27e: {  	[tilespmem:s29], [sflag:$0x1] =	stream.linear.gather [hbm4b:s30+s2], $0x80, $0x38;
	[tilespmem:$0x12680] =	vst v63  }
0x27f: {  	_ =	swait.ge [sflag:s31], $0x8000  }
0x280: {  	[sflag:s31] =	ssyncset.done $0x0  }
0x281: {  	[sflag:s31] =	ssyncadd.s32 $0xFFFF8000  }
0x282: {  	_ =	swait.ge [sflag:s31], $0x8000  }
0x283: {  	s19 =	simm.s32 $0x0;
	[sflag:s31] =	ssyncset.done $0x0  }
0x284: {  	s3 =	simm.s32 $0xA480;
	s1 =	simm.s32 $0x2480;
	[sflag:s31] =	ssyncadd.s32 $0xFFFF8000  }
.LBB2_8:
0x285: {  	v7 =	vld [tilespmem:$0x400]  }
0x286: {  	v10 =	vld [tilespmem:$0x480]  }
0x287: {  	v13 =	vld [tilespmem:$0x500]  }
0x288: {  	v16 =	vld [tilespmem:$0x580]  }
0x289: {  	v19 =	vld [tilespmem:$0x600]  }
0x28a: {  	v22 =	vld [tilespmem:$0x680]  }
0x28b: {  	v2 =	vmov s19;
	v26 =	vld [tilespmem:$0x700]  }
0x28c: {  	v62 =	vld [tilespmem:$0x780];
	v2 =	vshll.u32 v2, $0x7  }
0x28d: {  	v32 =	vld [tilespmem:$0x880];
	v2 =	vor.u32 v0, v2  }
0x28e: {  	v43 =	vld [tilespmem:$0x900]  }
0x28f: {  	v54 =	vld [tilespmem:$0xA00];
	v3 =	vor.u32 $0x1, v2  }
0x290: {  	v30 =	vld [tilespmem:$0x1500]  }
0x291: {  	v31 =	vld [tilespmem:$0x1580];
	v6 =	vor.u32 $0x2, v2  }
0x292: {  	v4 =	vld.idx.msk [tilespmem:v2+s1+$0x0], $0xffff  }
0x293: {  	v9 =	vor.u32 $0x3, v2;
	v5 =	vld.idx.msk [tilespmem:v2+s3+$0x0], $0xffff  }
0x294: {  	v8 =	vld.idx.msk [tilespmem:v3+s1+$0x0], $0xffff  }
0x295: {  	v12 =	vor.u32 $0x4, v2;
	v3 =	vld.idx.msk [tilespmem:v3+s3+$0x0], $0xffff  }
0x296: {  	v11 =	vld.idx.msk [tilespmem:v6+s1+$0x0], $0xffff  }
0x297: {  	v15 =	vor.u32 $0x5, v2;
	v6 =	vld.idx.msk [tilespmem:v6+s3+$0x0], $0xffff  }
0x298: {  	v14 =	vld.idx.msk [tilespmem:v9+s1+$0x0], $0xffff  }
0x299: {  	v18 =	vor.u32 $0x6, v2;
	v9 =	vld.idx.msk [tilespmem:v9+s3+$0x0], $0xffff  }
0x29a: {  	v17 =	vld.idx.msk [tilespmem:v12+s1+$0x0], $0xffff  }
0x29b: {  	v21 =	vor.u32 $0x7, v2;
	v12 =	vld.idx.msk [tilespmem:v12+s3+$0x0], $0xffff  }
0x29c: {  	v20 =	vld.idx.msk [tilespmem:v15+s1+$0x0], $0xffff  }
0x29d: {  	v25 =	vor.u32 $0x8, v2;
	v15 =	vld.idx.msk [tilespmem:v15+s3+$0x0], $0xffff  }
0x29e: {  	v61 =	vor.u32 $0x9, v2;
	v23 =	vld.idx.msk [tilespmem:v18+s1+$0x0], $0xffff  }
0x29f: {  	v35 =	vor.u32 $0xA, v2;
	v18 =	vld.idx.msk [tilespmem:v18+s3+$0x0], $0xffff;
	v24 =	vmul.f32 v5, v4  }
0x2a0: {  	v63 =	vor.u32 $0xB, v2;
	v27 =	vld.idx.msk [tilespmem:v21+s1+$0x0], $0xffff;
	v4 =	vmul.f32 v4, v4;
	v5 =	vmul.f32 v5, v5  }
0x2a1: {  	v42 =	vor.u32 $0xC, v2;
	v60 =	vld.idx.msk [tilespmem:v21+s3+$0x0], $0xffff;
	v59 =	vmul.f32 v8, v8;
	v28 =	vmul.f32 v3, v3  }
0x2a2: {  	v48 =	vor.u32 $0xD, v2;
	v34 =	vld.idx.msk [tilespmem:v25+s3+$0x0], $0xffff;
	v3 =	vmul.f32 v3, v8;
	v33 =	vmul.f32 v11, v11  }
0x2a3: {  	v38 =	vld.idx.msk [tilespmem:v61+s3+$0x0], $0xffff;
	v29 =	vmul.f32 v6, v6;
	v6 =	vmul.f32 v6, v11  }
0x2a4: {  	v41 =	vld.idx.msk [tilespmem:v35+s3+$0x0], $0xffff;
	v36 =	vmul.f32 v14, v14;
	v37 =	vmul.f32 v9, v9  }
0x2a5: {  	v47 =	vld.idx.msk [tilespmem:v63+s3+$0x0], $0xffff;
	v9 =	vmul.f32 v9, v14;
	v39 =	vmul.f32 v17, v17  }
0x2a6: {  	v52 =	vld.idx.msk [tilespmem:v42+s3+$0x0], $0xffff;
	v40 =	vmul.f32 v12, v12;
	v12 =	vmul.f32 v12, v17  }
0x2a7: {  	v57 =	vld.idx.msk [tilespmem:v48+s1+$0x0], $0xffff;
	v45 =	vmul.f32 v20, v20;
	v46 =	vmul.f32 v15, v15  }
0x2a8: {  	v21 =	vld.idx.msk [tilespmem:v48+s3+$0x0], $0xffff;
	v15 =	vmul.f32 v15, v20;
	v50 =	vmul.f32 v23, v23  }
0x2a9: {  	v48 =	vld [tilespmem:$0xC80];
	v51 =	vmul.f32 v18, v18;
	v18 =	vmul.f32 v18, v23  }
0x2aa: {  	v53 =	vor.u32 $0xE, v2;
	v58 =	vmul.f32 v60, v60;
	v8 =	vmul.f32 v60, v27;
	v60 =	vld [tilespmem:$0xA80]  }
0x2ab: {  	v56 =	vmul.f32 v27, v27;
	v7 =	vmul.f32 v7, v24;
	v5 =	vadd.f32 v28, v5;
	v28 =	vld.idx.msk [tilespmem:v25+s1+$0x0], $0xffff  }
0x2ac: {  	v3 =	vmul.f32 v10, v3;
	v6 =	vmul.f32 v13, v6;
	v13 =	vld.idx.msk [tilespmem:v61+s1+$0x0], $0xffff  }
0x2ad: {  	v9 =	vmul.f32 v16, v9;
	v16 =	vld.idx.msk [tilespmem:v35+s1+$0x0], $0xffff;
	v44 =	vmul.f32 v19, v12  }
0x2ae: {  	v4 =	vadd.f32 v59, v4;
	v19 =	vld.idx.msk [tilespmem:v63+s1+$0x0], $0xffff;
	v49 =	vmul.f32 v22, v15;
	v55 =	vmul.f32 v26, v18  }
0x2af: {  	v8 =	vmul.f32 v62, v8;
	v62 =	vld.idx.msk [tilespmem:v53+s1+$0x0], $0xffff;
	v7 =	vadd.f32 $0.0e+00, v7;
	v5 =	vadd.f32 v29, v5  }
0x2b0: {  	v59 =	vor.u32 $0xF, v2;
	v25 =	vld.idx.msk [tilespmem:v53+s3+$0x0], $0xffff;
	v4 =	vadd.f32 v33, v4;
	v33 =	vmul.f32 v34, v34  }
0x2b1: {  	v10 =	vld [tilespmem:$0x980];
	v3 =	vadd.f32 v3, v7;
	v5 =	vadd.f32 v37, v5;
	v37 =	vmul.f32 v38, v38  }
0x2b2: {  	v22 =	vld.idx.msk [tilespmem:v42+s1+$0x0], $0xffff;
	v4 =	vadd.f32 v36, v4;
	v61 =	vmul.f32 v28, v28;
	v11 =	vmul.f32 v34, v28  }
0x2b3: {  	v35 =	vld [tilespmem:$0xB00];
	v3 =	vadd.f32 v6, v3;
	v36 =	vmul.f32 v13, v13;
	v13 =	vmul.f32 v38, v13  }
0x2b4: {  	v7 =	vld [tilespmem:$0x800];
	v34 =	vor.u32 $0x10, v2;
	v63 =	vmul.f32 v16, v16;
	v16 =	vmul.f32 v41, v16  }
0x2b5: {  	v42 =	vld [tilespmem:$0xC00];
	v24 =	vmul.f32 v25, v62;
	v4 =	vadd.f32 v39, v4;
	v5 =	vadd.f32 v40, v5  }
0x2b6: {  	v18 =	vld.idx.msk [tilespmem:v59+s1+$0x0], $0xffff;
	v39 =	vor.u32 $0x11, v2;
	v3 =	vadd.f32 v9, v3;
	v6 =	vmul.f32 v32, v13  }
0x2b7: {  	v38 =	vld.idx.msk [tilespmem:v59+s3+$0x0], $0xffff;
	v32 =	vmul.f32 v41, v41;
	v41 =	vor.u32 $0x12, v2;
	v9 =	vmul.f32 v43, v16  }
0x2b8: {  	v53 =	vld [tilespmem:$0xD00];
	v43 =	vmul.f32 v19, v19;
	v19 =	vmul.f32 v47, v19;
	v4 =	vadd.f32 v45, v4  }
0x2b9: {  	v12 =	vld [tilespmem:$0xE00];
	v5 =	vadd.f32 v46, v5;
	v7 =	vmul.f32 v7, v11;
	v45 =	vmul.f32 v47, v47  }
0x2ba: {  	v28 =	vld [tilespmem:$0x1680];
	v47 =	vor.u32 $0x13, v2;
	v3 =	vadd.f32 v44, v3;
	v10 =	vmul.f32 v10, v19  }
0x2bb: {  	v40 =	vld [tilespmem:$0xB80];
	v4 =	vadd.f32 v50, v4;
	v5 =	vadd.f32 v51, v5;
	v50 =	vmul.f32 v52, v52  }
0x2bc: {  	v11 =	vld [tilespmem:$0xD80];
	v14 =	vmul.f32 v38, v18;
	v3 =	vadd.f32 v49, v3;
	v49 =	vmul.f32 v22, v22  }
0x2bd: {  	v13 =	vld.idx.msk [tilespmem:v34+s1+$0x0], $0xffff;
	v22 =	vmul.f32 v52, v22;
	v52 =	vor.u32 $0x14, v2;
	v4 =	vadd.f32 v56, v4  }
0x2be: {  	v44 =	vld.idx.msk [tilespmem:v39+s1+$0x0], $0xffff;
	v5 =	vadd.f32 v58, v5;
	v56 =	vmul.f32 v21, v21;
	v21 =	vmul.f32 v21, v57  }
0x2bf: {  	v46 =	vld.idx.msk [tilespmem:v39+s3+$0x0], $0xffff;
	v58 =	vor.u32 $0x15, v2;
	v3 =	vadd.f32 v55, v3;
	v54 =	vmul.f32 v54, v22  }
0x2c0: {  	v19 =	vld.idx.msk [tilespmem:v41+s1+$0x0], $0xffff;
	v55 =	vmul.f32 v57, v57;
	v4 =	vadd.f32 v61, v4;
	v59 =	vmul.f32 v60, v21  }
0x2c1: {  	v51 =	vld.idx.msk [tilespmem:v41+s3+$0x0], $0xffff;
	v5 =	vadd.f32 v33, v5;
	v60 =	vmul.f32 v62, v62;
	v61 =	vmul.f32 v25, v25  }
0x2c2: {  	v33 =	vld.idx.msk [tilespmem:v34+s3+$0x0], $0xffff;
	v34 =	vor.u32 $0x16, v2;
	v3 =	vadd.f32 v8, v3;
	v8 =	vmul.f32 v35, v24  }
0x2c3: {  	v39 =	vld [tilespmem:$0xE80];
	v35 =	vmul.f32 v18, v18;
	v4 =	vadd.f32 v36, v4;
	v5 =	vadd.f32 v37, v5  }
0x2c4: {  	v22 =	vld.idx.msk [tilespmem:v47+s1+$0x0], $0xffff;
	v36 =	vmul.f32 v38, v38;
	v38 =	vor.u32 $0x17, v2;
	v16 =	vmul.f32 v46, v44  }
0x2c5: {  	v57 =	vld.idx.msk [tilespmem:v47+s3+$0x0], $0xffff;
	v3 =	vadd.f32 v7, v3;
	v7 =	vmul.f32 v40, v14;
	v40 =	vmul.f32 v13, v13  }
0x2c6: {  	v24 =	vld.idx.msk [tilespmem:v58+s1+$0x0], $0xffff;
	v47 =	vmul.f32 v19, v19;
	v19 =	vmul.f32 v51, v19;
	v4 =	vadd.f32 v63, v4  }
0x2c7: {  	v37 =	vld.idx.msk [tilespmem:v58+s3+$0x0], $0xffff;
	v5 =	vadd.f32 v32, v5;
	v3 =	vadd.f32 v6, v3;
	v63 =	vmul.f32 v33, v33  }
0x2c8: {  	v21 =	vld.idx.msk [tilespmem:v52+s1+$0x0], $0xffff;
	v13 =	vmul.f32 v33, v13;
	v33 =	vor.u32 $0x18, v2;
	v4 =	vadd.f32 v43, v4  }
0x2c9: {  	v62 =	vld.idx.msk [tilespmem:v52+s3+$0x0], $0xffff;
	v5 =	vadd.f32 v45, v5;
	v43 =	vmul.f32 v46, v46;
	v45 =	vor.u32 $0x19, v2  }
0x2ca: {  	v41 =	vld.idx.msk [tilespmem:v34+s1+$0x0], $0xffff;
	v3 =	vadd.f32 v9, v3;
	v6 =	vmul.f32 v42, v13;
	v42 =	vmul.f32 v44, v44  }
0x2cb: {  	v32 =	vld.idx.msk [tilespmem:v34+s3+$0x0], $0xffff;
	v9 =	vmul.f32 v48, v16;
	v4 =	vadd.f32 v49, v4;
	v5 =	vadd.f32 v50, v5  }
0x2cc: {  	v52 =	vld [tilespmem:$0x1000];
	v49 =	vmul.f32 v51, v51;
	v51 =	vor.u32 $0x1A, v2;
	v18 =	vmul.f32 v37, v24  }
0x2cd: {  	v58 =	vld [tilespmem:$0x1080];
	v3 =	vadd.f32 v10, v3;
	v10 =	vmul.f32 v53, v19;
	v53 =	vmul.f32 v22, v22  }
0x2ce: {  	v14 =	vld.idx.msk [tilespmem:v38+s1+$0x0], $0xffff;
	v22 =	vmul.f32 v57, v22;
	v4 =	vadd.f32 v55, v4;
	v5 =	vadd.f32 v56, v5  }
0x2cf: {  	v44 =	vld.idx.msk [tilespmem:v38+s3+$0x0], $0xffff;
	v55 =	vmul.f32 v57, v57;
	v57 =	vor.u32 $0x1B, v2;
	v38 =	vmul.f32 v41, v41  }
0x2d0: {  	v34 =	vld [tilespmem:$0xF00];
	v15 =	vmul.f32 v32, v41;
	v41 =	vor.u32 $0x1E, v2;
	v3 =	vadd.f32 v54, v3  }
0x2d1: {  	v48 =	vld.idx.msk [tilespmem:v33+s1+$0x0], $0xffff;
	v11 =	vmul.f32 v11, v22;
	v4 =	vadd.f32 v60, v4;
	v5 =	vadd.f32 v61, v5  }
0x2d2: {  	v50 =	vld.idx.msk [tilespmem:v33+s3+$0x0], $0xffff;
	v3 =	vadd.f32 v59, v3;
	v59 =	vmul.f32 v21, v21;
	v21 =	vmul.f32 v62, v21  }
0x2d3: {  	v54 =	vld.idx.msk [tilespmem:v45+s1+$0x0], $0xffff;
	v60 =	vmul.f32 v62, v62;
	v4 =	vadd.f32 v35, v4;
	v35 =	vmul.f32 v24, v24  }
0x2d4: {  	v56 =	vld.idx.msk [tilespmem:v45+s3+$0x0], $0xffff;
	v5 =	vadd.f32 v36, v5;
	v36 =	vmul.f32 v37, v37;
	v12 =	vmul.f32 v12, v21  }
0x2d5: {  	v22 =	vld.idx.msk [tilespmem:v51+s1+$0x0], $0xffff;
	v3 =	vadd.f32 v8, v3;
	v8 =	vmul.f32 v39, v18;
	v39 =	vmul.f32 v32, v32  }
0x2d6: {  	v61 =	vld.idx.msk [tilespmem:v51+s3+$0x0], $0xffff;
	v62 =	vor.u32 $0x1C, v2;
	v32 =	vmul.f32 v14, v14;
	v14 =	vmul.f32 v44, v14  }
0x2d7: {  	v46 =	vld [tilespmem:$0xF80];
	v37 =	vor.u32 $0x1D, v2;
	v45 =	vmul.f32 v48, v48;
	v16 =	vmul.f32 v50, v48  }
0x2d8: {  	v21 =	vld.idx.msk [tilespmem:v57+s1+$0x0], $0xffff;
	v4 =	vadd.f32 v40, v4;
	v5 =	vadd.f32 v63, v5;
	v51 =	vmul.f32 v54, v54  }
0x2d9: {  	v24 =	vld.idx.msk [tilespmem:v57+s3+$0x0], $0xffff;
	v19 =	vmul.f32 v56, v54;
	v3 =	vadd.f32 v7, v3;
	v7 =	vmul.f32 v34, v15  }
0x2da: {  	v48 =	vld.idx.msk [tilespmem:v41+s3+$0x0], $0xffff;
	v34 =	vmul.f32 v44, v44;
	v4 =	vadd.f32 v42, v4;
	v5 =	vadd.f32 v43, v5  }
0x2db: {  	v63 =	vld [tilespmem:$0x1100];
	v43 =	vor.u32 $0x1F, v2;
	v57 =	vmul.f32 v22, v22;
	v22 =	vmul.f32 v61, v22  }
0x2dc: {  	v18 =	vld.idx.msk [tilespmem:v62+s1+$0x0], $0xffff;
	v3 =	vadd.f32 v6, v3;
	v6 =	vmul.f32 v46, v14;
	v4 =	vadd.f32 v47, v4  }
0x2dd: {  	v40 =	vld.idx.msk [tilespmem:v62+s3+$0x0], $0xffff;
	v5 =	vadd.f32 v49, v5;
	v47 =	vmul.f32 v50, v50;
	v49 =	vor.u32 $0x20, v2  }
0x2de: {  	v44 =	vld [tilespmem:$0x1280];
	v62 =	vmul.f32 v21, v21;
	v21 =	vmul.f32 v24, v21;
	v4 =	vadd.f32 v53, v4  }
0x2df: {  	v33 =	vld.idx.msk [tilespmem:v37+s1+$0x0], $0xffff;
	v3 =	vadd.f32 v9, v3;
	v9 =	vmul.f32 v52, v16;
	v5 =	vadd.f32 v55, v5  }
0x2e0: {  	v42 =	vld [tilespmem:$0x1200];
	v53 =	vmul.f32 v56, v56;
	v55 =	vor.u32 $0x21, v2;
	v4 =	vadd.f32 v59, v4  }
0x2e1: {  	v3 =	vadd.f32 v10, v3;
	v52 =	vld.idx.msk [tilespmem:v43+s1+$0x0], $0xffff;
	v10 =	vmul.f32 v58, v19;
	v5 =	vadd.f32 v60, v5  }
0x2e2: {  	v54 =	vld.idx.msk [tilespmem:v43+s3+$0x0], $0xffff;
	v17 =	vmul.f32 v40, v18;
	v43 =	vor.u32 $0x25, v2;
	v4 =	vadd.f32 v35, v4  }
0x2e3: {  	v46 =	vld.idx.msk [tilespmem:v41+s1+$0x0], $0xffff;
	v59 =	vmul.f32 v61, v61;
	v61 =	vor.u32 $0x22, v2;
	v5 =	vadd.f32 v36, v5  }
0x2e4: {  	v50 =	vld [tilespmem:$0x1300];
	v41 =	vmul.f32 v33, v33;
	v3 =	vadd.f32 v11, v3;
	v4 =	vadd.f32 v38, v4  }
0x2e5: {  	v58 =	vld.idx.msk [tilespmem:v49+s1+$0x0], $0xffff;
	v11 =	vmul.f32 v63, v22;
	v22 =	vor.u32 $0x2A, v2;
	v5 =	vadd.f32 v39, v5  }
0x2e6: {  	v35 =	vld.idx.msk [tilespmem:v37+s3+$0x0], $0xffff;
	v36 =	vmul.f32 v24, v24;
	v3 =	vadd.f32 v12, v3;
	v4 =	vadd.f32 v32, v4  }
0x2e7: {  	v37 =	vor.u32 $0x23, v2;
	v12 =	vld [tilespmem:$0x1180];
	v38 =	vmul.f32 v18, v18;
	v5 =	vadd.f32 v34, v5  }
0x2e8: {  	v63 =	vld.idx.msk [tilespmem:v55+s1+$0x0], $0xffff;
	v39 =	vmul.f32 v40, v40;
	v3 =	vadd.f32 v8, v3;
	v4 =	vadd.f32 v45, v4  }
0x2e9: {  	v60 =	vld.idx.msk [tilespmem:v49+s3+$0x0], $0xffff;
	v40 =	vor.u32 $0x24, v2;
	v49 =	vmul.f32 v54, v54;
	v5 =	vadd.f32 v47, v5  }
0x2ea: {  	v27 =	vld.idx.msk [tilespmem:v55+s3+$0x0], $0xffff;
	v8 =	vmul.f32 v42, v17;
	v3 =	vadd.f32 v7, v3;
	v4 =	vadd.f32 v51, v4  }
0x2eb: {  	v56 =	vld [tilespmem:$0x1380];
	v42 =	vmul.f32 v35, v35;
	v15 =	vmul.f32 v35, v33;
	v5 =	vadd.f32 v53, v5  }
0x2ec: {  	v24 =	vld.idx.msk [tilespmem:v43+s1+$0x0], $0xffff;
	v12 =	vmul.f32 v12, v21;
	v45 =	vmul.f32 v48, v48;
	v4 =	vadd.f32 v57, v4  }
0x2ed: {  	v18 =	vld.idx.msk [tilespmem:v61+s3+$0x0], $0xffff;
	v47 =	vor.u32 $0x26, v2;
	v55 =	vmul.f32 v63, v63;
	v5 =	vadd.f32 v59, v5  }
0x2ee: {  	v21 =	vld.idx.msk [tilespmem:v61+s1+$0x0], $0xffff;
	v61 =	vor.u32 $0x29, v2;
	v3 =	vadd.f32 v6, v3;
	v4 =	vadd.f32 v62, v4  }
0x2ef: {  	v17 =	vld [tilespmem:$0x1800];
	v63 =	vmul.f32 v27, v63;
	v7 =	vmul.f32 v44, v15;
	v5 =	vadd.f32 v36, v5  }
0x2f0: {  	v34 =	vld [tilespmem:$0x1700];
	v44 =	vmul.f32 v46, v46;
	v3 =	vadd.f32 v9, v3;
	v4 =	vadd.f32 v38, v4  }
0x2f1: {  	v29 =	vld.idx.msk [tilespmem:v37+s1+$0x0], $0xffff;
	v46 =	vmul.f32 v48, v46;
	v48 =	vmul.f32 v52, v52;
	v5 =	vadd.f32 v39, v5  }
0x2f2: {  	v20 =	vld.idx.msk [tilespmem:v37+s3+$0x0], $0xffff;
	v26 =	vmul.f32 v24, v24;
	v3 =	vadd.f32 v10, v3;
	v4 =	vadd.f32 v41, v4  }
0x2f3: {  	v37 =	vld [tilespmem:$0x1780];
	v51 =	vor.u32 $0x27, v2;
	v6 =	vmul.f32 v50, v46;
	v5 =	vadd.f32 v42, v5  }
0x2f4: {  	v33 =	vld.idx.msk [tilespmem:v40+s1+$0x0], $0xffff;
	v50 =	vmul.f32 v54, v52;
	v3 =	vadd.f32 v11, v3;
	v4 =	vadd.f32 v44, v4  }
0x2f5: {  	v52 =	vmul.f32 v58, v58;
	v54 =	vmul.f32 v60, v60;
	v10 =	vld [tilespmem:$0x1400];
	v5 =	vadd.f32 v45, v5  }
0x2f6: {  	v58 =	vmul.f32 v60, v58;
	v32 =	vld.idx.msk [tilespmem:v47+s1+$0x0], $0xffff;
	v3 =	vadd.f32 v12, v3;
	v4 =	vadd.f32 v48, v4  }
0x2f7: {  	v60 =	vmul.f32 v18, v18;
	v57 =	vmul.f32 v27, v27;
	v35 =	vld.idx.msk [tilespmem:v47+s3+$0x0], $0xffff;
	v5 =	vadd.f32 v49, v5  }
0x2f8: {  	v13 =	vmul.f32 v20, v20;
	v11 =	vld [tilespmem:$0x1480];
	v3 =	vadd.f32 v8, v3;
	v4 =	vadd.f32 v52, v4  }
0x2f9: {  	v53 =	vmul.f32 v56, v50;
	v56 =	vor.u32 $0x28, v2;
	v36 =	vld.idx.msk [tilespmem:v51+s1+$0x0], $0xffff;
	v5 =	vadd.f32 v54, v5  }
0x2fa: {  	v59 =	vmul.f32 v21, v21;
	v38 =	vld.idx.msk [tilespmem:v40+s3+$0x0], $0xffff;
	v3 =	vadd.f32 v7, v3;
	v4 =	vadd.f32 v55, v4  }
0x2fb: {  	v20 =	vmul.f32 v20, v29;
	v50 =	vor.u32 $0x2D, v2;
	v39 =	vld [tilespmem:$0x1600];
	v5 =	vadd.f32 v57, v5  }
0x2fc: {  	v62 =	vmul.f32 v29, v29;
	v41 =	vld.idx.msk [tilespmem:v43+s3+$0x0], $0xffff;
	v3 =	vadd.f32 v6, v3;
	v4 =	vadd.f32 v59, v4  }
0x2fd: {  	v14 =	vmul.f32 v33, v33;
	v40 =	vld.idx.msk [tilespmem:v51+s3+$0x0], $0xffff;
	v42 =	vor.u32 $0x2B, v2;
	v5 =	vadd.f32 v60, v5  }
0x2fe: {  	v12 =	vld.idx.msk [tilespmem:v61+s3+$0x0], $0xffff;
	v8 =	vmul.f32 v10, v58;
	v3 =	vadd.f32 v53, v3;
	v4 =	vadd.f32 v62, v4  }
0x2ff: {  	v16 =	vld.idx.msk [tilespmem:v56+s1+$0x0], $0xffff;
	v43 =	vmul.f32 v32, v32;
	v23 =	vmul.f32 v38, v38;
	v7 =	vadd.f32 v13, v5  }
0x300: {  	v25 =	vld.idx.msk [tilespmem:v56+s3+$0x0], $0xffff;
	v10 =	vmul.f32 v11, v63;
	v3 =	vadd.f32 v8, v3;
	v4 =	vadd.f32 v14, v4  }
0x301: {  	v19 =	vld.idx.msk [tilespmem:v50+s1+$0x0], $0xffff;
	v58 =	vor.u32 $0x2F, v2;
	v27 =	vmul.f32 v41, v41;
	v7 =	vadd.f32 v23, v7  }
0x302: {  	v44 =	vmul.f32 v18, v21;
	v18 =	vld.idx.msk [tilespmem:v42+s3+$0x0], $0xffff;
	v10 =	vadd.f32 v10, v3;
	v3 =	vadd.f32 v26, v4  }
0x303: {  	v47 =	vor.u32 $0x2C, v2;
	v45 =	vmul.f32 v35, v35;
	v5 =	vld.idx.msk [tilespmem:v61+s1+$0x0], $0xffff;
	v8 =	vadd.f32 v27, v7  }
0x304: {  	v46 =	vmul.f32 v36, v36;
	v48 =	vmul.f32 v40, v40;
	v13 =	vld.idx.msk [tilespmem:v22+s3+$0x0], $0xffff;
	v3 =	vadd.f32 v43, v3  }
0x305: {  	v49 =	vmul.f32 v16, v16;
	v52 =	vmul.f32 v25, v25;
	v7 =	vld.idx.msk [tilespmem:v22+s1+$0x0], $0xffff;
	v15 =	vadd.f32 v45, v8  }
0x306: {  	v55 =	vor.u32 $0x2E, v2;
	v59 =	vmul.f32 v31, v20;
	v20 =	vld.idx.msk [tilespmem:v58+s3+$0x0], $0xffff;
	v4 =	vadd.f32 v46, v3  }
0x307: {  	v62 =	vor.u32 $0x30, v2;
	v14 =	vmul.f32 v30, v44;
	v3 =	vld.idx.msk [tilespmem:v42+s1+$0x0], $0xffff;
	v51 =	vadd.f32 v48, v15  }
0x308: {  	v56 =	vmul.f32 v12, v12;
	v23 =	vld.idx.msk [tilespmem:v47+s3+$0x0], $0xffff;
	v54 =	vmul.f32 v5, v5;
	v53 =	vadd.f32 v49, v4  }
0x309: {  	v10 =	vadd.f32 v14, v10;
	v14 =	vld.idx.msk [tilespmem:v47+s1+$0x0], $0xffff;
	v60 =	vmul.f32 v13, v13;
	v15 =	vadd.f32 v52, v51  }
0x30a: {  	v26 =	vld.idx.msk [tilespmem:v50+s3+$0x0], $0xffff;
	v5 =	vmul.f32 v12, v5;
	v57 =	vmul.f32 v7, v7;
	v11 =	vadd.f32 v54, v53  }
0x30b: {  	v9 =	vld.idx.msk [tilespmem:v55+s1+$0x0], $0xffff;
	v63 =	vadd.f32 v59, v10;
	v43 =	vmul.f32 v18, v18;
	v15 =	vadd.f32 v56, v15  }
0x30c: {  	v22 =	vld.idx.msk [tilespmem:v62+s3+$0x0], $0xffff;
	v45 =	vor.u32 $0x31, v2;
	v61 =	vmul.f32 v3, v3;
	v11 =	vadd.f32 v57, v11  }
0x30d: {  	v10 =	vld.idx.msk [tilespmem:v58+s1+$0x0], $0xffff;
	v58 =	vor.u32 $0x35, v2;
	v46 =	vmul.f32 v38, v33;
	v42 =	vadd.f32 v60, v15  }
0x30e: {  	v44 =	vmul.f32 v14, v14;
	v49 =	vor.u32 $0x32, v2;
	v15 =	vld.idx.msk [tilespmem:v55+s3+$0x0], $0xffff;
	v11 =	vadd.f32 v61, v11  }
0x30f: {  	v6 =	vld [tilespmem:$0x1880];
	v48 =	vmul.f32 v23, v23;
	v50 =	vmul.f32 v26, v26;
	v47 =	vadd.f32 v43, v42  }
0x310: {  	v8 =	vld [tilespmem:$0x1900];
	v13 =	vmul.f32 v13, v7;
	v42 =	vmul.f32 v19, v19;
	v27 =	vadd.f32 v44, v11  }
0x311: {  	v39 =	vmul.f32 v39, v46;
	v51 =	vmul.f32 v9, v9;
	v33 =	vadd.f32 v48, v47;
	v11 =	vld.idx.msk [tilespmem:v62+s1+$0x0], $0xffff  }
0x312: {  	v59 =	vmul.f32 v22, v22;
	v21 =	vld.idx.msk [tilespmem:v45+s1+$0x0], $0xffff;
	v43 =	vor.u32 $0x33, v2;
	v27 =	vadd.f32 v42, v27  }
0x313: {  	v55 =	vmul.f32 v41, v24;
	v24 =	vld.idx.msk [tilespmem:v49+s1+$0x0], $0xffff;
	v52 =	vmul.f32 v15, v15;
	v33 =	vadd.f32 v50, v33  }
0x314: {  	v54 =	vmul.f32 v10, v10;
	v44 =	vor.u32 $0x34, v2;
	v53 =	vadd.f32 v51, v27;
	v27 =	vld.idx.msk [tilespmem:v45+s3+$0x0], $0xffff  }
0x315: {  	v30 =	vadd.f32 v39, v63;
	v56 =	vmul.f32 v20, v20;
	v29 =	vld.idx.msk [tilespmem:v49+s3+$0x0], $0xffff;
	v33 =	vadd.f32 v52, v33  }
0x316: {  	v47 =	vmul.f32 v35, v32;
	v32 =	vld.idx.msk [tilespmem:v58+s1+$0x0], $0xffff;
	v57 =	vmul.f32 v11, v11;
	v39 =	vadd.f32 v54, v53  }
0x317: {  	v61 =	vor.u32 $0x36, v2;
	v45 =	vmul.f32 v28, v55;
	v28 =	vld.idx.msk [tilespmem:v43+s1+$0x0], $0xffff;
	v33 =	vadd.f32 v56, v33  }
0x318: {  	v60 =	vmul.f32 v21, v21;
	v31 =	vld.idx.msk [tilespmem:v43+s3+$0x0], $0xffff;
	v54 =	vor.u32 $0x38, v2;
	v39 =	vadd.f32 v57, v39  }
0x319: {  	v45 =	vadd.f32 v45, v30;
	v30 =	vld.idx.msk [tilespmem:v44+s1+$0x0], $0xffff;
	v38 =	vadd.f32 v59, v33;
	v46 =	vmul.f32 v27, v27  }
0x31a: {  	v63 =	vor.u32 $0x37, v2;
	v62 =	vmul.f32 v24, v24;
	v33 =	vld.idx.msk [tilespmem:v44+s3+$0x0], $0xffff;
	v39 =	vadd.f32 v60, v39  }
0x31b: {  	v35 =	vld.idx.msk [tilespmem:v58+s3+$0x0], $0xffff;
	v47 =	vmul.f32 v34, v47;
	v52 =	vmul.f32 v29, v29;
	v38 =	vadd.f32 v46, v38  }
0x31c: {  	v50 =	vmul.f32 v40, v36;
	v34 =	vld.idx.msk [tilespmem:v61+s1+$0x0], $0xffff;
	v53 =	vmul.f32 v28, v28;
	v39 =	vadd.f32 v62, v39  }
0x31d: {  	v56 =	vor.u32 $0x39, v2;
	v55 =	vmul.f32 v31, v31;
	v36 =	vld.idx.msk [tilespmem:v54+s1+$0x0], $0xffff;
	v38 =	vadd.f32 v52, v38  }
0x31e: {  	v51 =	vor.u32 $0x3B, v2;
	v48 =	vmul.f32 v30, v30;
	v41 =	vadd.f32 v53, v39;
	v39 =	vld.idx.msk [tilespmem:v61+s3+$0x0], $0xffff  }
0x31f: {  	v44 =	vor.u32 $0x3A, v2;
	v57 =	vmul.f32 v33, v33;
	v46 =	vadd.f32 v55, v38;
	v38 =	vld.idx.msk [tilespmem:v63+s1+$0x0], $0xffff  }
0x320: {  	v49 =	vmul.f32 v32, v32;
	v58 =	vmul.f32 v35, v35;
	v40 =	vld.idx.msk [tilespmem:v54+s3+$0x0], $0xffff;
	v48 =	vadd.f32 v48, v41  }
0x321: {  	v45 =	vadd.f32 v47, v45;
	v60 =	vmul.f32 v37, v50;
	v41 =	vld.idx.msk [tilespmem:v63+s3+$0x0], $0xffff;
	v46 =	vadd.f32 v57, v46  }
0x322: {  	v59 =	vmul.f32 v34, v34;
	v50 =	vor.u32 $0x3C, v2;
	v37 =	vld.idx.msk [tilespmem:v56+s1+$0x0], $0xffff;
	v48 =	vadd.f32 v49, v48  }
0x323: {  	v43 =	vld.idx.msk [tilespmem:v56+s3+$0x0], $0xffff;
	v52 =	vadd.f32 v60, v45;
	v53 =	vmul.f32 v25, v16;
	v46 =	vadd.f32 v58, v46  }
0x324: {  	v42 =	vld.idx.msk [tilespmem:v44+s1+$0x0], $0xffff;
	v61 =	vmul.f32 v39, v39;
	v48 =	vadd.f32 v59, v48;
	v62 =	vmul.f32 v38, v38  }
0x325: {  	v4 =	vld [tilespmem:$0x1980];
	v60 =	vmul.f32 v40, v40;
	v58 =	vmul.f32 v36, v36;
	v59 =	vor.u32 $0x3D, v2  }
0x326: {  	v44 =	vld.idx.msk [tilespmem:v44+s3+$0x0], $0xffff;
	v63 =	vadd.f32 v61, v46;
	v56 =	vmul.f32 v41, v41;
	v57 =	vadd.f32 v62, v48  }
0x327: {  	v16 =	vld.idx.msk [tilespmem:v51+s1+$0x0], $0xffff;
	v53 =	vmul.f32 v17, v53;
	v61 =	vmul.f32 v37, v37  }
0x328: {  	v25 =	vld.idx.msk [tilespmem:v51+s3+$0x0], $0xffff;
	v62 =	vor.u32 $0x3E, v2;
	v45 =	vadd.f32 v56, v63;
	v47 =	vadd.f32 v58, v57  }
0x329: {  	v54 =	vmul.f32 v43, v43;
	v17 =	vld.idx.msk [tilespmem:v50+s1+$0x0], $0xffff;
	v63 =	vmul.f32 v42, v42  }
0x32a: {  	v46 =	vadd.f32 v60, v45;
	v45 =	vld.idx.msk [tilespmem:v50+s3+$0x0], $0xffff;
	v50 =	vor.u32 $0x3F, v2;
	v47 =	vadd.f32 v61, v47  }
0x32b: {  	v8 =	vmul.f32 v8, v13;
	v57 =	vmul.f32 v44, v44;
	v2 =	vld.idx.msk [tilespmem:v59+s1+$0x0], $0xffff  }
0x32c: {  	v58 =	vmul.f32 v16, v16;
	v12 =	vld.idx.msk [tilespmem:v59+s3+$0x0], $0xffff;
	v46 =	vadd.f32 v54, v46;
	v47 =	vadd.f32 v63, v47  }
0x32d: {  	v52 =	vadd.f32 v53, v52;
	v59 =	vmul.f32 v6, v5;
	v60 =	vmul.f32 v25, v25;
	v5 =	vld.idx.msk [tilespmem:v62+s1+$0x0], $0xffff  }
0x32e: {  	v61 =	vmul.f32 v17, v17;
	v6 =	vld.idx.msk [tilespmem:v62+s3+$0x0], $0xffff;
	v46 =	vadd.f32 v57, v46;
	v47 =	vadd.f32 v58, v47  }
0x32f: {  	v3 =	vmul.f32 v18, v3;
	v49 =	vadd.f32 v59, v52;
	v62 =	vmul.f32 v45, v45;
	v7 =	vld.idx.msk [tilespmem:v50+s1+$0x0], $0xffff  }
0x330: {  	v63 =	vld [tilespmem:$0x1A00];
	v52 =	vmul.f32 v2, v2;
	v46 =	vadd.f32 v60, v46;
	v47 =	vadd.f32 v61, v47  }
0x331: {  	v3 =	vmul.f32 v4, v3;
	v54 =	vmul.f32 v12, v12;
	v50 =	vld.idx.msk [tilespmem:v50+s3+$0x0], $0xffff  }
0x332: {  	v56 =	vmul.f32 v5, v5;
	v53 =	vadd.f32 v62, v46;
	v47 =	vadd.f32 v52, v47  }
0x333: {  	v8 =	vadd.f32 v8, v49;
	v57 =	vmul.f32 v23, v14;
	v60 =	vmul.f32 v6, v6  }
0x334: {  	v55 =	vld [tilespmem:$0x1A80];
	v58 =	vadd.f32 v54, v53;
	v61 =	vmul.f32 v7, v7;
	v59 =	vadd.f32 v56, v47  }
0x335: {  	v3 =	vadd.f32 v3, v8;
	v4 =	vmul.f32 v63, v57  }
0x336: {  	v63 =	vld [tilespmem:$0x1B00];
	v48 =	vmul.f32 v50, v50;
	v14 =	vadd.f32 v60, v58;
	v18 =	vadd.f32 v61, v59  }
0x337: {  	v10 =	vmul.f32 v20, v10;
	v62 =	vmul.f32 v26, v19;
	v3 =	vadd.f32 v4, v3  }
0x338: {  	v52 =	vld [tilespmem:$0x1B80];
	v14 =	vadd.f32 v48, v14;
	v53 =	vshrl.u32 v18, $0x1;
	v23 =	vmul.f32 $5.000000000e-01, v18  }
0x339: {  	v51 =	vmul.f32 v55, v62;
	v54 =	vmul.f32 v15, v9;
	v55 =	vsub.s32 $0x5F3759DF, v53  }
0x33a: {  	v56 =	vld [tilespmem:$0x1C00];
	v57 =	vshrl.u32 v14, $0x1;
	v46 =	vmul.f32 $5.000000000e-01, v14;
	v19 =	vmul.f32 v55, v23  }
0x33b: {  	v3 =	vadd.f32 v51, v3;
	v4 =	vmul.f32 v63, v54;
	v58 =	vsub.s32 $0x5F3759DF, v57  }
0x33c: {  	v59 =	vld [tilespmem:$0x1C80];
	v26 =	vmul.f32 v58, v46;
	v19 =	vmul.f32 v55, v19  }
0x33d: {  	v61 =	vmul.f32 v22, v11;
	v60 =	vmul.f32 v52, v10;
	v3 =	vadd.f32 v4, v3  }
0x33e: {  	v62 =	vld [tilespmem:$0x1D00];
	v22 =	vmul.f32 v58, v26;
	v63 =	vsub.f32 $1.500000000e+00, v19  }
0x33f: {  	v27 =	vmul.f32 v27, v21;
	v3 =	vadd.f32 v60, v3;
	v26 =	vmul.f32 v56, v61  }
0x340: {  	v47 =	vld [tilespmem:$0x1D80];
	v48 =	vsub.f32 $1.500000000e+00, v22;
	v9 =	vmul.f32 v55, v63  }
0x341: {  	v51 =	vmul.f32 v29, v24;
	v49 =	vmul.f32 v59, v27;
	v3 =	vadd.f32 v26, v3  }
0x342: {  	v52 =	vld [tilespmem:$0x1E00];
	v13 =	vmul.f32 v58, v48;
	v53 =	vmul.f32 v9, v23  }
0x343: {  	v54 =	vmul.f32 v62, v51;
	v55 =	vmul.f32 v31, v28;
	v3 =	vadd.f32 v49, v3  }
0x344: {  	v56 =	vld [tilespmem:$0x1E80];
	v57 =	vmul.f32 v13, v46;
	v15 =	vmul.f32 v53, v9  }
0x345: {  	v59 =	vmul.f32 v33, v30;
	v58 =	vmul.f32 v47, v55;
	v3 =	vadd.f32 v54, v3  }
0x346: {  	v60 =	vld [tilespmem:$0x1F00];
	v20 =	vmul.f32 v57, v13;
	v15 =	vsub.f32 $1.500000000e+00, v15  }
0x347: {  	v62 =	vmul.f32 v35, v32;
	v61 =	vmul.f32 v52, v59;
	v3 =	vadd.f32 v58, v3  }
0x348: {  	v63 =	vld [tilespmem:$0x1F80];
	v24 =	vsub.f32 $1.500000000e+00, v20;
	v9 =	vmul.f32 v15, v9  }
0x349: {  	v27 =	vmul.f32 v39, v34;
	v26 =	vmul.f32 v56, v62;
	v3 =	vadd.f32 v61, v3  }
0x34a: {  	v29 =	vld [tilespmem:$0x2000];
	v28 =	vmul.f32 v24, v13;
	v30 =	vmul.f32 v9, v23  }
0x34b: {  	v32 =	vmul.f32 v41, v38;
	v31 =	vmul.f32 v60, v27;
	v3 =	vadd.f32 v26, v3  }
0x34c: {  	v33 =	vld [tilespmem:$0x2080];
	v34 =	vmul.f32 v28, v46;
	v19 =	vmul.f32 v30, v9  }
0x34d: {  	v36 =	vmul.f32 v40, v36;
	v35 =	vmul.f32 v63, v32;
	v3 =	vadd.f32 v31, v3  }
0x34e: {  	v38 =	vld [tilespmem:$0x2100];
	v20 =	vmul.f32 v34, v28;
	v19 =	vsub.f32 $1.500000000e+00, v19  }
0x34f: {  	v40 =	vmul.f32 v43, v37;
	v39 =	vmul.f32 v29, v36;
	v3 =	vadd.f32 v35, v3  }
0x350: {  	v41 =	vld [tilespmem:$0x2180];
	v43 =	vsub.f32 $1.500000000e+00, v20;
	v9 =	vmul.f32 v19, v9  }
0x351: {  	v47 =	vmul.f32 v44, v42;
	v46 =	vmul.f32 v33, v40;
	v3 =	vadd.f32 v39, v3  }
0x352: {  	v48 =	vld [tilespmem:$0x2200];
	v10 =	vmul.f32 v43, v28;
	v9 =	vmul.f32 v9, v18  }
0x353: {  	v51 =	vmul.f32 v25, v16;
	v49 =	vmul.f32 v38, v47;
	v3 =	vadd.f32 v46, v3  }
0x354: {  	v52 =	vld [tilespmem:$0x2280];
	v10 =	vmul.f32 v10, v14;
	v53 =	vadd.f32 $1.000000010e-07, v9  }
0x355: {  	v55 =	vmul.f32 v45, v17;
	v54 =	vmul.f32 v41, v51;
	v3 =	vadd.f32 v49, v3  }
0x356: {  	v56 =	vld [tilespmem:$0x2300];
	v57 =	vadd.f32 $1.000000010e-07, v10;
	(erf) = vrcp.f32 v53  }
0x357: {  	v2 =	vmul.f32 v12, v2;
	v58 =	vmul.f32 v48, v55;
	v3 =	vadd.f32 v54, v3  }
0x358: {  	v59 =	vld [tilespmem:$0x2380];
	(erf) = vrcp.f32 v57  }
0x359: {  	v60 =	vmul.f32 v6, v5;
	v2 =	vmul.f32 v52, v2;
	v3 =	vadd.f32 v58, v3;
	_ =	sdelay $0x1  }
0x35a: {  	v61 =	vmul.f32 v50, v7;
	v2 =	vadd.f32 v2, v3;
	v3 =	vmul.f32 v56, v60;
	_ =	sdelay $0x1  }
0x35b: {  	v2 =	vadd.f32 v3, v2;
	v3 =	vmul.f32 v59, v61;
	_ =	sdelay $0x1  }
0x35c: {  	vm0 =	vgt.f32 v9, $1.000000000e+00;
	v2 =	vadd.f32 v3, v2;
	v62 =	vpop (erf)  }
0x35d: {  	v3 =	vnsel vm0, $0x3F800000, v62  }
0x35e: {  	vm15 =	vgt.f32 v10, $1.000000000e+00;
	v63 =	vpop (erf);
	v2 =	vmul.f32 v3, v2  }
0x35f: {  	v3 =	vnsel vm15, $0x3F800000, v63  }
0x360: {  	v2 =	vmul.f32 v3, v2;
	_ =	sdelay $0x1  }
0x361: {  	v2 =	vadd.f32 v2, v1;
	_ =	sdelay $0x1  }
0x362: {  	v2 =	vsub.f32 $0.0e+00, v2;
	_ =	sdelay $0x1  }
0x363: {  	v2 =	vmul.f32 $1.442695020e+00, v2;
	_ =	sdelay $0x1  }
0x364: {  	(erf) = vpow2.f32 v2;
	_ =	sdelay $0x8  }
0x365: {  	v2 =	vpop (erf)  }
0x366: {  	v2 =	vadd.f32 $1.000000000e+00, v2;
	_ =	sdelay $0x1  }
0x367: {  	(erf) = vrcp.f32 v2;
	_ =	sdelay $0x4  }
0x368: {  	p0 =	sne.s32 s19, $0xF0  }
.Ltmp3:
0x369: {  	_ = 	snop;
	(pc) =	sbr.rel @p0 .LBB2_8-.Ltmp3, $3  }
0x36a: {  	_ =	sdelay $0x1  }
0x36b: {  	s0 =	sand.u32 $0xF0, s19;
	v2 =	vpop (erf)  }
0x36c: {  	s19 =	sadd.s32 $0x10, s19;
	[tilespmem:s0+$0x12580] =	vst v2  }
0x36d: {  	s0 =	rddreg [dreg:$0x1d];
	s1 =	simm.s32 $0x12480;
	s3 =	simm.s32 $0x2  }
0x36e: {  	[hbm4b:s0+s2] =	stream.linear.scatter [tilespmem:s1], [sflag:$0x2], $0x200, $0x38;
	[tilespmem:$0x12680] =	vst v63  }
0x36f: {  	_ =	swait.ge [sflag:s3], $0x200  }
0x370: {  	s30 =	rddreg [dreg:$0x1f]  }
0x371: {  	s31 =	rddreg [dreg:$0x1e];
	s1 =	sadd.s32 $0x1, s30  }
0x372: {  	p0 =	sne.s32 s1, s31  }
.Ltmp4:
0x373: {  	_ = 	snop;
	(pc) =	sbr.rel @p0 .LBB2_1-.Ltmp4, $3  }
0x374: {  	_ =	sdelay $0x1  }
0x375: {  	[sflag:s3] =	ssyncset.done $0x0  }
0x376: {  	[sflag:s3] =	ssyncadd.s32 $0xFFFFFE00  }
0x377: {  	_ =	sfence.sel $0x180000  }
0x378: {  	[bflag:$0x0] =	sbarrier.arrive $0xFFFF  }
0x379: {  	_ =	strace $0x90000047  }
0x37a: {  	s0 =	stileid.u32;
	[bflag:$0x2] =	sbarrier.arrive $0xFFFF  }
0x37b: {  	p0 =	sne.s32 s0, $0x0;
	s0 =	rddreg [dreg:$0x5]  }
0x37c: {  	s0 =	sadd.s32 @!p0 $0x100000, s0  }
0x37d: {  	[sflag:s0] =	ssyncadd.tile.s32 @!p0 $0x1;
	_ =	shalt  }
.Lfunc_end2:
_tile_overlayer_lowered:
.L_overlay_start_2:
0x37e: {  	(tag) =	ssettag $0x2  }
0x37f: {  	s0 =	rddreg [dreg:$0x0];
	s2 =	stileid.u32  }
0x380: {  	s1 =	rddreg [dreg:$0x1];
	p0 =	sne.s32 s2, $0x0  }
0x381: {  	s3 =	rddreg [dreg:$0x2];
	[bflag:$0x3] =	sbarrier.arrive $0xFFFF;
	s2 =	simm.s32 @!p0 $0x1C02  }
0x382: {  	[timem:s3], [sflag:s2] =	dma.local @!p0 [hbm:s0], s1  }
0x383: {  	s0 =	simm.s32 @!p0 $0x2  }
0x384: {  	_ =	swait.ge @!p0 [sflag:s0], s1  }
0x385: {  	s1 =	ssub.s32 @!p0 $0x0, s1;
	[sflag:s0] =	ssyncset.done @!p0 $0x0  }
0x386: {  	[sflag:s0] =	ssyncadd.s32 @!p0 s1  }
0x387: {  	[bflag:$0x3] =	sbarrier.arrive $0xFFFF  }
0x388: {  	_ =	shalt  }

</sc_bundles>
